<compile_context>
chip_gen: v7x
topology: tpu7x:2x2x1
jax: 0.10.2.dev20260603
libtpu: 0.0.44.dev20260713+nightly
codegen_flags: <defaults>
</compile_context>

<pallas_src>
import functools

import jax
import jax.numpy as jnp
from jax import lax
from jax.experimental import pallas as pl
from jax.experimental.pallas import tpu as pltpu
from jax.experimental.pallas import tpu_sc as plsc

BATCH = 16384
DIM = 32
LANES = 16
WIN = 128
PHASE = 8

_info = plsc.get_sparse_core_info()
NC = _info.num_cores
NS = _info.num_subcores
NW = NC * NS
B_PER_W = BATCH // NW
NGROUP = B_PER_W // LANES


def _bpr_body(u_hbm, i_hbm, j_hbm, ut_hbm, it_hbm, pos_hbm, neg_hbm,
              idx_u, idx_i, idx_j, wu, wi, wj, pos_v, neg_v, sem):
    wid = lax.axis_index("s") * NC + lax.axis_index("c")
    base = wid * B_PER_W

    pltpu.sync_copy(u_hbm.at[pl.ds(base, B_PER_W)], idx_u)
    pltpu.sync_copy(i_hbm.at[pl.ds(base, B_PER_W)], idx_i)
    pltpu.sync_copy(j_hbm.at[pl.ds(base, B_PER_W)], idx_j)

    lanes = lax.iota(jnp.int32, LANES)
    slot = lanes & (PHASE - 1)

    def fire_phase(vu, vi, vj, ph):
        for t in range(PHASE):
            k = ph * PHASE + t
            ou = pl.multiple_of((vu[k] >> 7) * WIN, WIN)
            oi = pl.multiple_of((vi[k] >> 7) * WIN, WIN)
            oj = pl.multiple_of((vj[k] >> 7) * WIN, WIN)
            pltpu.async_copy(ut_hbm.at[:, pl.ds(ou, WIN)], wu.at[t], sem)
            pltpu.async_copy(it_hbm.at[:, pl.ds(oi, WIN)], wi.at[t], sem)
            pltpu.async_copy(it_hbm.at[:, pl.ds(oj, WIN)], wj.at[t], sem)

    def drain_phase():
        src = ut_hbm.at[:, pl.ds(0, WIN)]
        for t in range(PHASE):
            pltpu.make_async_copy(src, wu.at[t], sem).wait()
            pltpu.make_async_copy(src, wi.at[t], sem).wait()
            pltpu.make_async_copy(src, wj.at[t], sem).wait()

    def extract_phase(rl_u, rl_i, rl_j, ph):
        perm = ph * PHASE + slot
        ru = rl_u.at[perm].get(mode="promise_in_bounds")
        ri = rl_i.at[perm].get(mode="promise_in_bounds")
        rj = rl_j.at[perm].get(mode="promise_in_bounds")
        accp = jnp.zeros((LANES,), jnp.float32)
        accn = jnp.zeros((LANES,), jnp.float32)
        for c in range(DIM):
            cvec = jnp.full((LANES,), c, jnp.int32)
            gu = plsc.load_gather(wu, [slot, cvec, ru])
            gi = plsc.load_gather(wi, [slot, cvec, ri])
            gj = plsc.load_gather(wj, [slot, cvec, rj])
            accp = accp + gu * gi
            accn = accn + gu * gj
        return accp, accn

    def group_body(g, carry):
        goff = g * LANES
        vu = idx_u[pl.ds(goff, LANES)]
        vi = idx_i[pl.ds(goff, LANES)]
        vj = idx_j[pl.ds(goff, LANES)]
        rl_u = vu & (WIN - 1)
        rl_i = vi & (WIN - 1)
        rl_j = vj & (WIN - 1)

        fire_phase(vu, vi, vj, 0)
        drain_phase()
        p0, n0 = extract_phase(rl_u, rl_i, rl_j, 0)
        fire_phase(vu, vi, vj, 1)
        drain_phase()
        p1, n1 = extract_phase(rl_u, rl_i, rl_j, 1)

        lo = lanes < PHASE
        pos_v[pl.ds(goff, LANES)] = jnp.where(lo, p0, p1)
        neg_v[pl.ds(goff, LANES)] = jnp.where(lo, n0, n1)
        return carry

    lax.fori_loop(0, NGROUP, group_body, 0)

    pltpu.sync_copy(pos_v, pos_hbm.at[pl.ds(base, B_PER_W)])
    pltpu.sync_copy(neg_v, neg_hbm.at[pl.ds(base, B_PER_W)])


@jax.jit
def _bpr_call(u, i, j, user_table, item_table):
    ut_t = user_table.T
    it_t = item_table.T
    mesh = plsc.VectorSubcoreMesh(core_axis_name="c", subcore_axis_name="s")
    f = functools.partial(
        pl.kernel,
        mesh=mesh,
        compiler_params=pltpu.CompilerParams(needs_layout_passes=False),
        out_type=[
            jax.ShapeDtypeStruct((BATCH,), jnp.float32),
            jax.ShapeDtypeStruct((BATCH,), jnp.float32),
        ],
        scratch_types=[
            pltpu.VMEM((B_PER_W,), jnp.int32),
            pltpu.VMEM((B_PER_W,), jnp.int32),
            pltpu.VMEM((B_PER_W,), jnp.int32),
            pltpu.VMEM((PHASE, DIM, WIN), jnp.float32),
            pltpu.VMEM((PHASE, DIM, WIN), jnp.float32),
            pltpu.VMEM((PHASE, DIM, WIN), jnp.float32),
            pltpu.VMEM((B_PER_W,), jnp.float32),
            pltpu.VMEM((B_PER_W,), jnp.float32),
            pltpu.SemaphoreType.DMA,
        ],
    )(_bpr_body)
    return f(u, i, j, ut_t, it_t)


def kernel(u, i, j, user_table, item_table):
    u = u.astype(jnp.int32)
    i = i.astype(jnp.int32)
    j = j.astype(jnp.int32)
    pos, neg = _bpr_call(u, i, j, user_table, item_table)
    return (pos, neg)

# --- scband reference (transcript-rebuilt; emitter-appended) ---
"""Pipeline reference for scband-bpr-23759759082167 (READ-ONLY COPY).

The authoritative reference and input builder live on the scoring server;
editing this copy changes nothing except your own understanding.
"""

import jax, jax.numpy as jnp
import numpy as np

USER_NUM = 1000000
ITEM_NUM = 1000000
DIM = 32
BATCH = 16384

def setup_inputs(seed: int = 0) -> dict:
    key = jax.random.key(seed)
    k1, k2, k3, k4, k5 = jax.random.split(key, 5)
    u = jax.random.randint(k1, (BATCH,), 0, USER_NUM, dtype=jnp.int64) if jax.config.jax_enable_x64 else jax.random.randint(k1, (BATCH,), 0, USER_NUM, dtype=jnp.int32)
    i = jax.random.randint(k2, (BATCH,), 0, ITEM_NUM, dtype=u.dtype)
    j = jax.random.randint(k3, (BATCH,), 0, ITEM_NUM, dtype=u.dtype)
    user_table = jax.random.normal(k4, (USER_NUM, DIM), dtype=jnp.float32) * 0.01
    item_table = jax.random.normal(k5, (ITEM_NUM, DIM), dtype=jnp.float32) * 0.01
    return {"u": u, "i": i, "j": j, "user_table": user_table, "item_table": item_table}

def reference(u, i, j, user_table, item_table):
    # embedding lookups (gathers)
    u_emb = jnp.take(user_table, u, axis=0)
    i_emb = jnp.take(item_table, i, axis=0)
    j_emb = jnp.take(item_table, j, axis=0)
    pos_score = jnp.sum(u_emb * i_emb, axis=-1)
    neg_score = jnp.sum(u_emb * j_emb, axis=-1)
    return (pos_score, neg_score)

if __name__ == "__main__":
    import jax
    _d = setup_inputs()
    print(jax.jit(kernel)(*tuple(_d.values())))

</pallas_src>

<mosaic_0001>
#map = affine_map<(d0, d1) -> (0)>
#map1 = affine_map<(d0, d1) -> (0, 0)>
module attributes {stable_mosaic.version = 14 : i64} {
  func.func @_bpr_body(%arg0: i32, %arg1: i32, %arg2: memref<16384xi32, #tpu.memory_space<hbm>>, %arg3: memref<16384xi32, #tpu.memory_space<hbm>>, %arg4: memref<16384xi32, #tpu.memory_space<hbm>>, %arg5: memref<32x1000000xf32, #tpu.memory_space<hbm>>, %arg6: memref<32x1000000xf32, #tpu.memory_space<hbm>>, %arg7: memref<16384xf32, #tpu.memory_space<hbm>>, %arg8: memref<16384xf32, #tpu.memory_space<hbm>>, %arg9: memref<512xi32, #tpu.memory_space<vmem>>, %arg10: memref<512xi32, #tpu.memory_space<vmem>>, %arg11: memref<512xi32, #tpu.memory_space<vmem>>, %arg12: memref<8x32x128xf32, #tpu.memory_space<vmem>>, %arg13: memref<8x32x128xf32, #tpu.memory_space<vmem>>, %arg14: memref<8x32x128xf32, #tpu.memory_space<vmem>>, %arg15: memref<512xf32, #tpu.memory_space<vmem>>, %arg16: memref<512xf32, #tpu.memory_space<vmem>>, %arg17: memref<!tpu.dma_semaphore, #tpu.memory_space<semaphore_mem>>) attributes {dimension_semantics = [#tpu.dimension_semantics<core_parallel>, #tpu.dimension_semantics<subcore_parallel>], iteration_bounds = array<i64: 2, 16>, scalar_prefetch = 0 : i64, scratch_operands = 9 : i64, tpu.core_type = #tpu.core_type<sc_vector_subcore>, window_params = [{transform_indices = #map}, {transform_indices = #map}, {transform_indices = #map}, {transform_indices = #map1}, {transform_indices = #map1}, {transform_indices = #map}, {transform_indices = #map}]} {
    %mul3A = arith.constant 2 : i32
    %mul3A_0 = arith.muli %arg1, %mul3A : i32
    %add3A = arith.addi %mul3A_0, %arg0 : i32
    %mul3A_1 = arith.constant 512 : i32
    %mul3A_2 = arith.muli %add3A, %mul3A_1 : i32
    "tpu.region"() ({
      %run_scoped3A = tpu.sem_alloc : memref<!tpu.dma_semaphore, #tpu.memory_space<semaphore_mem>>
      %dma_start3A = tpu.memref_slice %arg2[%mul3A_2] : memref<16384xi32, #tpu.memory_space<hbm>> -> memref<512xi32, #tpu.memory_space<hbm>>
      %dma_start3A_10 = tpu.memref_slice %arg2[%mul3A_2] : memref<16384xi32, #tpu.memory_space<hbm>> -> memref<512xi32, #tpu.memory_space<hbm>>
      tpu.enqueue_dma source(%dma_start3A_10 : memref<512xi32, #tpu.memory_space<hbm>>) target(%arg9 : memref<512xi32, #tpu.memory_space<vmem>>) target_semaphore(%run_scoped3A : memref<!tpu.dma_semaphore, #tpu.memory_space<semaphore_mem>>)
      %dma_wait3A = tpu.memref_slice %arg2[%mul3A_2] : memref<16384xi32, #tpu.memory_space<hbm>> -> memref<512xi32, #tpu.memory_space<hbm>>
      %dma_wait3A_11 = tpu.memref_slice %arg2[%mul3A_2] : memref<16384xi32, #tpu.memory_space<hbm>> -> memref<512xi32, #tpu.memory_space<hbm>>
      tpu.wait_dma2 semaphore(%run_scoped3A : memref<!tpu.dma_semaphore, #tpu.memory_space<semaphore_mem>>) src(%dma_wait3A_11 : memref<512xi32, #tpu.memory_space<hbm>>) dst(%arg9 : memref<512xi32, #tpu.memory_space<vmem>>)
      tpu.yield
    }) : () -> ()
    "tpu.region"() ({
      %run_scoped3A = tpu.sem_alloc : memref<!tpu.dma_semaphore, #tpu.memory_space<semaphore_mem>>
      %dma_start3A = tpu.memref_slice %arg3[%mul3A_2] : memref<16384xi32, #tpu.memory_space<hbm>> -> memref<512xi32, #tpu.memory_space<hbm>>
      %dma_start3A_10 = tpu.memref_slice %arg3[%mul3A_2] : memref<16384xi32, #tpu.memory_space<hbm>> -> memref<512xi32, #tpu.memory_space<hbm>>
      tpu.enqueue_dma source(%dma_start3A_10 : memref<512xi32, #tpu.memory_space<hbm>>) target(%arg10 : memref<512xi32, #tpu.memory_space<vmem>>) target_semaphore(%run_scoped3A : memref<!tpu.dma_semaphore, #tpu.memory_space<semaphore_mem>>)
      %dma_wait3A = tpu.memref_slice %arg3[%mul3A_2] : memref<16384xi32, #tpu.memory_space<hbm>> -> memref<512xi32, #tpu.memory_space<hbm>>
      %dma_wait3A_11 = tpu.memref_slice %arg3[%mul3A_2] : memref<16384xi32, #tpu.memory_space<hbm>> -> memref<512xi32, #tpu.memory_space<hbm>>
      tpu.wait_dma2 semaphore(%run_scoped3A : memref<!tpu.dma_semaphore, #tpu.memory_space<semaphore_mem>>) src(%dma_wait3A_11 : memref<512xi32, #tpu.memory_space<hbm>>) dst(%arg10 : memref<512xi32, #tpu.memory_space<vmem>>)
      tpu.yield
    }) : () -> ()
    "tpu.region"() ({
      %run_scoped3A = tpu.sem_alloc : memref<!tpu.dma_semaphore, #tpu.memory_space<semaphore_mem>>
      %dma_start3A = tpu.memref_slice %arg4[%mul3A_2] : memref<16384xi32, #tpu.memory_space<hbm>> -> memref<512xi32, #tpu.memory_space<hbm>>
      %dma_start3A_10 = tpu.memref_slice %arg4[%mul3A_2] : memref<16384xi32, #tpu.memory_space<hbm>> -> memref<512xi32, #tpu.memory_space<hbm>>
      tpu.enqueue_dma source(%dma_start3A_10 : memref<512xi32, #tpu.memory_space<hbm>>) target(%arg11 : memref<512xi32, #tpu.memory_space<vmem>>) target_semaphore(%run_scoped3A : memref<!tpu.dma_semaphore, #tpu.memory_space<semaphore_mem>>)
      %dma_wait3A = tpu.memref_slice %arg4[%mul3A_2] : memref<16384xi32, #tpu.memory_space<hbm>> -> memref<512xi32, #tpu.memory_space<hbm>>
      %dma_wait3A_11 = tpu.memref_slice %arg4[%mul3A_2] : memref<16384xi32, #tpu.memory_space<hbm>> -> memref<512xi32, #tpu.memory_space<hbm>>
      tpu.wait_dma2 semaphore(%run_scoped3A : memref<!tpu.dma_semaphore, #tpu.memory_space<semaphore_mem>>) src(%dma_wait3A_11 : memref<512xi32, #tpu.memory_space<hbm>>) dst(%arg11 : memref<512xi32, #tpu.memory_space<vmem>>)
      tpu.yield
    }) : () -> ()
    %iota3A = tpu.iota {dimensions = array<i32: 0>} : vector<16xi32>
    %and3A = arith.constant 7 : i32
    %and3A_3 = vector.broadcast %and3A : i32 to vector<16xi32>
    %and3A_4 = arith.andi %iota3A, %and3A_3 : vector<16xi32>
    %scan3A = arith.constant 0 : i32
    %scan3A_5 = arith.constant 0 : i32
    %scan3A_6 = arith.constant 32 : i32
    %scan3A_7 = arith.addi %scan3A_5, %scan3A_6 : i32
    %scan3A_8 = arith.constant 1 : i32
    scf.for %scan3A_10 = %scan3A_5 to %scan3A_7 step %scan3A_8  : i32 {
      %mul3A_11 = arith.constant 16 : i32
      %mul3A_12 = arith.muli %scan3A_10, %mul3A_11 : i32
      %get3A = arith.index_cast %mul3A_12 : i32 to index
      %get3A_13 = tpu.vector_load %arg9[%get3A] {strides = array<i32>} : memref<512xi32, #tpu.memory_space<vmem>>, vector<16xi32>,
      %get3A_14 = arith.index_cast %mul3A_12 : i32 to index
      %get3A_15 = tpu.vector_load %arg10[%get3A_14] {strides = array<i32>} : memref<512xi32, #tpu.memory_space<vmem>>, vector<16xi32>,
      %get3A_16 = arith.index_cast %mul3A_12 : i32 to index
      %get3A_17 = tpu.vector_load %arg11[%get3A_16] {strides = array<i32>} : memref<512xi32, #tpu.memory_space<vmem>>, vector<16xi32>,
      %and3A_18 = arith.constant 127 : i32
      %and3A_19 = vector.broadcast %and3A_18 : i32 to vector<16xi32>
      %and3A_20 = arith.andi %get3A_13, %and3A_19 : vector<16xi32>
      %and3A_21 = arith.constant 127 : i32
      %and3A_22 = vector.broadcast %and3A_21 : i32 to vector<16xi32>
      %and3A_23 = arith.andi %get3A_15, %and3A_22 : vector<16xi32>
      %and3A_24 = arith.constant 127 : i32
      %and3A_25 = vector.broadcast %and3A_24 : i32 to vector<16xi32>
      %and3A_26 = arith.andi %get3A_17, %and3A_25 : vector<16xi32>
      %slice3A = vector.extract_strided_slice %get3A_13 {offsets = [0], sizes = [1], strides = [1]} : vector<16xi32> to vector<1xi32>
      %squeeze3A = vector.extract %slice3A[0] : i32 from vector<1xi32>
      %shift_right_arithmetic3A = arith.constant 7 : i32
      %shift_right_arithmetic3A_27 = arith.shrsi %squeeze3A, %shift_right_arithmetic3A : i32
      %mul3A_28 = arith.constant 128 : i32
      %mul3A_29 = arith.muli %shift_right_arithmetic3A_27, %mul3A_28 : i32
      %multiple_of3A = tpu.assume_multiple %mul3A_29, 128 : i32
      %slice3A_30 = vector.extract_strided_slice %get3A_15 {offsets = [0], sizes = [1], strides = [1]} : vector<16xi32> to vector<1xi32>
      %squeeze3A_31 = vector.extract %slice3A_30[0] : i32 from vector<1xi32>
      %shift_right_arithmetic3A_32 = arith.constant 7 : i32
      %shift_right_arithmetic3A_33 = arith.shrsi %squeeze3A_31, %shift_right_arithmetic3A_32 : i32
      %mul3A_34 = arith.constant 128 : i32
      %mul3A_35 = arith.muli %shift_right_arithmetic3A_33, %mul3A_34 : i32
      %multiple_of3A_36 = tpu.assume_multiple %mul3A_35, 128 : i32
      %slice3A_37 = vector.extract_strided_slice %get3A_17 {offsets = [0], sizes = [1], strides = [1]} : vector<16xi32> to vector<1xi32>
      %squeeze3A_38 = vector.extract %slice3A_37[0] : i32 from vector<1xi32>
      %shift_right_arithmetic3A_39 = arith.constant 7 : i32
      %shift_right_arithmetic3A_40 = arith.shrsi %squeeze3A_38, %shift_right_arithmetic3A_39 : i32
      %mul3A_41 = arith.constant 128 : i32
      %mul3A_42 = arith.muli %shift_right_arithmetic3A_40, %mul3A_41 : i32
      %multiple_of3A_43 = tpu.assume_multiple %mul3A_42, 128 : i32
      %dma_start3A = arith.constant 0 : i32
      %dma_start3A_44 = arith.constant 0 : i32
      %dma_start3A_45 = arith.constant 0 : i32
      %dma_start3A_46 = tpu.memref_slice %arg12[%dma_start3A, %dma_start3A_44, %dma_start3A_45] : memref<8x32x128xf32, #tpu.memory_space<vmem>> -> memref<1x32x128xf32, #tpu.memory_space<vmem>>
      %dma_start3A_47 = tpu.memref_squeeze %dma_start3A_46 : memref<1x32x128xf32, #tpu.memory_space<vmem>> -> memref<32x128xf32, #tpu.memory_space<vmem>>
      %dma_start3A_48 = arith.constant 0 : i32
      %dma_start3A_49 = tpu.memref_slice %arg5[%dma_start3A_48, %multiple_of3A] : memref<32x1000000xf32, #tpu.memory_space<hbm>> -> memref<32x128xf32, #tpu.memory_space<hbm>>
      %dma_start3A_50 = arith.constant 0 : i32
      %dma_start3A_51 = arith.constant 0 : i32
      %dma_start3A_52 = tpu.memref_slice %arg12[%dma_start3A, %dma_start3A_50, %dma_start3A_51] : memref<8x32x128xf32, #tpu.memory_space<vmem>> -> memref<1x32x128xf32, #tpu.memory_space<vmem>>
      %dma_start3A_53 = tpu.memref_squeeze %dma_start3A_52 : memref<1x32x128xf32, #tpu.memory_space<vmem>> -> memref<32x128xf32, #tpu.memory_space<vmem>>
      %dma_start3A_54 = arith.constant 0 : i32
      %dma_start3A_55 = tpu.memref_slice %arg5[%dma_start3A_54, %multiple_of3A] : memref<32x1000000xf32, #tpu.memory_space<hbm>> -> memref<32x128xf32, #tpu.memory_space<hbm>>
      tpu.enqueue_dma source(%dma_start3A_55 : memref<32x128xf32, #tpu.memory_space<hbm>>) target(%dma_start3A_53 : memref<32x128xf32, #tpu.memory_space<vmem>>) target_semaphore(%arg17 : memref<!tpu.dma_semaphore, #tpu.memory_space<semaphore_mem>>)
      %dma_start3A_56 = arith.constant 0 : i32
      %dma_start3A_57 = arith.constant 0 : i32
      %dma_start3A_58 = arith.constant 0 : i32
      %dma_start3A_59 = tpu.memref_slice %arg13[%dma_start3A_56, %dma_start3A_57, %dma_start3A_58] : memref<8x32x128xf32, #tpu.memory_space<vmem>> -> memref<1x32x128xf32, #tpu.memory_space<vmem>>
      %dma_start3A_60 = tpu.memref_squeeze %dma_start3A_59 : memref<1x32x128xf32, #tpu.memory_space<vmem>> -> memref<32x128xf32, #tpu.memory_space<vmem>>
      %dma_start3A_61 = arith.constant 0 : i32
      %dma_start3A_62 = tpu.memref_slice %arg6[%dma_start3A_61, %multiple_of3A_36] : memref<32x1000000xf32, #tpu.memory_space<hbm>> -> memref<32x128xf32, #tpu.memory_space<hbm>>
      %dma_start3A_63 = arith.constant 0 : i32
      %dma_start3A_64 = arith.constant 0 : i32
      %dma_start3A_65 = tpu.memref_slice %arg13[%dma_start3A_56, %dma_start3A_63, %dma_start3A_64] : memref<8x32x128xf32, #tpu.memory_space<vmem>> -> memref<1x32x128xf32, #tpu.memory_space<vmem>>
      %dma_start3A_66 = tpu.memref_squeeze %dma_start3A_65 : memref<1x32x128xf32, #tpu.memory_space<vmem>> -> memref<32x128xf32, #tpu.memory_space<vmem>>
      %dma_start3A_67 = arith.constant 0 : i32
      %dma_start3A_68 = tpu.memref_slice %arg6[%dma_start3A_67, %multiple_of3A_36] : memref<32x1000000xf32, #tpu.memory_space<hbm>> -> memref<32x128xf32, #tpu.memory_space<hbm>>
      tpu.enqueue_dma source(%dma_start3A_68 : memref<32x128xf32, #tpu.memory_space<hbm>>) target(%dma_start3A_66 : memref<32x128xf32, #tpu.memory_space<vmem>>) target_semaphore(%arg17 : memref<!tpu.dma_semaphore, #tpu.memory_space<semaphore_mem>>)
      %dma_start3A_69 = arith.constant 0 : i32
      %dma_start3A_70 = arith.constant 0 : i32
      %dma_start3A_71 = arith.constant 0 : i32
      %dma_start3A_72 = tpu.memref_slice %arg14[%dma_start3A_69, %dma_start3A_70, %dma_start3A_71] : memref<8x32x128xf32, #tpu.memory_space<vmem>> -> memref<1x32x128xf32, #tpu.memory_space<vmem>>
      %dma_start3A_73 = tpu.memref_squeeze %dma_start3A_72 : memref<1x32x128xf32, #tpu.memory_space<vmem>> -> memref<32x128xf32, #tpu.memory_space<vmem>>
      %dma_start3A_74 = arith.constant 0 : i32
      %dma_start3A_75 = tpu.memref_slice %arg6[%dma_start3A_74, %multiple_of3A_43] : memref<32x1000000xf32, #tpu.memory_space<hbm>> -> memref<32x128xf32, #tpu.memory_space<hbm>>
      %dma_start3A_76 = arith.constant 0 : i32
      %dma_start3A_77 = arith.constant 0 : i32
      %dma_start3A_78 = tpu.memref_slice %arg14[%dma_start3A_69, %dma_start3A_76, %dma_start3A_77] : memref<8x32x128xf32, #tpu.memory_space<vmem>> -> memref<1x32x128xf32, #tpu.memory_space<vmem>>
      %dma_start3A_79 = tpu.memref_squeeze %dma_start3A_78 : memref<1x32x128xf32, #tpu.memory_space<vmem>> -> memref<32x128xf32, #tpu.memory_space<vmem>>
      %dma_start3A_80 = arith.constant 0 : i32
      %dma_start3A_81 = tpu.memref_slice %arg6[%dma_start3A_80, %multiple_of3A_43] : memref<32x1000000xf32, #tpu.memory_space<hbm>> -> memref<32x128xf32, #tpu.memory_space<hbm>>
      tpu.enqueue_dma source(%dma_start3A_81 : memref<32x128xf32, #tpu.memory_space<hbm>>) target(%dma_start3A_79 : memref<32x128xf32, #tpu.memory_space<vmem>>) target_semaphore(%arg17 : memref<!tpu.dma_semaphore, #tpu.memory_space<semaphore_mem>>)
      %slice3A_82 = vector.extract_strided_slice %get3A_13 {offsets = [1], sizes = [1], strides = [1]} : vector<16xi32> to vector<1xi32>
      %squeeze3A_83 = vector.extract %slice3A_82[0] : i32 from vector<1xi32>
      %shift_right_arithmetic3A_84 = arith.constant 7 : i32
      %shift_right_arithmetic3A_85 = arith.shrsi %squeeze3A_83, %shift_right_arithmetic3A_84 : i32
      %mul3A_86 = arith.constant 128 : i32
      %mul3A_87 = arith.muli %shift_right_arithmetic3A_85, %mul3A_86 : i32
      %multiple_of3A_88 = tpu.assume_multiple %mul3A_87, 128 : i32
      %slice3A_89 = vector.extract_strided_slice %get3A_15 {offsets = [1], sizes = [1], strides = [1]} : vector<16xi32> to vector<1xi32>
      %squeeze3A_90 = vector.extract %slice3A_89[0] : i32 from vector<1xi32>
      %shift_right_arithmetic3A_91 = arith.constant 7 : i32
      %shift_right_arithmetic3A_92 = arith.shrsi %squeeze3A_90, %shift_right_arithmetic3A_91 : i32
      %mul3A_93 = arith.constant 128 : i32
      %mul3A_94 = arith.muli %shift_right_arithmetic3A_92, %mul3A_93 : i32
      %multiple_of3A_95 = tpu.assume_multiple %mul3A_94, 128 : i32
      %slice3A_96 = vector.extract_strided_slice %get3A_17 {offsets = [1], sizes = [1], strides = [1]} : vector<16xi32> to vector<1xi32>
      %squeeze3A_97 = vector.extract %slice3A_96[0] : i32 from vector<1xi32>
      %shift_right_arithmetic3A_98 = arith.constant 7 : i32
      %shift_right_arithmetic3A_99 = arith.shrsi %squeeze3A_97, %shift_right_arithmetic3A_98 : i32
      %mul3A_100 = arith.constant 128 : i32
      %mul3A_101 = arith.muli %shift_right_arithmetic3A_99, %mul3A_100 : i32
      %multiple_of3A_102 = tpu.assume_multiple %mul3A_101, 128 : i32
      %dma_start3A_103 = arith.constant 1 : i32
      %dma_start3A_104 = arith.constant 0 : i32
      %dma_start3A_105 = arith.constant 0 : i32
      %dma_start3A_106 = tpu.memref_slice %arg12[%dma_start3A_103, %dma_start3A_104, %dma_start3A_105] : memref<8x32x128xf32, #tpu.memory_space<vmem>> -> memref<1x32x128xf32, #tpu.memory_space<vmem>>
      %dma_start3A_107 = tpu.memref_squeeze %dma_start3A_106 : memref<1x32x128xf32, #tpu.memory_space<vmem>> -> memref<32x128xf32, #tpu.memory_space<vmem>>
      %dma_start3A_108 = arith.constant 0 : i32
      %dma_start3A_109 = tpu.memref_slice %arg5[%dma_start3A_108, %multiple_of3A_88] : memref<32x1000000xf32, #tpu.memory_space<hbm>> -> memref<32x128xf32, #tpu.memory_space<hbm>>
      %dma_start3A_110 = arith.constant 0 : i32
      %dma_start3A_111 = arith.constant 0 : i32
      %dma_start3A_112 = tpu.memref_slice %arg12[%dma_start3A_103, %dma_start3A_110, %dma_start3A_111] : memref<8x32x128xf32, #tpu.memory_space<vmem>> -> memref<1x32x128xf32, #tpu.memory_space<vmem>>
      %dma_start3A_113 = tpu.memref_squeeze %dma_start3A_112 : memref<1x32x128xf32, #tpu.memory_space<vmem>> -> memref<32x128xf32, #tpu.memory_space<vmem>>
      %dma_start3A_114 = arith.constant 0 : i32
      %dma_start3A_115 = tpu.memref_slice %arg5[%dma_start3A_114, %multiple_of3A_88] : memref<32x1000000xf32, #tpu.memory_space<hbm>> -> memref<32x128xf32, #tpu.memory_space<hbm>>
      tpu.enqueue_dma source(%dma_start3A_115 : memref<32x128xf32, #tpu.memory_space<hbm>>) target(%dma_start3A_113 : memref<32x128xf32, #tpu.memory_space<vmem>>) target_semaphore(%arg17 : memref<!tpu.dma_semaphore, #tpu.memory_space<semaphore_mem>>)
      %dma_start3A_116 = arith.constant 1 : i32
      %dma_start3A_117 = arith.constant 0 : i32
      %dma_start3A_118 = arith.constant 0 : i32
      %dma_start3A_119 = tpu.memref_slice %arg13[%dma_start3A_116, %dma_start3A_117, %dma_start3A_118] : memref<8x32x128xf32, #tpu.memory_space<vmem>> -> memref<1x32x128xf32, #tpu.memory_space<vmem>>
      %dma_start3A_120 = tpu.memref_squeeze %dma_start3A_119 : memref<1x32x128xf32, #tpu.memory_space<vmem>> -> memref<32x128xf32, #tpu.memory_space<vmem>>
      %dma_start3A_121 = arith.constant 0 : i32
      %dma_start3A_122 = tpu.memref_slice %arg6[%dma_start3A_121, %multiple_of3A_95] : memref<32x1000000xf32, #tpu.memory_space<hbm>> -> memref<32x128xf32, #tpu.memory_space<hbm>>
      %dma_start3A_123 = arith.constant 0 : i32
      %dma_start3A_124 = arith.constant 0 : i32
      %dma_start3A_125 = tpu.memref_slice %arg13[%dma_start3A_116, %dma_start3A_123, %dma_start3A_124] : memref<8x32x128xf32, #tpu.memory_space<vmem>> -> memref<1x32x128xf32, #tpu.memory_space<vmem>>
      %dma_start3A_126 = tpu.memref_squeeze %dma_start3A_125 : memref<1x32x128xf32, #tpu.memory_space<vmem>> -> memref<32x128xf32, #tpu.memory_space<vmem>>
      %dma_start3A_127 = arith.constant 0 : i32
      %dma_start3A_128 = tpu.memref_slice %arg6[%dma_start3A_127, %multiple_of3A_95] : memref<32x1000000xf32, #tpu.memory_space<hbm>> -> memref<32x128xf32, #tpu.memory_space<hbm>>
      tpu.enqueue_dma source(%dma_start3A_128 : memref<32x128xf32, #tpu.memory_space<hbm>>) target(%dma_start3A_126 : memref<32x128xf32, #tpu.memory_space<vmem>>) target_semaphore(%arg17 : memref<!tpu.dma_semaphore, #tpu.memory_space<semaphore_mem>>)
      %dma_start3A_129 = arith.constant 1 : i32
      %dma_start3A_130 = arith.constant 0 : i32
      %dma_start3A_131 = arith.constant 0 : i32
      %dma_start3A_132 = tpu.memref_slice %arg14[%dma_start3A_129, %dma_start3A_130, %dma_start3A_131] : memref<8x32x128xf32, #tpu.memory_space<vmem>> -> memref<1x32x128xf32, #tpu.memory_space<vmem>>
      %dma_start3A_133 = tpu.memref_squeeze %dma_start3A_132 : memref<1x32x128xf32, #tpu.memory_space<vmem>> -> memref<32x128xf32, #tpu.memory_space<vmem>>
      %dma_start3A_134 = arith.constant 0 : i32
      %dma_start3A_135 = tpu.memref_slice %arg6[%dma_start3A_134, %multiple_of3A_102] : memref<32x1000000xf32, #tpu.memory_space<hbm>> -> memref<32x128xf32, #tpu.memory_space<hbm>>
      %dma_start3A_136 = arith.constant 0 : i32
      %dma_start3A_137 = arith.constant 0 : i32
      %dma_start3A_138 = tpu.memref_slice %arg14[%dma_start3A_129, %dma_start3A_136, %dma_start3A_137] : memref<8x32x128xf32, #tpu.memory_space<vmem>> -> memref<1x32x128xf32, #tpu.memory_space<vmem>>
      %dma_start3A_139 = tpu.memref_squeeze %dma_start3A_138 : memref<1x32x128xf32, #tpu.memory_space<vmem>> -> memref<32x128xf32, #tpu.memory_space<vmem>>
      %dma_start3A_140 = arith.constant 0 : i32
      %dma_start3A_141 = tpu.memref_slice %arg6[%dma_start3A_140, %multiple_of3A_102] : memref<32x1000000xf32, #tpu.memory_space<hbm>> -> memref<32x128xf32, #tpu.memory_space<hbm>>
      tpu.enqueue_dma source(%dma_start3A_141 : memref<32x128xf32, #tpu.memory_space<hbm>>) target(%dma_start3A_139 : memref<32x128xf32, #tpu.memory_space<vmem>>) target_semaphore(%arg17 : memref<!tpu.dma_semaphore, #tpu.memory_space<semaphore_mem>>)
      %slice3A_142 = vector.extract_strided_slice %get3A_13 {offsets = [2], sizes = [1], strides = [1]} : vector<16xi32> to vector<1xi32>
      %squeeze3A_143 = vector.extract %slice3A_142[0] : i32 from vector<1xi32>
      %shift_right_arithmetic3A_144 = arith.constant 7 : i32
      %shift_right_arithmetic3A_145 = arith.shrsi %squeeze3A_143, %shift_right_arithmetic3A_144 : i32
      %mul3A_146 = arith.constant 128 : i32
      %mul3A_147 = arith.muli %shift_right_arithmetic3A_145, %mul3A_146 : i32
      %multiple_of3A_148 = tpu.assume_multiple %mul3A_147, 128 : i32
      %slice3A_149 = vector.extract_strided_slice %get3A_15 {offsets = [2], sizes = [1], strides = [1]} : vector<16xi32> to vector<1xi32>
      %squeeze3A_150 = vector.extract %slice3A_149[0] : i32 from vector<1xi32>
      %shift_right_arithmetic3A_151 = arith.constant 7 : i32
      %shift_right_arithmetic3A_152 = arith.shrsi %squeeze3A_150, %shift_right_arithmetic3A_151 : i32
      %mul3A_153 = arith.constant 128 : i32
      %mul3A_154 = arith.muli %shift_right_arithmetic3A_152, %mul3A_153 : i32
      %multiple_of3A_155 = tpu.assume_multiple %mul3A_154, 128 : i32
      %slice3A_156 = vector.extract_strided_slice %get3A_17 {offsets = [2], sizes = [1], strides = [1]} : vector<16xi32> to vector<1xi32>
      %squeeze3A_157 = vector.extract %slice3A_156[0] : i32 from vector<1xi32>
      %shift_right_arithmetic3A_158 = arith.constant 7 : i32
      %shift_right_arithmetic3A_159 = arith.shrsi %squeeze3A_157, %shift_right_arithmetic3A_158 : i32
      %mul3A_160 = arith.constant 128 : i32
      %mul3A_161 = arith.muli %shift_right_arithmetic3A_159, %mul3A_160 : i32
      %multiple_of3A_162 = tpu.assume_multiple %mul3A_161, 128 : i32
      %dma_start3A_163 = arith.constant 2 : i32
      %dma_start3A_164 = arith.constant 0 : i32
      %dma_start3A_165 = arith.constant 0 : i32
      %dma_start3A_166 = tpu.memref_slice %arg12[%dma_start3A_163, %dma_start3A_164, %dma_start3A_165] : memref<8x32x128xf32, #tpu.memory_space<vmem>> -> memref<1x32x128xf32, #tpu.memory_space<vmem>>
      %dma_start3A_167 = tpu.memref_squeeze %dma_start3A_166 : memref<1x32x128xf32, #tpu.memory_space<vmem>> -> memref<32x128xf32, #tpu.memory_space<vmem>>
      %dma_start3A_168 = arith.constant 0 : i32
      %dma_start3A_169 = tpu.memref_slice %arg5[%dma_start3A_168, %multiple_of3A_148] : memref<32x1000000xf32, #tpu.memory_space<hbm>> -> memref<32x128xf32, #tpu.memory_space<hbm>>
      %dma_start3A_170 = arith.constant 0 : i32
      %dma_start3A_171 = arith.constant 0 : i32
      %dma_start3A_172 = tpu.memref_slice %arg12[%dma_start3A_163, %dma_start3A_170, %dma_start3A_171] : memref<8x32x128xf32, #tpu.memory_space<vmem>> -> memref<1x32x128xf32, #tpu.memory_space<vmem>>
      %dma_start3A_173 = tpu.memref_squeeze %dma_start3A_172 : memref<1x32x128xf32, #tpu.memory_space<vmem>> -> memref<32x128xf32, #tpu.memory_space<vmem>>
      %dma_start3A_174 = arith.constant 0 : i32
      %dma_start3A_175 = tpu.memref_slice %arg5[%dma_start3A_174, %multiple_of3A_148] : memref<32x1000000xf32, #tpu.memory_space<hbm>> -> memref<32x128xf32, #tpu.memory_space<hbm>>
      tpu.enqueue_dma source(%dma_start3A_175 : memref<32x128xf32, #tpu.memory_space<hbm>>) target(%dma_start3A_173 : memref<32x128xf32, #tpu.memory_space<vmem>>) target_semaphore(%arg17 : memref<!tpu.dma_semaphore, #tpu.memory_space<semaphore_mem>>)
      %dma_start3A_176 = arith.constant 2 : i32
      %dma_start3A_177 = arith.constant 0 : i32
      %dma_start3A_178 = arith.constant 0 : i32
      %dma_start3A_179 = tpu.memref_slice %arg13[%dma_start3A_176, %dma_start3A_177, %dma_start3A_178] : memref<8x32x128xf32, #tpu.memory_space<vmem>> -> memref<1x32x128xf32, #tpu.memory_space<vmem>>
      %dma_start3A_180 = tpu.memref_squeeze %dma_start3A_179 : memref<1x32x128xf32, #tpu.memory_space<vmem>> -> memref<32x128xf32, #tpu.memory_space<vmem>>
      %dma_start3A_181 = arith.constant 0 : i32
      %dma_start3A_182 = tpu.memref_slice %arg6[%dma_start3A_181, %multiple_of3A_155] : memref<32x1000000xf32, #tpu.memory_space<hbm>> -> memref<32x128xf32, #tpu.memory_space<hbm>>
      %dma_start3A_183 = arith.constant 0 : i32
      %dma_start3A_184 = arith.constant 0 : i32
      %dma_start3A_185 = tpu.memref_slice %arg13[%dma_start3A_176, %dma_start3A_183, %dma_start3A_184] : memref<8x32x128xf32, #tpu.memory_space<vmem>> -> memref<1x32x128xf32, #tpu.memory_space<vmem>>
      %dma_start3A_186 = tpu.memref_squeeze %dma_start3A_185 : memref<1x32x128xf32, #tpu.memory_space<vmem>> -> memref<32x128xf32, #tpu.memory_space<vmem>>
      %dma_start3A_187 = arith.constant 0 : i32
      %dma_start3A_188 = tpu.memref_slice %arg6[%dma_start3A_187, %multiple_of3A_155] : memref<32x1000000xf32, #tpu.memory_space<hbm>> -> memref<32x128xf32, #tpu.memory_space<hbm>>
      tpu.enqueue_dma source(%dma_start3A_188 : memref<32x128xf32, #tpu.memory_space<hbm>>) target(%dma_start3A_186 : memref<32x128xf32, #tpu.memory_space<vmem>>) target_semaphore(%arg17 : memref<!tpu.dma_semaphore, #tpu.memory_space<semaphore_mem>>)
      %dma_start3A_189 = arith.constant 2 : i32
      %dma_start3A_190 = arith.constant 0 : i32
      %dma_start3A_191 = arith.constant 0 : i32
      %dma_start3A_192 = tpu.memref_slice %arg14[%dma_start3A_189, %dma_start3A_190, %dma_start3A_191] : memref<8x32x128xf32, #tpu.memory_space<vmem>> -> memref<1x32x128xf32, #tpu.memory_space<vmem>>
      %dma_start3A_193 = tpu.memref_squeeze %dma_start3A_192 : memref<1x32x128xf32, #tpu.memory_space<vmem>> -> memref<32x128xf32, #tpu.memory_space<vmem>>
      %dma_start3A_194 = arith.constant 0 : i32
      %dma_start3A_195 = tpu.memref_slice %arg6[%dma_start3A_194, %multiple_of3A_162] : memref<32x1000000xf32, #tpu.memory_space<hbm>> -> memref<32x128xf32, #tpu.memory_space<hbm>>
      %dma_start3A_196 = arith.constant 0 : i32
      %dma_start3A_197 = arith.constant 0 : i32
      %dma_start3A_198 = tpu.memref_slice %arg14[%dma_start3A_189, %dma_start3A_196, %dma_start3A_197] : memref<8x32x128xf32, #tpu.memory_space<vmem>> -> memref<1x32x128xf32, #tpu.memory_space<vmem>>
      %dma_start3A_199 = tpu.memref_squeeze %dma_start3A_198 : memref<1x32x128xf32, #tpu.memory_space<vmem>> -> memref<32x128xf32, #tpu.memory_space<vmem>>
      %dma_start3A_200 = arith.constant 0 : i32
      %dma_start3A_201 = tpu.memref_slice %arg6[%dma_start3A_200, %multiple_of3A_162] : memref<32x1000000xf32, #tpu.memory_space<hbm>> -> memref<32x128xf32, #tpu.memory_space<hbm>>
      tpu.enqueue_dma source(%dma_start3A_201 : memref<32x128xf32, #tpu.memory_space<hbm>>) target(%dma_start3A_199 : memref<32x128xf32, #tpu.memory_space<vmem>>) target_semaphore(%arg17 : memref<!tpu.dma_semaphore, #tpu.memory_space<semaphore_mem>>)
      %slice3A_202 = vector.extract_strided_slice %get3A_13 {offsets = [3], sizes = [1], strides = [1]} : vector<16xi32> to vector<1xi32>
      %squeeze3A_203 = vector.extract %slice3A_202[0] : i32 from vector<1xi32>
      %shift_right_arithmetic3A_204 = arith.constant 7 : i32
      %shift_right_arithmetic3A_205 = arith.shrsi %squeeze3A_203, %shift_right_arithmetic3A_204 : i32
      %mul3A_206 = arith.constant 128 : i32
      %mul3A_207 = arith.muli %shift_right_arithmetic3A_205, %mul3A_206 : i32
      %multiple_of3A_208 = tpu.assume_multiple %mul3A_207, 128 : i32
      %slice3A_209 = vector.extract_strided_slice %get3A_15 {offsets = [3], sizes = [1], strides = [1]} : vector<16xi32> to vector<1xi32>
      %squeeze3A_210 = vector.extract %slice3A_209[0] : i32 from vector<1xi32>
      %shift_right_arithmetic3A_211 = arith.constant 7 : i32
      %shift_right_arithmetic3A_212 = arith.shrsi %squeeze3A_210, %shift_right_arithmetic3A_211 : i32
      %mul3A_213 = arith.constant 128 : i32
      %mul3A_214 = arith.muli %shift_right_arithmetic3A_212, %mul3A_213 : i32
      %multiple_of3A_215 = tpu.assume_multiple %mul3A_214, 128 : i32
      %slice3A_216 = vector.extract_strided_slice %get3A_17 {offsets = [3], sizes = [1], strides = [1]} : vector<16xi32> to vector<1xi32>
      %squeeze3A_217 = vector.extract %slice3A_216[0] : i32 from vector<1xi32>
      %shift_right_arithmetic3A_218 = arith.constant 7 : i32
      %shift_right_arithmetic3A_219 = arith.shrsi %squeeze3A_217, %shift_right_arithmetic3A_218 : i32
      %mul3A_220 = arith.constant 128 : i32
      %mul3A_221 = arith.muli %shift_right_arithmetic3A_219, %mul3A_220 : i32
      %multiple_of3A_222 = tpu.assume_multiple %mul3A_221, 128 : i32
      %dma_start3A_223 = arith.constant 3 : i32
      %dma_start3A_224 = arith.constant 0 : i32
      %dma_start3A_225 = arith.constant 0 : i32
      %dma_start3A_226 = tpu.memref_slice %arg12[%dma_start3A_223, %dma_start3A_224, %dma_start3A_225] : memref<8x32x128xf32, #tpu.memory_space<vmem>> -> memref<1x32x128xf32, #tpu.memory_space<vmem>>
      %dma_start3A_227 = tpu.memref_squeeze %dma_start3A_226 : memref<1x32x128xf32, #tpu.memory_space<vmem>> -> memref<32x128xf32, #tpu.memory_space<vmem>>
      %dma_start3A_228 = arith.constant 0 : i32
      %dma_start3A_229 = tpu.memref_slice %arg5[%dma_start3A_228, %multiple_of3A_208] : memref<32x1000000xf32, #tpu.memory_space<hbm>> -> memref<32x128xf32, #tpu.memory_space<hbm>>
      %dma_start3A_230 = arith.constant 0 : i32
      %dma_start3A_231 = arith.constant 0 : i32
      %dma_start3A_232 = tpu.memref_slice %arg12[%dma_start3A_223, %dma_start3A_230, %dma_start3A_231] : memref<8x32x128xf32, #tpu.memory_space<vmem>> -> memref<1x32x128xf32, #tpu.memory_space<vmem>>
      %dma_start3A_233 = tpu.memref_squeeze %dma_start3A_232 : memref<1x32x128xf32, #tpu.memory_space<vmem>> -> memref<32x128xf32, #tpu.memory_space<vmem>>
      %dma_start3A_234 = arith.constant 0 : i32
      %dma_start3A_235 = tpu.memref_slice %arg5[%dma_start3A_234, %multiple_of3A_208] : memref<32x1000000xf32, #tpu.memory_space<hbm>> -> memref<32x128xf32, #tpu.memory_space<hbm>>
      tpu.enqueue_dma source(%dma_start3A_235 : memref<32x128xf32, #tpu.memory_space<hbm>>) target(%dma_start3A_233 : memref<32x128xf32, #tpu.memory_space<vmem>>) target_semaphore(%arg17 : memref<!tpu.dma_semaphore, #tpu.memory_space<semaphore_mem>>)
      %dma_start3A_236 = arith.constant 3 : i32
      %dma_start3A_237 = arith.constant 0 : i32
      %dma_start3A_238 = arith.constant 0 : i32
      %dma_start3A_239 = tpu.memref_slice %arg13[%dma_start3A_236, %dma_start3A_237, %dma_start3A_238] : memref<8x32x128xf32, #tpu.memory_space<vmem>> -> memref<1x32x128xf32, #tpu.memory_space<vmem>>
      %dma_start3A_240 = tpu.memref_squeeze %dma_start3A_239 : memref<1x32x128xf32, #tpu.memory_space<vmem>> -> memref<32x128xf32, #tpu.memory_space<vmem>>
      %dma_start3A_241 = arith.constant 0 : i32
      %dma_start3A_242 = tpu.memref_slice %arg6[%dma_start3A_241, %multiple_of3A_215] : memref<32x1000000xf32, #tpu.memory_space<hbm>> -> memref<32x128xf32, #tpu.memory_space<hbm>>
      %dma_start3A_243 = arith.constant 0 : i32
      %dma_start3A_244 = arith.constant 0 : i32
      %dma_start3A_245 = tpu.memref_slice %arg13[%dma_start3A_236, %dma_start3A_243, %dma_start3A_244] : memref<8x32x128xf32, #tpu.memory_space<vmem>> -> memref<1x32x128xf32, #tpu.memory_space<vmem>>
      %dma_start3A_246 = tpu.memref_squeeze %dma_start3A_245 : memref<1x32x128xf32, #tpu.memory_space<vmem>> -> memref<32x128xf32, #tpu.memory_space<vmem>>
      %dma_start3A_247 = arith.constant 0 : i32
      %dma_start3A_248 = tpu.memref_slice %arg6[%dma_start3A_247, %multiple_of3A_215] : memref<32x1000000xf32, #tpu.memory_space<hbm>> -> memref<32x128xf32, #tpu.memory_space<hbm>>
      tpu.enqueue_dma source(%dma_start3A_248 : memref<32x128xf32, #tpu.memory_space<hbm>>) target(%dma_start3A_246 : memref<32x128xf32, #tpu.memory_space<vmem>>) target_semaphore(%arg17 : memref<!tpu.dma_semaphore, #tpu.memory_space<semaphore_mem>>)
      %dma_start3A_249 = arith.constant 3 : i32
      %dma_start3A_250 = arith.constant 0 : i32
      %dma_start3A_251 = arith.constant 0 : i32
      %dma_start3A_252 = tpu.memref_slice %arg14[%dma_start3A_249, %dma_start3A_250, %dma_start3A_251] : memref<8x32x128xf32, #tpu.memory_space<vmem>> -> memref<1x32x128xf32, #tpu.memory_space<vmem>>
      %dma_start3A_253 = tpu.memref_squeeze %dma_start3A_252 : memref<1x32x128xf32, #tpu.memory_space<vmem>> -> memref<32x128xf32, #tpu.memory_space<vmem>>
      %dma_start3A_254 = arith.constant 0 : i32
      %dma_start3A_255 = tpu.memref_slice %arg6[%dma_start3A_254, %multiple_of3A_222] : memref<32x1000000xf32, #tpu.memory_space<hbm>> -> memref<32x128xf32, #tpu.memory_space<hbm>>
      %dma_start3A_256 = arith.constant 0 : i32
      %dma_start3A_257 = arith.constant 0 : i32
      %dma_start3A_258 = tpu.memref_slice %arg14[%dma_start3A_249, %dma_start3A_256, %dma_start3A_257] : memref<8x32x128xf32, #tpu.memory_space<vmem>> -> memref<1x32x128xf32, #tpu.memory_space<vmem>>
      %dma_start3A_259 = tpu.memref_squeeze %dma_start3A_258 : memref<1x32x128xf32, #tpu.memory_space<vmem>> -> memref<32x128xf32, #tpu.memory_space<vmem>>
      %dma_start3A_260 = arith.constant 0 : i32
      %dma_start3A_261 = tpu.memref_slice %arg6[%dma_start3A_260, %multiple_of3A_222] : memref<32x1000000xf32, #tpu.memory_space<hbm>> -> memref<32x128xf32, #tpu.memory_space<hbm>>
      tpu.enqueue_dma source(%dma_start3A_261 : memref<32x128xf32, #tpu.memory_space<hbm>>) target(%dma_start3A_259 : memref<32x128xf32, #tpu.memory_space<vmem>>) target_semaphore(%arg17 : memref<!tpu.dma_semaphore, #tpu.memory_space<semaphore_mem>>)
      %slice3A_262 = vector.extract_strided_slice %get3A_13 {offsets = [4], sizes = [1], strides = [1]} : vector<16xi32> to vector<1xi32>
      %squeeze3A_263 = vector.extract %slice3A_262[0] : i32 from vector<1xi32>
      %shift_right_arithmetic3A_264 = arith.constant 7 : i32
      %shift_right_arithmetic3A_265 = arith.shrsi %squeeze3A_263, %shift_right_arithmetic3A_264 : i32
      %mul3A_266 = arith.constant 128 : i32
      %mul3A_267 = arith.muli %shift_right_arithmetic3A_265, %mul3A_266 : i32
      %multiple_of3A_268 = tpu.assume_multiple %mul3A_267, 128 : i32
      %slice3A_269 = vector.extract_strided_slice %get3A_15 {offsets = [4], sizes = [1], strides = [1]} : vector<16xi32> to vector<1xi32>
      %squeeze3A_270 = vector.extract %slice3A_269[0] : i32 from vector<1xi32>
      %shift_right_arithmetic3A_271 = arith.constant 7 : i32
      %shift_right_arithmetic3A_272 = arith.shrsi %squeeze3A_270, %shift_right_arithmetic3A_271 : i32
      %mul3A_273 = arith.constant 128 : i32
      %mul3A_274 = arith.muli %shift_right_arithmetic3A_272, %mul3A_273 : i32
      %multiple_of3A_275 = tpu.assume_multiple %mul3A_274, 128 : i32
      %slice3A_276 = vector.extract_strided_slice %get3A_17 {offsets = [4], sizes = [1], strides = [1]} : vector<16xi32> to vector<1xi32>
      %squeeze3A_277 = vector.extract %slice3A_276[0] : i32 from vector<1xi32>
      %shift_right_arithmetic3A_278 = arith.constant 7 : i32
      %shift_right_arithmetic3A_279 = arith.shrsi %squeeze3A_277, %shift_right_arithmetic3A_278 : i32
      %mul3A_280 = arith.constant 128 : i32
      %mul3A_281 = arith.muli %shift_right_arithmetic3A_279, %mul3A_280 : i32
      %multiple_of3A_282 = tpu.assume_multiple %mul3A_281, 128 : i32
      %dma_start3A_283 = arith.constant 4 : i32
      %dma_start3A_284 = arith.constant 0 : i32
      %dma_start3A_285 = arith.constant 0 : i32
      %dma_start3A_286 = tpu.memref_slice %arg12[%dma_start3A_283, %dma_start3A_284, %dma_start3A_285] : memref<8x32x128xf32, #tpu.memory_space<vmem>> -> memref<1x32x128xf32, #tpu.memory_space<vmem>>
      %dma_start3A_287 = tpu.memref_squeeze %dma_start3A_286 : memref<1x32x128xf32, #tpu.memory_space<vmem>> -> memref<32x128xf32, #tpu.memory_space<vmem>>
      %dma_start3A_288 = arith.constant 0 : i32
      %dma_start3A_289 = tpu.memref_slice %arg5[%dma_start3A_288, %multiple_of3A_268] : memref<32x1000000xf32, #tpu.memory_space<hbm>> -> memref<32x128xf32, #tpu.memory_space<hbm>>
      %dma_start3A_290 = arith.constant 0 : i32
      %dma_start3A_291 = arith.constant 0 : i32
      %dma_start3A_292 = tpu.memref_slice %arg12[%dma_start3A_283, %dma_start3A_290, %dma_start3A_291] : memref<8x32x128xf32, #tpu.memory_space<vmem>> -> memref<1x32x128xf32, #tpu.memory_space<vmem>>
      %dma_start3A_293 = tpu.memref_squeeze %dma_start3A_292 : memref<1x32x128xf32, #tpu.memory_space<vmem>> -> memref<32x128xf32, #tpu.memory_space<vmem>>
      %dma_start3A_294 = arith.constant 0 : i32
      %dma_start3A_295 = tpu.memref_slice %arg5[%dma_start3A_294, %multiple_of3A_268] : memref<32x1000000xf32, #tpu.memory_space<hbm>> -> memref<32x128xf32, #tpu.memory_space<hbm>>
      tpu.enqueue_dma source(%dma_start3A_295 : memref<32x128xf32, #tpu.memory_space<hbm>>) target(%dma_start3A_293 : memref<32x128xf32, #tpu.memory_space<vmem>>) target_semaphore(%arg17 : memref<!tpu.dma_semaphore, #tpu.memory_space<semaphore_mem>>)
      %dma_start3A_296 = arith.constant 4 : i32
      %dma_start3A_297 = arith.constant 0 : i32
      %dma_start3A_298 = arith.constant 0 : i32
      %dma_start3A_299 = tpu.memref_slice %arg13[%dma_start3A_296, %dma_start3A_297, %dma_start3A_298] : memref<8x32x128xf32, #tpu.memory_space<vmem>> -> memref<1x32x128xf32, #tpu.memory_space<vmem>>
      %dma_start3A_300 = tpu.memref_squeeze %dma_start3A_299 : memref<1x32x128xf32, #tpu.memory_space<vmem>> -> memref<32x128xf32, #tpu.memory_space<vmem>>
      %dma_start3A_301 = arith.constant 0 : i32
      %dma_start3A_302 = tpu.memref_slice %arg6[%dma_start3A_301, %multiple_of3A_275] : memref<32x1000000xf32, #tpu.memory_space<hbm>> -> memref<32x128xf32, #tpu.memory_space<hbm>>
      %dma_start3A_303 = arith.constant 0 : i32
      %dma_start3A_304 = arith.constant 0 : i32
      %dma_start3A_305 = tpu.memref_slice %arg13[%dma_start3A_296, %dma_start3A_303, %dma_start3A_304] : memref<8x32x128xf32, #tpu.memory_space<vmem>> -> memref<1x32x128xf32, #tpu.memory_space<vmem>>
      %dma_start3A_306 = tpu.memref_squeeze %dma_start3A_305 : memref<1x32x128xf32, #tpu.memory_space<vmem>> -> memref<32x128xf32, #tpu.memory_space<vmem>>
      %dma_start3A_307 = arith.constant 0 : i32
      %dma_start3A_308 = tpu.memref_slice %arg6[%dma_start3A_307, %multiple_of3A_275] : memref<32x1000000xf32, #tpu.memory_space<hbm>> -> memref<32x128xf32, #tpu.memory_space<hbm>>
      tpu.enqueue_dma source(%dma_start3A_308 : memref<32x128xf32, #tpu.memory_space<hbm>>) target(%dma_start3A_306 : memref<32x128xf32, #tpu.memory_space<vmem>>) target_semaphore(%arg17 : memref<!tpu.dma_semaphore, #tpu.memory_space<semaphore_mem>>)
      %dma_start3A_309 = arith.constant 4 : i32
      %dma_start3A_310 = arith.constant 0 : i32
      %dma_start3A_311 = arith.constant 0 : i32
      %dma_start3A_312 = tpu.memref_slice %arg14[%dma_start3A_309, %dma_start3A_310, %dma_start3A_311] : memref<8x32x128xf32, #tpu.memory_space<vmem>> -> memref<1x32x128xf32, #tpu.memory_space<vmem>>
      %dma_start3A_313 = tpu.memref_squeeze %dma_start3A_312 : memref<1x32x128xf32, #tpu.memory_space<vmem>> -> memref<32x128xf32, #tpu.memory_space<vmem>>
      %dma_start3A_314 = arith.constant 0 : i32
      %dma_start3A_315 = tpu.memref_slice %arg6[%dma_start3A_314, %multiple_of3A_282] : memref<32x1000000xf32, #tpu.memory_space<hbm>> -> memref<32x128xf32, #tpu.memory_space<hbm>>
      %dma_start3A_316 = arith.constant 0 : i32
      %dma_start3A_317 = arith.constant 0 : i32
      %dma_start3A_318 = tpu.memref_slice %arg14[%dma_start3A_309, %dma_start3A_316, %dma_start3A_317] : memref<8x32x128xf32, #tpu.memory_space<vmem>> -> memref<1x32x128xf32, #tpu.memory_space<vmem>>
      %dma_start3A_319 = tpu.memref_squeeze %dma_start3A_318 : memref<1x32x128xf32, #tpu.memory_space<vmem>> -> memref<32x128xf32, #tpu.memory_space<vmem>>
      %dma_start3A_320 = arith.constant 0 : i32
      %dma_start3A_321 = tpu.memref_slice %arg6[%dma_start3A_320, %multiple_of3A_282] : memref<32x1000000xf32, #tpu.memory_space<hbm>> -> memref<32x128xf32, #tpu.memory_space<hbm>>
      tpu.enqueue_dma source(%dma_start3A_321 : memref<32x128xf32, #tpu.memory_space<hbm>>) target(%dma_start3A_319 : memref<32x128xf32, #tpu.memory_space<vmem>>) target_semaphore(%arg17 : memref<!tpu.dma_semaphore, #tpu.memory_space<semaphore_mem>>)
      %slice3A_322 = vector.extract_strided_slice %get3A_13 {offsets = [5], sizes = [1], strides = [1]} : vector<16xi32> to vector<1xi32>
      %squeeze3A_323 = vector.extract %slice3A_322[0] : i32 from vector<1xi32>
      %shift_right_arithmetic3A_324 = arith.constant 7 : i32
      %shift_right_arithmetic3A_325 = arith.shrsi %squeeze3A_323, %shift_right_arithmetic3A_324 : i32
      %mul3A_326 = arith.constant 128 : i32
      %mul3A_327 = arith.muli %shift_right_arithmetic3A_325, %mul3A_326 : i32
      %multiple_of3A_328 = tpu.assume_multiple %mul3A_327, 128 : i32
      %slice3A_329 = vector.extract_strided_slice %get3A_15 {offsets = [5], sizes = [1], strides = [1]} : vector<16xi32> to vector<1xi32>
      %squeeze3A_330 = vector.extract %slice3A_329[0] : i32 from vector<1xi32>
      %shift_right_arithmetic3A_331 = arith.constant 7 : i32
      %shift_right_arithmetic3A_332 = arith.shrsi %squeeze3A_330, %shift_right_arithmetic3A_331 : i32
      %mul3A_333 = arith.constant 128 : i32
      %mul3A_334 = arith.muli %shift_right_arithmetic3A_332, %mul3A_333 : i32
      %multiple_of3A_335 = tpu.assume_multiple %mul3A_334, 128 : i32
      %slice3A_336 = vector.extract_strided_slice %get3A_17 {offsets = [5], sizes = [1], strides = [1]} : vector<16xi32> to vector<1xi32>
      %squeeze3A_337 = vector.extract %slice3A_336[0] : i32 from vector<1xi32>
      %shift_right_arithmetic3A_338 = arith.constant 7 : i32
      %shift_right_arithmetic3A_339 = arith.shrsi %squeeze3A_337, %shift_right_arithmetic3A_338 : i32
      %mul3A_340 = arith.constant 128 : i32
      %mul3A_341 = arith.muli %shift_right_arithmetic3A_339, %mul3A_340 : i32
      %multiple_of3A_342 = tpu.assume_multiple %mul3A_341, 128 : i32
      %dma_start3A_343 = arith.constant 5 : i32
      %dma_start3A_344 = arith.constant 0 : i32
      %dma_start3A_345 = arith.constant 0 : i32
      %dma_start3A_346 = tpu.memref_slice %arg12[%dma_start3A_343, %dma_start3A_344, %dma_start3A_345] : memref<8x32x128xf32, #tpu.memory_space<vmem>> -> memref<1x32x128xf32, #tpu.memory_space<vmem>>
      %dma_start3A_347 = tpu.memref_squeeze %dma_start3A_346 : memref<1x32x128xf32, #tpu.memory_space<vmem>> -> memref<32x128xf32, #tpu.memory_space<vmem>>
      %dma_start3A_348 = arith.constant 0 : i32
      %dma_start3A_349 = tpu.memref_slice %arg5[%dma_start3A_348, %multiple_of3A_328] : memref<32x1000000xf32, #tpu.memory_space<hbm>> -> memref<32x128xf32, #tpu.memory_space<hbm>>
      %dma_start3A_350 = arith.constant 0 : i32
      %dma_start3A_351 = arith.constant 0 : i32
      %dma_start3A_352 = tpu.memref_slice %arg12[%dma_start3A_343, %dma_start3A_350, %dma_start3A_351] : memref<8x32x128xf32, #tpu.memory_space<vmem>> -> memref<1x32x128xf32, #tpu.memory_space<vmem>>
      %dma_start3A_353 = tpu.memref_squeeze %dma_start3A_352 : memref<1x32x128xf32, #tpu.memory_space<vmem>> -> memref<32x128xf32, #tpu.memory_space<vmem>>
      %dma_start3A_354 = arith.constant 0 : i32
      %dma_start3A_355 = tpu.memref_slice %arg5[%dma_start3A_354, %multiple_of3A_328] : memref<32x1000000xf32, #tpu.memory_space<hbm>> -> memref<32x128xf32, #tpu.memory_space<hbm>>
      tpu.enqueue_dma source(%dma_start3A_355 : memref<32x128xf32, #tpu.memory_space<hbm>>) target(%dma_start3A_353 : memref<32x128xf32, #tpu.memory_space<vmem>>) target_semaphore(%arg17 : memref<!tpu.dma_semaphore, #tpu.memory_space<semaphore_mem>>)
      %dma_start3A_356 = arith.constant 5 : i32
      %dma_start3A_357 = arith.constant 0 : i32
      %dma_start3A_358 = arith.constant 0 : i32
      %dma_start3A_359 = tpu.memref_slice %arg13[%dma_start3A_356, %dma_start3A_357, %dma_start3A_358] : memref<8x32x128xf32, #tpu.memory_space<vmem>> -> memref<1x32x128xf32, #tpu.memory_space<vmem>>
      %dma_start3A_360 = tpu.memref_squeeze %dma_start3A_359 : memref<1x32x128xf32, #tpu.memory_space<vmem>> -> memref<32x128xf32, #tpu.memory_space<vmem>>
      %dma_start3A_361 = arith.constant 0 : i32
      %dma_start3A_362 = tpu.memref_slice %arg6[%dma_start3A_361, %multiple_of3A_335] : memref<32x1000000xf32, #tpu.memory_space<hbm>> -> memref<32x128xf32, #tpu.memory_space<hbm>>
      %dma_start3A_363 = arith.constant 0 : i32
      %dma_start3A_364 = arith.constant 0 : i32
      %dma_start3A_365 = tpu.memref_slice %arg13[%dma_start3A_356, %dma_start3A_363, %dma_start3A_364] : memref<8x32x128xf32, #tpu.memory_space<vmem>> -> memref<1x32x128xf32, #tpu.memory_space<vmem>>
      %dma_start3A_366 = tpu.memref_squeeze %dma_start3A_365 : memref<1x32x128xf32, #tpu.memory_space<vmem>> -> memref<32x128xf32, #tpu.memory_space<vmem>>
      %dma_start3A_367 = arith.constant 0 : i32
      %dma_start3A_368 = tpu.memref_slice %arg6[%dma_start3A_367, %multiple_of3A_335] : memref<32x1000000xf32, #tpu.memory_space<hbm>> -> memref<32x128xf32, #tpu.memory_space<hbm>>
      tpu.enqueue_dma source(%dma_start3A_368 : memref<32x128xf32, #tpu.memory_space<hbm>>) target(%dma_start3A_366 : memref<32x128xf32, #tpu.memory_space<vmem>>) target_semaphore(%arg17 : memref<!tpu.dma_semaphore, #tpu.memory_space<semaphore_mem>>)
      %dma_start3A_369 = arith.constant 5 : i32
      %dma_start3A_370 = arith.constant 0 : i32
      %dma_start3A_371 = arith.constant 0 : i32
      %dma_start3A_372 = tpu.memref_slice %arg14[%dma_start3A_369, %dma_start3A_370, %dma_start3A_371] : memref<8x32x128xf32, #tpu.memory_space<vmem>> -> memref<1x32x128xf32, #tpu.memory_space<vmem>>
      %dma_start3A_373 = tpu.memref_squeeze %dma_start3A_372 : memref<1x32x128xf32, #tpu.memory_space<vmem>> -> memref<32x128xf32, #tpu.memory_space<vmem>>
      %dma_start3A_374 = arith.constant 0 : i32
      %dma_start3A_375 = tpu.memref_slice %arg6[%dma_start3A_374, %multiple_of3A_342] : memref<32x1000000xf32, #tpu.memory_space<hbm>> -> memref<32x128xf32, #tpu.memory_space<hbm>>
      %dma_start3A_376 = arith.constant 0 : i32
      %dma_start3A_377 = arith.constant 0 : i32
      %dma_start3A_378 = tpu.memref_slice %arg14[%dma_start3A_369, %dma_start3A_376, %dma_start3A_377] : memref<8x32x128xf32, #tpu.memory_space<vmem>> -> memref<1x32x128xf32, #tpu.memory_space<vmem>>
      %dma_start3A_379 = tpu.memref_squeeze %dma_start3A_378 : memref<1x32x128xf32, #tpu.memory_space<vmem>> -> memref<32x128xf32, #tpu.memory_space<vmem>>
      %dma_start3A_380 = arith.constant 0 : i32
      %dma_start3A_381 = tpu.memref_slice %arg6[%dma_start3A_380, %multiple_of3A_342] : memref<32x1000000xf32, #tpu.memory_space<hbm>> -> memref<32x128xf32, #tpu.memory_space<hbm>>
      tpu.enqueue_dma source(%dma_start3A_381 : memref<32x128xf32, #tpu.memory_space<hbm>>) target(%dma_start3A_379 : memref<32x128xf32, #tpu.memory_space<vmem>>) target_semaphore(%arg17 : memref<!tpu.dma_semaphore, #tpu.memory_space<semaphore_mem>>)
      %slice3A_382 = vector.extract_strided_slice %get3A_13 {offsets = [6], sizes = [1], strides = [1]} : vector<16xi32> to vector<1xi32>
      %squeeze3A_383 = vector.extract %slice3A_382[0] : i32 from vector<1xi32>
      %shift_right_arithmetic3A_384 = arith.constant 7 : i32
      %shift_right_arithmetic3A_385 = arith.shrsi %squeeze3A_383, %shift_right_arithmetic3A_384 : i32
      %mul3A_386 = arith.constant 128 : i32
      %mul3A_387 = arith.muli %shift_right_arithmetic3A_385, %mul3A_386 : i32
      %multiple_of3A_388 = tpu.assume_multiple %mul3A_387, 128 : i32
      %slice3A_389 = vector.extract_strided_slice %get3A_15 {offsets = [6], sizes = [1], strides = [1]} : vector<16xi32> to vector<1xi32>
      %squeeze3A_390 = vector.extract %slice3A_389[0] : i32 from vector<1xi32>
      %shift_right_arithmetic3A_391 = arith.constant 7 : i32
      %shift_right_arithmetic3A_392 = arith.shrsi %squeeze3A_390, %shift_right_arithmetic3A_391 : i32
      %mul3A_393 = arith.constant 128 : i32
      %mul3A_394 = arith.muli %shift_right_arithmetic3A_392, %mul3A_393 : i32
      %multiple_of3A_395 = tpu.assume_multiple %mul3A_394, 128 : i32
      %slice3A_396 = vector.extract_strided_slice %get3A_17 {offsets = [6], sizes = [1], strides = [1]} : vector<16xi32> to vector<1xi32>
      %squeeze3A_397 = vector.extract %slice3A_396[0] : i32 from vector<1xi32>
      %shift_right_arithmetic3A_398 = arith.constant 7 : i32
      %shift_right_arithmetic3A_399 = arith.shrsi %squeeze3A_397, %shift_right_arithmetic3A_398 : i32
      %mul3A_400 = arith.constant 128 : i32
      %mul3A_401 = arith.muli %shift_right_arithmetic3A_399, %mul3A_400 : i32
      %multiple_of3A_402 = tpu.assume_multiple %mul3A_401, 128 : i32
      %dma_start3A_403 = arith.constant 6 : i32
      %dma_start3A_404 = arith.constant 0 : i32
      %dma_start3A_405 = arith.constant 0 : i32
      %dma_start3A_406 = tpu.memref_slice %arg12[%dma_start3A_403, %dma_start3A_404, %dma_start3A_405] : memref<8x32x128xf32, #tpu.memory_space<vmem>> -> memref<1x32x128xf32, #tpu.memory_space<vmem>>
      %dma_start3A_407 = tpu.memref_squeeze %dma_start3A_406 : memref<1x32x128xf32, #tpu.memory_space<vmem>> -> memref<32x128xf32, #tpu.memory_space<vmem>>
      %dma_start3A_408 = arith.constant 0 : i32
      %dma_start3A_409 = tpu.memref_slice %arg5[%dma_start3A_408, %multiple_of3A_388] : memref<32x1000000xf32, #tpu.memory_space<hbm>> -> memref<32x128xf32, #tpu.memory_space<hbm>>
      %dma_start3A_410 = arith.constant 0 : i32
      %dma_start3A_411 = arith.constant 0 : i32
      %dma_start3A_412 = tpu.memref_slice %arg12[%dma_start3A_403, %dma_start3A_410, %dma_start3A_411] : memref<8x32x128xf32, #tpu.memory_space<vmem>> -> memref<1x32x128xf32, #tpu.memory_space<vmem>>
      %dma_start3A_413 = tpu.memref_squeeze %dma_start3A_412 : memref<1x32x128xf32, #tpu.memory_space<vmem>> -> memref<32x128xf32, #tpu.memory_space<vmem>>
      %dma_start3A_414 = arith.constant 0 : i32
      %dma_start3A_415 = tpu.memref_slice %arg5[%dma_start3A_414, %multiple_of3A_388] : memref<32x1000000xf32, #tpu.memory_space<hbm>> -> memref<32x128xf32, #tpu.memory_space<hbm>>
      tpu.enqueue_dma source(%dma_start3A_415 : memref<32x128xf32, #tpu.memory_space<hbm>>) target(%dma_start3A_413 : memref<32x128xf32, #tpu.memory_space<vmem>>) target_semaphore(%arg17 : memref<!tpu.dma_semaphore, #tpu.memory_space<semaphore_mem>>)
      %dma_start3A_416 = arith.constant 6 : i32
      %dma_start3A_417 = arith.constant 0 : i32
      %dma_start3A_418 = arith.constant 0 : i32
      %dma_start3A_419 = tpu.memref_slice %arg13[%dma_start3A_416, %dma_start3A_417, %dma_start3A_418] : memref<8x32x128xf32, #tpu.memory_space<vmem>> -> memref<1x32x128xf32, #tpu.memory_space<vmem>>
      %dma_start3A_420 = tpu.memref_squeeze %dma_start3A_419 : memref<1x32x128xf32, #tpu.memory_space<vmem>> -> memref<32x128xf32, #tpu.memory_space<vmem>>
      %dma_start3A_421 = arith.constant 0 : i32
      %dma_start3A_422 = tpu.memref_slice %arg6[%dma_start3A_421, %multiple_of3A_395] : memref<32x1000000xf32, #tpu.memory_space<hbm>> -> memref<32x128xf32, #tpu.memory_space<hbm>>
      %dma_start3A_423 = arith.constant 0 : i32
      %dma_start3A_424 = arith.constant 0 : i32
      %dma_start3A_425 = tpu.memref_slice %arg13[%dma_start3A_416, %dma_start3A_423, %dma_start3A_424] : memref<8x32x128xf32, #tpu.memory_space<vmem>> -> memref<1x32x128xf32, #tpu.memory_space<vmem>>
      %dma_start3A_426 = tpu.memref_squeeze %dma_start3A_425 : memref<1x32x128xf32, #tpu.memory_space<vmem>> -> memref<32x128xf32, #tpu.memory_space<vmem>>
      %dma_start3A_427 = arith.constant 0 : i32
      %dma_start3A_428 = tpu.memref_slice %arg6[%dma_start3A_427, %multiple_of3A_395] : memref<32x1000000xf32, #tpu.memory_space<hbm>> -> memref<32x128xf32, #tpu.memory_space<hbm>>
      tpu.enqueue_dma source(%dma_start3A_428 : memref<32x128xf32, #tpu.memory_space<hbm>>) target(%dma_start3A_426 : memref<32x128xf32, #tpu.memory_space<vmem>>) target_semaphore(%arg17 : memref<!tpu.dma_semaphore, #tpu.memory_space<semaphore_mem>>)
      %dma_start3A_429 = arith.constant 6 : i32
      %dma_start3A_430 = arith.constant 0 : i32
      %dma_start3A_431 = arith.constant 0 : i32
      %dma_start3A_432 = tpu.memref_slice %arg14[%dma_start3A_429, %dma_start3A_430, %dma_start3A_431] : memref<8x32x128xf32, #tpu.memory_space<vmem>> -> memref<1x32x128xf32, #tpu.memory_space<vmem>>
      %dma_start3A_433 = tpu.memref_squeeze %dma_start3A_432 : memref<1x32x128xf32, #tpu.memory_space<vmem>> -> memref<32x128xf32, #tpu.memory_space<vmem>>
      %dma_start3A_434 = arith.constant 0 : i32
      %dma_start3A_435 = tpu.memref_slice %arg6[%dma_start3A_434, %multiple_of3A_402] : memref<32x1000000xf32, #tpu.memory_space<hbm>> -> memref<32x128xf32, #tpu.memory_space<hbm>>
      %dma_start3A_436 = arith.constant 0 : i32
      %dma_start3A_437 = arith.constant 0 : i32
      %dma_start3A_438 = tpu.memref_slice %arg14[%dma_start3A_429, %dma_start3A_436, %dma_start3A_437] : memref<8x32x128xf32, #tpu.memory_space<vmem>> -> memref<1x32x128xf32, #tpu.memory_space<vmem>>
      %dma_start3A_439 = tpu.memref_squeeze %dma_start3A_438 : memref<1x32x128xf32, #tpu.memory_space<vmem>> -> memref<32x128xf32, #tpu.memory_space<vmem>>
      %dma_start3A_440 = arith.constant 0 : i32
      %dma_start3A_441 = tpu.memref_slice %arg6[%dma_start3A_440, %multiple_of3A_402] : memref<32x1000000xf32, #tpu.memory_space<hbm>> -> memref<32x128xf32, #tpu.memory_space<hbm>>
      tpu.enqueue_dma source(%dma_start3A_441 : memref<32x128xf32, #tpu.memory_space<hbm>>) target(%dma_start3A_439 : memref<32x128xf32, #tpu.memory_space<vmem>>) target_semaphore(%arg17 : memref<!tpu.dma_semaphore, #tpu.memory_space<semaphore_mem>>)
      %slice3A_442 = vector.extract_strided_slice %get3A_13 {offsets = [7], sizes = [1], strides = [1]} : vector<16xi32> to vector<1xi32>
      %squeeze3A_443 = vector.extract %slice3A_442[0] : i32 from vector<1xi32>
      %shift_right_arithmetic3A_444 = arith.constant 7 : i32
      %shift_right_arithmetic3A_445 = arith.shrsi %squeeze3A_443, %shift_right_arithmetic3A_444 : i32
      %mul3A_446 = arith.constant 128 : i32
      %mul3A_447 = arith.muli %shift_right_arithmetic3A_445, %mul3A_446 : i32
      %multiple_of3A_448 = tpu.assume_multiple %mul3A_447, 128 : i32
      %slice3A_449 = vector.extract_strided_slice %get3A_15 {offsets = [7], sizes = [1], strides = [1]} : vector<16xi32> to vector<1xi32>
      %squeeze3A_450 = vector.extract %slice3A_449[0] : i32 from vector<1xi32>
      %shift_right_arithmetic3A_451 = arith.constant 7 : i32
      %shift_right_arithmetic3A_452 = arith.shrsi %squeeze3A_450, %shift_right_arithmetic3A_451 : i32
      %mul3A_453 = arith.constant 128 : i32
      %mul3A_454 = arith.muli %shift_right_arithmetic3A_452, %mul3A_453 : i32
      %multiple_of3A_455 = tpu.assume_multiple %mul3A_454, 128 : i32
      %slice3A_456 = vector.extract_strided_slice %get3A_17 {offsets = [7], sizes = [1], strides = [1]} : vector<16xi32> to vector<1xi32>
      %squeeze3A_457 = vector.extract %slice3A_456[0] : i32 from vector<1xi32>
      %shift_right_arithmetic3A_458 = arith.constant 7 : i32
      %shift_right_arithmetic3A_459 = arith.shrsi %squeeze3A_457, %shift_right_arithmetic3A_458 : i32
      %mul3A_460 = arith.constant 128 : i32
      %mul3A_461 = arith.muli %shift_right_arithmetic3A_459, %mul3A_460 : i32
      %multiple_of3A_462 = tpu.assume_multiple %mul3A_461, 128 : i32
      %dma_start3A_463 = arith.constant 7 : i32
      %dma_start3A_464 = arith.constant 0 : i32
      %dma_start3A_465 = arith.constant 0 : i32
      %dma_start3A_466 = tpu.memref_slice %arg12[%dma_start3A_463, %dma_start3A_464, %dma_start3A_465] : memref<8x32x128xf32, #tpu.memory_space<vmem>> -> memref<1x32x128xf32, #tpu.memory_space<vmem>>
      %dma_start3A_467 = tpu.memref_squeeze %dma_start3A_466 : memref<1x32x128xf32, #tpu.memory_space<vmem>> -> memref<32x128xf32, #tpu.memory_space<vmem>>
      %dma_start3A_468 = arith.constant 0 : i32
      %dma_start3A_469 = tpu.memref_slice %arg5[%dma_start3A_468, %multiple_of3A_448] : memref<32x1000000xf32, #tpu.memory_space<hbm>> -> memref<32x128xf32, #tpu.memory_space<hbm>>
      %dma_start3A_470 = arith.constant 0 : i32
      %dma_start3A_471 = arith.constant 0 : i32
      %dma_start3A_472 = tpu.memref_slice %arg12[%dma_start3A_463, %dma_start3A_470, %dma_start3A_471] : memref<8x32x128xf32, #tpu.memory_space<vmem>> -> memref<1x32x128xf32, #tpu.memory_space<vmem>>
      %dma_start3A_473 = tpu.memref_squeeze %dma_start3A_472 : memref<1x32x128xf32, #tpu.memory_space<vmem>> -> memref<32x128xf32, #tpu.memory_space<vmem>>
      %dma_start3A_474 = arith.constant 0 : i32
      %dma_start3A_475 = tpu.memref_slice %arg5[%dma_start3A_474, %multiple_of3A_448] : memref<32x1000000xf32, #tpu.memory_space<hbm>> -> memref<32x128xf32, #tpu.memory_space<hbm>>
      tpu.enqueue_dma source(%dma_start3A_475 : memref<32x128xf32, #tpu.memory_space<hbm>>) target(%dma_start3A_473 : memref<32x128xf32, #tpu.memory_space<vmem>>) target_semaphore(%arg17 : memref<!tpu.dma_semaphore, #tpu.memory_space<semaphore_mem>>)
      %dma_start3A_476 = arith.constant 7 : i32
      %dma_start3A_477 = arith.constant 0 : i32
      %dma_start3A_478 = arith.constant 0 : i32
      %dma_start3A_479 = tpu.memref_slice %arg13[%dma_start3A_476, %dma_start3A_477, %dma_start3A_478] : memref<8x32x128xf32, #tpu.memory_space<vmem>> -> memref<1x32x128xf32, #tpu.memory_space<vmem>>
      %dma_start3A_480 = tpu.memref_squeeze %dma_start3A_479 : memref<1x32x128xf32, #tpu.memory_space<vmem>> -> memref<32x128xf32, #tpu.memory_space<vmem>>
      %dma_start3A_481 = arith.constant 0 : i32
      %dma_start3A_482 = tpu.memref_slice %arg6[%dma_start3A_481, %multiple_of3A_455] : memref<32x1000000xf32, #tpu.memory_space<hbm>> -> memref<32x128xf32, #tpu.memory_space<hbm>>
      %dma_start3A_483 = arith.constant 0 : i32
      %dma_start3A_484 = arith.constant 0 : i32
      %dma_start3A_485 = tpu.memref_slice %arg13[%dma_start3A_476, %dma_start3A_483, %dma_start3A_484] : memref<8x32x128xf32, #tpu.memory_space<vmem>> -> memref<1x32x128xf32, #tpu.memory_space<vmem>>
      %dma_start3A_486 = tpu.memref_squeeze %dma_start3A_485 : memref<1x32x128xf32, #tpu.memory_space<vmem>> -> memref<32x128xf32, #tpu.memory_space<vmem>>
      %dma_start3A_487 = arith.constant 0 : i32
      %dma_start3A_488 = tpu.memref_slice %arg6[%dma_start3A_487, %multiple_of3A_455] : memref<32x1000000xf32, #tpu.memory_space<hbm>> -> memref<32x128xf32, #tpu.memory_space<hbm>>
      tpu.enqueue_dma source(%dma_start3A_488 : memref<32x128xf32, #tpu.memory_space<hbm>>) target(%dma_start3A_486 : memref<32x128xf32, #tpu.memory_space<vmem>>) target_semaphore(%arg17 : memref<!tpu.dma_semaphore, #tpu.memory_space<semaphore_mem>>)
      %dma_start3A_489 = arith.constant 7 : i32
      %dma_start3A_490 = arith.constant 0 : i32
      %dma_start3A_491 = arith.constant 0 : i32
      %dma_start3A_492 = tpu.memref_slice %arg14[%dma_start3A_489, %dma_start3A_490, %dma_start3A_491] : memref<8x32x128xf32, #tpu.memory_space<vmem>> -> memref<1x32x128xf32, #tpu.memory_space<vmem>>
      %dma_start3A_493 = tpu.memref_squeeze %dma_start3A_492 : memref<1x32x128xf32, #tpu.memory_space<vmem>> -> memref<32x128xf32, #tpu.memory_space<vmem>>
      %dma_start3A_494 = arith.constant 0 : i32
      %dma_start3A_495 = tpu.memref_slice %arg6[%dma_start3A_494, %multiple_of3A_462] : memref<32x1000000xf32, #tpu.memory_space<hbm>> -> memref<32x128xf32, #tpu.memory_space<hbm>>
      %dma_start3A_496 = arith.constant 0 : i32
      %dma_start3A_497 = arith.constant 0 : i32
      %dma_start3A_498 = tpu.memref_slice %arg14[%dma_start3A_489, %dma_start3A_496, %dma_start3A_497] : memref<8x32x128xf32, #tpu.memory_space<vmem>> -> memref<1x32x128xf32, #tpu.memory_space<vmem>>
      %dma_start3A_499 = tpu.memref_squeeze %dma_start3A_498 : memref<1x32x128xf32, #tpu.memory_space<vmem>> -> memref<32x128xf32, #tpu.memory_space<vmem>>
      %dma_start3A_500 = arith.constant 0 : i32
      %dma_start3A_501 = tpu.memref_slice %arg6[%dma_start3A_500, %multiple_of3A_462] : memref<32x1000000xf32, #tpu.memory_space<hbm>> -> memref<32x128xf32, #tpu.memory_space<hbm>>
      tpu.enqueue_dma source(%dma_start3A_501 : memref<32x128xf32, #tpu.memory_space<hbm>>) target(%dma_start3A_499 : memref<32x128xf32, #tpu.memory_space<vmem>>) target_semaphore(%arg17 : memref<!tpu.dma_semaphore, #tpu.memory_space<semaphore_mem>>)
      %dma_wait3A = arith.constant 0 : i32
      %dma_wait3A_502 = arith.constant 0 : i32
      %dma_wait3A_503 = arith.constant 0 : i32
      %dma_wait3A_504 = tpu.memref_slice %arg12[%dma_wait3A, %dma_wait3A_502, %dma_wait3A_503] : memref<8x32x128xf32, #tpu.memory_space<vmem>> -> memref<1x32x128xf32, #tpu.memory_space<vmem>>
      %dma_wait3A_505 = tpu.memref_squeeze %dma_wait3A_504 : memref<1x32x128xf32, #tpu.memory_space<vmem>> -> memref<32x128xf32, #tpu.memory_space<vmem>>
      %dma_wait3A_506 = arith.constant 0 : i32
      %dma_wait3A_507 = arith.constant 0 : i32
      %dma_wait3A_508 = tpu.memref_slice %arg5[%dma_wait3A_506, %dma_wait3A_507] : memref<32x1000000xf32, #tpu.memory_space<hbm>> -> memref<32x128xf32, #tpu.memory_space<hbm>>
      %dma_wait3A_509 = arith.constant 0 : i32
      %dma_wait3A_510 = arith.constant 0 : i32
      %dma_wait3A_511 = tpu.memref_slice %arg12[%dma_wait3A, %dma_wait3A_509, %dma_wait3A_510] : memref<8x32x128xf32, #tpu.memory_space<vmem>> -> memref<1x32x128xf32, #tpu.memory_space<vmem>>
      %dma_wait3A_512 = tpu.memref_squeeze %dma_wait3A_511 : memref<1x32x128xf32, #tpu.memory_space<vmem>> -> memref<32x128xf32, #tpu.memory_space<vmem>>
      %dma_wait3A_513 = arith.constant 0 : i32
      %dma_wait3A_514 = arith.constant 0 : i32
      %dma_wait3A_515 = tpu.memref_slice %arg5[%dma_wait3A_513, %dma_wait3A_514] : memref<32x1000000xf32, #tpu.memory_space<hbm>> -> memref<32x128xf32, #tpu.memory_space<hbm>>
      tpu.wait_dma2 semaphore(%arg17 : memref<!tpu.dma_semaphore, #tpu.memory_space<semaphore_mem>>) src(%dma_wait3A_515 : memref<32x128xf32, #tpu.memory_space<hbm>>) dst(%dma_wait3A_512 : memref<32x128xf32, #tpu.memory_space<vmem>>)
      %dma_wait3A_516 = arith.constant 0 : i32
      %dma_wait3A_517 = arith.constant 0 : i32
      %dma_wait3A_518 = arith.constant 0 : i32
      %dma_wait3A_519 = tpu.memref_slice %arg13[%dma_wait3A_516, %dma_wait3A_517, %dma_wait3A_518] : memref<8x32x128xf32, #tpu.memory_space<vmem>> -> memref<1x32x128xf32, #tpu.memory_space<vmem>>
      %dma_wait3A_520 = tpu.memref_squeeze %dma_wait3A_519 : memref<1x32x128xf32, #tpu.memory_space<vmem>> -> memref<32x128xf32, #tpu.memory_space<vmem>>
      %dma_wait3A_521 = arith.constant 0 : i32
      %dma_wait3A_522 = arith.constant 0 : i32
      %dma_wait3A_523 = tpu.memref_slice %arg5[%dma_wait3A_521, %dma_wait3A_522] : memref<32x1000000xf32, #tpu.memory_space<hbm>> -> memref<32x128xf32, #tpu.memory_space<hbm>>
      %dma_wait3A_524 = arith.constant 0 : i32
      %dma_wait3A_525 = arith.constant 0 : i32
      %dma_wait3A_526 = tpu.memref_slice %arg13[%dma_wait3A_516, %dma_wait3A_524, %dma_wait3A_525] : memref<8x32x128xf32, #tpu.memory_space<vmem>> -> memref<1x32x128xf32, #tpu.memory_space<vmem>>
      %dma_wait3A_527 = tpu.memref_squeeze %dma_wait3A_526 : memref<1x32x128xf32, #tpu.memory_space<vmem>> -> memref<32x128xf32, #tpu.memory_space<vmem>>
      %dma_wait3A_528 = arith.constant 0 : i32
      %dma_wait3A_529 = arith.constant 0 : i32
      %dma_wait3A_530 = tpu.memref_slice %arg5[%dma_wait3A_528, %dma_wait3A_529] : memref<32x1000000xf32, #tpu.memory_space<hbm>> -> memref<32x128xf32, #tpu.memory_space<hbm>>
      tpu.wait_dma2 semaphore(%arg17 : memref<!tpu.dma_semaphore, #tpu.memory_space<semaphore_mem>>) src(%dma_wait3A_530 : memref<32x128xf32, #tpu.memory_space<hbm>>) dst(%dma_wait3A_527 : memref<32x128xf32, #tpu.memory_space<vmem>>)
      %dma_wait3A_531 = arith.constant 0 : i32
      %dma_wait3A_532 = arith.constant 0 : i32
      %dma_wait3A_533 = arith.constant 0 : i32
      %dma_wait3A_534 = tpu.memref_slice %arg14[%dma_wait3A_531, %dma_wait3A_532, %dma_wait3A_533] : memref<8x32x128xf32, #tpu.memory_space<vmem>> -> memref<1x32x128xf32, #tpu.memory_space<vmem>>
      %dma_wait3A_535 = tpu.memref_squeeze %dma_wait3A_534 : memref<1x32x128xf32, #tpu.memory_space<vmem>> -> memref<32x128xf32, #tpu.memory_space<vmem>>
      %dma_wait3A_536 = arith.constant 0 : i32
      %dma_wait3A_537 = arith.constant 0 : i32
      %dma_wait3A_538 = tpu.memref_slice %arg5[%dma_wait3A_536, %dma_wait3A_537] : memref<32x1000000xf32, #tpu.memory_space<hbm>> -> memref<32x128xf32, #tpu.memory_space<hbm>>
      %dma_wait3A_539 = arith.constant 0 : i32
      %dma_wait3A_540 = arith.constant 0 : i32
      %dma_wait3A_541 = tpu.memref_slice %arg14[%dma_wait3A_531, %dma_wait3A_539, %dma_wait3A_540] : memref<8x32x128xf32, #tpu.memory_space<vmem>> -> memref<1x32x128xf32, #tpu.memory_space<vmem>>
      %dma_wait3A_542 = tpu.memref_squeeze %dma_wait3A_541 : memref<1x32x128xf32, #tpu.memory_space<vmem>> -> memref<32x128xf32, #tpu.memory_space<vmem>>
      %dma_wait3A_543 = arith.constant 0 : i32
      %dma_wait3A_544 = arith.constant 0 : i32
      %dma_wait3A_545 = tpu.memref_slice %arg5[%dma_wait3A_543, %dma_wait3A_544] : memref<32x1000000xf32, #tpu.memory_space<hbm>> -> memref<32x128xf32, #tpu.memory_space<hbm>>
      tpu.wait_dma2 semaphore(%arg17 : memref<!tpu.dma_semaphore, #tpu.memory_space<semaphore_mem>>) src(%dma_wait3A_545 : memref<32x128xf32, #tpu.memory_space<hbm>>) dst(%dma_wait3A_542 : memref<32x128xf32, #tpu.memory_space<vmem>>)
      %dma_wait3A_546 = arith.constant 1 : i32
      %dma_wait3A_547 = arith.constant 0 : i32
      %dma_wait3A_548 = arith.constant 0 : i32
      %dma_wait3A_549 = tpu.memref_slice %arg12[%dma_wait3A_546, %dma_wait3A_547, %dma_wait3A_548] : memref<8x32x128xf32, #tpu.memory_space<vmem>> -> memref<1x32x128xf32, #tpu.memory_space<vmem>>
      %dma_wait3A_550 = tpu.memref_squeeze %dma_wait3A_549 : memref<1x32x128xf32, #tpu.memory_space<vmem>> -> memref<32x128xf32, #tpu.memory_space<vmem>>
      %dma_wait3A_551 = arith.constant 0 : i32
      %dma_wait3A_552 = arith.constant 0 : i32
      %dma_wait3A_553 = tpu.memref_slice %arg5[%dma_wait3A_551, %dma_wait3A_552] : memref<32x1000000xf32, #tpu.memory_space<hbm>> -> memref<32x128xf32, #tpu.memory_space<hbm>>
      %dma_wait3A_554 = arith.constant 0 : i32
      %dma_wait3A_555 = arith.constant 0 : i32
      %dma_wait3A_556 = tpu.memref_slice %arg12[%dma_wait3A_546, %dma_wait3A_554, %dma_wait3A_555] : memref<8x32x128xf32, #tpu.memory_space<vmem>> -> memref<1x32x128xf32, #tpu.memory_space<vmem>>
      %dma_wait3A_557 = tpu.memref_squeeze %dma_wait3A_556 : memref<1x32x128xf32, #tpu.memory_space<vmem>> -> memref<32x128xf32, #tpu.memory_space<vmem>>
      %dma_wait3A_558 = arith.constant 0 : i32
      %dma_wait3A_559 = arith.constant 0 : i32
      %dma_wait3A_560 = tpu.memref_slice %arg5[%dma_wait3A_558, %dma_wait3A_559] : memref<32x1000000xf32, #tpu.memory_space<hbm>> -> memref<32x128xf32, #tpu.memory_space<hbm>>
      tpu.wait_dma2 semaphore(%arg17 : memref<!tpu.dma_semaphore, #tpu.memory_space<semaphore_mem>>) src(%dma_wait3A_560 : memref<32x128xf32, #tpu.memory_space<hbm>>) dst(%dma_wait3A_557 : memref<32x128xf32, #tpu.memory_space<vmem>>)
      %dma_wait3A_561 = arith.constant 1 : i32
      %dma_wait3A_562 = arith.constant 0 : i32
      %dma_wait3A_563 = arith.constant 0 : i32
      %dma_wait3A_564 = tpu.memref_slice %arg13[%dma_wait3A_561, %dma_wait3A_562, %dma_wait3A_563] : memref<8x32x128xf32, #tpu.memory_space<vmem>> -> memref<1x32x128xf32, #tpu.memory_space<vmem>>
      %dma_wait3A_565 = tpu.memref_squeeze %dma_wait3A_564 : memref<1x32x128xf32, #tpu.memory_space<vmem>> -> memref<32x128xf32, #tpu.memory_space<vmem>>
      %dma_wait3A_566 = arith.constant 0 : i32
      %dma_wait3A_567 = arith.constant 0 : i32
      %dma_wait3A_568 = tpu.memref_slice %arg5[%dma_wait3A_566, %dma_wait3A_567] : memref<32x1000000xf32, #tpu.memory_space<hbm>> -> memref<32x128xf32, #tpu.memory_space<hbm>>
      %dma_wait3A_569 = arith.constant 0 : i32
      %dma_wait3A_570 = arith.constant 0 : i32
      %dma_wait3A_571 = tpu.memref_slice %arg13[%dma_wait3A_561, %dma_wait3A_569, %dma_wait3A_570] : memref<8x32x128xf32, #tpu.memory_space<vmem>> -> memref<1x32x128xf32, #tpu.memory_space<vmem>>
      %dma_wait3A_572 = tpu.memref_squeeze %dma_wait3A_571 : memref<1x32x128xf32, #tpu.memory_space<vmem>> -> memref<32x128xf32, #tpu.memory_space<vmem>>
      %dma_wait3A_573 = arith.constant 0 : i32
      %dma_wait3A_574 = arith.constant 0 : i32
      %dma_wait3A_575 = tpu.memref_slice %arg5[%dma_wait3A_573, %dma_wait3A_574] : memref<32x1000000xf32, #tpu.memory_space<hbm>> -> memref<32x128xf32, #tpu.memory_space<hbm>>
      tpu.wait_dma2 semaphore(%arg17 : memref<!tpu.dma_semaphore, #tpu.memory_space<semaphore_mem>>) src(%dma_wait3A_575 : memref<32x128xf32, #tpu.memory_space<hbm>>) dst(%dma_wait3A_572 : memref<32x128xf32, #tpu.memory_space<vmem>>)
      %dma_wait3A_576 = arith.constant 1 : i32
      %dma_wait3A_577 = arith.constant 0 : i32
      %dma_wait3A_578 = arith.constant 0 : i32
      %dma_wait3A_579 = tpu.memref_slice %arg14[%dma_wait3A_576, %dma_wait3A_577, %dma_wait3A_578] : memref<8x32x128xf32, #tpu.memory_space<vmem>> -> memref<1x32x128xf32, #tpu.memory_space<vmem>>
      %dma_wait3A_580 = tpu.memref_squeeze %dma_wait3A_579 : memref<1x32x128xf32, #tpu.memory_space<vmem>> -> memref<32x128xf32, #tpu.memory_space<vmem>>
      %dma_wait3A_581 = arith.constant 0 : i32
      %dma_wait3A_582 = arith.constant 0 : i32
      %dma_wait3A_583 = tpu.memref_slice %arg5[%dma_wait3A_581, %dma_wait3A_582] : memref<32x1000000xf32, #tpu.memory_space<hbm>> -> memref<32x128xf32, #tpu.memory_space<hbm>>
      %dma_wait3A_584 = arith.constant 0 : i32
      %dma_wait3A_585 = arith.constant 0 : i32
      %dma_wait3A_586 = tpu.memref_slice %arg14[%dma_wait3A_576, %dma_wait3A_584, %dma_wait3A_585] : memref<8x32x128xf32, #tpu.memory_space<vmem>> -> memref<1x32x128xf32, #tpu.memory_space<vmem>>
      %dma_wait3A_587 = tpu.memref_squeeze %dma_wait3A_586 : memref<1x32x128xf32, #tpu.memory_space<vmem>> -> memref<32x128xf32, #tpu.memory_space<vmem>>
      %dma_wait3A_588 = arith.constant 0 : i32
      %dma_wait3A_589 = arith.constant 0 : i32
      %dma_wait3A_590 = tpu.memref_slice %arg5[%dma_wait3A_588, %dma_wait3A_589] : memref<32x1000000xf32, #tpu.memory_space<hbm>> -> memref<32x128xf32, #tpu.memory_space<hbm>>
      tpu.wait_dma2 semaphore(%arg17 : memref<!tpu.dma_semaphore, #tpu.memory_space<semaphore_mem>>) src(%dma_wait3A_590 : memref<32x128xf32, #tpu.memory_space<hbm>>) dst(%dma_wait3A_587 : memref<32x128xf32, #tpu.memory_space<vmem>>)
      %dma_wait3A_591 = arith.constant 2 : i32
      %dma_wait3A_592 = arith.constant 0 : i32
      %dma_wait3A_593 = arith.constant 0 : i32
      %dma_wait3A_594 = tpu.memref_slice %arg12[%dma_wait3A_591, %dma_wait3A_592, %dma_wait3A_593] : memref<8x32x128xf32, #tpu.memory_space<vmem>> -> memref<1x32x128xf32, #tpu.memory_space<vmem>>
      %dma_wait3A_595 = tpu.memref_squeeze %dma_wait3A_594 : memref<1x32x128xf32, #tpu.memory_space<vmem>> -> memref<32x128xf32, #tpu.memory_space<vmem>>
      %dma_wait3A_596 = arith.constant 0 : i32
      %dma_wait3A_597 = arith.constant 0 : i32
      %dma_wait3A_598 = tpu.memref_slice %arg5[%dma_wait3A_596, %dma_wait3A_597] : memref<32x1000000xf32, #tpu.memory_space<hbm>> -> memref<32x128xf32, #tpu.memory_space<hbm>>
      %dma_wait3A_599 = arith.constant 0 : i32
      %dma_wait3A_600 = arith.constant 0 : i32
      %dma_wait3A_601 = tpu.memref_slice %arg12[%dma_wait3A_591, %dma_wait3A_599, %dma_wait3A_600] : memref<8x32x128xf32, #tpu.memory_space<vmem>> -> memref<1x32x128xf32, #tpu.memory_space<vmem>>
      %dma_wait3A_602 = tpu.memref_squeeze %dma_wait3A_601 : memref<1x32x128xf32, #tpu.memory_space<vmem>> -> memref<32x128xf32, #tpu.memory_space<vmem>>
      %dma_wait3A_603 = arith.constant 0 : i32
      %dma_wait3A_604 = arith.constant 0 : i32
      %dma_wait3A_605 = tpu.memref_slice %arg5[%dma_wait3A_603, %dma_wait3A_604] : memref<32x1000000xf32, #tpu.memory_space<hbm>> -> memref<32x128xf32, #tpu.memory_space<hbm>>
      tpu.wait_dma2 semaphore(%arg17 : memref<!tpu.dma_semaphore, #tpu.memory_space<semaphore_mem>>) src(%dma_wait3A_605 : memref<32x128xf32, #tpu.memory_space<hbm>>) dst(%dma_wait3A_602 : memref<32x128xf32, #tpu.memory_space<vmem>>)
      %dma_wait3A_606 = arith.constant 2 : i32
      %dma_wait3A_607 = arith.constant 0 : i32
      %dma_wait3A_608 = arith.constant 0 : i32
      %dma_wait3A_609 = tpu.memref_slice %arg13[%dma_wait3A_606, %dma_wait3A_607, %dma_wait3A_608] : memref<8x32x128xf32, #tpu.memory_space<vmem>> -> memref<1x32x128xf32, #tpu.memory_space<vmem>>
      %dma_wait3A_610 = tpu.memref_squeeze %dma_wait3A_609 : memref<1x32x128xf32, #tpu.memory_space<vmem>> -> memref<32x128xf32, #tpu.memory_space<vmem>>
      %dma_wait3A_611 = arith.constant 0 : i32
      %dma_wait3A_612 = arith.constant 0 : i32
      %dma_wait3A_613 = tpu.memref_slice %arg5[%dma_wait3A_611, %dma_wait3A_612] : memref<32x1000000xf32, #tpu.memory_space<hbm>> -> memref<32x128xf32, #tpu.memory_space<hbm>>
      %dma_wait3A_614 = arith.constant 0 : i32
      %dma_wait3A_615 = arith.constant 0 : i32
      %dma_wait3A_616 = tpu.memref_slice %arg13[%dma_wait3A_606, %dma_wait3A_614, %dma_wait3A_615] : memref<8x32x128xf32, #tpu.memory_space<vmem>> -> memref<1x32x128xf32, #tpu.memory_space<vmem>>
      %dma_wait3A_617 = tpu.memref_squeeze %dma_wait3A_616 : memref<1x32x128xf32, #tpu.memory_space<vmem>> -> memref<32x128xf32, #tpu.memory_space<vmem>>
      %dma_wait3A_618 = arith.constant 0 : i32
      %dma_wait3A_619 = arith.constant 0 : i32
      %dma_wait3A_620 = tpu.memref_slice %arg5[%dma_wait3A_618, %dma_wait3A_619] : memref<32x1000000xf32, #tpu.memory_space<hbm>> -> memref<32x128xf32, #tpu.memory_space<hbm>>
      tpu.wait_dma2 semaphore(%arg17 : memref<!tpu.dma_semaphore, #tpu.memory_space<semaphore_mem>>) src(%dma_wait3A_620 : memref<32x128xf32, #tpu.memory_space<hbm>>) dst(%dma_wait3A_617 : memref<32x128xf32, #tpu.memory_space<vmem>>)
      %dma_wait3A_621 = arith.constant 2 : i32
      %dma_wait3A_622 = arith.constant 0 : i32
      %dma_wait3A_623 = arith.constant 0 : i32
      %dma_wait3A_624 = tpu.memref_slice %arg14[%dma_wait3A_621, %dma_wait3A_622, %dma_wait3A_623] : memref<8x32x128xf32, #tpu.memory_space<vmem>> -> memref<1x32x128xf32, #tpu.memory_space<vmem>>
      %dma_wait3A_625 = tpu.memref_squeeze %dma_wait3A_624 : memref<1x32x128xf32, #tpu.memory_space<vmem>> -> memref<32x128xf32, #tpu.memory_space<vmem>>
      %dma_wait3A_626 = arith.constant 0 : i32
      %dma_wait3A_627 = arith.constant 0 : i32
      %dma_wait3A_628 = tpu.memref_slice %arg5[%dma_wait3A_626, %dma_wait3A_627] : memref<32x1000000xf32, #tpu.memory_space<hbm>> -> memref<32x128xf32, #tpu.memory_space<hbm>>
      %dma_wait3A_629 = arith.constant 0 : i32
      %dma_wait3A_630 = arith.constant 0 : i32
      %dma_wait3A_631 = tpu.memref_slice %arg14[%dma_wait3A_621, %dma_wait3A_629, %dma_wait3A_630] : memref<8x32x128xf32, #tpu.memory_space<vmem>> -> memref<1x32x128xf32, #tpu.memory_space<vmem>>
      %dma_wait3A_632 = tpu.memref_squeeze %dma_wait3A_631 : memref<1x32x128xf32, #tpu.memory_space<vmem>> -> memref<32x128xf32, #tpu.memory_space<vmem>>
      %dma_wait3A_633 = arith.constant 0 : i32
      %dma_wait3A_634 = arith.constant 0 : i32
      %dma_wait3A_635 = tpu.memref_slice %arg5[%dma_wait3A_633, %dma_wait3A_634] : memref<32x1000000xf32, #tpu.memory_space<hbm>> -> memref<32x128xf32, #tpu.memory_space<hbm>>
      tpu.wait_dma2 semaphore(%arg17 : memref<!tpu.dma_semaphore, #tpu.memory_space<semaphore_mem>>) src(%dma_wait3A_635 : memref<32x128xf32, #tpu.memory_space<hbm>>) dst(%dma_wait3A_632 : memref<32x128xf32, #tpu.memory_space<vmem>>)
      %dma_wait3A_636 = arith.constant 3 : i32
      %dma_wait3A_637 = arith.constant 0 : i32
      %dma_wait3A_638 = arith.constant 0 : i32
      %dma_wait3A_639 = tpu.memref_slice %arg12[%dma_wait3A_636, %dma_wait3A_637, %dma_wait3A_638] : memref<8x32x128xf32, #tpu.memory_space<vmem>> -> memref<1x32x128xf32, #tpu.memory_space<vmem>>
      %dma_wait3A_640 = tpu.memref_squeeze %dma_wait3A_639 : memref<1x32x128xf32, #tpu.memory_space<vmem>> -> memref<32x128xf32, #tpu.memory_space<vmem>>
      %dma_wait3A_641 = arith.constant 0 : i32
      %dma_wait3A_642 = arith.constant 0 : i32
      %dma_wait3A_643 = tpu.memref_slice %arg5[%dma_wait3A_641, %dma_wait3A_642] : memref<32x1000000xf32, #tpu.memory_space<hbm>> -> memref<32x128xf32, #tpu.memory_space<hbm>>
      %dma_wait3A_644 = arith.constant 0 : i32
      %dma_wait3A_645 = arith.constant 0 : i32
      %dma_wait3A_646 = tpu.memref_slice %arg12[%dma_wait3A_636, %dma_wait3A_644, %dma_wait3A_645] : memref<8x32x128xf32, #tpu.memory_space<vmem>> -> memref<1x32x128xf32, #tpu.memory_space<vmem>>
      %dma_wait3A_647 = tpu.memref_squeeze %dma_wait3A_646 : memref<1x32x128xf32, #tpu.memory_space<vmem>> -> memref<32x128xf32, #tpu.memory_space<vmem>>
      %dma_wait3A_648 = arith.constant 0 : i32
      %dma_wait3A_649 = arith.constant 0 : i32
      %dma_wait3A_650 = tpu.memref_slice %arg5[%dma_wait3A_648, %dma_wait3A_649] : memref<32x1000000xf32, #tpu.memory_space<hbm>> -> memref<32x128xf32, #tpu.memory_space<hbm>>
      tpu.wait_dma2 semaphore(%arg17 : memref<!tpu.dma_semaphore, #tpu.memory_space<semaphore_mem>>) src(%dma_wait3A_650 : memref<32x128xf32, #tpu.memory_space<hbm>>) dst(%dma_wait3A_647 : memref<32x128xf32, #tpu.memory_space<vmem>>)
      %dma_wait3A_651 = arith.constant 3 : i32
      %dma_wait3A_652 = arith.constant 0 : i32
      %dma_wait3A_653 = arith.constant 0 : i32
      %dma_wait3A_654 = tpu.memref_slice %arg13[%dma_wait3A_651, %dma_wait3A_652, %dma_wait3A_653] : memref<8x32x128xf32, #tpu.memory_space<vmem>> -> memref<1x32x128xf32, #tpu.memory_space<vmem>>
      %dma_wait3A_655 = tpu.memref_squeeze %dma_wait3A_654 : memref<1x32x128xf32, #tpu.memory_space<vmem>> -> memref<32x128xf32, #tpu.memory_space<vmem>>
      %dma_wait3A_656 = arith.constant 0 : i32
      %dma_wait3A_657 = arith.constant 0 : i32
      %dma_wait3A_658 = tpu.memref_slice %arg5[%dma_wait3A_656, %dma_wait3A_657] : memref<32x1000000xf32, #tpu.memory_space<hbm>> -> memref<32x128xf32, #tpu.memory_space<hbm>>
      %dma_wait3A_659 = arith.constant 0 : i32
      %dma_wait3A_660 = arith.constant 0 : i32
      %dma_wait3A_661 = tpu.memref_slice %arg13[%dma_wait3A_651, %dma_wait3A_659, %dma_wait3A_660] : memref<8x32x128xf32, #tpu.memory_space<vmem>> -> memref<1x32x128xf32, #tpu.memory_space<vmem>>
      %dma_wait3A_662 = tpu.memref_squeeze %dma_wait3A_661 : memref<1x32x128xf32, #tpu.memory_space<vmem>> -> memref<32x128xf32, #tpu.memory_space<vmem>>
      %dma_wait3A_663 = arith.constant 0 : i32
      %dma_wait3A_664 = arith.constant 0 : i32
      %dma_wait3A_665 = tpu.memref_slice %arg5[%dma_wait3A_663, %dma_wait3A_664] : memref<32x1000000xf32, #tpu.memory_space<hbm>> -> memref<32x128xf32, #tpu.memory_space<hbm>>
      tpu.wait_dma2 semaphore(%arg17 : memref<!tpu.dma_semaphore, #tpu.memory_space<semaphore_mem>>) src(%dma_wait3A_665 : memref<32x128xf32, #tpu.memory_space<hbm>>) dst(%dma_wait3A_662 : memref<32x128xf32, #tpu.memory_space<vmem>>)
      %dma_wait3A_666 = arith.constant 3 : i32
      %dma_wait3A_667 = arith.constant 0 : i32
      %dma_wait3A_668 = arith.constant 0 : i32
      %dma_wait3A_669 = tpu.memref_slice %arg14[%dma_wait3A_666, %dma_wait3A_667, %dma_wait3A_668] : memref<8x32x128xf32, #tpu.memory_space<vmem>> -> memref<1x32x128xf32, #tpu.memory_space<vmem>>
      %dma_wait3A_670 = tpu.memref_squeeze %dma_wait3A_669 : memref<1x32x128xf32, #tpu.memory_space<vmem>> -> memref<32x128xf32, #tpu.memory_space<vmem>>
      %dma_wait3A_671 = arith.constant 0 : i32
      %dma_wait3A_672 = arith.constant 0 : i32
      %dma_wait3A_673 = tpu.memref_slice %arg5[%dma_wait3A_671, %dma_wait3A_672] : memref<32x1000000xf32, #tpu.memory_space<hbm>> -> memref<32x128xf32, #tpu.memory_space<hbm>>
      %dma_wait3A_674 = arith.constant 0 : i32
      %dma_wait3A_675 = arith.constant 0 : i32
      %dma_wait3A_676 = tpu.memref_slice %arg14[%dma_wait3A_666, %dma_wait3A_674, %dma_wait3A_675] : memref<8x32x128xf32, #tpu.memory_space<vmem>> -> memref<1x32x128xf32, #tpu.memory_space<vmem>>
      %dma_wait3A_677 = tpu.memref_squeeze %dma_wait3A_676 : memref<1x32x128xf32, #tpu.memory_space<vmem>> -> memref<32x128xf32, #tpu.memory_space<vmem>>
      %dma_wait3A_678 = arith.constant 0 : i32
      %dma_wait3A_679 = arith.constant 0 : i32
      %dma_wait3A_680 = tpu.memref_slice %arg5[%dma_wait3A_678, %dma_wait3A_679] : memref<32x1000000xf32, #tpu.memory_space<hbm>> -> memref<32x128xf32, #tpu.memory_space<hbm>>
      tpu.wait_dma2 semaphore(%arg17 : memref<!tpu.dma_semaphore, #tpu.memory_space<semaphore_mem>>) src(%dma_wait3A_680 : memref<32x128xf32, #tpu.memory_space<hbm>>) dst(%dma_wait3A_677 : memref<32x128xf32, #tpu.memory_space<vmem>>)
      %dma_wait3A_681 = arith.constant 4 : i32
      %dma_wait3A_682 = arith.constant 0 : i32
      %dma_wait3A_683 = arith.constant 0 : i32
      %dma_wait3A_684 = tpu.memref_slice %arg12[%dma_wait3A_681, %dma_wait3A_682, %dma_wait3A_683] : memref<8x32x128xf32, #tpu.memory_space<vmem>> -> memref<1x32x128xf32, #tpu.memory_space<vmem>>
      %dma_wait3A_685 = tpu.memref_squeeze %dma_wait3A_684 : memref<1x32x128xf32, #tpu.memory_space<vmem>> -> memref<32x128xf32, #tpu.memory_space<vmem>>
      %dma_wait3A_686 = arith.constant 0 : i32
      %dma_wait3A_687 = arith.constant 0 : i32
      %dma_wait3A_688 = tpu.memref_slice %arg5[%dma_wait3A_686, %dma_wait3A_687] : memref<32x1000000xf32, #tpu.memory_space<hbm>> -> memref<32x128xf32, #tpu.memory_space<hbm>>
      %dma_wait3A_689 = arith.constant 0 : i32
      %dma_wait3A_690 = arith.constant 0 : i32
      %dma_wait3A_691 = tpu.memref_slice %arg12[%dma_wait3A_681, %dma_wait3A_689, %dma_wait3A_690] : memref<8x32x128xf32, #tpu.memory_space<vmem>> -> memref<1x32x128xf32, #tpu.memory_space<vmem>>
      %dma_wait3A_692 = tpu.memref_squeeze %dma_wait3A_691 : memref<1x32x128xf32, #tpu.memory_space<vmem>> -> memref<32x128xf32, #tpu.memory_space<vmem>>
      %dma_wait3A_693 = arith.constant 0 : i32
      %dma_wait3A_694 = arith.constant 0 : i32
      %dma_wait3A_695 = tpu.memref_slice %arg5[%dma_wait3A_693, %dma_wait3A_694] : memref<32x1000000xf32, #tpu.memory_space<hbm>> -> memref<32x128xf32, #tpu.memory_space<hbm>>
      tpu.wait_dma2 semaphore(%arg17 : memref<!tpu.dma_semaphore, #tpu.memory_space<semaphore_mem>>) src(%dma_wait3A_695 : memref<32x128xf32, #tpu.memory_space<hbm>>) dst(%dma_wait3A_692 : memref<32x128xf32, #tpu.memory_space<vmem>>)
      %dma_wait3A_696 = arith.constant 4 : i32
      %dma_wait3A_697 = arith.constant 0 : i32
      %dma_wait3A_698 = arith.constant 0 : i32
      %dma_wait3A_699 = tpu.memref_slice %arg13[%dma_wait3A_696, %dma_wait3A_697, %dma_wait3A_698] : memref<8x32x128xf32, #tpu.memory_space<vmem>> -> memref<1x32x128xf32, #tpu.memory_space<vmem>>
      %dma_wait3A_700 = tpu.memref_squeeze %dma_wait3A_699 : memref<1x32x128xf32, #tpu.memory_space<vmem>> -> memref<32x128xf32, #tpu.memory_space<vmem>>
      %dma_wait3A_701 = arith.constant 0 : i32
      %dma_wait3A_702 = arith.constant 0 : i32
      %dma_wait3A_703 = tpu.memref_slice %arg5[%dma_wait3A_701, %dma_wait3A_702] : memref<32x1000000xf32, #tpu.memory_space<hbm>> -> memref<32x128xf32, #tpu.memory_space<hbm>>
      %dma_wait3A_704 = arith.constant 0 : i32
      %dma_wait3A_705 = arith.constant 0 : i32
      %dma_wait3A_706 = tpu.memref_slice %arg13[%dma_wait3A_696, %dma_wait3A_704, %dma_wait3A_705] : memref<8x32x128xf32, #tpu.memory_space<vmem>> -> memref<1x32x128xf32, #tpu.memory_space<vmem>>
      %dma_wait3A_707 = tpu.memref_squeeze %dma_wait3A_706 : memref<1x32x128xf32, #tpu.memory_space<vmem>> -> memref<32x128xf32, #tpu.memory_space<vmem>>
      %dma_wait3A_708 = arith.constant 0 : i32
      %dma_wait3A_709 = arith.constant 0 : i32
      %dma_wait3A_710 = tpu.memref_slice %arg5[%dma_wait3A_708, %dma_wait3A_709] : memref<32x1000000xf32, #tpu.memory_space<hbm>> -> memref<32x128xf32, #tpu.memory_space<hbm>>
      tpu.wait_dma2 semaphore(%arg17 : memref<!tpu.dma_semaphore, #tpu.memory_space<semaphore_mem>>) src(%dma_wait3A_710 : memref<32x128xf32, #tpu.memory_space<hbm>>) dst(%dma_wait3A_707 : memref<32x128xf32, #tpu.memory_space<vmem>>)
      %dma_wait3A_711 = arith.constant 4 : i32
      %dma_wait3A_712 = arith.constant 0 : i32
      %dma_wait3A_713 = arith.constant 0 : i32
      %dma_wait3A_714 = tpu.memref_slice %arg14[%dma_wait3A_711, %dma_wait3A_712, %dma_wait3A_713] : memref<8x32x128xf32, #tpu.memory_space<vmem>> -> memref<1x32x128xf32, #tpu.memory_space<vmem>>
      %dma_wait3A_715 = tpu.memref_squeeze %dma_wait3A_714 : memref<1x32x128xf32, #tpu.memory_space<vmem>> -> memref<32x128xf32, #tpu.memory_space<vmem>>
      %dma_wait3A_716 = arith.constant 0 : i32
      %dma_wait3A_717 = arith.constant 0 : i32
      %dma_wait3A_718 = tpu.memref_slice %arg5[%dma_wait3A_716, %dma_wait3A_717] : memref<32x1000000xf32, #tpu.memory_space<hbm>> -> memref<32x128xf32, #tpu.memory_space<hbm>>
      %dma_wait3A_719 = arith.constant 0 : i32
      %dma_wait3A_720 = arith.constant 0 : i32
      %dma_wait3A_721 = tpu.memref_slice %arg14[%dma_wait3A_711, %dma_wait3A_719, %dma_wait3A_720] : memref<8x32x128xf32, #tpu.memory_space<vmem>> -> memref<1x32x128xf32, #tpu.memory_space<vmem>>
      %dma_wait3A_722 = tpu.memref_squeeze %dma_wait3A_721 : memref<1x32x128xf32, #tpu.memory_space<vmem>> -> memref<32x128xf32, #tpu.memory_space<vmem>>
      %dma_wait3A_723 = arith.constant 0 : i32
      %dma_wait3A_724 = arith.constant 0 : i32
      %dma_wait3A_725 = tpu.memref_slice %arg5[%dma_wait3A_723, %dma_wait3A_724] : memref<32x1000000xf32, #tpu.memory_space<hbm>> -> memref<32x128xf32, #tpu.memory_space<hbm>>
      tpu.wait_dma2 semaphore(%arg17 : memref<!tpu.dma_semaphore, #tpu.memory_space<semaphore_mem>>) src(%dma_wait3A_725 : memref<32x128xf32, #tpu.memory_space<hbm>>) dst(%dma_wait3A_722 : memref<32x128xf32, #tpu.memory_space<vmem>>)
      %dma_wait3A_726 = arith.constant 5 : i32
      %dma_wait3A_727 = arith.constant 0 : i32
      %dma_wait3A_728 = arith.constant 0 : i32
      %dma_wait3A_729 = tpu.memref_slice %arg12[%dma_wait3A_726, %dma_wait3A_727, %dma_wait3A_728] : memref<8x32x128xf32, #tpu.memory_space<vmem>> -> memref<1x32x128xf32, #tpu.memory_space<vmem>>
      %dma_wait3A_730 = tpu.memref_squeeze %dma_wait3A_729 : memref<1x32x128xf32, #tpu.memory_space<vmem>> -> memref<32x128xf32, #tpu.memory_space<vmem>>
      %dma_wait3A_731 = arith.constant 0 : i32
      %dma_wait3A_732 = arith.constant 0 : i32
      %dma_wait3A_733 = tpu.memref_slice %arg5[%dma_wait3A_731, %dma_wait3A_732] : memref<32x1000000xf32, #tpu.memory_space<hbm>> -> memref<32x128xf32, #tpu.memory_space<hbm>>
      %dma_wait3A_734 = arith.constant 0 : i32
      %dma_wait3A_735 = arith.constant 0 : i32
      %dma_wait3A_736 = tpu.memref_slice %arg12[%dma_wait3A_726, %dma_wait3A_734, %dma_wait3A_735] : memref<8x32x128xf32, #tpu.memory_space<vmem>> -> memref<1x32x128xf32, #tpu.memory_space<vmem>>
      %dma_wait3A_737 = tpu.memref_squeeze %dma_wait3A_736 : memref<1x32x128xf32, #tpu.memory_space<vmem>> -> memref<32x128xf32, #tpu.memory_space<vmem>>
      %dma_wait3A_738 = arith.constant 0 : i32
      %dma_wait3A_739 = arith.constant 0 : i32
      %dma_wait3A_740 = tpu.memref_slice %arg5[%dma_wait3A_738, %dma_wait3A_739] : memref<32x1000000xf32, #tpu.memory_space<hbm>> -> memref<32x128xf32, #tpu.memory_space<hbm>>
      tpu.wait_dma2 semaphore(%arg17 : memref<!tpu.dma_semaphore, #tpu.memory_space<semaphore_mem>>) src(%dma_wait3A_740 : memref<32x128xf32, #tpu.memory_space<hbm>>) dst(%dma_wait3A_737 : memref<32x128xf32, #tpu.memory_space<vmem>>)
      %dma_wait3A_741 = arith.constant 5 : i32
      %dma_wait3A_742 = arith.constant 0 : i32
      %dma_wait3A_743 = arith.constant 0 : i32
      %dma_wait3A_744 = tpu.memref_slice %arg13[%dma_wait3A_741, %dma_wait3A_742, %dma_wait3A_743] : memref<8x32x128xf32, #tpu.memory_space<vmem>> -> memref<1x32x128xf32, #tpu.memory_space<vmem>>
      %dma_wait3A_745 = tpu.memref_squeeze %dma_wait3A_744 : memref<1x32x128xf32, #tpu.memory_space<vmem>> -> memref<32x128xf32, #tpu.memory_space<vmem>>
      %dma_wait3A_746 = arith.constant 0 : i32
      %dma_wait3A_747 = arith.constant 0 : i32
      %dma_wait3A_748 = tpu.memref_slice %arg5[%dma_wait3A_746, %dma_wait3A_747] : memref<32x1000000xf32, #tpu.memory_space<hbm>> -> memref<32x128xf32, #tpu.memory_space<hbm>>
      %dma_wait3A_749 = arith.constant 0 : i32
      %dma_wait3A_750 = arith.constant 0 : i32
      %dma_wait3A_751 = tpu.memref_slice %arg13[%dma_wait3A_741, %dma_wait3A_749, %dma_wait3A_750] : memref<8x32x128xf32, #tpu.memory_space<vmem>> -> memref<1x32x128xf32, #tpu.memory_space<vmem>>
      %dma_wait3A_752 = tpu.memref_squeeze %dma_wait3A_751 : memref<1x32x128xf32, #tpu.memory_space<vmem>> -> memref<32x128xf32, #tpu.memory_space<vmem>>
      %dma_wait3A_753 = arith.constant 0 : i32
      %dma_wait3A_754 = arith.constant 0 : i32
      %dma_wait3A_755 = tpu.memref_slice %arg5[%dma_wait3A_753, %dma_wait3A_754] : memref<32x1000000xf32, #tpu.memory_space<hbm>> -> memref<32x128xf32, #tpu.memory_space<hbm>>
      tpu.wait_dma2 semaphore(%arg17 : memref<!tpu.dma_semaphore, #tpu.memory_space<semaphore_mem>>) src(%dma_wait3A_755 : memref<32x128xf32, #tpu.memory_space<hbm>>) dst(%dma_wait3A_752 : memref<32x128xf32, #tpu.memory_space<vmem>>)
      %dma_wait3A_756 = arith.constant 5 : i32
      %dma_wait3A_757 = arith.constant 0 : i32
      %dma_wait3A_758 = arith.constant 0 : i32
      %dma_wait3A_759 = tpu.memref_slice %arg14[%dma_wait3A_756, %dma_wait3A_757, %dma_wait3A_758] : memref<8x32x128xf32, #tpu.memory_space<vmem>> -> memref<1x32x128xf32, #tpu.memory_space<vmem>>
      %dma_wait3A_760 = tpu.memref_squeeze %dma_wait3A_759 : memref<1x32x128xf32, #tpu.memory_space<vmem>> -> memref<32x128xf32, #tpu.memory_space<vmem>>
      %dma_wait3A_761 = arith.constant 0 : i32
      %dma_wait3A_762 = arith.constant 0 : i32
      %dma_wait3A_763 = tpu.memref_slice %arg5[%dma_wait3A_761, %dma_wait3A_762] : memref<32x1000000xf32, #tpu.memory_space<hbm>> -> memref<32x128xf32, #tpu.memory_space<hbm>>
      %dma_wait3A_764 = arith.constant 0 : i32
      %dma_wait3A_765 = arith.constant 0 : i32
      %dma_wait3A_766 = tpu.memref_slice %arg14[%dma_wait3A_756, %dma_wait3A_764, %dma_wait3A_765] : memref<8x32x128xf32, #tpu.memory_space<vmem>> -> memref<1x32x128xf32, #tpu.memory_space<vmem>>
      %dma_wait3A_767 = tpu.memref_squeeze %dma_wait3A_766 : memref<1x32x128xf32, #tpu.memory_space<vmem>> -> memref<32x128xf32, #tpu.memory_space<vmem>>
      %dma_wait3A_768 = arith.constant 0 : i32
      %dma_wait3A_769 = arith.constant 0 : i32
      %dma_wait3A_770 = tpu.memref_slice %arg5[%dma_wait3A_768, %dma_wait3A_769] : memref<32x1000000xf32, #tpu.memory_space<hbm>> -> memref<32x128xf32, #tpu.memory_space<hbm>>
      tpu.wait_dma2 semaphore(%arg17 : memref<!tpu.dma_semaphore, #tpu.memory_space<semaphore_mem>>) src(%dma_wait3A_770 : memref<32x128xf32, #tpu.memory_space<hbm>>) dst(%dma_wait3A_767 : memref<32x128xf32, #tpu.memory_space<vmem>>)
      %dma_wait3A_771 = arith.constant 6 : i32
      %dma_wait3A_772 = arith.constant 0 : i32
      %dma_wait3A_773 = arith.constant 0 : i32
      %dma_wait3A_774 = tpu.memref_slice %arg12[%dma_wait3A_771, %dma_wait3A_772, %dma_wait3A_773] : memref<8x32x128xf32, #tpu.memory_space<vmem>> -> memref<1x32x128xf32, #tpu.memory_space<vmem>>
      %dma_wait3A_775 = tpu.memref_squeeze %dma_wait3A_774 : memref<1x32x128xf32, #tpu.memory_space<vmem>> -> memref<32x128xf32, #tpu.memory_space<vmem>>
      %dma_wait3A_776 = arith.constant 0 : i32
      %dma_wait3A_777 = arith.constant 0 : i32
      %dma_wait3A_778 = tpu.memref_slice %arg5[%dma_wait3A_776, %dma_wait3A_777] : memref<32x1000000xf32, #tpu.memory_space<hbm>> -> memref<32x128xf32, #tpu.memory_space<hbm>>
      %dma_wait3A_779 = arith.constant 0 : i32
      %dma_wait3A_780 = arith.constant 0 : i32
      %dma_wait3A_781 = tpu.memref_slice %arg12[%dma_wait3A_771, %dma_wait3A_779, %dma_wait3A_780] : memref<8x32x128xf32, #tpu.memory_space<vmem>> -> memref<1x32x128xf32, #tpu.memory_space<vmem>>
      %dma_wait3A_782 = tpu.memref_squeeze %dma_wait3A_781 : memref<1x32x128xf32, #tpu.memory_space<vmem>> -> memref<32x128xf32, #tpu.memory_space<vmem>>
      %dma_wait3A_783 = arith.constant 0 : i32
      %dma_wait3A_784 = arith.constant 0 : i32
      %dma_wait3A_785 = tpu.memref_slice %arg5[%dma_wait3A_783, %dma_wait3A_784] : memref<32x1000000xf32, #tpu.memory_space<hbm>> -> memref<32x128xf32, #tpu.memory_space<hbm>>
      tpu.wait_dma2 semaphore(%arg17 : memref<!tpu.dma_semaphore, #tpu.memory_space<semaphore_mem>>) src(%dma_wait3A_785 : memref<32x128xf32, #tpu.memory_space<hbm>>) dst(%dma_wait3A_782 : memref<32x128xf32, #tpu.memory_space<vmem>>)
      %dma_wait3A_786 = arith.constant 6 : i32
      %dma_wait3A_787 = arith.constant 0 : i32
      %dma_wait3A_788 = arith.constant 0 : i32
      %dma_wait3A_789 = tpu.memref_slice %arg13[%dma_wait3A_786, %dma_wait3A_787, %dma_wait3A_788] : memref<8x32x128xf32, #tpu.memory_space<vmem>> -> memref<1x32x128xf32, #tpu.memory_space<vmem>>
      %dma_wait3A_790 = tpu.memref_squeeze %dma_wait3A_789 : memref<1x32x128xf32, #tpu.memory_space<vmem>> -> memref<32x128xf32, #tpu.memory_space<vmem>>
      %dma_wait3A_791 = arith.constant 0 : i32
      %dma_wait3A_792 = arith.constant 0 : i32
      %dma_wait3A_793 = tpu.memref_slice %arg5[%dma_wait3A_791, %dma_wait3A_792] : memref<32x1000000xf32, #tpu.memory_space<hbm>> -> memref<32x128xf32, #tpu.memory_space<hbm>>
      %dma_wait3A_794 = arith.constant 0 : i32
      %dma_wait3A_795 = arith.constant 0 : i32
      %dma_wait3A_796 = tpu.memref_slice %arg13[%dma_wait3A_786, %dma_wait3A_794, %dma_wait3A_795] : memref<8x32x128xf32, #tpu.memory_space<vmem>> -> memref<1x32x128xf32, #tpu.memory_space<vmem>>
      %dma_wait3A_797 = tpu.memref_squeeze %dma_wait3A_796 : memref<1x32x128xf32, #tpu.memory_space<vmem>> -> memref<32x128xf32, #tpu.memory_space<vmem>>
      %dma_wait3A_798 = arith.constant 0 : i32
      %dma_wait3A_799 = arith.constant 0 : i32
      %dma_wait3A_800 = tpu.memref_slice %arg5[%dma_wait3A_798, %dma_wait3A_799] : memref<32x1000000xf32, #tpu.memory_space<hbm>> -> memref<32x128xf32, #tpu.memory_space<hbm>>
      tpu.wait_dma2 semaphore(%arg17 : memref<!tpu.dma_semaphore, #tpu.memory_space<semaphore_mem>>) src(%dma_wait3A_800 : memref<32x128xf32, #tpu.memory_space<hbm>>) dst(%dma_wait3A_797 : memref<32x128xf32, #tpu.memory_space<vmem>>)
      %dma_wait3A_801 = arith.constant 6 : i32
      %dma_wait3A_802 = arith.constant 0 : i32
      %dma_wait3A_803 = arith.constant 0 : i32
      %dma_wait3A_804 = tpu.memref_slice %arg14[%dma_wait3A_801, %dma_wait3A_802, %dma_wait3A_803] : memref<8x32x128xf32, #tpu.memory_space<vmem>> -> memref<1x32x128xf32, #tpu.memory_space<vmem>>
      %dma_wait3A_805 = tpu.memref_squeeze %dma_wait3A_804 : memref<1x32x128xf32, #tpu.memory_space<vmem>> -> memref<32x128xf32, #tpu.memory_space<vmem>>
      %dma_wait3A_806 = arith.constant 0 : i32
      %dma_wait3A_807 = arith.constant 0 : i32
      %dma_wait3A_808 = tpu.memref_slice %arg5[%dma_wait3A_806, %dma_wait3A_807] : memref<32x1000000xf32, #tpu.memory_space<hbm>> -> memref<32x128xf32, #tpu.memory_space<hbm>>
      %dma_wait3A_809 = arith.constant 0 : i32
      %dma_wait3A_810 = arith.constant 0 : i32
      %dma_wait3A_811 = tpu.memref_slice %arg14[%dma_wait3A_801, %dma_wait3A_809, %dma_wait3A_810] : memref<8x32x128xf32, #tpu.memory_space<vmem>> -> memref<1x32x128xf32, #tpu.memory_space<vmem>>
      %dma_wait3A_812 = tpu.memref_squeeze %dma_wait3A_811 : memref<1x32x128xf32, #tpu.memory_space<vmem>> -> memref<32x128xf32, #tpu.memory_space<vmem>>
      %dma_wait3A_813 = arith.constant 0 : i32
      %dma_wait3A_814 = arith.constant 0 : i32
      %dma_wait3A_815 = tpu.memref_slice %arg5[%dma_wait3A_813, %dma_wait3A_814] : memref<32x1000000xf32, #tpu.memory_space<hbm>> -> memref<32x128xf32, #tpu.memory_space<hbm>>
      tpu.wait_dma2 semaphore(%arg17 : memref<!tpu.dma_semaphore, #tpu.memory_space<semaphore_mem>>) src(%dma_wait3A_815 : memref<32x128xf32, #tpu.memory_space<hbm>>) dst(%dma_wait3A_812 : memref<32x128xf32, #tpu.memory_space<vmem>>)
      %dma_wait3A_816 = arith.constant 7 : i32
      %dma_wait3A_817 = arith.constant 0 : i32
      %dma_wait3A_818 = arith.constant 0 : i32
      %dma_wait3A_819 = tpu.memref_slice %arg12[%dma_wait3A_816, %dma_wait3A_817, %dma_wait3A_818] : memref<8x32x128xf32, #tpu.memory_space<vmem>> -> memref<1x32x128xf32, #tpu.memory_space<vmem>>
      %dma_wait3A_820 = tpu.memref_squeeze %dma_wait3A_819 : memref<1x32x128xf32, #tpu.memory_space<vmem>> -> memref<32x128xf32, #tpu.memory_space<vmem>>
      %dma_wait3A_821 = arith.constant 0 : i32
      %dma_wait3A_822 = arith.constant 0 : i32
      %dma_wait3A_823 = tpu.memref_slice %arg5[%dma_wait3A_821, %dma_wait3A_822] : memref<32x1000000xf32, #tpu.memory_space<hbm>> -> memref<32x128xf32, #tpu.memory_space<hbm>>
      %dma_wait3A_824 = arith.constant 0 : i32
      %dma_wait3A_825 = arith.constant 0 : i32
      %dma_wait3A_826 = tpu.memref_slice %arg12[%dma_wait3A_816, %dma_wait3A_824, %dma_wait3A_825] : memref<8x32x128xf32, #tpu.memory_space<vmem>> -> memref<1x32x128xf32, #tpu.memory_space<vmem>>
      %dma_wait3A_827 = tpu.memref_squeeze %dma_wait3A_826 : memref<1x32x128xf32, #tpu.memory_space<vmem>> -> memref<32x128xf32, #tpu.memory_space<vmem>>
      %dma_wait3A_828 = arith.constant 0 : i32
      %dma_wait3A_829 = arith.constant 0 : i32
      %dma_wait3A_830 = tpu.memref_slice %arg5[%dma_wait3A_828, %dma_wait3A_829] : memref<32x1000000xf32, #tpu.memory_space<hbm>> -> memref<32x128xf32, #tpu.memory_space<hbm>>
      tpu.wait_dma2 semaphore(%arg17 : memref<!tpu.dma_semaphore, #tpu.memory_space<semaphore_mem>>) src(%dma_wait3A_830 : memref<32x128xf32, #tpu.memory_space<hbm>>) dst(%dma_wait3A_827 : memref<32x128xf32, #tpu.memory_space<vmem>>)
      %dma_wait3A_831 = arith.constant 7 : i32
      %dma_wait3A_832 = arith.constant 0 : i32
      %dma_wait3A_833 = arith.constant 0 : i32
      %dma_wait3A_834 = tpu.memref_slice %arg13[%dma_wait3A_831, %dma_wait3A_832, %dma_wait3A_833] : memref<8x32x128xf32, #tpu.memory_space<vmem>> -> memref<1x32x128xf32, #tpu.memory_space<vmem>>
      %dma_wait3A_835 = tpu.memref_squeeze %dma_wait3A_834 : memref<1x32x128xf32, #tpu.memory_space<vmem>> -> memref<32x128xf32, #tpu.memory_space<vmem>>
      %dma_wait3A_836 = arith.constant 0 : i32
      %dma_wait3A_837 = arith.constant 0 : i32
      %dma_wait3A_838 = tpu.memref_slice %arg5[%dma_wait3A_836, %dma_wait3A_837] : memref<32x1000000xf32, #tpu.memory_space<hbm>> -> memref<32x128xf32, #tpu.memory_space<hbm>>
      %dma_wait3A_839 = arith.constant 0 : i32
      %dma_wait3A_840 = arith.constant 0 : i32
      %dma_wait3A_841 = tpu.memref_slice %arg13[%dma_wait3A_831, %dma_wait3A_839, %dma_wait3A_840] : memref<8x32x128xf32, #tpu.memory_space<vmem>> -> memref<1x32x128xf32, #tpu.memory_space<vmem>>
      %dma_wait3A_842 = tpu.memref_squeeze %dma_wait3A_841 : memref<1x32x128xf32, #tpu.memory_space<vmem>> -> memref<32x128xf32, #tpu.memory_space<vmem>>
      %dma_wait3A_843 = arith.constant 0 : i32
      %dma_wait3A_844 = arith.constant 0 : i32
      %dma_wait3A_845 = tpu.memref_slice %arg5[%dma_wait3A_843, %dma_wait3A_844] : memref<32x1000000xf32, #tpu.memory_space<hbm>> -> memref<32x128xf32, #tpu.memory_space<hbm>>
      tpu.wait_dma2 semaphore(%arg17 : memref<!tpu.dma_semaphore, #tpu.memory_space<semaphore_mem>>) src(%dma_wait3A_845 : memref<32x128xf32, #tpu.memory_space<hbm>>) dst(%dma_wait3A_842 : memref<32x128xf32, #tpu.memory_space<vmem>>)
      %dma_wait3A_846 = arith.constant 7 : i32
      %dma_wait3A_847 = arith.constant 0 : i32
      %dma_wait3A_848 = arith.constant 0 : i32
      %dma_wait3A_849 = tpu.memref_slice %arg14[%dma_wait3A_846, %dma_wait3A_847, %dma_wait3A_848] : memref<8x32x128xf32, #tpu.memory_space<vmem>> -> memref<1x32x128xf32, #tpu.memory_space<vmem>>
      %dma_wait3A_850 = tpu.memref_squeeze %dma_wait3A_849 : memref<1x32x128xf32, #tpu.memory_space<vmem>> -> memref<32x128xf32, #tpu.memory_space<vmem>>
      %dma_wait3A_851 = arith.constant 0 : i32
      %dma_wait3A_852 = arith.constant 0 : i32
      %dma_wait3A_853 = tpu.memref_slice %arg5[%dma_wait3A_851, %dma_wait3A_852] : memref<32x1000000xf32, #tpu.memory_space<hbm>> -> memref<32x128xf32, #tpu.memory_space<hbm>>
      %dma_wait3A_854 = arith.constant 0 : i32
      %dma_wait3A_855 = arith.constant 0 : i32
      %dma_wait3A_856 = tpu.memref_slice %arg14[%dma_wait3A_846, %dma_wait3A_854, %dma_wait3A_855] : memref<8x32x128xf32, #tpu.memory_space<vmem>> -> memref<1x32x128xf32, #tpu.memory_space<vmem>>
      %dma_wait3A_857 = tpu.memref_squeeze %dma_wait3A_856 : memref<1x32x128xf32, #tpu.memory_space<vmem>> -> memref<32x128xf32, #tpu.memory_space<vmem>>
      %dma_wait3A_858 = arith.constant 0 : i32
      %dma_wait3A_859 = arith.constant 0 : i32
      %dma_wait3A_860 = tpu.memref_slice %arg5[%dma_wait3A_858, %dma_wait3A_859] : memref<32x1000000xf32, #tpu.memory_space<hbm>> -> memref<32x128xf32, #tpu.memory_space<hbm>>
      tpu.wait_dma2 semaphore(%arg17 : memref<!tpu.dma_semaphore, #tpu.memory_space<semaphore_mem>>) src(%dma_wait3A_860 : memref<32x128xf32, #tpu.memory_space<hbm>>) dst(%dma_wait3A_857 : memref<32x128xf32, #tpu.memory_space<vmem>>)
      %add3A_861 = arith.constant 0 : i32
      %add3A_862 = vector.broadcast %add3A_861 : i32 to vector<16xi32>
      %add3A_863 = arith.addi %add3A_862, %and3A_4 : vector<16xi32>
      %lt3A = arith.constant 0 : i32
      %lt3A_864 = vector.broadcast %lt3A : i32 to vector<16xi32>
      %lt3A_865 = arith.cmpi slt, %add3A_863, %lt3A_864 : vector<16xi32>
      %add3A_866 = arith.constant 16 : i32
      %add3A_867 = vector.broadcast %add3A_866 : i32 to vector<16xi32>
      %add3A_868 = arith.addi %add3A_863, %add3A_867 : vector<16xi32>
      %select_n3A = arith.select %lt3A_865, %add3A_868, %add3A_863 : vector<16xi1>, vector<16xi32>
      %broadcast_in_dim3A = vector.shape_cast %select_n3A : vector<16xi32> to vector<16x1xi32>
      %gather3A = vector.shape_cast %broadcast_in_dim3A : vector<16x1xi32> to vector<16xi32>
      %gather3A_869 = tpu.dynamic_gather %and3A_20[%gather3A] in [0] : vector<16xi32>, vector<16xi32> -> vector<16xi32>
      %lt3A_870 = arith.constant 0 : i32
      %lt3A_871 = vector.broadcast %lt3A_870 : i32 to vector<16xi32>
      %lt3A_872 = arith.cmpi slt, %add3A_863, %lt3A_871 : vector<16xi32>
      %add3A_873 = arith.constant 16 : i32
      %add3A_874 = vector.broadcast %add3A_873 : i32 to vector<16xi32>
      %add3A_875 = arith.addi %add3A_863, %add3A_874 : vector<16xi32>
      %select_n3A_876 = arith.select %lt3A_872, %add3A_875, %add3A_863 : vector<16xi1>, vector<16xi32>
      %broadcast_in_dim3A_877 = vector.shape_cast %select_n3A_876 : vector<16xi32> to vector<16x1xi32>
      %gather3A_878 = vector.shape_cast %broadcast_in_dim3A_877 : vector<16x1xi32> to vector<16xi32>
      %gather3A_879 = tpu.dynamic_gather %and3A_23[%gather3A_878] in [0] : vector<16xi32>, vector<16xi32> -> vector<16xi32>
      %lt3A_880 = arith.constant 0 : i32
      %lt3A_881 = vector.broadcast %lt3A_880 : i32 to vector<16xi32>
      %lt3A_882 = arith.cmpi slt, %add3A_863, %lt3A_881 : vector<16xi32>
      %add3A_883 = arith.constant 16 : i32
      %add3A_884 = vector.broadcast %add3A_883 : i32 to vector<16xi32>
      %add3A_885 = arith.addi %add3A_863, %add3A_884 : vector<16xi32>
      %select_n3A_886 = arith.select %lt3A_882, %add3A_885, %add3A_863 : vector<16xi1>, vector<16xi32>
      %broadcast_in_dim3A_887 = vector.shape_cast %select_n3A_886 : vector<16xi32> to vector<16x1xi32>
      %gather3A_888 = vector.shape_cast %broadcast_in_dim3A_887 : vector<16x1xi32> to vector<16xi32>
      %gather3A_889 = tpu.dynamic_gather %and3A_26[%gather3A_888] in [0] : vector<16xi32>, vector<16xi32> -> vector<16xi32>
      %broadcast_in_dim3A_890 = arith.constant 0.000000e+00 : f32
      %broadcast_in_dim3A_891 = vector.broadcast %broadcast_in_dim3A_890 : f32 to vector<16xf32>
      %broadcast_in_dim3A_892 = arith.constant 0.000000e+00 : f32
      %broadcast_in_dim3A_893 = vector.broadcast %broadcast_in_dim3A_892 : f32 to vector<16xf32>
      %broadcast_in_dim3A_894 = arith.constant 0 : i32
      %broadcast_in_dim3A_895 = vector.broadcast %broadcast_in_dim3A_894 : i32 to vector<16xi32>
      %gather3A_896 = tpu.vector_load_idx %arg12[%and3A_4, %broadcast_in_dim3A_895, %gather3A_869] : memref<8x32x128xf32, #tpu.memory_space<vmem>>[vector<16xi32>, vector<16xi32>, vector<16xi32>], vector<16xf32>,
      %gather3A_897 = tpu.vector_load_idx %arg13[%and3A_4, %broadcast_in_dim3A_895, %gather3A_879] : memref<8x32x128xf32, #tpu.memory_space<vmem>>[vector<16xi32>, vector<16xi32>, vector<16xi32>], vector<16xf32>,
      %gather3A_898 = tpu.vector_load_idx %arg14[%and3A_4, %broadcast_in_dim3A_895, %gather3A_889] : memref<8x32x128xf32, #tpu.memory_space<vmem>>[vector<16xi32>, vector<16xi32>, vector<16xi32>], vector<16xf32>,
      %mul3A_899 = arith.mulf %gather3A_896, %gather3A_897 : vector<16xf32>
      %add3A_900 = arith.addf %broadcast_in_dim3A_891, %mul3A_899 : vector<16xf32>
      %mul3A_901 = arith.mulf %gather3A_896, %gather3A_898 : vector<16xf32>
      %add3A_902 = arith.addf %broadcast_in_dim3A_893, %mul3A_901 : vector<16xf32>
      %broadcast_in_dim3A_903 = arith.constant 1 : i32
      %broadcast_in_dim3A_904 = vector.broadcast %broadcast_in_dim3A_903 : i32 to vector<16xi32>
      %gather3A_905 = tpu.vector_load_idx %arg12[%and3A_4, %broadcast_in_dim3A_904, %gather3A_869] : memref<8x32x128xf32, #tpu.memory_space<vmem>>[vector<16xi32>, vector<16xi32>, vector<16xi32>], vector<16xf32>,
      %gather3A_906 = tpu.vector_load_idx %arg13[%and3A_4, %broadcast_in_dim3A_904, %gather3A_879] : memref<8x32x128xf32, #tpu.memory_space<vmem>>[vector<16xi32>, vector<16xi32>, vector<16xi32>], vector<16xf32>,
      %gather3A_907 = tpu.vector_load_idx %arg14[%and3A_4, %broadcast_in_dim3A_904, %gather3A_889] : memref<8x32x128xf32, #tpu.memory_space<vmem>>[vector<16xi32>, vector<16xi32>, vector<16xi32>], vector<16xf32>,
      %mul3A_908 = arith.mulf %gather3A_905, %gather3A_906 : vector<16xf32>
      %add3A_909 = arith.addf %add3A_900, %mul3A_908 : vector<16xf32>
      %mul3A_910 = arith.mulf %gather3A_905, %gather3A_907 : vector<16xf32>
      %add3A_911 = arith.addf %add3A_902, %mul3A_910 : vector<16xf32>
      %broadcast_in_dim3A_912 = arith.constant 2 : i32
      %broadcast_in_dim3A_913 = vector.broadcast %broadcast_in_dim3A_912 : i32 to vector<16xi32>
      %gather3A_914 = tpu.vector_load_idx %arg12[%and3A_4, %broadcast_in_dim3A_913, %gather3A_869] : memref<8x32x128xf32, #tpu.memory_space<vmem>>[vector<16xi32>, vector<16xi32>, vector<16xi32>], vector<16xf32>,
      %gather3A_915 = tpu.vector_load_idx %arg13[%and3A_4, %broadcast_in_dim3A_913, %gather3A_879] : memref<8x32x128xf32, #tpu.memory_space<vmem>>[vector<16xi32>, vector<16xi32>, vector<16xi32>], vector<16xf32>,
      %gather3A_916 = tpu.vector_load_idx %arg14[%and3A_4, %broadcast_in_dim3A_913, %gather3A_889] : memref<8x32x128xf32, #tpu.memory_space<vmem>>[vector<16xi32>, vector<16xi32>, vector<16xi32>], vector<16xf32>,
      %mul3A_917 = arith.mulf %gather3A_914, %gather3A_915 : vector<16xf32>
      %add3A_918 = arith.addf %add3A_909, %mul3A_917 : vector<16xf32>
      %mul3A_919 = arith.mulf %gather3A_914, %gather3A_916 : vector<16xf32>
      %add3A_920 = arith.addf %add3A_911, %mul3A_919 : vector<16xf32>
      %broadcast_in_dim3A_921 = arith.constant 3 : i32
      %broadcast_in_dim3A_922 = vector.broadcast %broadcast_in_dim3A_921 : i32 to vector<16xi32>
      %gather3A_923 = tpu.vector_load_idx %arg12[%and3A_4, %broadcast_in_dim3A_922, %gather3A_869] : memref<8x32x128xf32, #tpu.memory_space<vmem>>[vector<16xi32>, vector<16xi32>, vector<16xi32>], vector<16xf32>,
      %gather3A_924 = tpu.vector_load_idx %arg13[%and3A_4, %broadcast_in_dim3A_922, %gather3A_879] : memref<8x32x128xf32, #tpu.memory_space<vmem>>[vector<16xi32>, vector<16xi32>, vector<16xi32>], vector<16xf32>,
      %gather3A_925 = tpu.vector_load_idx %arg14[%and3A_4, %broadcast_in_dim3A_922, %gather3A_889] : memref<8x32x128xf32, #tpu.memory_space<vmem>>[vector<16xi32>, vector<16xi32>, vector<16xi32>], vector<16xf32>,
      %mul3A_926 = arith.mulf %gather3A_923, %gather3A_924 : vector<16xf32>
      %add3A_927 = arith.addf %add3A_918, %mul3A_926 : vector<16xf32>
      %mul3A_928 = arith.mulf %gather3A_923, %gather3A_925 : vector<16xf32>
      %add3A_929 = arith.addf %add3A_920, %mul3A_928 : vector<16xf32>
      %broadcast_in_dim3A_930 = arith.constant 4 : i32
      %broadcast_in_dim3A_931 = vector.broadcast %broadcast_in_dim3A_930 : i32 to vector<16xi32>
      %gather3A_932 = tpu.vector_load_idx %arg12[%and3A_4, %broadcast_in_dim3A_931, %gather3A_869] : memref<8x32x128xf32, #tpu.memory_space<vmem>>[vector<16xi32>, vector<16xi32>, vector<16xi32>], vector<16xf32>,
      %gather3A_933 = tpu.vector_load_idx %arg13[%and3A_4, %broadcast_in_dim3A_931, %gather3A_879] : memref<8x32x128xf32, #tpu.memory_space<vmem>>[vector<16xi32>, vector<16xi32>, vector<16xi32>], vector<16xf32>,
      %gather3A_934 = tpu.vector_load_idx %arg14[%and3A_4, %broadcast_in_dim3A_931, %gather3A_889] : memref<8x32x128xf32, #tpu.memory_space<vmem>>[vector<16xi32>, vector<16xi32>, vector<16xi32>], vector<16xf32>,
      %mul3A_935 = arith.mulf %gather3A_932, %gather3A_933 : vector<16xf32>
      %add3A_936 = arith.addf %add3A_927, %mul3A_935 : vector<16xf32>
      %mul3A_937 = arith.mulf %gather3A_932, %gather3A_934 : vector<16xf32>
      %add3A_938 = arith.addf %add3A_929, %mul3A_937 : vector<16xf32>
      %broadcast_in_dim3A_939 = arith.constant 5 : i32
      %broadcast_in_dim3A_940 = vector.broadcast %broadcast_in_dim3A_939 : i32 to vector<16xi32>
      %gather3A_941 = tpu.vector_load_idx %arg12[%and3A_4, %broadcast_in_dim3A_940, %gather3A_869] : memref<8x32x128xf32, #tpu.memory_space<vmem>>[vector<16xi32>, vector<16xi32>, vector<16xi32>], vector<16xf32>,
      %gather3A_942 = tpu.vector_load_idx %arg13[%and3A_4, %broadcast_in_dim3A_940, %gather3A_879] : memref<8x32x128xf32, #tpu.memory_space<vmem>>[vector<16xi32>, vector<16xi32>, vector<16xi32>], vector<16xf32>,
      %gather3A_943 = tpu.vector_load_idx %arg14[%and3A_4, %broadcast_in_dim3A_940, %gather3A_889] : memref<8x32x128xf32, #tpu.memory_space<vmem>>[vector<16xi32>, vector<16xi32>, vector<16xi32>], vector<16xf32>,
      %mul3A_944 = arith.mulf %gather3A_941, %gather3A_942 : vector<16xf32>
      %add3A_945 = arith.addf %add3A_936, %mul3A_944 : vector<16xf32>
      %mul3A_946 = arith.mulf %gather3A_941, %gather3A_943 : vector<16xf32>
      %add3A_947 = arith.addf %add3A_938, %mul3A_946 : vector<16xf32>
      %broadcast_in_dim3A_948 = arith.constant 6 : i32
      %broadcast_in_dim3A_949 = vector.broadcast %broadcast_in_dim3A_948 : i32 to vector<16xi32>
      %gather3A_950 = tpu.vector_load_idx %arg12[%and3A_4, %broadcast_in_dim3A_949, %gather3A_869] : memref<8x32x128xf32, #tpu.memory_space<vmem>>[vector<16xi32>, vector<16xi32>, vector<16xi32>], vector<16xf32>,
      %gather3A_951 = tpu.vector_load_idx %arg13[%and3A_4, %broadcast_in_dim3A_949, %gather3A_879] : memref<8x32x128xf32, #tpu.memory_space<vmem>>[vector<16xi32>, vector<16xi32>, vector<16xi32>], vector<16xf32>,
      %gather3A_952 = tpu.vector_load_idx %arg14[%and3A_4, %broadcast_in_dim3A_949, %gather3A_889] : memref<8x32x128xf32, #tpu.memory_space<vmem>>[vector<16xi32>, vector<16xi32>, vector<16xi32>], vector<16xf32>,
      %mul3A_953 = arith.mulf %gather3A_950, %gather3A_951 : vector<16xf32>
      %add3A_954 = arith.addf %add3A_945, %mul3A_953 : vector<16xf32>
      %mul3A_955 = arith.mulf %gather3A_950, %gather3A_952 : vector<16xf32>
      %add3A_956 = arith.addf %add3A_947, %mul3A_955 : vector<16xf32>
      %broadcast_in_dim3A_957 = arith.constant 7 : i32
      %broadcast_in_dim3A_958 = vector.broadcast %broadcast_in_dim3A_957 : i32 to vector<16xi32>
      %gather3A_959 = tpu.vector_load_idx %arg12[%and3A_4, %broadcast_in_dim3A_958, %gather3A_869] : memref<8x32x128xf32, #tpu.memory_space<vmem>>[vector<16xi32>, vector<16xi32>, vector<16xi32>], vector<16xf32>,
      %gather3A_960 = tpu.vector_load_idx %arg13[%and3A_4, %broadcast_in_dim3A_958, %gather3A_879] : memref<8x32x128xf32, #tpu.memory_space<vmem>>[vector<16xi32>, vector<16xi32>, vector<16xi32>], vector<16xf32>,
      %gather3A_961 = tpu.vector_load_idx %arg14[%and3A_4, %broadcast_in_dim3A_958, %gather3A_889] : memref<8x32x128xf32, #tpu.memory_space<vmem>>[vector<16xi32>, vector<16xi32>, vector<16xi32>], vector<16xf32>,
      %mul3A_962 = arith.mulf %gather3A_959, %gather3A_960 : vector<16xf32>
      %add3A_963 = arith.addf %add3A_954, %mul3A_962 : vector<16xf32>
      %mul3A_964 = arith.mulf %gather3A_959, %gather3A_961 : vector<16xf32>
      %add3A_965 = arith.addf %add3A_956, %mul3A_964 : vector<16xf32>
      %broadcast_in_dim3A_966 = arith.constant 8 : i32
      %broadcast_in_dim3A_967 = vector.broadcast %broadcast_in_dim3A_966 : i32 to vector<16xi32>
      %gather3A_968 = tpu.vector_load_idx %arg12[%and3A_4, %broadcast_in_dim3A_967, %gather3A_869] : memref<8x32x128xf32, #tpu.memory_space<vmem>>[vector<16xi32>, vector<16xi32>, vector<16xi32>], vector<16xf32>,
      %gather3A_969 = tpu.vector_load_idx %arg13[%and3A_4, %broadcast_in_dim3A_967, %gather3A_879] : memref<8x32x128xf32, #tpu.memory_space<vmem>>[vector<16xi32>, vector<16xi32>, vector<16xi32>], vector<16xf32>,
      %gather3A_970 = tpu.vector_load_idx %arg14[%and3A_4, %broadcast_in_dim3A_967, %gather3A_889] : memref<8x32x128xf32, #tpu.memory_space<vmem>>[vector<16xi32>, vector<16xi32>, vector<16xi32>], vector<16xf32>,
      %mul3A_971 = arith.mulf %gather3A_968, %gather3A_969 : vector<16xf32>
      %add3A_972 = arith.addf %add3A_963, %mul3A_971 : vector<16xf32>
      %mul3A_973 = arith.mulf %gather3A_968, %gather3A_970 : vector<16xf32>
      %add3A_974 = arith.addf %add3A_965, %mul3A_973 : vector<16xf32>
      %broadcast_in_dim3A_975 = arith.constant 9 : i32
      %broadcast_in_dim3A_976 = vector.broadcast %broadcast_in_dim3A_975 : i32 to vector<16xi32>
      %gather3A_977 = tpu.vector_load_idx %arg12[%and3A_4, %broadcast_in_dim3A_976, %gather3A_869] : memref<8x32x128xf32, #tpu.memory_space<vmem>>[vector<16xi32>, vector<16xi32>, vector<16xi32>], vector<16xf32>,
      %gather3A_978 = tpu.vector_load_idx %arg13[%and3A_4, %broadcast_in_dim3A_976, %gather3A_879] : memref<8x32x128xf32, #tpu.memory_space<vmem>>[vector<16xi32>, vector<16xi32>, vector<16xi32>], vector<16xf32>,
      %gather3A_979 = tpu.vector_load_idx %arg14[%and3A_4, %broadcast_in_dim3A_976, %gather3A_889] : memref<8x32x128xf32, #tpu.memory_space<vmem>>[vector<16xi32>, vector<16xi32>, vector<16xi32>], vector<16xf32>,
      %mul3A_980 = arith.mulf %gather3A_977, %gather3A_978 : vector<16xf32>
      %add3A_981 = arith.addf %add3A_972, %mul3A_980 : vector<16xf32>
      %mul3A_982 = arith.mulf %gather3A_977, %gather3A_979 : vector<16xf32>
      %add3A_983 = arith.addf %add3A_974, %mul3A_982 : vector<16xf32>
      %broadcast_in_dim3A_984 = arith.constant 10 : i32
      %broadcast_in_dim3A_985 = vector.broadcast %broadcast_in_dim3A_984 : i32 to vector<16xi32>
      %gather3A_986 = tpu.vector_load_idx %arg12[%and3A_4, %broadcast_in_dim3A_985, %gather3A_869] : memref<8x32x128xf32, #tpu.memory_space<vmem>>[vector<16xi32>, vector<16xi32>, vector<16xi32>], vector<16xf32>,
      %gather3A_987 = tpu.vector_load_idx %arg13[%and3A_4, %broadcast_in_dim3A_985, %gather3A_879] : memref<8x32x128xf32, #tpu.memory_space<vmem>>[vector<16xi32>, vector<16xi32>, vector<16xi32>], vector<16xf32>,
      %gather3A_988 = tpu.vector_load_idx %arg14[%and3A_4, %broadcast_in_dim3A_985, %gather3A_889] : memref<8x32x128xf32, #tpu.memory_space<vmem>>[vector<16xi32>, vector<16xi32>, vector<16xi32>], vector<16xf32>,
      %mul3A_989 = arith.mulf %gather3A_986, %gather3A_987 : vector<16xf32>
      %add3A_990 = arith.addf %add3A_981, %mul3A_989 : vector<16xf32>
      %mul3A_991 = arith.mulf %gather3A_986, %gather3A_988 : vector<16xf32>
      %add3A_992 = arith.addf %add3A_983, %mul3A_991 : vector<16xf32>
      %broadcast_in_dim3A_993 = arith.constant 11 : i32
      %broadcast_in_dim3A_994 = vector.broadcast %broadcast_in_dim3A_993 : i32 to vector<16xi32>
      %gather3A_995 = tpu.vector_load_idx %arg12[%and3A_4, %broadcast_in_dim3A_994, %gather3A_869] : memref<8x32x128xf32, #tpu.memory_space<vmem>>[vector<16xi32>, vector<16xi32>, vector<16xi32>], vector<16xf32>,
      %gather3A_996 = tpu.vector_load_idx %arg13[%and3A_4, %broadcast_in_dim3A_994, %gather3A_879] : memref<8x32x128xf32, #tpu.memory_space<vmem>>[vector<16xi32>, vector<16xi32>, vector<16xi32>], vector<16xf32>,
      %gather3A_997 = tpu.vector_load_idx %arg14[%and3A_4, %broadcast_in_dim3A_994, %gather3A_889] : memref<8x32x128xf32, #tpu.memory_space<vmem>>[vector<16xi32>, vector<16xi32>, vector<16xi32>], vector<16xf32>,
      %mul3A_998 = arith.mulf %gather3A_995, %gather3A_996 : vector<16xf32>
      %add3A_999 = arith.addf %add3A_990, %mul3A_998 : vector<16xf32>
      %mul3A_1000 = arith.mulf %gather3A_995, %gather3A_997 : vector<16xf32>
      %add3A_1001 = arith.addf %add3A_992, %mul3A_1000 : vector<16xf32>
      %broadcast_in_dim3A_1002 = arith.constant 12 : i32
      %broadcast_in_dim3A_1003 = vector.broadcast %broadcast_in_dim3A_1002 : i32 to vector<16xi32>
      %gather3A_1004 = tpu.vector_load_idx %arg12[%and3A_4, %broadcast_in_dim3A_1003, %gather3A_869] : memref<8x32x128xf32, #tpu.memory_space<vmem>>[vector<16xi32>, vector<16xi32>, vector<16xi32>], vector<16xf32>,
      %gather3A_1005 = tpu.vector_load_idx %arg13[%and3A_4, %broadcast_in_dim3A_1003, %gather3A_879] : memref<8x32x128xf32, #tpu.memory_space<vmem>>[vector<16xi32>, vector<16xi32>, vector<16xi32>], vector<16xf32>,
      %gather3A_1006 = tpu.vector_load_idx %arg14[%and3A_4, %broadcast_in_dim3A_1003, %gather3A_889] : memref<8x32x128xf32, #tpu.memory_space<vmem>>[vector<16xi32>, vector<16xi32>, vector<16xi32>], vector<16xf32>,
      %mul3A_1007 = arith.mulf %gather3A_1004, %gather3A_1005 : vector<16xf32>
      %add3A_1008 = arith.addf %add3A_999, %mul3A_1007 : vector<16xf32>
      %mul3A_1009 = arith.mulf %gather3A_1004, %gather3A_1006 : vector<16xf32>
      %add3A_1010 = arith.addf %add3A_1001, %mul3A_1009 : vector<16xf32>
      %broadcast_in_dim3A_1011 = arith.constant 13 : i32
      %broadcast_in_dim3A_1012 = vector.broadcast %broadcast_in_dim3A_1011 : i32 to vector<16xi32>
      %gather3A_1013 = tpu.vector_load_idx %arg12[%and3A_4, %broadcast_in_dim3A_1012, %gather3A_869] : memref<8x32x128xf32, #tpu.memory_space<vmem>>[vector<16xi32>, vector<16xi32>, vector<16xi32>], vector<16xf32>,
      %gather3A_1014 = tpu.vector_load_idx %arg13[%and3A_4, %broadcast_in_dim3A_1012, %gather3A_879] : memref<8x32x128xf32, #tpu.memory_space<vmem>>[vector<16xi32>, vector<16xi32>, vector<16xi32>], vector<16xf32>,
      %gather3A_1015 = tpu.vector_load_idx %arg14[%and3A_4, %broadcast_in_dim3A_1012, %gather3A_889] : memref<8x32x128xf32, #tpu.memory_space<vmem>>[vector<16xi32>, vector<16xi32>, vector<16xi32>], vector<16xf32>,
      %mul3A_1016 = arith.mulf %gather3A_1013, %gather3A_1014 : vector<16xf32>
      %add3A_1017 = arith.addf %add3A_1008, %mul3A_1016 : vector<16xf32>
      %mul3A_1018 = arith.mulf %gather3A_1013, %gather3A_1015 : vector<16xf32>
      %add3A_1019 = arith.addf %add3A_1010, %mul3A_1018 : vector<16xf32>
      %broadcast_in_dim3A_1020 = arith.constant 14 : i32
      %broadcast_in_dim3A_1021 = vector.broadcast %broadcast_in_dim3A_1020 : i32 to vector<16xi32>
      %gather3A_1022 = tpu.vector_load_idx %arg12[%and3A_4, %broadcast_in_dim3A_1021, %gather3A_869] : memref<8x32x128xf32, #tpu.memory_space<vmem>>[vector<16xi32>, vector<16xi32>, vector<16xi32>], vector<16xf32>,
      %gather3A_1023 = tpu.vector_load_idx %arg13[%and3A_4, %broadcast_in_dim3A_1021, %gather3A_879] : memref<8x32x128xf32, #tpu.memory_space<vmem>>[vector<16xi32>, vector<16xi32>, vector<16xi32>], vector<16xf32>,
      %gather3A_1024 = tpu.vector_load_idx %arg14[%and3A_4, %broadcast_in_dim3A_1021, %gather3A_889] : memref<8x32x128xf32, #tpu.memory_space<vmem>>[vector<16xi32>, vector<16xi32>, vector<16xi32>], vector<16xf32>,
      %mul3A_1025 = arith.mulf %gather3A_1022, %gather3A_1023 : vector<16xf32>
      %add3A_1026 = arith.addf %add3A_1017, %mul3A_1025 : vector<16xf32>
      %mul3A_1027 = arith.mulf %gather3A_1022, %gather3A_1024 : vector<16xf32>
      %add3A_1028 = arith.addf %add3A_1019, %mul3A_1027 : vector<16xf32>
      %broadcast_in_dim3A_1029 = arith.constant 15 : i32
      %broadcast_in_dim3A_1030 = vector.broadcast %broadcast_in_dim3A_1029 : i32 to vector<16xi32>
      %gather3A_1031 = tpu.vector_load_idx %arg12[%and3A_4, %broadcast_in_dim3A_1030, %gather3A_869] : memref<8x32x128xf32, #tpu.memory_space<vmem>>[vector<16xi32>, vector<16xi32>, vector<16xi32>], vector<16xf32>,
      %gather3A_1032 = tpu.vector_load_idx %arg13[%and3A_4, %broadcast_in_dim3A_1030, %gather3A_879] : memref<8x32x128xf32, #tpu.memory_space<vmem>>[vector<16xi32>, vector<16xi32>, vector<16xi32>], vector<16xf32>,
      %gather3A_1033 = tpu.vector_load_idx %arg14[%and3A_4, %broadcast_in_dim3A_1030, %gather3A_889] : memref<8x32x128xf32, #tpu.memory_space<vmem>>[vector<16xi32>, vector<16xi32>, vector<16xi32>], vector<16xf32>,
      %mul3A_1034 = arith.mulf %gather3A_1031, %gather3A_1032 : vector<16xf32>
      %add3A_1035 = arith.addf %add3A_1026, %mul3A_1034 : vector<16xf32>
      %mul3A_1036 = arith.mulf %gather3A_1031, %gather3A_1033 : vector<16xf32>
      %add3A_1037 = arith.addf %add3A_1028, %mul3A_1036 : vector<16xf32>
      %broadcast_in_dim3A_1038 = arith.constant 16 : i32
      %broadcast_in_dim3A_1039 = vector.broadcast %broadcast_in_dim3A_1038 : i32 to vector<16xi32>
      %gather3A_1040 = tpu.vector_load_idx %arg12[%and3A_4, %broadcast_in_dim3A_1039, %gather3A_869] : memref<8x32x128xf32, #tpu.memory_space<vmem>>[vector<16xi32>, vector<16xi32>, vector<16xi32>], vector<16xf32>,
      %gather3A_1041 = tpu.vector_load_idx %arg13[%and3A_4, %broadcast_in_dim3A_1039, %gather3A_879] : memref<8x32x128xf32, #tpu.memory_space<vmem>>[vector<16xi32>, vector<16xi32>, vector<16xi32>], vector<16xf32>,
      %gather3A_1042 = tpu.vector_load_idx %arg14[%and3A_4, %broadcast_in_dim3A_1039, %gather3A_889] : memref<8x32x128xf32, #tpu.memory_space<vmem>>[vector<16xi32>, vector<16xi32>, vector<16xi32>], vector<16xf32>,
      %mul3A_1043 = arith.mulf %gather3A_1040, %gather3A_1041 : vector<16xf32>
      %add3A_1044 = arith.addf %add3A_1035, %mul3A_1043 : vector<16xf32>
      %mul3A_1045 = arith.mulf %gather3A_1040, %gather3A_1042 : vector<16xf32>
      %add3A_1046 = arith.addf %add3A_1037, %mul3A_1045 : vector<16xf32>
      %broadcast_in_dim3A_1047 = arith.constant 17 : i32
      %broadcast_in_dim3A_1048 = vector.broadcast %broadcast_in_dim3A_1047 : i32 to vector<16xi32>
      %gather3A_1049 = tpu.vector_load_idx %arg12[%and3A_4, %broadcast_in_dim3A_1048, %gather3A_869] : memref<8x32x128xf32, #tpu.memory_space<vmem>>[vector<16xi32>, vector<16xi32>, vector<16xi32>], vector<16xf32>,
      %gather3A_1050 = tpu.vector_load_idx %arg13[%and3A_4, %broadcast_in_dim3A_1048, %gather3A_879] : memref<8x32x128xf32, #tpu.memory_space<vmem>>[vector<16xi32>, vector<16xi32>, vector<16xi32>], vector<16xf32>,
      %gather3A_1051 = tpu.vector_load_idx %arg14[%and3A_4, %broadcast_in_dim3A_1048, %gather3A_889] : memref<8x32x128xf32, #tpu.memory_space<vmem>>[vector<16xi32>, vector<16xi32>, vector<16xi32>], vector<16xf32>,
      %mul3A_1052 = arith.mulf %gather3A_1049, %gather3A_1050 : vector<16xf32>
      %add3A_1053 = arith.addf %add3A_1044, %mul3A_1052 : vector<16xf32>
      %mul3A_1054 = arith.mulf %gather3A_1049, %gather3A_1051 : vector<16xf32>
      %add3A_1055 = arith.addf %add3A_1046, %mul3A_1054 : vector<16xf32>
      %broadcast_in_dim3A_1056 = arith.constant 18 : i32
      %broadcast_in_dim3A_1057 = vector.broadcast %broadcast_in_dim3A_1056 : i32 to vector<16xi32>
      %gather3A_1058 = tpu.vector_load_idx %arg12[%and3A_4, %broadcast_in_dim3A_1057, %gather3A_869] : memref<8x32x128xf32, #tpu.memory_space<vmem>>[vector<16xi32>, vector<16xi32>, vector<16xi32>], vector<16xf32>,
      %gather3A_1059 = tpu.vector_load_idx %arg13[%and3A_4, %broadcast_in_dim3A_1057, %gather3A_879] : memref<8x32x128xf32, #tpu.memory_space<vmem>>[vector<16xi32>, vector<16xi32>, vector<16xi32>], vector<16xf32>,
      %gather3A_1060 = tpu.vector_load_idx %arg14[%and3A_4, %broadcast_in_dim3A_1057, %gather3A_889] : memref<8x32x128xf32, #tpu.memory_space<vmem>>[vector<16xi32>, vector<16xi32>, vector<16xi32>], vector<16xf32>,
      %mul3A_1061 = arith.mulf %gather3A_1058, %gather3A_1059 : vector<16xf32>
      %add3A_1062 = arith.addf %add3A_1053, %mul3A_1061 : vector<16xf32>
      %mul3A_1063 = arith.mulf %gather3A_1058, %gather3A_1060 : vector<16xf32>
      %add3A_1064 = arith.addf %add3A_1055, %mul3A_1063 : vector<16xf32>
      %broadcast_in_dim3A_1065 = arith.constant 19 : i32
      %broadcast_in_dim3A_1066 = vector.broadcast %broadcast_in_dim3A_1065 : i32 to vector<16xi32>
      %gather3A_1067 = tpu.vector_load_idx %arg12[%and3A_4, %broadcast_in_dim3A_1066, %gather3A_869] : memref<8x32x128xf32, #tpu.memory_space<vmem>>[vector<16xi32>, vector<16xi32>, vector<16xi32>], vector<16xf32>,
      %gather3A_1068 = tpu.vector_load_idx %arg13[%and3A_4, %broadcast_in_dim3A_1066, %gather3A_879] : memref<8x32x128xf32, #tpu.memory_space<vmem>>[vector<16xi32>, vector<16xi32>, vector<16xi32>], vector<16xf32>,
      %gather3A_1069 = tpu.vector_load_idx %arg14[%and3A_4, %broadcast_in_dim3A_1066, %gather3A_889] : memref<8x32x128xf32, #tpu.memory_space<vmem>>[vector<16xi32>, vector<16xi32>, vector<16xi32>], vector<16xf32>,
      %mul3A_1070 = arith.mulf %gather3A_1067, %gather3A_1068 : vector<16xf32>
      %add3A_1071 = arith.addf %add3A_1062, %mul3A_1070 : vector<16xf32>
      %mul3A_1072 = arith.mulf %gather3A_1067, %gather3A_1069 : vector<16xf32>
      %add3A_1073 = arith.addf %add3A_1064, %mul3A_1072 : vector<16xf32>
      %broadcast_in_dim3A_1074 = arith.constant 20 : i32
      %broadcast_in_dim3A_1075 = vector.broadcast %broadcast_in_dim3A_1074 : i32 to vector<16xi32>
      %gather3A_1076 = tpu.vector_load_idx %arg12[%and3A_4, %broadcast_in_dim3A_1075, %gather3A_869] : memref<8x32x128xf32, #tpu.memory_space<vmem>>[vector<16xi32>, vector<16xi32>, vector<16xi32>], vector<16xf32>,
      %gather3A_1077 = tpu.vector_load_idx %arg13[%and3A_4, %broadcast_in_dim3A_1075, %gather3A_879] : memref<8x32x128xf32, #tpu.memory_space<vmem>>[vector<16xi32>, vector<16xi32>, vector<16xi32>], vector<16xf32>,
      %gather3A_1078 = tpu.vector_load_idx %arg14[%and3A_4, %broadcast_in_dim3A_1075, %gather3A_889] : memref<8x32x128xf32, #tpu.memory_space<vmem>>[vector<16xi32>, vector<16xi32>, vector<16xi32>], vector<16xf32>,
      %mul3A_1079 = arith.mulf %gather3A_1076, %gather3A_1077 : vector<16xf32>
      %add3A_1080 = arith.addf %add3A_1071, %mul3A_1079 : vector<16xf32>
      %mul3A_1081 = arith.mulf %gather3A_1076, %gather3A_1078 : vector<16xf32>
      %add3A_1082 = arith.addf %add3A_1073, %mul3A_1081 : vector<16xf32>
      %broadcast_in_dim3A_1083 = arith.constant 21 : i32
      %broadcast_in_dim3A_1084 = vector.broadcast %broadcast_in_dim3A_1083 : i32 to vector<16xi32>
      %gather3A_1085 = tpu.vector_load_idx %arg12[%and3A_4, %broadcast_in_dim3A_1084, %gather3A_869] : memref<8x32x128xf32, #tpu.memory_space<vmem>>[vector<16xi32>, vector<16xi32>, vector<16xi32>], vector<16xf32>,
      %gather3A_1086 = tpu.vector_load_idx %arg13[%and3A_4, %broadcast_in_dim3A_1084, %gather3A_879] : memref<8x32x128xf32, #tpu.memory_space<vmem>>[vector<16xi32>, vector<16xi32>, vector<16xi32>], vector<16xf32>,
      %gather3A_1087 = tpu.vector_load_idx %arg14[%and3A_4, %broadcast_in_dim3A_1084, %gather3A_889] : memref<8x32x128xf32, #tpu.memory_space<vmem>>[vector<16xi32>, vector<16xi32>, vector<16xi32>], vector<16xf32>,
      %mul3A_1088 = arith.mulf %gather3A_1085, %gather3A_1086 : vector<16xf32>
      %add3A_1089 = arith.addf %add3A_1080, %mul3A_1088 : vector<16xf32>
      %mul3A_1090 = arith.mulf %gather3A_1085, %gather3A_1087 : vector<16xf32>
      %add3A_1091 = arith.addf %add3A_1082, %mul3A_1090 : vector<16xf32>
      %broadcast_in_dim3A_1092 = arith.constant 22 : i32
      %broadcast_in_dim3A_1093 = vector.broadcast %broadcast_in_dim3A_1092 : i32 to vector<16xi32>
      %gather3A_1094 = tpu.vector_load_idx %arg12[%and3A_4, %broadcast_in_dim3A_1093, %gather3A_869] : memref<8x32x128xf32, #tpu.memory_space<vmem>>[vector<16xi32>, vector<16xi32>, vector<16xi32>], vector<16xf32>,
      %gather3A_1095 = tpu.vector_load_idx %arg13[%and3A_4, %broadcast_in_dim3A_1093, %gather3A_879] : memref<8x32x128xf32, #tpu.memory_space<vmem>>[vector<16xi32>, vector<16xi32>, vector<16xi32>], vector<16xf32>,
      %gather3A_1096 = tpu.vector_load_idx %arg14[%and3A_4, %broadcast_in_dim3A_1093, %gather3A_889] : memref<8x32x128xf32, #tpu.memory_space<vmem>>[vector<16xi32>, vector<16xi32>, vector<16xi32>], vector<16xf32>,
      %mul3A_1097 = arith.mulf %gather3A_1094, %gather3A_1095 : vector<16xf32>
      %add3A_1098 = arith.addf %add3A_1089, %mul3A_1097 : vector<16xf32>
      %mul3A_1099 = arith.mulf %gather3A_1094, %gather3A_1096 : vector<16xf32>
      %add3A_1100 = arith.addf %add3A_1091, %mul3A_1099 : vector<16xf32>
      %broadcast_in_dim3A_1101 = arith.constant 23 : i32
      %broadcast_in_dim3A_1102 = vector.broadcast %broadcast_in_dim3A_1101 : i32 to vector<16xi32>
      %gather3A_1103 = tpu.vector_load_idx %arg12[%and3A_4, %broadcast_in_dim3A_1102, %gather3A_869] : memref<8x32x128xf32, #tpu.memory_space<vmem>>[vector<16xi32>, vector<16xi32>, vector<16xi32>], vector<16xf32>,
      %gather3A_1104 = tpu.vector_load_idx %arg13[%and3A_4, %broadcast_in_dim3A_1102, %gather3A_879] : memref<8x32x128xf32, #tpu.memory_space<vmem>>[vector<16xi32>, vector<16xi32>, vector<16xi32>], vector<16xf32>,
      %gather3A_1105 = tpu.vector_load_idx %arg14[%and3A_4, %broadcast_in_dim3A_1102, %gather3A_889] : memref<8x32x128xf32, #tpu.memory_space<vmem>>[vector<16xi32>, vector<16xi32>, vector<16xi32>], vector<16xf32>,
      %mul3A_1106 = arith.mulf %gather3A_1103, %gather3A_1104 : vector<16xf32>
      %add3A_1107 = arith.addf %add3A_1098, %mul3A_1106 : vector<16xf32>
      %mul3A_1108 = arith.mulf %gather3A_1103, %gather3A_1105 : vector<16xf32>
      %add3A_1109 = arith.addf %add3A_1100, %mul3A_1108 : vector<16xf32>
      %broadcast_in_dim3A_1110 = arith.constant 24 : i32
      %broadcast_in_dim3A_1111 = vector.broadcast %broadcast_in_dim3A_1110 : i32 to vector<16xi32>
      %gather3A_1112 = tpu.vector_load_idx %arg12[%and3A_4, %broadcast_in_dim3A_1111, %gather3A_869] : memref<8x32x128xf32, #tpu.memory_space<vmem>>[vector<16xi32>, vector<16xi32>, vector<16xi32>], vector<16xf32>,
      %gather3A_1113 = tpu.vector_load_idx %arg13[%and3A_4, %broadcast_in_dim3A_1111, %gather3A_879] : memref<8x32x128xf32, #tpu.memory_space<vmem>>[vector<16xi32>, vector<16xi32>, vector<16xi32>], vector<16xf32>,
      %gather3A_1114 = tpu.vector_load_idx %arg14[%and3A_4, %broadcast_in_dim3A_1111, %gather3A_889] : memref<8x32x128xf32, #tpu.memory_space<vmem>>[vector<16xi32>, vector<16xi32>, vector<16xi32>], vector<16xf32>,
      %mul3A_1115 = arith.mulf %gather3A_1112, %gather3A_1113 : vector<16xf32>
      %add3A_1116 = arith.addf %add3A_1107, %mul3A_1115 : vector<16xf32>
      %mul3A_1117 = arith.mulf %gather3A_1112, %gather3A_1114 : vector<16xf32>
      %add3A_1118 = arith.addf %add3A_1109, %mul3A_1117 : vector<16xf32>
      %broadcast_in_dim3A_1119 = arith.constant 25 : i32
      %broadcast_in_dim3A_1120 = vector.broadcast %broadcast_in_dim3A_1119 : i32 to vector<16xi32>
      %gather3A_1121 = tpu.vector_load_idx %arg12[%and3A_4, %broadcast_in_dim3A_1120, %gather3A_869] : memref<8x32x128xf32, #tpu.memory_space<vmem>>[vector<16xi32>, vector<16xi32>, vector<16xi32>], vector<16xf32>,
      %gather3A_1122 = tpu.vector_load_idx %arg13[%and3A_4, %broadcast_in_dim3A_1120, %gather3A_879] : memref<8x32x128xf32, #tpu.memory_space<vmem>>[vector<16xi32>, vector<16xi32>, vector<16xi32>], vector<16xf32>,
      %gather3A_1123 = tpu.vector_load_idx %arg14[%and3A_4, %broadcast_in_dim3A_1120, %gather3A_889] : memref<8x32x128xf32, #tpu.memory_space<vmem>>[vector<16xi32>, vector<16xi32>, vector<16xi32>], vector<16xf32>,
      %mul3A_1124 = arith.mulf %gather3A_1121, %gather3A_1122 : vector<16xf32>
      %add3A_1125 = arith.addf %add3A_1116, %mul3A_1124 : vector<16xf32>
      %mul3A_1126 = arith.mulf %gather3A_1121, %gather3A_1123 : vector<16xf32>
      %add3A_1127 = arith.addf %add3A_1118, %mul3A_1126 : vector<16xf32>
      %broadcast_in_dim3A_1128 = arith.constant 26 : i32
      %broadcast_in_dim3A_1129 = vector.broadcast %broadcast_in_dim3A_1128 : i32 to vector<16xi32>
      %gather3A_1130 = tpu.vector_load_idx %arg12[%and3A_4, %broadcast_in_dim3A_1129, %gather3A_869] : memref<8x32x128xf32, #tpu.memory_space<vmem>>[vector<16xi32>, vector<16xi32>, vector<16xi32>], vector<16xf32>,
      %gather3A_1131 = tpu.vector_load_idx %arg13[%and3A_4, %broadcast_in_dim3A_1129, %gather3A_879] : memref<8x32x128xf32, #tpu.memory_space<vmem>>[vector<16xi32>, vector<16xi32>, vector<16xi32>], vector<16xf32>,
      %gather3A_1132 = tpu.vector_load_idx %arg14[%and3A_4, %broadcast_in_dim3A_1129, %gather3A_889] : memref<8x32x128xf32, #tpu.memory_space<vmem>>[vector<16xi32>, vector<16xi32>, vector<16xi32>], vector<16xf32>,
      %mul3A_1133 = arith.mulf %gather3A_1130, %gather3A_1131 : vector<16xf32>
      %add3A_1134 = arith.addf %add3A_1125, %mul3A_1133 : vector<16xf32>
      %mul3A_1135 = arith.mulf %gather3A_1130, %gather3A_1132 : vector<16xf32>
      %add3A_1136 = arith.addf %add3A_1127, %mul3A_1135 : vector<16xf32>
      %broadcast_in_dim3A_1137 = arith.constant 27 : i32
      %broadcast_in_dim3A_1138 = vector.broadcast %broadcast_in_dim3A_1137 : i32 to vector<16xi32>
      %gather3A_1139 = tpu.vector_load_idx %arg12[%and3A_4, %broadcast_in_dim3A_1138, %gather3A_869] : memref<8x32x128xf32, #tpu.memory_space<vmem>>[vector<16xi32>, vector<16xi32>, vector<16xi32>], vector<16xf32>,
      %gather3A_1140 = tpu.vector_load_idx %arg13[%and3A_4, %broadcast_in_dim3A_1138, %gather3A_879] : memref<8x32x128xf32, #tpu.memory_space<vmem>>[vector<16xi32>, vector<16xi32>, vector<16xi32>], vector<16xf32>,
      %gather3A_1141 = tpu.vector_load_idx %arg14[%and3A_4, %broadcast_in_dim3A_1138, %gather3A_889] : memref<8x32x128xf32, #tpu.memory_space<vmem>>[vector<16xi32>, vector<16xi32>, vector<16xi32>], vector<16xf32>,
      %mul3A_1142 = arith.mulf %gather3A_1139, %gather3A_1140 : vector<16xf32>
      %add3A_1143 = arith.addf %add3A_1134, %mul3A_1142 : vector<16xf32>
      %mul3A_1144 = arith.mulf %gather3A_1139, %gather3A_1141 : vector<16xf32>
      %add3A_1145 = arith.addf %add3A_1136, %mul3A_1144 : vector<16xf32>
      %broadcast_in_dim3A_1146 = arith.constant 28 : i32
      %broadcast_in_dim3A_1147 = vector.broadcast %broadcast_in_dim3A_1146 : i32 to vector<16xi32>
      %gather3A_1148 = tpu.vector_load_idx %arg12[%and3A_4, %broadcast_in_dim3A_1147, %gather3A_869] : memref<8x32x128xf32, #tpu.memory_space<vmem>>[vector<16xi32>, vector<16xi32>, vector<16xi32>], vector<16xf32>,
      %gather3A_1149 = tpu.vector_load_idx %arg13[%and3A_4, %broadcast_in_dim3A_1147, %gather3A_879] : memref<8x32x128xf32, #tpu.memory_space<vmem>>[vector<16xi32>, vector<16xi32>, vector<16xi32>], vector<16xf32>,
      %gather3A_1150 = tpu.vector_load_idx %arg14[%and3A_4, %broadcast_in_dim3A_1147, %gather3A_889] : memref<8x32x128xf32, #tpu.memory_space<vmem>>[vector<16xi32>, vector<16xi32>, vector<16xi32>], vector<16xf32>,
      %mul3A_1151 = arith.mulf %gather3A_1148, %gather3A_1149 : vector<16xf32>
      %add3A_1152 = arith.addf %add3A_1143, %mul3A_1151 : vector<16xf32>
      %mul3A_1153 = arith.mulf %gather3A_1148, %gather3A_1150 : vector<16xf32>
      %add3A_1154 = arith.addf %add3A_1145, %mul3A_1153 : vector<16xf32>
      %broadcast_in_dim3A_1155 = arith.constant 29 : i32
      %broadcast_in_dim3A_1156 = vector.broadcast %broadcast_in_dim3A_1155 : i32 to vector<16xi32>
      %gather3A_1157 = tpu.vector_load_idx %arg12[%and3A_4, %broadcast_in_dim3A_1156, %gather3A_869] : memref<8x32x128xf32, #tpu.memory_space<vmem>>[vector<16xi32>, vector<16xi32>, vector<16xi32>], vector<16xf32>,
      %gather3A_1158 = tpu.vector_load_idx %arg13[%and3A_4, %broadcast_in_dim3A_1156, %gather3A_879] : memref<8x32x128xf32, #tpu.memory_space<vmem>>[vector<16xi32>, vector<16xi32>, vector<16xi32>], vector<16xf32>,
      %gather3A_1159 = tpu.vector_load_idx %arg14[%and3A_4, %broadcast_in_dim3A_1156, %gather3A_889] : memref<8x32x128xf32, #tpu.memory_space<vmem>>[vector<16xi32>, vector<16xi32>, vector<16xi32>], vector<16xf32>,
      %mul3A_1160 = arith.mulf %gather3A_1157, %gather3A_1158 : vector<16xf32>
      %add3A_1161 = arith.addf %add3A_1152, %mul3A_1160 : vector<16xf32>
      %mul3A_1162 = arith.mulf %gather3A_1157, %gather3A_1159 : vector<16xf32>
      %add3A_1163 = arith.addf %add3A_1154, %mul3A_1162 : vector<16xf32>
      %broadcast_in_dim3A_1164 = arith.constant 30 : i32
      %broadcast_in_dim3A_1165 = vector.broadcast %broadcast_in_dim3A_1164 : i32 to vector<16xi32>
      %gather3A_1166 = tpu.vector_load_idx %arg12[%and3A_4, %broadcast_in_dim3A_1165, %gather3A_869] : memref<8x32x128xf32, #tpu.memory_space<vmem>>[vector<16xi32>, vector<16xi32>, vector<16xi32>], vector<16xf32>,
      %gather3A_1167 = tpu.vector_load_idx %arg13[%and3A_4, %broadcast_in_dim3A_1165, %gather3A_879] : memref<8x32x128xf32, #tpu.memory_space<vmem>>[vector<16xi32>, vector<16xi32>, vector<16xi32>], vector<16xf32>,
      %gather3A_1168 = tpu.vector_load_idx %arg14[%and3A_4, %broadcast_in_dim3A_1165, %gather3A_889] : memref<8x32x128xf32, #tpu.memory_space<vmem>>[vector<16xi32>, vector<16xi32>, vector<16xi32>], vector<16xf32>,
      %mul3A_1169 = arith.mulf %gather3A_1166, %gather3A_1167 : vector<16xf32>
      %add3A_1170 = arith.addf %add3A_1161, %mul3A_1169 : vector<16xf32>
      %mul3A_1171 = arith.mulf %gather3A_1166, %gather3A_1168 : vector<16xf32>
      %add3A_1172 = arith.addf %add3A_1163, %mul3A_1171 : vector<16xf32>
      %broadcast_in_dim3A_1173 = arith.constant 31 : i32
      %broadcast_in_dim3A_1174 = vector.broadcast %broadcast_in_dim3A_1173 : i32 to vector<16xi32>
      %gather3A_1175 = tpu.vector_load_idx %arg12[%and3A_4, %broadcast_in_dim3A_1174, %gather3A_869] : memref<8x32x128xf32, #tpu.memory_space<vmem>>[vector<16xi32>, vector<16xi32>, vector<16xi32>], vector<16xf32>,
      %gather3A_1176 = tpu.vector_load_idx %arg13[%and3A_4, %broadcast_in_dim3A_1174, %gather3A_879] : memref<8x32x128xf32, #tpu.memory_space<vmem>>[vector<16xi32>, vector<16xi32>, vector<16xi32>], vector<16xf32>,
      %gather3A_1177 = tpu.vector_load_idx %arg14[%and3A_4, %broadcast_in_dim3A_1174, %gather3A_889] : memref<8x32x128xf32, #tpu.memory_space<vmem>>[vector<16xi32>, vector<16xi32>, vector<16xi32>], vector<16xf32>,
      %mul3A_1178 = arith.mulf %gather3A_1175, %gather3A_1176 : vector<16xf32>
      %add3A_1179 = arith.addf %add3A_1170, %mul3A_1178 : vector<16xf32>
      %mul3A_1180 = arith.mulf %gather3A_1175, %gather3A_1177 : vector<16xf32>
      %add3A_1181 = arith.addf %add3A_1172, %mul3A_1180 : vector<16xf32>
      %slice3A_1182 = vector.extract_strided_slice %get3A_13 {offsets = [8], sizes = [1], strides = [1]} : vector<16xi32> to vector<1xi32>
      %squeeze3A_1183 = vector.extract %slice3A_1182[0] : i32 from vector<1xi32>
      %shift_right_arithmetic3A_1184 = arith.constant 7 : i32
      %shift_right_arithmetic3A_1185 = arith.shrsi %squeeze3A_1183, %shift_right_arithmetic3A_1184 : i32
      %mul3A_1186 = arith.constant 128 : i32
      %mul3A_1187 = arith.muli %shift_right_arithmetic3A_1185, %mul3A_1186 : i32
      %multiple_of3A_1188 = tpu.assume_multiple %mul3A_1187, 128 : i32
      %slice3A_1189 = vector.extract_strided_slice %get3A_15 {offsets = [8], sizes = [1], strides = [1]} : vector<16xi32> to vector<1xi32>
      %squeeze3A_1190 = vector.extract %slice3A_1189[0] : i32 from vector<1xi32>
      %shift_right_arithmetic3A_1191 = arith.constant 7 : i32
      %shift_right_arithmetic3A_1192 = arith.shrsi %squeeze3A_1190, %shift_right_arithmetic3A_1191 : i32
      %mul3A_1193 = arith.constant 128 : i32
      %mul3A_1194 = arith.muli %shift_right_arithmetic3A_1192, %mul3A_1193 : i32
      %multiple_of3A_1195 = tpu.assume_multiple %mul3A_1194, 128 : i32
      %slice3A_1196 = vector.extract_strided_slice %get3A_17 {offsets = [8], sizes = [1], strides = [1]} : vector<16xi32> to vector<1xi32>
      %squeeze3A_1197 = vector.extract %slice3A_1196[0] : i32 from vector<1xi32>
      %shift_right_arithmetic3A_1198 = arith.constant 7 : i32
      %shift_right_arithmetic3A_1199 = arith.shrsi %squeeze3A_1197, %shift_right_arithmetic3A_1198 : i32
      %mul3A_1200 = arith.constant 128 : i32
      %mul3A_1201 = arith.muli %shift_right_arithmetic3A_1199, %mul3A_1200 : i32
      %multiple_of3A_1202 = tpu.assume_multiple %mul3A_1201, 128 : i32
      %dma_start3A_1203 = arith.constant 0 : i32
      %dma_start3A_1204 = arith.constant 0 : i32
      %dma_start3A_1205 = arith.constant 0 : i32
      %dma_start3A_1206 = tpu.memref_slice %arg12[%dma_start3A_1203, %dma_start3A_1204, %dma_start3A_1205] : memref<8x32x128xf32, #tpu.memory_space<vmem>> -> memref<1x32x128xf32, #tpu.memory_space<vmem>>
      %dma_start3A_1207 = tpu.memref_squeeze %dma_start3A_1206 : memref<1x32x128xf32, #tpu.memory_space<vmem>> -> memref<32x128xf32, #tpu.memory_space<vmem>>
      %dma_start3A_1208 = arith.constant 0 : i32
      %dma_start3A_1209 = tpu.memref_slice %arg5[%dma_start3A_1208, %multiple_of3A_1188] : memref<32x1000000xf32, #tpu.memory_space<hbm>> -> memref<32x128xf32, #tpu.memory_space<hbm>>
      %dma_start3A_1210 = arith.constant 0 : i32
      %dma_start3A_1211 = arith.constant 0 : i32
      %dma_start3A_1212 = tpu.memref_slice %arg12[%dma_start3A_1203, %dma_start3A_1210, %dma_start3A_1211] : memref<8x32x128xf32, #tpu.memory_space<vmem>> -> memref<1x32x128xf32, #tpu.memory_space<vmem>>
      %dma_start3A_1213 = tpu.memref_squeeze %dma_start3A_1212 : memref<1x32x128xf32, #tpu.memory_space<vmem>> -> memref<32x128xf32, #tpu.memory_space<vmem>>
      %dma_start3A_1214 = arith.constant 0 : i32
      %dma_start3A_1215 = tpu.memref_slice %arg5[%dma_start3A_1214, %multiple_of3A_1188] : memref<32x1000000xf32, #tpu.memory_space<hbm>> -> memref<32x128xf32, #tpu.memory_space<hbm>>
      tpu.enqueue_dma source(%dma_start3A_1215 : memref<32x128xf32, #tpu.memory_space<hbm>>) target(%dma_start3A_1213 : memref<32x128xf32, #tpu.memory_space<vmem>>) target_semaphore(%arg17 : memref<!tpu.dma_semaphore, #tpu.memory_space<semaphore_mem>>)
      %dma_start3A_1216 = arith.constant 0 : i32
      %dma_start3A_1217 = arith.constant 0 : i32
      %dma_start3A_1218 = arith.constant 0 : i32
      %dma_start3A_1219 = tpu.memref_slice %arg13[%dma_start3A_1216, %dma_start3A_1217, %dma_start3A_1218] : memref<8x32x128xf32, #tpu.memory_space<vmem>> -> memref<1x32x128xf32, #tpu.memory_space<vmem>>
      %dma_start3A_1220 = tpu.memref_squeeze %dma_start3A_1219 : memref<1x32x128xf32, #tpu.memory_space<vmem>> -> memref<32x128xf32, #tpu.memory_space<vmem>>
      %dma_start3A_1221 = arith.constant 0 : i32
      %dma_start3A_1222 = tpu.memref_slice %arg6[%dma_start3A_1221, %multiple_of3A_1195] : memref<32x1000000xf32, #tpu.memory_space<hbm>> -> memref<32x128xf32, #tpu.memory_space<hbm>>
      %dma_start3A_1223 = arith.constant 0 : i32
      %dma_start3A_1224 = arith.constant 0 : i32
      %dma_start3A_1225 = tpu.memref_slice %arg13[%dma_start3A_1216, %dma_start3A_1223, %dma_start3A_1224] : memref<8x32x128xf32, #tpu.memory_space<vmem>> -> memref<1x32x128xf32, #tpu.memory_space<vmem>>
      %dma_start3A_1226 = tpu.memref_squeeze %dma_start3A_1225 : memref<1x32x128xf32, #tpu.memory_space<vmem>> -> memref<32x128xf32, #tpu.memory_space<vmem>>
      %dma_start3A_1227 = arith.constant 0 : i32
      %dma_start3A_1228 = tpu.memref_slice %arg6[%dma_start3A_1227, %multiple_of3A_1195] : memref<32x1000000xf32, #tpu.memory_space<hbm>> -> memref<32x128xf32, #tpu.memory_space<hbm>>
      tpu.enqueue_dma source(%dma_start3A_1228 : memref<32x128xf32, #tpu.memory_space<hbm>>) target(%dma_start3A_1226 : memref<32x128xf32, #tpu.memory_space<vmem>>) target_semaphore(%arg17 : memref<!tpu.dma_semaphore, #tpu.memory_space<semaphore_mem>>)
      %dma_start3A_1229 = arith.constant 0 : i32
      %dma_start3A_1230 = arith.constant 0 : i32
      %dma_start3A_1231 = arith.constant 0 : i32
      %dma_start3A_1232 = tpu.memref_slice %arg14[%dma_start3A_1229, %dma_start3A_1230, %dma_start3A_1231] : memref<8x32x128xf32, #tpu.memory_space<vmem>> -> memref<1x32x128xf32, #tpu.memory_space<vmem>>
      %dma_start3A_1233 = tpu.memref_squeeze %dma_start3A_1232 : memref<1x32x128xf32, #tpu.memory_space<vmem>> -> memref<32x128xf32, #tpu.memory_space<vmem>>
      %dma_start3A_1234 = arith.constant 0 : i32
      %dma_start3A_1235 = tpu.memref_slice %arg6[%dma_start3A_1234, %multiple_of3A_1202] : memref<32x1000000xf32, #tpu.memory_space<hbm>> -> memref<32x128xf32, #tpu.memory_space<hbm>>
      %dma_start3A_1236 = arith.constant 0 : i32
      %dma_start3A_1237 = arith.constant 0 : i32
      %dma_start3A_1238 = tpu.memref_slice %arg14[%dma_start3A_1229, %dma_start3A_1236, %dma_start3A_1237] : memref<8x32x128xf32, #tpu.memory_space<vmem>> -> memref<1x32x128xf32, #tpu.memory_space<vmem>>
      %dma_start3A_1239 = tpu.memref_squeeze %dma_start3A_1238 : memref<1x32x128xf32, #tpu.memory_space<vmem>> -> memref<32x128xf32, #tpu.memory_space<vmem>>
      %dma_start3A_1240 = arith.constant 0 : i32
      %dma_start3A_1241 = tpu.memref_slice %arg6[%dma_start3A_1240, %multiple_of3A_1202] : memref<32x1000000xf32, #tpu.memory_space<hbm>> -> memref<32x128xf32, #tpu.memory_space<hbm>>
      tpu.enqueue_dma source(%dma_start3A_1241 : memref<32x128xf32, #tpu.memory_space<hbm>>) target(%dma_start3A_1239 : memref<32x128xf32, #tpu.memory_space<vmem>>) target_semaphore(%arg17 : memref<!tpu.dma_semaphore, #tpu.memory_space<semaphore_mem>>)
      %slice3A_1242 = vector.extract_strided_slice %get3A_13 {offsets = [9], sizes = [1], strides = [1]} : vector<16xi32> to vector<1xi32>
      %squeeze3A_1243 = vector.extract %slice3A_1242[0] : i32 from vector<1xi32>
      %shift_right_arithmetic3A_1244 = arith.constant 7 : i32
      %shift_right_arithmetic3A_1245 = arith.shrsi %squeeze3A_1243, %shift_right_arithmetic3A_1244 : i32
      %mul3A_1246 = arith.constant 128 : i32
      %mul3A_1247 = arith.muli %shift_right_arithmetic3A_1245, %mul3A_1246 : i32
      %multiple_of3A_1248 = tpu.assume_multiple %mul3A_1247, 128 : i32
      %slice3A_1249 = vector.extract_strided_slice %get3A_15 {offsets = [9], sizes = [1], strides = [1]} : vector<16xi32> to vector<1xi32>
      %squeeze3A_1250 = vector.extract %slice3A_1249[0] : i32 from vector<1xi32>
      %shift_right_arithmetic3A_1251 = arith.constant 7 : i32
      %shift_right_arithmetic3A_1252 = arith.shrsi %squeeze3A_1250, %shift_right_arithmetic3A_1251 : i32
      %mul3A_1253 = arith.constant 128 : i32
      %mul3A_1254 = arith.muli %shift_right_arithmetic3A_1252, %mul3A_1253 : i32
      %multiple_of3A_1255 = tpu.assume_multiple %mul3A_1254, 128 : i32
      %slice3A_1256 = vector.extract_strided_slice %get3A_17 {offsets = [9], sizes = [1], strides = [1]} : vector<16xi32> to vector<1xi32>
      %squeeze3A_1257 = vector.extract %slice3A_1256[0] : i32 from vector<1xi32>
      %shift_right_arithmetic3A_1258 = arith.constant 7 : i32
      %shift_right_arithmetic3A_1259 = arith.shrsi %squeeze3A_1257, %shift_right_arithmetic3A_1258 : i32
      %mul3A_1260 = arith.constant 128 : i32
      %mul3A_1261 = arith.muli %shift_right_arithmetic3A_1259, %mul3A_1260 : i32
      %multiple_of3A_1262 = tpu.assume_multiple %mul3A_1261, 128 : i32
      %dma_start3A_1263 = arith.constant 1 : i32
      %dma_start3A_1264 = arith.constant 0 : i32
      %dma_start3A_1265 = arith.constant 0 : i32
      %dma_start3A_1266 = tpu.memref_slice %arg12[%dma_start3A_1263, %dma_start3A_1264, %dma_start3A_1265] : memref<8x32x128xf32, #tpu.memory_space<vmem>> -> memref<1x32x128xf32, #tpu.memory_space<vmem>>
      %dma_start3A_1267 = tpu.memref_squeeze %dma_start3A_1266 : memref<1x32x128xf32, #tpu.memory_space<vmem>> -> memref<32x128xf32, #tpu.memory_space<vmem>>
      %dma_start3A_1268 = arith.constant 0 : i32
      %dma_start3A_1269 = tpu.memref_slice %arg5[%dma_start3A_1268, %multiple_of3A_1248] : memref<32x1000000xf32, #tpu.memory_space<hbm>> -> memref<32x128xf32, #tpu.memory_space<hbm>>
      %dma_start3A_1270 = arith.constant 0 : i32
      %dma_start3A_1271 = arith.constant 0 : i32
      %dma_start3A_1272 = tpu.memref_slice %arg12[%dma_start3A_1263, %dma_start3A_1270, %dma_start3A_1271] : memref<8x32x128xf32, #tpu.memory_space<vmem>> -> memref<1x32x128xf32, #tpu.memory_space<vmem>>
      %dma_start3A_1273 = tpu.memref_squeeze %dma_start3A_1272 : memref<1x32x128xf32, #tpu.memory_space<vmem>> -> memref<32x128xf32, #tpu.memory_space<vmem>>
      %dma_start3A_1274 = arith.constant 0 : i32
      %dma_start3A_1275 = tpu.memref_slice %arg5[%dma_start3A_1274, %multiple_of3A_1248] : memref<32x1000000xf32, #tpu.memory_space<hbm>> -> memref<32x128xf32, #tpu.memory_space<hbm>>
      tpu.enqueue_dma source(%dma_start3A_1275 : memref<32x128xf32, #tpu.memory_space<hbm>>) target(%dma_start3A_1273 : memref<32x128xf32, #tpu.memory_space<vmem>>) target_semaphore(%arg17 : memref<!tpu.dma_semaphore, #tpu.memory_space<semaphore_mem>>)
      %dma_start3A_1276 = arith.constant 1 : i32
      %dma_start3A_1277 = arith.constant 0 : i32
      %dma_start3A_1278 = arith.constant 0 : i32
      %dma_start3A_1279 = tpu.memref_slice %arg13[%dma_start3A_1276, %dma_start3A_1277, %dma_start3A_1278] : memref<8x32x128xf32, #tpu.memory_space<vmem>> -> memref<1x32x128xf32, #tpu.memory_space<vmem>>
      %dma_start3A_1280 = tpu.memref_squeeze %dma_start3A_1279 : memref<1x32x128xf32, #tpu.memory_space<vmem>> -> memref<32x128xf32, #tpu.memory_space<vmem>>
      %dma_start3A_1281 = arith.constant 0 : i32
      %dma_start3A_1282 = tpu.memref_slice %arg6[%dma_start3A_1281, %multiple_of3A_1255] : memref<32x1000000xf32, #tpu.memory_space<hbm>> -> memref<32x128xf32, #tpu.memory_space<hbm>>
      %dma_start3A_1283 = arith.constant 0 : i32
      %dma_start3A_1284 = arith.constant 0 : i32
      %dma_start3A_1285 = tpu.memref_slice %arg13[%dma_start3A_1276, %dma_start3A_1283, %dma_start3A_1284] : memref<8x32x128xf32, #tpu.memory_space<vmem>> -> memref<1x32x128xf32, #tpu.memory_space<vmem>>
      %dma_start3A_1286 = tpu.memref_squeeze %dma_start3A_1285 : memref<1x32x128xf32, #tpu.memory_space<vmem>> -> memref<32x128xf32, #tpu.memory_space<vmem>>
      %dma_start3A_1287 = arith.constant 0 : i32
      %dma_start3A_1288 = tpu.memref_slice %arg6[%dma_start3A_1287, %multiple_of3A_1255] : memref<32x1000000xf32, #tpu.memory_space<hbm>> -> memref<32x128xf32, #tpu.memory_space<hbm>>
      tpu.enqueue_dma source(%dma_start3A_1288 : memref<32x128xf32, #tpu.memory_space<hbm>>) target(%dma_start3A_1286 : memref<32x128xf32, #tpu.memory_space<vmem>>) target_semaphore(%arg17 : memref<!tpu.dma_semaphore, #tpu.memory_space<semaphore_mem>>)
      %dma_start3A_1289 = arith.constant 1 : i32
      %dma_start3A_1290 = arith.constant 0 : i32
      %dma_start3A_1291 = arith.constant 0 : i32
      %dma_start3A_1292 = tpu.memref_slice %arg14[%dma_start3A_1289, %dma_start3A_1290, %dma_start3A_1291] : memref<8x32x128xf32, #tpu.memory_space<vmem>> -> memref<1x32x128xf32, #tpu.memory_space<vmem>>
      %dma_start3A_1293 = tpu.memref_squeeze %dma_start3A_1292 : memref<1x32x128xf32, #tpu.memory_space<vmem>> -> memref<32x128xf32, #tpu.memory_space<vmem>>
      %dma_start3A_1294 = arith.constant 0 : i32
      %dma_start3A_1295 = tpu.memref_slice %arg6[%dma_start3A_1294, %multiple_of3A_1262] : memref<32x1000000xf32, #tpu.memory_space<hbm>> -> memref<32x128xf32, #tpu.memory_space<hbm>>
      %dma_start3A_1296 = arith.constant 0 : i32
      %dma_start3A_1297 = arith.constant 0 : i32
      %dma_start3A_1298 = tpu.memref_slice %arg14[%dma_start3A_1289, %dma_start3A_1296, %dma_start3A_1297] : memref<8x32x128xf32, #tpu.memory_space<vmem>> -> memref<1x32x128xf32, #tpu.memory_space<vmem>>
      %dma_start3A_1299 = tpu.memref_squeeze %dma_start3A_1298 : memref<1x32x128xf32, #tpu.memory_space<vmem>> -> memref<32x128xf32, #tpu.memory_space<vmem>>
      %dma_start3A_1300 = arith.constant 0 : i32
      %dma_start3A_1301 = tpu.memref_slice %arg6[%dma_start3A_1300, %multiple_of3A_1262] : memref<32x1000000xf32, #tpu.memory_space<hbm>> -> memref<32x128xf32, #tpu.memory_space<hbm>>
      tpu.enqueue_dma source(%dma_start3A_1301 : memref<32x128xf32, #tpu.memory_space<hbm>>) target(%dma_start3A_1299 : memref<32x128xf32, #tpu.memory_space<vmem>>) target_semaphore(%arg17 : memref<!tpu.dma_semaphore, #tpu.memory_space<semaphore_mem>>)
      %slice3A_1302 = vector.extract_strided_slice %get3A_13 {offsets = [10], sizes = [1], strides = [1]} : vector<16xi32> to vector<1xi32>
      %squeeze3A_1303 = vector.extract %slice3A_1302[0] : i32 from vector<1xi32>
      %shift_right_arithmetic3A_1304 = arith.constant 7 : i32
      %shift_right_arithmetic3A_1305 = arith.shrsi %squeeze3A_1303, %shift_right_arithmetic3A_1304 : i32
      %mul3A_1306 = arith.constant 128 : i32
      %mul3A_1307 = arith.muli %shift_right_arithmetic3A_1305, %mul3A_1306 : i32
      %multiple_of3A_1308 = tpu.assume_multiple %mul3A_1307, 128 : i32
      %slice3A_1309 = vector.extract_strided_slice %get3A_15 {offsets = [10], sizes = [1], strides = [1]} : vector<16xi32> to vector<1xi32>
      %squeeze3A_1310 = vector.extract %slice3A_1309[0] : i32 from vector<1xi32>
      %shift_right_arithmetic3A_1311 = arith.constant 7 : i32
      %shift_right_arithmetic3A_1312 = arith.shrsi %squeeze3A_1310, %shift_right_arithmetic3A_1311 : i32
      %mul3A_1313 = arith.constant 128 : i32
      %mul3A_1314 = arith.muli %shift_right_arithmetic3A_1312, %mul3A_1313 : i32
      %multiple_of3A_1315 = tpu.assume_multiple %mul3A_1314, 128 : i32
      %slice3A_1316 = vector.extract_strided_slice %get3A_17 {offsets = [10], sizes = [1], strides = [1]} : vector<16xi32> to vector<1xi32>
      %squeeze3A_1317 = vector.extract %slice3A_1316[0] : i32 from vector<1xi32>
      %shift_right_arithmetic3A_1318 = arith.constant 7 : i32
      %shift_right_arithmetic3A_1319 = arith.shrsi %squeeze3A_1317, %shift_right_arithmetic3A_1318 : i32
      %mul3A_1320 = arith.constant 128 : i32
      %mul3A_1321 = arith.muli %shift_right_arithmetic3A_1319, %mul3A_1320 : i32
      %multiple_of3A_1322 = tpu.assume_multiple %mul3A_1321, 128 : i32
      %dma_start3A_1323 = arith.constant 2 : i32
      %dma_start3A_1324 = arith.constant 0 : i32
      %dma_start3A_1325 = arith.constant 0 : i32
      %dma_start3A_1326 = tpu.memref_slice %arg12[%dma_start3A_1323, %dma_start3A_1324, %dma_start3A_1325] : memref<8x32x128xf32, #tpu.memory_space<vmem>> -> memref<1x32x128xf32, #tpu.memory_space<vmem>>
      %dma_start3A_1327 = tpu.memref_squeeze %dma_start3A_1326 : memref<1x32x128xf32, #tpu.memory_space<vmem>> -> memref<32x128xf32, #tpu.memory_space<vmem>>
      %dma_start3A_1328 = arith.constant 0 : i32
      %dma_start3A_1329 = tpu.memref_slice %arg5[%dma_start3A_1328, %multiple_of3A_1308] : memref<32x1000000xf32, #tpu.memory_space<hbm>> -> memref<32x128xf32, #tpu.memory_space<hbm>>
      %dma_start3A_1330 = arith.constant 0 : i32
      %dma_start3A_1331 = arith.constant 0 : i32
      %dma_start3A_1332 = tpu.memref_slice %arg12[%dma_start3A_1323, %dma_start3A_1330, %dma_start3A_1331] : memref<8x32x128xf32, #tpu.memory_space<vmem>> -> memref<1x32x128xf32, #tpu.memory_space<vmem>>
      %dma_start3A_1333 = tpu.memref_squeeze %dma_start3A_1332 : memref<1x32x128xf32, #tpu.memory_space<vmem>> -> memref<32x128xf32, #tpu.memory_space<vmem>>
      %dma_start3A_1334 = arith.constant 0 : i32
      %dma_start3A_1335 = tpu.memref_slice %arg5[%dma_start3A_1334, %multiple_of3A_1308] : memref<32x1000000xf32, #tpu.memory_space<hbm>> -> memref<32x128xf32, #tpu.memory_space<hbm>>
      tpu.enqueue_dma source(%dma_start3A_1335 : memref<32x128xf32, #tpu.memory_space<hbm>>) target(%dma_start3A_1333 : memref<32x128xf32, #tpu.memory_space<vmem>>) target_semaphore(%arg17 : memref<!tpu.dma_semaphore, #tpu.memory_space<semaphore_mem>>)
      %dma_start3A_1336 = arith.constant 2 : i32
      %dma_start3A_1337 = arith.constant 0 : i32
      %dma_start3A_1338 = arith.constant 0 : i32
      %dma_start3A_1339 = tpu.memref_slice %arg13[%dma_start3A_1336, %dma_start3A_1337, %dma_start3A_1338] : memref<8x32x128xf32, #tpu.memory_space<vmem>> -> memref<1x32x128xf32, #tpu.memory_space<vmem>>
      %dma_start3A_1340 = tpu.memref_squeeze %dma_start3A_1339 : memref<1x32x128xf32, #tpu.memory_space<vmem>> -> memref<32x128xf32, #tpu.memory_space<vmem>>
      %dma_start3A_1341 = arith.constant 0 : i32
      %dma_start3A_1342 = tpu.memref_slice %arg6[%dma_start3A_1341, %multiple_of3A_1315] : memref<32x1000000xf32, #tpu.memory_space<hbm>> -> memref<32x128xf32, #tpu.memory_space<hbm>>
      %dma_start3A_1343 = arith.constant 0 : i32
      %dma_start3A_1344 = arith.constant 0 : i32
      %dma_start3A_1345 = tpu.memref_slice %arg13[%dma_start3A_1336, %dma_start3A_1343, %dma_start3A_1344] : memref<8x32x128xf32, #tpu.memory_space<vmem>> -> memref<1x32x128xf32, #tpu.memory_space<vmem>>
      %dma_start3A_1346 = tpu.memref_squeeze %dma_start3A_1345 : memref<1x32x128xf32, #tpu.memory_space<vmem>> -> memref<32x128xf32, #tpu.memory_space<vmem>>
      %dma_start3A_1347 = arith.constant 0 : i32
      %dma_start3A_1348 = tpu.memref_slice %arg6[%dma_start3A_1347, %multiple_of3A_1315] : memref<32x1000000xf32, #tpu.memory_space<hbm>> -> memref<32x128xf32, #tpu.memory_space<hbm>>
      tpu.enqueue_dma source(%dma_start3A_1348 : memref<32x128xf32, #tpu.memory_space<hbm>>) target(%dma_start3A_1346 : memref<32x128xf32, #tpu.memory_space<vmem>>) target_semaphore(%arg17 : memref<!tpu.dma_semaphore, #tpu.memory_space<semaphore_mem>>)
      %dma_start3A_1349 = arith.constant 2 : i32
      %dma_start3A_1350 = arith.constant 0 : i32
      %dma_start3A_1351 = arith.constant 0 : i32
      %dma_start3A_1352 = tpu.memref_slice %arg14[%dma_start3A_1349, %dma_start3A_1350, %dma_start3A_1351] : memref<8x32x128xf32, #tpu.memory_space<vmem>> -> memref<1x32x128xf32, #tpu.memory_space<vmem>>
      %dma_start3A_1353 = tpu.memref_squeeze %dma_start3A_1352 : memref<1x32x128xf32, #tpu.memory_space<vmem>> -> memref<32x128xf32, #tpu.memory_space<vmem>>
      %dma_start3A_1354 = arith.constant 0 : i32
      %dma_start3A_1355 = tpu.memref_slice %arg6[%dma_start3A_1354, %multiple_of3A_1322] : memref<32x1000000xf32, #tpu.memory_space<hbm>> -> memref<32x128xf32, #tpu.memory_space<hbm>>
      %dma_start3A_1356 = arith.constant 0 : i32
      %dma_start3A_1357 = arith.constant 0 : i32
      %dma_start3A_1358 = tpu.memref_slice %arg14[%dma_start3A_1349, %dma_start3A_1356, %dma_start3A_1357] : memref<8x32x128xf32, #tpu.memory_space<vmem>> -> memref<1x32x128xf32, #tpu.memory_space<vmem>>
      %dma_start3A_1359 = tpu.memref_squeeze %dma_start3A_1358 : memref<1x32x128xf32, #tpu.memory_space<vmem>> -> memref<32x128xf32, #tpu.memory_space<vmem>>
      %dma_start3A_1360 = arith.constant 0 : i32
      %dma_start3A_1361 = tpu.memref_slice %arg6[%dma_start3A_1360, %multiple_of3A_1322] : memref<32x1000000xf32, #tpu.memory_space<hbm>> -> memref<32x128xf32, #tpu.memory_space<hbm>>
      tpu.enqueue_dma source(%dma_start3A_1361 : memref<32x128xf32, #tpu.memory_space<hbm>>) target(%dma_start3A_1359 : memref<32x128xf32, #tpu.memory_space<vmem>>) target_semaphore(%arg17 : memref<!tpu.dma_semaphore, #tpu.memory_space<semaphore_mem>>)
      %slice3A_1362 = vector.extract_strided_slice %get3A_13 {offsets = [11], sizes = [1], strides = [1]} : vector<16xi32> to vector<1xi32>
      %squeeze3A_1363 = vector.extract %slice3A_1362[0] : i32 from vector<1xi32>
      %shift_right_arithmetic3A_1364 = arith.constant 7 : i32
      %shift_right_arithmetic3A_1365 = arith.shrsi %squeeze3A_1363, %shift_right_arithmetic3A_1364 : i32
      %mul3A_1366 = arith.constant 128 : i32
      %mul3A_1367 = arith.muli %shift_right_arithmetic3A_1365, %mul3A_1366 : i32
      %multiple_of3A_1368 = tpu.assume_multiple %mul3A_1367, 128 : i32
      %slice3A_1369 = vector.extract_strided_slice %get3A_15 {offsets = [11], sizes = [1], strides = [1]} : vector<16xi32> to vector<1xi32>
      %squeeze3A_1370 = vector.extract %slice3A_1369[0] : i32 from vector<1xi32>
      %shift_right_arithmetic3A_1371 = arith.constant 7 : i32
      %shift_right_arithmetic3A_1372 = arith.shrsi %squeeze3A_1370, %shift_right_arithmetic3A_1371 : i32
      %mul3A_1373 = arith.constant 128 : i32
      %mul3A_1374 = arith.muli %shift_right_arithmetic3A_1372, %mul3A_1373 : i32
      %multiple_of3A_1375 = tpu.assume_multiple %mul3A_1374, 128 : i32
      %slice3A_1376 = vector.extract_strided_slice %get3A_17 {offsets = [11], sizes = [1], strides = [1]} : vector<16xi32> to vector<1xi32>
      %squeeze3A_1377 = vector.extract %slice3A_1376[0] : i32 from vector<1xi32>
      %shift_right_arithmetic3A_1378 = arith.constant 7 : i32
      %shift_right_arithmetic3A_1379 = arith.shrsi %squeeze3A_1377, %shift_right_arithmetic3A_1378 : i32
      %mul3A_1380 = arith.constant 128 : i32
      %mul3A_1381 = arith.muli %shift_right_arithmetic3A_1379, %mul3A_1380 : i32
      %multiple_of3A_1382 = tpu.assume_multiple %mul3A_1381, 128 : i32
      %dma_start3A_1383 = arith.constant 3 : i32
      %dma_start3A_1384 = arith.constant 0 : i32
      %dma_start3A_1385 = arith.constant 0 : i32
      %dma_start3A_1386 = tpu.memref_slice %arg12[%dma_start3A_1383, %dma_start3A_1384, %dma_start3A_1385] : memref<8x32x128xf32, #tpu.memory_space<vmem>> -> memref<1x32x128xf32, #tpu.memory_space<vmem>>
      %dma_start3A_1387 = tpu.memref_squeeze %dma_start3A_1386 : memref<1x32x128xf32, #tpu.memory_space<vmem>> -> memref<32x128xf32, #tpu.memory_space<vmem>>
      %dma_start3A_1388 = arith.constant 0 : i32
      %dma_start3A_1389 = tpu.memref_slice %arg5[%dma_start3A_1388, %multiple_of3A_1368] : memref<32x1000000xf32, #tpu.memory_space<hbm>> -> memref<32x128xf32, #tpu.memory_space<hbm>>
      %dma_start3A_1390 = arith.constant 0 : i32
      %dma_start3A_1391 = arith.constant 0 : i32
      %dma_start3A_1392 = tpu.memref_slice %arg12[%dma_start3A_1383, %dma_start3A_1390, %dma_start3A_1391] : memref<8x32x128xf32, #tpu.memory_space<vmem>> -> memref<1x32x128xf32, #tpu.memory_space<vmem>>
      %dma_start3A_1393 = tpu.memref_squeeze %dma_start3A_1392 : memref<1x32x128xf32, #tpu.memory_space<vmem>> -> memref<32x128xf32, #tpu.memory_space<vmem>>
      %dma_start3A_1394 = arith.constant 0 : i32
      %dma_start3A_1395 = tpu.memref_slice %arg5[%dma_start3A_1394, %multiple_of3A_1368] : memref<32x1000000xf32, #tpu.memory_space<hbm>> -> memref<32x128xf32, #tpu.memory_space<hbm>>
      tpu.enqueue_dma source(%dma_start3A_1395 : memref<32x128xf32, #tpu.memory_space<hbm>>) target(%dma_start3A_1393 : memref<32x128xf32, #tpu.memory_space<vmem>>) target_semaphore(%arg17 : memref<!tpu.dma_semaphore, #tpu.memory_space<semaphore_mem>>)
      %dma_start3A_1396 = arith.constant 3 : i32
      %dma_start3A_1397 = arith.constant 0 : i32
      %dma_start3A_1398 = arith.constant 0 : i32
      %dma_start3A_1399 = tpu.memref_slice %arg13[%dma_start3A_1396, %dma_start3A_1397, %dma_start3A_1398] : memref<8x32x128xf32, #tpu.memory_space<vmem>> -> memref<1x32x128xf32, #tpu.memory_space<vmem>>
      %dma_start3A_1400 = tpu.memref_squeeze %dma_start3A_1399 : memref<1x32x128xf32, #tpu.memory_space<vmem>> -> memref<32x128xf32, #tpu.memory_space<vmem>>
      %dma_start3A_1401 = arith.constant 0 : i32
      %dma_start3A_1402 = tpu.memref_slice %arg6[%dma_start3A_1401, %multiple_of3A_1375] : memref<32x1000000xf32, #tpu.memory_space<hbm>> -> memref<32x128xf32, #tpu.memory_space<hbm>>
      %dma_start3A_1403 = arith.constant 0 : i32
      %dma_start3A_1404 = arith.constant 0 : i32
      %dma_start3A_1405 = tpu.memref_slice %arg13[%dma_start3A_1396, %dma_start3A_1403, %dma_start3A_1404] : memref<8x32x128xf32, #tpu.memory_space<vmem>> -> memref<1x32x128xf32, #tpu.memory_space<vmem>>
      %dma_start3A_1406 = tpu.memref_squeeze %dma_start3A_1405 : memref<1x32x128xf32, #tpu.memory_space<vmem>> -> memref<32x128xf32, #tpu.memory_space<vmem>>
      %dma_start3A_1407 = arith.constant 0 : i32
      %dma_start3A_1408 = tpu.memref_slice %arg6[%dma_start3A_1407, %multiple_of3A_1375] : memref<32x1000000xf32, #tpu.memory_space<hbm>> -> memref<32x128xf32, #tpu.memory_space<hbm>>
      tpu.enqueue_dma source(%dma_start3A_1408 : memref<32x128xf32, #tpu.memory_space<hbm>>) target(%dma_start3A_1406 : memref<32x128xf32, #tpu.memory_space<vmem>>) target_semaphore(%arg17 : memref<!tpu.dma_semaphore, #tpu.memory_space<semaphore_mem>>)
      %dma_start3A_1409 = arith.constant 3 : i32
      %dma_start3A_1410 = arith.constant 0 : i32
      %dma_start3A_1411 = arith.constant 0 : i32
      %dma_start3A_1412 = tpu.memref_slice %arg14[%dma_start3A_1409, %dma_start3A_1410, %dma_start3A_1411] : memref<8x32x128xf32, #tpu.memory_space<vmem>> -> memref<1x32x128xf32, #tpu.memory_space<vmem>>
      %dma_start3A_1413 = tpu.memref_squeeze %dma_start3A_1412 : memref<1x32x128xf32, #tpu.memory_space<vmem>> -> memref<32x128xf32, #tpu.memory_space<vmem>>
      %dma_start3A_1414 = arith.constant 0 : i32
      %dma_start3A_1415 = tpu.memref_slice %arg6[%dma_start3A_1414, %multiple_of3A_1382] : memref<32x1000000xf32, #tpu.memory_space<hbm>> -> memref<32x128xf32, #tpu.memory_space<hbm>>
      %dma_start3A_1416 = arith.constant 0 : i32
      %dma_start3A_1417 = arith.constant 0 : i32
      %dma_start3A_1418 = tpu.memref_slice %arg14[%dma_start3A_1409, %dma_start3A_1416, %dma_start3A_1417] : memref<8x32x128xf32, #tpu.memory_space<vmem>> -> memref<1x32x128xf32, #tpu.memory_space<vmem>>
      %dma_start3A_1419 = tpu.memref_squeeze %dma_start3A_1418 : memref<1x32x128xf32, #tpu.memory_space<vmem>> -> memref<32x128xf32, #tpu.memory_space<vmem>>
      %dma_start3A_1420 = arith.constant 0 : i32
      %dma_start3A_1421 = tpu.memref_slice %arg6[%dma_start3A_1420, %multiple_of3A_1382] : memref<32x1000000xf32, #tpu.memory_space<hbm>> -> memref<32x128xf32, #tpu.memory_space<hbm>>
      tpu.enqueue_dma source(%dma_start3A_1421 : memref<32x128xf32, #tpu.memory_space<hbm>>) target(%dma_start3A_1419 : memref<32x128xf32, #tpu.memory_space<vmem>>) target_semaphore(%arg17 : memref<!tpu.dma_semaphore, #tpu.memory_space<semaphore_mem>>)
      %slice3A_1422 = vector.extract_strided_slice %get3A_13 {offsets = [12], sizes = [1], strides = [1]} : vector<16xi32> to vector<1xi32>
      %squeeze3A_1423 = vector.extract %slice3A_1422[0] : i32 from vector<1xi32>
      %shift_right_arithmetic3A_1424 = arith.constant 7 : i32
      %shift_right_arithmetic3A_1425 = arith.shrsi %squeeze3A_1423, %shift_right_arithmetic3A_1424 : i32
      %mul3A_1426 = arith.constant 128 : i32
      %mul3A_1427 = arith.muli %shift_right_arithmetic3A_1425, %mul3A_1426 : i32
      %multiple_of3A_1428 = tpu.assume_multiple %mul3A_1427, 128 : i32
      %slice3A_1429 = vector.extract_strided_slice %get3A_15 {offsets = [12], sizes = [1], strides = [1]} : vector<16xi32> to vector<1xi32>
      %squeeze3A_1430 = vector.extract %slice3A_1429[0] : i32 from vector<1xi32>
      %shift_right_arithmetic3A_1431 = arith.constant 7 : i32
      %shift_right_arithmetic3A_1432 = arith.shrsi %squeeze3A_1430, %shift_right_arithmetic3A_1431 : i32
      %mul3A_1433 = arith.constant 128 : i32
      %mul3A_1434 = arith.muli %shift_right_arithmetic3A_1432, %mul3A_1433 : i32
      %multiple_of3A_1435 = tpu.assume_multiple %mul3A_1434, 128 : i32
      %slice3A_1436 = vector.extract_strided_slice %get3A_17 {offsets = [12], sizes = [1], strides = [1]} : vector<16xi32> to vector<1xi32>
      %squeeze3A_1437 = vector.extract %slice3A_1436[0] : i32 from vector<1xi32>
      %shift_right_arithmetic3A_1438 = arith.constant 7 : i32
      %shift_right_arithmetic3A_1439 = arith.shrsi %squeeze3A_1437, %shift_right_arithmetic3A_1438 : i32
      %mul3A_1440 = arith.constant 128 : i32
      %mul3A_1441 = arith.muli %shift_right_arithmetic3A_1439, %mul3A_1440 : i32
      %multiple_of3A_1442 = tpu.assume_multiple %mul3A_1441, 128 : i32
      %dma_start3A_1443 = arith.constant 4 : i32
      %dma_start3A_1444 = arith.constant 0 : i32
      %dma_start3A_1445 = arith.constant 0 : i32
      %dma_start3A_1446 = tpu.memref_slice %arg12[%dma_start3A_1443, %dma_start3A_1444, %dma_start3A_1445] : memref<8x32x128xf32, #tpu.memory_space<vmem>> -> memref<1x32x128xf32, #tpu.memory_space<vmem>>
      %dma_start3A_1447 = tpu.memref_squeeze %dma_start3A_1446 : memref<1x32x128xf32, #tpu.memory_space<vmem>> -> memref<32x128xf32, #tpu.memory_space<vmem>>
      %dma_start3A_1448 = arith.constant 0 : i32
      %dma_start3A_1449 = tpu.memref_slice %arg5[%dma_start3A_1448, %multiple_of3A_1428] : memref<32x1000000xf32, #tpu.memory_space<hbm>> -> memref<32x128xf32, #tpu.memory_space<hbm>>
      %dma_start3A_1450 = arith.constant 0 : i32
      %dma_start3A_1451 = arith.constant 0 : i32
      %dma_start3A_1452 = tpu.memref_slice %arg12[%dma_start3A_1443, %dma_start3A_1450, %dma_start3A_1451] : memref<8x32x128xf32, #tpu.memory_space<vmem>> -> memref<1x32x128xf32, #tpu.memory_space<vmem>>
      %dma_start3A_1453 = tpu.memref_squeeze %dma_start3A_1452 : memref<1x32x128xf32, #tpu.memory_space<vmem>> -> memref<32x128xf32, #tpu.memory_space<vmem>>
      %dma_start3A_1454 = arith.constant 0 : i32
      %dma_start3A_1455 = tpu.memref_slice %arg5[%dma_start3A_1454, %multiple_of3A_1428] : memref<32x1000000xf32, #tpu.memory_space<hbm>> -> memref<32x128xf32, #tpu.memory_space<hbm>>
      tpu.enqueue_dma source(%dma_start3A_1455 : memref<32x128xf32, #tpu.memory_space<hbm>>) target(%dma_start3A_1453 : memref<32x128xf32, #tpu.memory_space<vmem>>) target_semaphore(%arg17 : memref<!tpu.dma_semaphore, #tpu.memory_space<semaphore_mem>>)
      %dma_start3A_1456 = arith.constant 4 : i32
      %dma_start3A_1457 = arith.constant 0 : i32
      %dma_start3A_1458 = arith.constant 0 : i32
      %dma_start3A_1459 = tpu.memref_slice %arg13[%dma_start3A_1456, %dma_start3A_1457, %dma_start3A_1458] : memref<8x32x128xf32, #tpu.memory_space<vmem>> -> memref<1x32x128xf32, #tpu.memory_space<vmem>>
      %dma_start3A_1460 = tpu.memref_squeeze %dma_start3A_1459 : memref<1x32x128xf32, #tpu.memory_space<vmem>> -> memref<32x128xf32, #tpu.memory_space<vmem>>
      %dma_start3A_1461 = arith.constant 0 : i32
      %dma_start3A_1462 = tpu.memref_slice %arg6[%dma_start3A_1461, %multiple_of3A_1435] : memref<32x1000000xf32, #tpu.memory_space<hbm>> -> memref<32x128xf32, #tpu.memory_space<hbm>>
      %dma_start3A_1463 = arith.constant 0 : i32
      %dma_start3A_1464 = arith.constant 0 : i32
      %dma_start3A_1465 = tpu.memref_slice %arg13[%dma_start3A_1456, %dma_start3A_1463, %dma_start3A_1464] : memref<8x32x128xf32, #tpu.memory_space<vmem>> -> memref<1x32x128xf32, #tpu.memory_space<vmem>>
      %dma_start3A_1466 = tpu.memref_squeeze %dma_start3A_1465 : memref<1x32x128xf32, #tpu.memory_space<vmem>> -> memref<32x128xf32, #tpu.memory_space<vmem>>
      %dma_start3A_1467 = arith.constant 0 : i32
      %dma_start3A_1468 = tpu.memref_slice %arg6[%dma_start3A_1467, %multiple_of3A_1435] : memref<32x1000000xf32, #tpu.memory_space<hbm>> -> memref<32x128xf32, #tpu.memory_space<hbm>>
      tpu.enqueue_dma source(%dma_start3A_1468 : memref<32x128xf32, #tpu.memory_space<hbm>>) target(%dma_start3A_1466 : memref<32x128xf32, #tpu.memory_space<vmem>>) target_semaphore(%arg17 : memref<!tpu.dma_semaphore, #tpu.memory_space<semaphore_mem>>)
      %dma_start3A_1469 = arith.constant 4 : i32
      %dma_start3A_1470 = arith.constant 0 : i32
      %dma_start3A_1471 = arith.constant 0 : i32
      %dma_start3A_1472 = tpu.memref_slice %arg14[%dma_start3A_1469, %dma_start3A_1470, %dma_start3A_1471] : memref<8x32x128xf32, #tpu.memory_space<vmem>> -> memref<1x32x128xf32, #tpu.memory_space<vmem>>
      %dma_start3A_1473 = tpu.memref_squeeze %dma_start3A_1472 : memref<1x32x128xf32, #tpu.memory_space<vmem>> -> memref<32x128xf32, #tpu.memory_space<vmem>>
      %dma_start3A_1474 = arith.constant 0 : i32
      %dma_start3A_1475 = tpu.memref_slice %arg6[%dma_start3A_1474, %multiple_of3A_1442] : memref<32x1000000xf32, #tpu.memory_space<hbm>> -> memref<32x128xf32, #tpu.memory_space<hbm>>
      %dma_start3A_1476 = arith.constant 0 : i32
      %dma_start3A_1477 = arith.constant 0 : i32
      %dma_start3A_1478 = tpu.memref_slice %arg14[%dma_start3A_1469, %dma_start3A_1476, %dma_start3A_1477] : memref<8x32x128xf32, #tpu.memory_space<vmem>> -> memref<1x32x128xf32, #tpu.memory_space<vmem>>
      %dma_start3A_1479 = tpu.memref_squeeze %dma_start3A_1478 : memref<1x32x128xf32, #tpu.memory_space<vmem>> -> memref<32x128xf32, #tpu.memory_space<vmem>>
      %dma_start3A_1480 = arith.constant 0 : i32
      %dma_start3A_1481 = tpu.memref_slice %arg6[%dma_start3A_1480, %multiple_of3A_1442] : memref<32x1000000xf32, #tpu.memory_space<hbm>> -> memref<32x128xf32, #tpu.memory_space<hbm>>
      tpu.enqueue_dma source(%dma_start3A_1481 : memref<32x128xf32, #tpu.memory_space<hbm>>) target(%dma_start3A_1479 : memref<32x128xf32, #tpu.memory_space<vmem>>) target_semaphore(%arg17 : memref<!tpu.dma_semaphore, #tpu.memory_space<semaphore_mem>>)
      %slice3A_1482 = vector.extract_strided_slice %get3A_13 {offsets = [13], sizes = [1], strides = [1]} : vector<16xi32> to vector<1xi32>
      %squeeze3A_1483 = vector.extract %slice3A_1482[0] : i32 from vector<1xi32>
      %shift_right_arithmetic3A_1484 = arith.constant 7 : i32
      %shift_right_arithmetic3A_1485 = arith.shrsi %squeeze3A_1483, %shift_right_arithmetic3A_1484 : i32
      %mul3A_1486 = arith.constant 128 : i32
      %mul3A_1487 = arith.muli %shift_right_arithmetic3A_1485, %mul3A_1486 : i32
      %multiple_of3A_1488 = tpu.assume_multiple %mul3A_1487, 128 : i32
      %slice3A_1489 = vector.extract_strided_slice %get3A_15 {offsets = [13], sizes = [1], strides = [1]} : vector<16xi32> to vector<1xi32>
      %squeeze3A_1490 = vector.extract %slice3A_1489[0] : i32 from vector<1xi32>
      %shift_right_arithmetic3A_1491 = arith.constant 7 : i32
      %shift_right_arithmetic3A_1492 = arith.shrsi %squeeze3A_1490, %shift_right_arithmetic3A_1491 : i32
      %mul3A_1493 = arith.constant 128 : i32
      %mul3A_1494 = arith.muli %shift_right_arithmetic3A_1492, %mul3A_1493 : i32
      %multiple_of3A_1495 = tpu.assume_multiple %mul3A_1494, 128 : i32
      %slice3A_1496 = vector.extract_strided_slice %get3A_17 {offsets = [13], sizes = [1], strides = [1]} : vector<16xi32> to vector<1xi32>
      %squeeze3A_1497 = vector.extract %slice3A_1496[0] : i32 from vector<1xi32>
      %shift_right_arithmetic3A_1498 = arith.constant 7 : i32
      %shift_right_arithmetic3A_1499 = arith.shrsi %squeeze3A_1497, %shift_right_arithmetic3A_1498 : i32
      %mul3A_1500 = arith.constant 128 : i32
      %mul3A_1501 = arith.muli %shift_right_arithmetic3A_1499, %mul3A_1500 : i32
      %multiple_of3A_1502 = tpu.assume_multiple %mul3A_1501, 128 : i32
      %dma_start3A_1503 = arith.constant 5 : i32
      %dma_start3A_1504 = arith.constant 0 : i32
      %dma_start3A_1505 = arith.constant 0 : i32
      %dma_start3A_1506 = tpu.memref_slice %arg12[%dma_start3A_1503, %dma_start3A_1504, %dma_start3A_1505] : memref<8x32x128xf32, #tpu.memory_space<vmem>> -> memref<1x32x128xf32, #tpu.memory_space<vmem>>
      %dma_start3A_1507 = tpu.memref_squeeze %dma_start3A_1506 : memref<1x32x128xf32, #tpu.memory_space<vmem>> -> memref<32x128xf32, #tpu.memory_space<vmem>>
      %dma_start3A_1508 = arith.constant 0 : i32
      %dma_start3A_1509 = tpu.memref_slice %arg5[%dma_start3A_1508, %multiple_of3A_1488] : memref<32x1000000xf32, #tpu.memory_space<hbm>> -> memref<32x128xf32, #tpu.memory_space<hbm>>
      %dma_start3A_1510 = arith.constant 0 : i32
      %dma_start3A_1511 = arith.constant 0 : i32
      %dma_start3A_1512 = tpu.memref_slice %arg12[%dma_start3A_1503, %dma_start3A_1510, %dma_start3A_1511] : memref<8x32x128xf32, #tpu.memory_space<vmem>> -> memref<1x32x128xf32, #tpu.memory_space<vmem>>
      %dma_start3A_1513 = tpu.memref_squeeze %dma_start3A_1512 : memref<1x32x128xf32, #tpu.memory_space<vmem>> -> memref<32x128xf32, #tpu.memory_space<vmem>>
      %dma_start3A_1514 = arith.constant 0 : i32
      %dma_start3A_1515 = tpu.memref_slice %arg5[%dma_start3A_1514, %multiple_of3A_1488] : memref<32x1000000xf32, #tpu.memory_space<hbm>> -> memref<32x128xf32, #tpu.memory_space<hbm>>
      tpu.enqueue_dma source(%dma_start3A_1515 : memref<32x128xf32, #tpu.memory_space<hbm>>) target(%dma_start3A_1513 : memref<32x128xf32, #tpu.memory_space<vmem>>) target_semaphore(%arg17 : memref<!tpu.dma_semaphore, #tpu.memory_space<semaphore_mem>>)
      %dma_start3A_1516 = arith.constant 5 : i32
      %dma_start3A_1517 = arith.constant 0 : i32
      %dma_start3A_1518 = arith.constant 0 : i32
      %dma_start3A_1519 = tpu.memref_slice %arg13[%dma_start3A_1516, %dma_start3A_1517, %dma_start3A_1518] : memref<8x32x128xf32, #tpu.memory_space<vmem>> -> memref<1x32x128xf32, #tpu.memory_space<vmem>>
      %dma_start3A_1520 = tpu.memref_squeeze %dma_start3A_1519 : memref<1x32x128xf32, #tpu.memory_space<vmem>> -> memref<32x128xf32, #tpu.memory_space<vmem>>
      %dma_start3A_1521 = arith.constant 0 : i32
      %dma_start3A_1522 = tpu.memref_slice %arg6[%dma_start3A_1521, %multiple_of3A_1495] : memref<32x1000000xf32, #tpu.memory_space<hbm>> -> memref<32x128xf32, #tpu.memory_space<hbm>>
      %dma_start3A_1523 = arith.constant 0 : i32
      %dma_start3A_1524 = arith.constant 0 : i32
      %dma_start3A_1525 = tpu.memref_slice %arg13[%dma_start3A_1516, %dma_start3A_1523, %dma_start3A_1524] : memref<8x32x128xf32, #tpu.memory_space<vmem>> -> memref<1x32x128xf32, #tpu.memory_space<vmem>>
      %dma_start3A_1526 = tpu.memref_squeeze %dma_start3A_1525 : memref<1x32x128xf32, #tpu.memory_space<vmem>> -> memref<32x128xf32, #tpu.memory_space<vmem>>
      %dma_start3A_1527 = arith.constant 0 : i32
      %dma_start3A_1528 = tpu.memref_slice %arg6[%dma_start3A_1527, %multiple_of3A_1495] : memref<32x1000000xf32, #tpu.memory_space<hbm>> -> memref<32x128xf32, #tpu.memory_space<hbm>>
      tpu.enqueue_dma source(%dma_start3A_1528 : memref<32x128xf32, #tpu.memory_space<hbm>>) target(%dma_start3A_1526 : memref<32x128xf32, #tpu.memory_space<vmem>>) target_semaphore(%arg17 : memref<!tpu.dma_semaphore, #tpu.memory_space<semaphore_mem>>)
      %dma_start3A_1529 = arith.constant 5 : i32
      %dma_start3A_1530 = arith.constant 0 : i32
      %dma_start3A_1531 = arith.constant 0 : i32
      %dma_start3A_1532 = tpu.memref_slice %arg14[%dma_start3A_1529, %dma_start3A_1530, %dma_start3A_1531] : memref<8x32x128xf32, #tpu.memory_space<vmem>> -> memref<1x32x128xf32, #tpu.memory_space<vmem>>
      %dma_start3A_1533 = tpu.memref_squeeze %dma_start3A_1532 : memref<1x32x128xf32, #tpu.memory_space<vmem>> -> memref<32x128xf32, #tpu.memory_space<vmem>>
      %dma_start3A_1534 = arith.constant 0 : i32
      %dma_start3A_1535 = tpu.memref_slice %arg6[%dma_start3A_1534, %multiple_of3A_1502] : memref<32x1000000xf32, #tpu.memory_space<hbm>> -> memref<32x128xf32, #tpu.memory_space<hbm>>
      %dma_start3A_1536 = arith.constant 0 : i32
      %dma_start3A_1537 = arith.constant 0 : i32
      %dma_start3A_1538 = tpu.memref_slice %arg14[%dma_start3A_1529, %dma_start3A_1536, %dma_start3A_1537] : memref<8x32x128xf32, #tpu.memory_space<vmem>> -> memref<1x32x128xf32, #tpu.memory_space<vmem>>
      %dma_start3A_1539 = tpu.memref_squeeze %dma_start3A_1538 : memref<1x32x128xf32, #tpu.memory_space<vmem>> -> memref<32x128xf32, #tpu.memory_space<vmem>>
      %dma_start3A_1540 = arith.constant 0 : i32
      %dma_start3A_1541 = tpu.memref_slice %arg6[%dma_start3A_1540, %multiple_of3A_1502] : memref<32x1000000xf32, #tpu.memory_space<hbm>> -> memref<32x128xf32, #tpu.memory_space<hbm>>
      tpu.enqueue_dma source(%dma_start3A_1541 : memref<32x128xf32, #tpu.memory_space<hbm>>) target(%dma_start3A_1539 : memref<32x128xf32, #tpu.memory_space<vmem>>) target_semaphore(%arg17 : memref<!tpu.dma_semaphore, #tpu.memory_space<semaphore_mem>>)
      %slice3A_1542 = vector.extract_strided_slice %get3A_13 {offsets = [14], sizes = [1], strides = [1]} : vector<16xi32> to vector<1xi32>
      %squeeze3A_1543 = vector.extract %slice3A_1542[0] : i32 from vector<1xi32>
      %shift_right_arithmetic3A_1544 = arith.constant 7 : i32
      %shift_right_arithmetic3A_1545 = arith.shrsi %squeeze3A_1543, %shift_right_arithmetic3A_1544 : i32
      %mul3A_1546 = arith.constant 128 : i32
      %mul3A_1547 = arith.muli %shift_right_arithmetic3A_1545, %mul3A_1546 : i32
      %multiple_of3A_1548 = tpu.assume_multiple %mul3A_1547, 128 : i32
      %slice3A_1549 = vector.extract_strided_slice %get3A_15 {offsets = [14], sizes = [1], strides = [1]} : vector<16xi32> to vector<1xi32>
      %squeeze3A_1550 = vector.extract %slice3A_1549[0] : i32 from vector<1xi32>
      %shift_right_arithmetic3A_1551 = arith.constant 7 : i32
      %shift_right_arithmetic3A_1552 = arith.shrsi %squeeze3A_1550, %shift_right_arithmetic3A_1551 : i32
      %mul3A_1553 = arith.constant 128 : i32
      %mul3A_1554 = arith.muli %shift_right_arithmetic3A_1552, %mul3A_1553 : i32
      %multiple_of3A_1555 = tpu.assume_multiple %mul3A_1554, 128 : i32
      %slice3A_1556 = vector.extract_strided_slice %get3A_17 {offsets = [14], sizes = [1], strides = [1]} : vector<16xi32> to vector<1xi32>
      %squeeze3A_1557 = vector.extract %slice3A_1556[0] : i32 from vector<1xi32>
      %shift_right_arithmetic3A_1558 = arith.constant 7 : i32
      %shift_right_arithmetic3A_1559 = arith.shrsi %squeeze3A_1557, %shift_right_arithmetic3A_1558 : i32
      %mul3A_1560 = arith.constant 128 : i32
      %mul3A_1561 = arith.muli %shift_right_arithmetic3A_1559, %mul3A_1560 : i32
      %multiple_of3A_1562 = tpu.assume_multiple %mul3A_1561, 128 : i32
      %dma_start3A_1563 = arith.constant 6 : i32
      %dma_start3A_1564 = arith.constant 0 : i32
      %dma_start3A_1565 = arith.constant 0 : i32
      %dma_start3A_1566 = tpu.memref_slice %arg12[%dma_start3A_1563, %dma_start3A_1564, %dma_start3A_1565] : memref<8x32x128xf32, #tpu.memory_space<vmem>> -> memref<1x32x128xf32, #tpu.memory_space<vmem>>
      %dma_start3A_1567 = tpu.memref_squeeze %dma_start3A_1566 : memref<1x32x128xf32, #tpu.memory_space<vmem>> -> memref<32x128xf32, #tpu.memory_space<vmem>>
      %dma_start3A_1568 = arith.constant 0 : i32
      %dma_start3A_1569 = tpu.memref_slice %arg5[%dma_start3A_1568, %multiple_of3A_1548] : memref<32x1000000xf32, #tpu.memory_space<hbm>> -> memref<32x128xf32, #tpu.memory_space<hbm>>
      %dma_start3A_1570 = arith.constant 0 : i32
      %dma_start3A_1571 = arith.constant 0 : i32
      %dma_start3A_1572 = tpu.memref_slice %arg12[%dma_start3A_1563, %dma_start3A_1570, %dma_start3A_1571] : memref<8x32x128xf32, #tpu.memory_space<vmem>> -> memref<1x32x128xf32, #tpu.memory_space<vmem>>
      %dma_start3A_1573 = tpu.memref_squeeze %dma_start3A_1572 : memref<1x32x128xf32, #tpu.memory_space<vmem>> -> memref<32x128xf32, #tpu.memory_space<vmem>>
      %dma_start3A_1574 = arith.constant 0 : i32
      %dma_start3A_1575 = tpu.memref_slice %arg5[%dma_start3A_1574, %multiple_of3A_1548] : memref<32x1000000xf32, #tpu.memory_space<hbm>> -> memref<32x128xf32, #tpu.memory_space<hbm>>
      tpu.enqueue_dma source(%dma_start3A_1575 : memref<32x128xf32, #tpu.memory_space<hbm>>) target(%dma_start3A_1573 : memref<32x128xf32, #tpu.memory_space<vmem>>) target_semaphore(%arg17 : memref<!tpu.dma_semaphore, #tpu.memory_space<semaphore_mem>>)
      %dma_start3A_1576 = arith.constant 6 : i32
      %dma_start3A_1577 = arith.constant 0 : i32
      %dma_start3A_1578 = arith.constant 0 : i32
      %dma_start3A_1579 = tpu.memref_slice %arg13[%dma_start3A_1576, %dma_start3A_1577, %dma_start3A_1578] : memref<8x32x128xf32, #tpu.memory_space<vmem>> -> memref<1x32x128xf32, #tpu.memory_space<vmem>>
      %dma_start3A_1580 = tpu.memref_squeeze %dma_start3A_1579 : memref<1x32x128xf32, #tpu.memory_space<vmem>> -> memref<32x128xf32, #tpu.memory_space<vmem>>
      %dma_start3A_1581 = arith.constant 0 : i32
      %dma_start3A_1582 = tpu.memref_slice %arg6[%dma_start3A_1581, %multiple_of3A_1555] : memref<32x1000000xf32, #tpu.memory_space<hbm>> -> memref<32x128xf32, #tpu.memory_space<hbm>>
      %dma_start3A_1583 = arith.constant 0 : i32
      %dma_start3A_1584 = arith.constant 0 : i32
      %dma_start3A_1585 = tpu.memref_slice %arg13[%dma_start3A_1576, %dma_start3A_1583, %dma_start3A_1584] : memref<8x32x128xf32, #tpu.memory_space<vmem>> -> memref<1x32x128xf32, #tpu.memory_space<vmem>>
      %dma_start3A_1586 = tpu.memref_squeeze %dma_start3A_1585 : memref<1x32x128xf32, #tpu.memory_space<vmem>> -> memref<32x128xf32, #tpu.memory_space<vmem>>
      %dma_start3A_1587 = arith.constant 0 : i32
      %dma_start3A_1588 = tpu.memref_slice %arg6[%dma_start3A_1587, %multiple_of3A_1555] : memref<32x1000000xf32, #tpu.memory_space<hbm>> -> memref<32x128xf32, #tpu.memory_space<hbm>>
      tpu.enqueue_dma source(%dma_start3A_1588 : memref<32x128xf32, #tpu.memory_space<hbm>>) target(%dma_start3A_1586 : memref<32x128xf32, #tpu.memory_space<vmem>>) target_semaphore(%arg17 : memref<!tpu.dma_semaphore, #tpu.memory_space<semaphore_mem>>)
      %dma_start3A_1589 = arith.constant 6 : i32
      %dma_start3A_1590 = arith.constant 0 : i32
      %dma_start3A_1591 = arith.constant 0 : i32
      %dma_start3A_1592 = tpu.memref_slice %arg14[%dma_start3A_1589, %dma_start3A_1590, %dma_start3A_1591] : memref<8x32x128xf32, #tpu.memory_space<vmem>> -> memref<1x32x128xf32, #tpu.memory_space<vmem>>
      %dma_start3A_1593 = tpu.memref_squeeze %dma_start3A_1592 : memref<1x32x128xf32, #tpu.memory_space<vmem>> -> memref<32x128xf32, #tpu.memory_space<vmem>>
      %dma_start3A_1594 = arith.constant 0 : i32
      %dma_start3A_1595 = tpu.memref_slice %arg6[%dma_start3A_1594, %multiple_of3A_1562] : memref<32x1000000xf32, #tpu.memory_space<hbm>> -> memref<32x128xf32, #tpu.memory_space<hbm>>
      %dma_start3A_1596 = arith.constant 0 : i32
      %dma_start3A_1597 = arith.constant 0 : i32
      %dma_start3A_1598 = tpu.memref_slice %arg14[%dma_start3A_1589, %dma_start3A_1596, %dma_start3A_1597] : memref<8x32x128xf32, #tpu.memory_space<vmem>> -> memref<1x32x128xf32, #tpu.memory_space<vmem>>
      %dma_start3A_1599 = tpu.memref_squeeze %dma_start3A_1598 : memref<1x32x128xf32, #tpu.memory_space<vmem>> -> memref<32x128xf32, #tpu.memory_space<vmem>>
      %dma_start3A_1600 = arith.constant 0 : i32
      %dma_start3A_1601 = tpu.memref_slice %arg6[%dma_start3A_1600, %multiple_of3A_1562] : memref<32x1000000xf32, #tpu.memory_space<hbm>> -> memref<32x128xf32, #tpu.memory_space<hbm>>
      tpu.enqueue_dma source(%dma_start3A_1601 : memref<32x128xf32, #tpu.memory_space<hbm>>) target(%dma_start3A_1599 : memref<32x128xf32, #tpu.memory_space<vmem>>) target_semaphore(%arg17 : memref<!tpu.dma_semaphore, #tpu.memory_space<semaphore_mem>>)
      %slice3A_1602 = vector.extract_strided_slice %get3A_13 {offsets = [15], sizes = [1], strides = [1]} : vector<16xi32> to vector<1xi32>
      %squeeze3A_1603 = vector.extract %slice3A_1602[0] : i32 from vector<1xi32>
      %shift_right_arithmetic3A_1604 = arith.constant 7 : i32
      %shift_right_arithmetic3A_1605 = arith.shrsi %squeeze3A_1603, %shift_right_arithmetic3A_1604 : i32
      %mul3A_1606 = arith.constant 128 : i32
      %mul3A_1607 = arith.muli %shift_right_arithmetic3A_1605, %mul3A_1606 : i32
      %multiple_of3A_1608 = tpu.assume_multiple %mul3A_1607, 128 : i32
      %slice3A_1609 = vector.extract_strided_slice %get3A_15 {offsets = [15], sizes = [1], strides = [1]} : vector<16xi32> to vector<1xi32>
      %squeeze3A_1610 = vector.extract %slice3A_1609[0] : i32 from vector<1xi32>
      %shift_right_arithmetic3A_1611 = arith.constant 7 : i32
      %shift_right_arithmetic3A_1612 = arith.shrsi %squeeze3A_1610, %shift_right_arithmetic3A_1611 : i32
      %mul3A_1613 = arith.constant 128 : i32
      %mul3A_1614 = arith.muli %shift_right_arithmetic3A_1612, %mul3A_1613 : i32
      %multiple_of3A_1615 = tpu.assume_multiple %mul3A_1614, 128 : i32
      %slice3A_1616 = vector.extract_strided_slice %get3A_17 {offsets = [15], sizes = [1], strides = [1]} : vector<16xi32> to vector<1xi32>
      %squeeze3A_1617 = vector.extract %slice3A_1616[0] : i32 from vector<1xi32>
      %shift_right_arithmetic3A_1618 = arith.constant 7 : i32
      %shift_right_arithmetic3A_1619 = arith.shrsi %squeeze3A_1617, %shift_right_arithmetic3A_1618 : i32
      %mul3A_1620 = arith.constant 128 : i32
      %mul3A_1621 = arith.muli %shift_right_arithmetic3A_1619, %mul3A_1620 : i32
      %multiple_of3A_1622 = tpu.assume_multiple %mul3A_1621, 128 : i32
      %dma_start3A_1623 = arith.constant 7 : i32
      %dma_start3A_1624 = arith.constant 0 : i32
      %dma_start3A_1625 = arith.constant 0 : i32
      %dma_start3A_1626 = tpu.memref_slice %arg12[%dma_start3A_1623, %dma_start3A_1624, %dma_start3A_1625] : memref<8x32x128xf32, #tpu.memory_space<vmem>> -> memref<1x32x128xf32, #tpu.memory_space<vmem>>
      %dma_start3A_1627 = tpu.memref_squeeze %dma_start3A_1626 : memref<1x32x128xf32, #tpu.memory_space<vmem>> -> memref<32x128xf32, #tpu.memory_space<vmem>>
      %dma_start3A_1628 = arith.constant 0 : i32
      %dma_start3A_1629 = tpu.memref_slice %arg5[%dma_start3A_1628, %multiple_of3A_1608] : memref<32x1000000xf32, #tpu.memory_space<hbm>> -> memref<32x128xf32, #tpu.memory_space<hbm>>
      %dma_start3A_1630 = arith.constant 0 : i32
      %dma_start3A_1631 = arith.constant 0 : i32
      %dma_start3A_1632 = tpu.memref_slice %arg12[%dma_start3A_1623, %dma_start3A_1630, %dma_start3A_1631] : memref<8x32x128xf32, #tpu.memory_space<vmem>> -> memref<1x32x128xf32, #tpu.memory_space<vmem>>
      %dma_start3A_1633 = tpu.memref_squeeze %dma_start3A_1632 : memref<1x32x128xf32, #tpu.memory_space<vmem>> -> memref<32x128xf32, #tpu.memory_space<vmem>>
      %dma_start3A_1634 = arith.constant 0 : i32
      %dma_start3A_1635 = tpu.memref_slice %arg5[%dma_start3A_1634, %multiple_of3A_1608] : memref<32x1000000xf32, #tpu.memory_space<hbm>> -> memref<32x128xf32, #tpu.memory_space<hbm>>
      tpu.enqueue_dma source(%dma_start3A_1635 : memref<32x128xf32, #tpu.memory_space<hbm>>) target(%dma_start3A_1633 : memref<32x128xf32, #tpu.memory_space<vmem>>) target_semaphore(%arg17 : memref<!tpu.dma_semaphore, #tpu.memory_space<semaphore_mem>>)
      %dma_start3A_1636 = arith.constant 7 : i32
      %dma_start3A_1637 = arith.constant 0 : i32
      %dma_start3A_1638 = arith.constant 0 : i32
      %dma_start3A_1639 = tpu.memref_slice %arg13[%dma_start3A_1636, %dma_start3A_1637, %dma_start3A_1638] : memref<8x32x128xf32, #tpu.memory_space<vmem>> -> memref<1x32x128xf32, #tpu.memory_space<vmem>>
      %dma_start3A_1640 = tpu.memref_squeeze %dma_start3A_1639 : memref<1x32x128xf32, #tpu.memory_space<vmem>> -> memref<32x128xf32, #tpu.memory_space<vmem>>
      %dma_start3A_1641 = arith.constant 0 : i32
      %dma_start3A_1642 = tpu.memref_slice %arg6[%dma_start3A_1641, %multiple_of3A_1615] : memref<32x1000000xf32, #tpu.memory_space<hbm>> -> memref<32x128xf32, #tpu.memory_space<hbm>>
      %dma_start3A_1643 = arith.constant 0 : i32
      %dma_start3A_1644 = arith.constant 0 : i32
      %dma_start3A_1645 = tpu.memref_slice %arg13[%dma_start3A_1636, %dma_start3A_1643, %dma_start3A_1644] : memref<8x32x128xf32, #tpu.memory_space<vmem>> -> memref<1x32x128xf32, #tpu.memory_space<vmem>>
      %dma_start3A_1646 = tpu.memref_squeeze %dma_start3A_1645 : memref<1x32x128xf32, #tpu.memory_space<vmem>> -> memref<32x128xf32, #tpu.memory_space<vmem>>
      %dma_start3A_1647 = arith.constant 0 : i32
      %dma_start3A_1648 = tpu.memref_slice %arg6[%dma_start3A_1647, %multiple_of3A_1615] : memref<32x1000000xf32, #tpu.memory_space<hbm>> -> memref<32x128xf32, #tpu.memory_space<hbm>>
      tpu.enqueue_dma source(%dma_start3A_1648 : memref<32x128xf32, #tpu.memory_space<hbm>>) target(%dma_start3A_1646 : memref<32x128xf32, #tpu.memory_space<vmem>>) target_semaphore(%arg17 : memref<!tpu.dma_semaphore, #tpu.memory_space<semaphore_mem>>)
      %dma_start3A_1649 = arith.constant 7 : i32
      %dma_start3A_1650 = arith.constant 0 : i32
      %dma_start3A_1651 = arith.constant 0 : i32
      %dma_start3A_1652 = tpu.memref_slice %arg14[%dma_start3A_1649, %dma_start3A_1650, %dma_start3A_1651] : memref<8x32x128xf32, #tpu.memory_space<vmem>> -> memref<1x32x128xf32, #tpu.memory_space<vmem>>
      %dma_start3A_1653 = tpu.memref_squeeze %dma_start3A_1652 : memref<1x32x128xf32, #tpu.memory_space<vmem>> -> memref<32x128xf32, #tpu.memory_space<vmem>>
      %dma_start3A_1654 = arith.constant 0 : i32
      %dma_start3A_1655 = tpu.memref_slice %arg6[%dma_start3A_1654, %multiple_of3A_1622] : memref<32x1000000xf32, #tpu.memory_space<hbm>> -> memref<32x128xf32, #tpu.memory_space<hbm>>
      %dma_start3A_1656 = arith.constant 0 : i32
      %dma_start3A_1657 = arith.constant 0 : i32
      %dma_start3A_1658 = tpu.memref_slice %arg14[%dma_start3A_1649, %dma_start3A_1656, %dma_start3A_1657] : memref<8x32x128xf32, #tpu.memory_space<vmem>> -> memref<1x32x128xf32, #tpu.memory_space<vmem>>
      %dma_start3A_1659 = tpu.memref_squeeze %dma_start3A_1658 : memref<1x32x128xf32, #tpu.memory_space<vmem>> -> memref<32x128xf32, #tpu.memory_space<vmem>>
      %dma_start3A_1660 = arith.constant 0 : i32
      %dma_start3A_1661 = tpu.memref_slice %arg6[%dma_start3A_1660, %multiple_of3A_1622] : memref<32x1000000xf32, #tpu.memory_space<hbm>> -> memref<32x128xf32, #tpu.memory_space<hbm>>
      tpu.enqueue_dma source(%dma_start3A_1661 : memref<32x128xf32, #tpu.memory_space<hbm>>) target(%dma_start3A_1659 : memref<32x128xf32, #tpu.memory_space<vmem>>) target_semaphore(%arg17 : memref<!tpu.dma_semaphore, #tpu.memory_space<semaphore_mem>>)
      %dma_wait3A_1662 = arith.constant 0 : i32
      %dma_wait3A_1663 = arith.constant 0 : i32
      %dma_wait3A_1664 = arith.constant 0 : i32
      %dma_wait3A_1665 = tpu.memref_slice %arg12[%dma_wait3A_1662, %dma_wait3A_1663, %dma_wait3A_1664] : memref<8x32x128xf32, #tpu.memory_space<vmem>> -> memref<1x32x128xf32, #tpu.memory_space<vmem>>
      %dma_wait3A_1666 = tpu.memref_squeeze %dma_wait3A_1665 : memref<1x32x128xf32, #tpu.memory_space<vmem>> -> memref<32x128xf32, #tpu.memory_space<vmem>>
      %dma_wait3A_1667 = arith.constant 0 : i32
      %dma_wait3A_1668 = arith.constant 0 : i32
      %dma_wait3A_1669 = tpu.memref_slice %arg5[%dma_wait3A_1667, %dma_wait3A_1668] : memref<32x1000000xf32, #tpu.memory_space<hbm>> -> memref<32x128xf32, #tpu.memory_space<hbm>>
      %dma_wait3A_1670 = arith.constant 0 : i32
      %dma_wait3A_1671 = arith.constant 0 : i32
      %dma_wait3A_1672 = tpu.memref_slice %arg12[%dma_wait3A_1662, %dma_wait3A_1670, %dma_wait3A_1671] : memref<8x32x128xf32, #tpu.memory_space<vmem>> -> memref<1x32x128xf32, #tpu.memory_space<vmem>>
      %dma_wait3A_1673 = tpu.memref_squeeze %dma_wait3A_1672 : memref<1x32x128xf32, #tpu.memory_space<vmem>> -> memref<32x128xf32, #tpu.memory_space<vmem>>
      %dma_wait3A_1674 = arith.constant 0 : i32
      %dma_wait3A_1675 = arith.constant 0 : i32
      %dma_wait3A_1676 = tpu.memref_slice %arg5[%dma_wait3A_1674, %dma_wait3A_1675] : memref<32x1000000xf32, #tpu.memory_space<hbm>> -> memref<32x128xf32, #tpu.memory_space<hbm>>
      tpu.wait_dma2 semaphore(%arg17 : memref<!tpu.dma_semaphore, #tpu.memory_space<semaphore_mem>>) src(%dma_wait3A_1676 : memref<32x128xf32, #tpu.memory_space<hbm>>) dst(%dma_wait3A_1673 : memref<32x128xf32, #tpu.memory_space<vmem>>)
      %dma_wait3A_1677 = arith.constant 0 : i32
      %dma_wait3A_1678 = arith.constant 0 : i32
      %dma_wait3A_1679 = arith.constant 0 : i32
      %dma_wait3A_1680 = tpu.memref_slice %arg13[%dma_wait3A_1677, %dma_wait3A_1678, %dma_wait3A_1679] : memref<8x32x128xf32, #tpu.memory_space<vmem>> -> memref<1x32x128xf32, #tpu.memory_space<vmem>>
      %dma_wait3A_1681 = tpu.memref_squeeze %dma_wait3A_1680 : memref<1x32x128xf32, #tpu.memory_space<vmem>> -> memref<32x128xf32, #tpu.memory_space<vmem>>
      %dma_wait3A_1682 = arith.constant 0 : i32
      %dma_wait3A_1683 = arith.constant 0 : i32
      %dma_wait3A_1684 = tpu.memref_slice %arg5[%dma_wait3A_1682, %dma_wait3A_1683] : memref<32x1000000xf32, #tpu.memory_space<hbm>> -> memref<32x128xf32, #tpu.memory_space<hbm>>
      %dma_wait3A_1685 = arith.constant 0 : i32
      %dma_wait3A_1686 = arith.constant 0 : i32
      %dma_wait3A_1687 = tpu.memref_slice %arg13[%dma_wait3A_1677, %dma_wait3A_1685, %dma_wait3A_1686] : memref<8x32x128xf32, #tpu.memory_space<vmem>> -> memref<1x32x128xf32, #tpu.memory_space<vmem>>
      %dma_wait3A_1688 = tpu.memref_squeeze %dma_wait3A_1687 : memref<1x32x128xf32, #tpu.memory_space<vmem>> -> memref<32x128xf32, #tpu.memory_space<vmem>>
      %dma_wait3A_1689 = arith.constant 0 : i32
      %dma_wait3A_1690 = arith.constant 0 : i32
      %dma_wait3A_1691 = tpu.memref_slice %arg5[%dma_wait3A_1689, %dma_wait3A_1690] : memref<32x1000000xf32, #tpu.memory_space<hbm>> -> memref<32x128xf32, #tpu.memory_space<hbm>>
      tpu.wait_dma2 semaphore(%arg17 : memref<!tpu.dma_semaphore, #tpu.memory_space<semaphore_mem>>) src(%dma_wait3A_1691 : memref<32x128xf32, #tpu.memory_space<hbm>>) dst(%dma_wait3A_1688 : memref<32x128xf32, #tpu.memory_space<vmem>>)
      %dma_wait3A_1692 = arith.constant 0 : i32
      %dma_wait3A_1693 = arith.constant 0 : i32
      %dma_wait3A_1694 = arith.constant 0 : i32
      %dma_wait3A_1695 = tpu.memref_slice %arg14[%dma_wait3A_1692, %dma_wait3A_1693, %dma_wait3A_1694] : memref<8x32x128xf32, #tpu.memory_space<vmem>> -> memref<1x32x128xf32, #tpu.memory_space<vmem>>
      %dma_wait3A_1696 = tpu.memref_squeeze %dma_wait3A_1695 : memref<1x32x128xf32, #tpu.memory_space<vmem>> -> memref<32x128xf32, #tpu.memory_space<vmem>>
      %dma_wait3A_1697 = arith.constant 0 : i32
      %dma_wait3A_1698 = arith.constant 0 : i32
      %dma_wait3A_1699 = tpu.memref_slice %arg5[%dma_wait3A_1697, %dma_wait3A_1698] : memref<32x1000000xf32, #tpu.memory_space<hbm>> -> memref<32x128xf32, #tpu.memory_space<hbm>>
      %dma_wait3A_1700 = arith.constant 0 : i32
      %dma_wait3A_1701 = arith.constant 0 : i32
      %dma_wait3A_1702 = tpu.memref_slice %arg14[%dma_wait3A_1692, %dma_wait3A_1700, %dma_wait3A_1701] : memref<8x32x128xf32, #tpu.memory_space<vmem>> -> memref<1x32x128xf32, #tpu.memory_space<vmem>>
      %dma_wait3A_1703 = tpu.memref_squeeze %dma_wait3A_1702 : memref<1x32x128xf32, #tpu.memory_space<vmem>> -> memref<32x128xf32, #tpu.memory_space<vmem>>
      %dma_wait3A_1704 = arith.constant 0 : i32
      %dma_wait3A_1705 = arith.constant 0 : i32
      %dma_wait3A_1706 = tpu.memref_slice %arg5[%dma_wait3A_1704, %dma_wait3A_1705] : memref<32x1000000xf32, #tpu.memory_space<hbm>> -> memref<32x128xf32, #tpu.memory_space<hbm>>
      tpu.wait_dma2 semaphore(%arg17 : memref<!tpu.dma_semaphore, #tpu.memory_space<semaphore_mem>>) src(%dma_wait3A_1706 : memref<32x128xf32, #tpu.memory_space<hbm>>) dst(%dma_wait3A_1703 : memref<32x128xf32, #tpu.memory_space<vmem>>)
      %dma_wait3A_1707 = arith.constant 1 : i32
      %dma_wait3A_1708 = arith.constant 0 : i32
      %dma_wait3A_1709 = arith.constant 0 : i32
      %dma_wait3A_1710 = tpu.memref_slice %arg12[%dma_wait3A_1707, %dma_wait3A_1708, %dma_wait3A_1709] : memref<8x32x128xf32, #tpu.memory_space<vmem>> -> memref<1x32x128xf32, #tpu.memory_space<vmem>>
      %dma_wait3A_1711 = tpu.memref_squeeze %dma_wait3A_1710 : memref<1x32x128xf32, #tpu.memory_space<vmem>> -> memref<32x128xf32, #tpu.memory_space<vmem>>
      %dma_wait3A_1712 = arith.constant 0 : i32
      %dma_wait3A_1713 = arith.constant 0 : i32
      %dma_wait3A_1714 = tpu.memref_slice %arg5[%dma_wait3A_1712, %dma_wait3A_1713] : memref<32x1000000xf32, #tpu.memory_space<hbm>> -> memref<32x128xf32, #tpu.memory_space<hbm>>
      %dma_wait3A_1715 = arith.constant 0 : i32
      %dma_wait3A_1716 = arith.constant 0 : i32
      %dma_wait3A_1717 = tpu.memref_slice %arg12[%dma_wait3A_1707, %dma_wait3A_1715, %dma_wait3A_1716] : memref<8x32x128xf32, #tpu.memory_space<vmem>> -> memref<1x32x128xf32, #tpu.memory_space<vmem>>
      %dma_wait3A_1718 = tpu.memref_squeeze %dma_wait3A_1717 : memref<1x32x128xf32, #tpu.memory_space<vmem>> -> memref<32x128xf32, #tpu.memory_space<vmem>>
      %dma_wait3A_1719 = arith.constant 0 : i32
      %dma_wait3A_1720 = arith.constant 0 : i32
      %dma_wait3A_1721 = tpu.memref_slice %arg5[%dma_wait3A_1719, %dma_wait3A_1720] : memref<32x1000000xf32, #tpu.memory_space<hbm>> -> memref<32x128xf32, #tpu.memory_space<hbm>>
      tpu.wait_dma2 semaphore(%arg17 : memref<!tpu.dma_semaphore, #tpu.memory_space<semaphore_mem>>) src(%dma_wait3A_1721 : memref<32x128xf32, #tpu.memory_space<hbm>>) dst(%dma_wait3A_1718 : memref<32x128xf32, #tpu.memory_space<vmem>>)
      %dma_wait3A_1722 = arith.constant 1 : i32
      %dma_wait3A_1723 = arith.constant 0 : i32
      %dma_wait3A_1724 = arith.constant 0 : i32
      %dma_wait3A_1725 = tpu.memref_slice %arg13[%dma_wait3A_1722, %dma_wait3A_1723, %dma_wait3A_1724] : memref<8x32x128xf32, #tpu.memory_space<vmem>> -> memref<1x32x128xf32, #tpu.memory_space<vmem>>
      %dma_wait3A_1726 = tpu.memref_squeeze %dma_wait3A_1725 : memref<1x32x128xf32, #tpu.memory_space<vmem>> -> memref<32x128xf32, #tpu.memory_space<vmem>>
      %dma_wait3A_1727 = arith.constant 0 : i32
      %dma_wait3A_1728 = arith.constant 0 : i32
      %dma_wait3A_1729 = tpu.memref_slice %arg5[%dma_wait3A_1727, %dma_wait3A_1728] : memref<32x1000000xf32, #tpu.memory_space<hbm>> -> memref<32x128xf32, #tpu.memory_space<hbm>>
      %dma_wait3A_1730 = arith.constant 0 : i32
      %dma_wait3A_1731 = arith.constant 0 : i32
      %dma_wait3A_1732 = tpu.memref_slice %arg13[%dma_wait3A_1722, %dma_wait3A_1730, %dma_wait3A_1731] : memref<8x32x128xf32, #tpu.memory_space<vmem>> -> memref<1x32x128xf32, #tpu.memory_space<vmem>>
      %dma_wait3A_1733 = tpu.memref_squeeze %dma_wait3A_1732 : memref<1x32x128xf32, #tpu.memory_space<vmem>> -> memref<32x128xf32, #tpu.memory_space<vmem>>
      %dma_wait3A_1734 = arith.constant 0 : i32
      %dma_wait3A_1735 = arith.constant 0 : i32
      %dma_wait3A_1736 = tpu.memref_slice %arg5[%dma_wait3A_1734, %dma_wait3A_1735] : memref<32x1000000xf32, #tpu.memory_space<hbm>> -> memref<32x128xf32, #tpu.memory_space<hbm>>
      tpu.wait_dma2 semaphore(%arg17 : memref<!tpu.dma_semaphore, #tpu.memory_space<semaphore_mem>>) src(%dma_wait3A_1736 : memref<32x128xf32, #tpu.memory_space<hbm>>) dst(%dma_wait3A_1733 : memref<32x128xf32, #tpu.memory_space<vmem>>)
      %dma_wait3A_1737 = arith.constant 1 : i32
      %dma_wait3A_1738 = arith.constant 0 : i32
      %dma_wait3A_1739 = arith.constant 0 : i32
      %dma_wait3A_1740 = tpu.memref_slice %arg14[%dma_wait3A_1737, %dma_wait3A_1738, %dma_wait3A_1739] : memref<8x32x128xf32, #tpu.memory_space<vmem>> -> memref<1x32x128xf32, #tpu.memory_space<vmem>>
      %dma_wait3A_1741 = tpu.memref_squeeze %dma_wait3A_1740 : memref<1x32x128xf32, #tpu.memory_space<vmem>> -> memref<32x128xf32, #tpu.memory_space<vmem>>
      %dma_wait3A_1742 = arith.constant 0 : i32
      %dma_wait3A_1743 = arith.constant 0 : i32
      %dma_wait3A_1744 = tpu.memref_slice %arg5[%dma_wait3A_1742, %dma_wait3A_1743] : memref<32x1000000xf32, #tpu.memory_space<hbm>> -> memref<32x128xf32, #tpu.memory_space<hbm>>
      %dma_wait3A_1745 = arith.constant 0 : i32
      %dma_wait3A_1746 = arith.constant 0 : i32
      %dma_wait3A_1747 = tpu.memref_slice %arg14[%dma_wait3A_1737, %dma_wait3A_1745, %dma_wait3A_1746] : memref<8x32x128xf32, #tpu.memory_space<vmem>> -> memref<1x32x128xf32, #tpu.memory_space<vmem>>
      %dma_wait3A_1748 = tpu.memref_squeeze %dma_wait3A_1747 : memref<1x32x128xf32, #tpu.memory_space<vmem>> -> memref<32x128xf32, #tpu.memory_space<vmem>>
      %dma_wait3A_1749 = arith.constant 0 : i32
      %dma_wait3A_1750 = arith.constant 0 : i32
      %dma_wait3A_1751 = tpu.memref_slice %arg5[%dma_wait3A_1749, %dma_wait3A_1750] : memref<32x1000000xf32, #tpu.memory_space<hbm>> -> memref<32x128xf32, #tpu.memory_space<hbm>>
      tpu.wait_dma2 semaphore(%arg17 : memref<!tpu.dma_semaphore, #tpu.memory_space<semaphore_mem>>) src(%dma_wait3A_1751 : memref<32x128xf32, #tpu.memory_space<hbm>>) dst(%dma_wait3A_1748 : memref<32x128xf32, #tpu.memory_space<vmem>>)
      %dma_wait3A_1752 = arith.constant 2 : i32
      %dma_wait3A_1753 = arith.constant 0 : i32
      %dma_wait3A_1754 = arith.constant 0 : i32
      %dma_wait3A_1755 = tpu.memref_slice %arg12[%dma_wait3A_1752, %dma_wait3A_1753, %dma_wait3A_1754] : memref<8x32x128xf32, #tpu.memory_space<vmem>> -> memref<1x32x128xf32, #tpu.memory_space<vmem>>
      %dma_wait3A_1756 = tpu.memref_squeeze %dma_wait3A_1755 : memref<1x32x128xf32, #tpu.memory_space<vmem>> -> memref<32x128xf32, #tpu.memory_space<vmem>>
      %dma_wait3A_1757 = arith.constant 0 : i32
      %dma_wait3A_1758 = arith.constant 0 : i32
      %dma_wait3A_1759 = tpu.memref_slice %arg5[%dma_wait3A_1757, %dma_wait3A_1758] : memref<32x1000000xf32, #tpu.memory_space<hbm>> -> memref<32x128xf32, #tpu.memory_space<hbm>>
      %dma_wait3A_1760 = arith.constant 0 : i32
      %dma_wait3A_1761 = arith.constant 0 : i32
      %dma_wait3A_1762 = tpu.memref_slice %arg12[%dma_wait3A_1752, %dma_wait3A_1760, %dma_wait3A_1761] : memref<8x32x128xf32, #tpu.memory_space<vmem>> -> memref<1x32x128xf32, #tpu.memory_space<vmem>>
      %dma_wait3A_1763 = tpu.memref_squeeze %dma_wait3A_1762 : memref<1x32x128xf32, #tpu.memory_space<vmem>> -> memref<32x128xf32, #tpu.memory_space<vmem>>
      %dma_wait3A_1764 = arith.constant 0 : i32
      %dma_wait3A_1765 = arith.constant 0 : i32
      %dma_wait3A_1766 = tpu.memref_slice %arg5[%dma_wait3A_1764, %dma_wait3A_1765] : memref<32x1000000xf32, #tpu.memory_space<hbm>> -> memref<32x128xf32, #tpu.memory_space<hbm>>
      tpu.wait_dma2 semaphore(%arg17 : memref<!tpu.dma_semaphore, #tpu.memory_space<semaphore_mem>>) src(%dma_wait3A_1766 : memref<32x128xf32, #tpu.memory_space<hbm>>) dst(%dma_wait3A_1763 : memref<32x128xf32, #tpu.memory_space<vmem>>)
      %dma_wait3A_1767 = arith.constant 2 : i32
      %dma_wait3A_1768 = arith.constant 0 : i32
      %dma_wait3A_1769 = arith.constant 0 : i32
      %dma_wait3A_1770 = tpu.memref_slice %arg13[%dma_wait3A_1767, %dma_wait3A_1768, %dma_wait3A_1769] : memref<8x32x128xf32, #tpu.memory_space<vmem>> -> memref<1x32x128xf32, #tpu.memory_space<vmem>>
      %dma_wait3A_1771 = tpu.memref_squeeze %dma_wait3A_1770 : memref<1x32x128xf32, #tpu.memory_space<vmem>> -> memref<32x128xf32, #tpu.memory_space<vmem>>
      %dma_wait3A_1772 = arith.constant 0 : i32
      %dma_wait3A_1773 = arith.constant 0 : i32
      %dma_wait3A_1774 = tpu.memref_slice %arg5[%dma_wait3A_1772, %dma_wait3A_1773] : memref<32x1000000xf32, #tpu.memory_space<hbm>> -> memref<32x128xf32, #tpu.memory_space<hbm>>
      %dma_wait3A_1775 = arith.constant 0 : i32
      %dma_wait3A_1776 = arith.constant 0 : i32
      %dma_wait3A_1777 = tpu.memref_slice %arg13[%dma_wait3A_1767, %dma_wait3A_1775, %dma_wait3A_1776] : memref<8x32x128xf32, #tpu.memory_space<vmem>> -> memref<1x32x128xf32, #tpu.memory_space<vmem>>
      %dma_wait3A_1778 = tpu.memref_squeeze %dma_wait3A_1777 : memref<1x32x128xf32, #tpu.memory_space<vmem>> -> memref<32x128xf32, #tpu.memory_space<vmem>>
      %dma_wait3A_1779 = arith.constant 0 : i32
      %dma_wait3A_1780 = arith.constant 0 : i32
      %dma_wait3A_1781 = tpu.memref_slice %arg5[%dma_wait3A_1779, %dma_wait3A_1780] : memref<32x1000000xf32, #tpu.memory_space<hbm>> -> memref<32x128xf32, #tpu.memory_space<hbm>>
      tpu.wait_dma2 semaphore(%arg17 : memref<!tpu.dma_semaphore, #tpu.memory_space<semaphore_mem>>) src(%dma_wait3A_1781 : memref<32x128xf32, #tpu.memory_space<hbm>>) dst(%dma_wait3A_1778 : memref<32x128xf32, #tpu.memory_space<vmem>>)
      %dma_wait3A_1782 = arith.constant 2 : i32
      %dma_wait3A_1783 = arith.constant 0 : i32
      %dma_wait3A_1784 = arith.constant 0 : i32
      %dma_wait3A_1785 = tpu.memref_slice %arg14[%dma_wait3A_1782, %dma_wait3A_1783, %dma_wait3A_1784] : memref<8x32x128xf32, #tpu.memory_space<vmem>> -> memref<1x32x128xf32, #tpu.memory_space<vmem>>
      %dma_wait3A_1786 = tpu.memref_squeeze %dma_wait3A_1785 : memref<1x32x128xf32, #tpu.memory_space<vmem>> -> memref<32x128xf32, #tpu.memory_space<vmem>>
      %dma_wait3A_1787 = arith.constant 0 : i32
      %dma_wait3A_1788 = arith.constant 0 : i32
      %dma_wait3A_1789 = tpu.memref_slice %arg5[%dma_wait3A_1787, %dma_wait3A_1788] : memref<32x1000000xf32, #tpu.memory_space<hbm>> -> memref<32x128xf32, #tpu.memory_space<hbm>>
      %dma_wait3A_1790 = arith.constant 0 : i32
      %dma_wait3A_1791 = arith.constant 0 : i32
      %dma_wait3A_1792 = tpu.memref_slice %arg14[%dma_wait3A_1782, %dma_wait3A_1790, %dma_wait3A_1791] : memref<8x32x128xf32, #tpu.memory_space<vmem>> -> memref<1x32x128xf32, #tpu.memory_space<vmem>>
      %dma_wait3A_1793 = tpu.memref_squeeze %dma_wait3A_1792 : memref<1x32x128xf32, #tpu.memory_space<vmem>> -> memref<32x128xf32, #tpu.memory_space<vmem>>
      %dma_wait3A_1794 = arith.constant 0 : i32
      %dma_wait3A_1795 = arith.constant 0 : i32
      %dma_wait3A_1796 = tpu.memref_slice %arg5[%dma_wait3A_1794, %dma_wait3A_1795] : memref<32x1000000xf32, #tpu.memory_space<hbm>> -> memref<32x128xf32, #tpu.memory_space<hbm>>
      tpu.wait_dma2 semaphore(%arg17 : memref<!tpu.dma_semaphore, #tpu.memory_space<semaphore_mem>>) src(%dma_wait3A_1796 : memref<32x128xf32, #tpu.memory_space<hbm>>) dst(%dma_wait3A_1793 : memref<32x128xf32, #tpu.memory_space<vmem>>)
      %dma_wait3A_1797 = arith.constant 3 : i32
      %dma_wait3A_1798 = arith.constant 0 : i32
      %dma_wait3A_1799 = arith.constant 0 : i32
      %dma_wait3A_1800 = tpu.memref_slice %arg12[%dma_wait3A_1797, %dma_wait3A_1798, %dma_wait3A_1799] : memref<8x32x128xf32, #tpu.memory_space<vmem>> -> memref<1x32x128xf32, #tpu.memory_space<vmem>>
      %dma_wait3A_1801 = tpu.memref_squeeze %dma_wait3A_1800 : memref<1x32x128xf32, #tpu.memory_space<vmem>> -> memref<32x128xf32, #tpu.memory_space<vmem>>
      %dma_wait3A_1802 = arith.constant 0 : i32
      %dma_wait3A_1803 = arith.constant 0 : i32
      %dma_wait3A_1804 = tpu.memref_slice %arg5[%dma_wait3A_1802, %dma_wait3A_1803] : memref<32x1000000xf32, #tpu.memory_space<hbm>> -> memref<32x128xf32, #tpu.memory_space<hbm>>
      %dma_wait3A_1805 = arith.constant 0 : i32
      %dma_wait3A_1806 = arith.constant 0 : i32
      %dma_wait3A_1807 = tpu.memref_slice %arg12[%dma_wait3A_1797, %dma_wait3A_1805, %dma_wait3A_1806] : memref<8x32x128xf32, #tpu.memory_space<vmem>> -> memref<1x32x128xf32, #tpu.memory_space<vmem>>
      %dma_wait3A_1808 = tpu.memref_squeeze %dma_wait3A_1807 : memref<1x32x128xf32, #tpu.memory_space<vmem>> -> memref<32x128xf32, #tpu.memory_space<vmem>>
      %dma_wait3A_1809 = arith.constant 0 : i32
      %dma_wait3A_1810 = arith.constant 0 : i32
      %dma_wait3A_1811 = tpu.memref_slice %arg5[%dma_wait3A_1809, %dma_wait3A_1810] : memref<32x1000000xf32, #tpu.memory_space<hbm>> -> memref<32x128xf32, #tpu.memory_space<hbm>>
      tpu.wait_dma2 semaphore(%arg17 : memref<!tpu.dma_semaphore, #tpu.memory_space<semaphore_mem>>) src(%dma_wait3A_1811 : memref<32x128xf32, #tpu.memory_space<hbm>>) dst(%dma_wait3A_1808 : memref<32x128xf32, #tpu.memory_space<vmem>>)
      %dma_wait3A_1812 = arith.constant 3 : i32
      %dma_wait3A_1813 = arith.constant 0 : i32
      %dma_wait3A_1814 = arith.constant 0 : i32
      %dma_wait3A_1815 = tpu.memref_slice %arg13[%dma_wait3A_1812, %dma_wait3A_1813, %dma_wait3A_1814] : memref<8x32x128xf32, #tpu.memory_space<vmem>> -> memref<1x32x128xf32, #tpu.memory_space<vmem>>
      %dma_wait3A_1816 = tpu.memref_squeeze %dma_wait3A_1815 : memref<1x32x128xf32, #tpu.memory_space<vmem>> -> memref<32x128xf32, #tpu.memory_space<vmem>>
      %dma_wait3A_1817 = arith.constant 0 : i32
      %dma_wait3A_1818 = arith.constant 0 : i32
      %dma_wait3A_1819 = tpu.memref_slice %arg5[%dma_wait3A_1817, %dma_wait3A_1818] : memref<32x1000000xf32, #tpu.memory_space<hbm>> -> memref<32x128xf32, #tpu.memory_space<hbm>>
      %dma_wait3A_1820 = arith.constant 0 : i32
      %dma_wait3A_1821 = arith.constant 0 : i32
      %dma_wait3A_1822 = tpu.memref_slice %arg13[%dma_wait3A_1812, %dma_wait3A_1820, %dma_wait3A_1821] : memref<8x32x128xf32, #tpu.memory_space<vmem>> -> memref<1x32x128xf32, #tpu.memory_space<vmem>>
      %dma_wait3A_1823 = tpu.memref_squeeze %dma_wait3A_1822 : memref<1x32x128xf32, #tpu.memory_space<vmem>> -> memref<32x128xf32, #tpu.memory_space<vmem>>
      %dma_wait3A_1824 = arith.constant 0 : i32
      %dma_wait3A_1825 = arith.constant 0 : i32
      %dma_wait3A_1826 = tpu.memref_slice %arg5[%dma_wait3A_1824, %dma_wait3A_1825] : memref<32x1000000xf32, #tpu.memory_space<hbm>> -> memref<32x128xf32, #tpu.memory_space<hbm>>
      tpu.wait_dma2 semaphore(%arg17 : memref<!tpu.dma_semaphore, #tpu.memory_space<semaphore_mem>>) src(%dma_wait3A_1826 : memref<32x128xf32, #tpu.memory_space<hbm>>) dst(%dma_wait3A_1823 : memref<32x128xf32, #tpu.memory_space<vmem>>)
      %dma_wait3A_1827 = arith.constant 3 : i32
      %dma_wait3A_1828 = arith.constant 0 : i32
      %dma_wait3A_1829 = arith.constant 0 : i32
      %dma_wait3A_1830 = tpu.memref_slice %arg14[%dma_wait3A_1827, %dma_wait3A_1828, %dma_wait3A_1829] : memref<8x32x128xf32, #tpu.memory_space<vmem>> -> memref<1x32x128xf32, #tpu.memory_space<vmem>>
      %dma_wait3A_1831 = tpu.memref_squeeze %dma_wait3A_1830 : memref<1x32x128xf32, #tpu.memory_space<vmem>> -> memref<32x128xf32, #tpu.memory_space<vmem>>
      %dma_wait3A_1832 = arith.constant 0 : i32
      %dma_wait3A_1833 = arith.constant 0 : i32
      %dma_wait3A_1834 = tpu.memref_slice %arg5[%dma_wait3A_1832, %dma_wait3A_1833] : memref<32x1000000xf32, #tpu.memory_space<hbm>> -> memref<32x128xf32, #tpu.memory_space<hbm>>
      %dma_wait3A_1835 = arith.constant 0 : i32
      %dma_wait3A_1836 = arith.constant 0 : i32
      %dma_wait3A_1837 = tpu.memref_slice %arg14[%dma_wait3A_1827, %dma_wait3A_1835, %dma_wait3A_1836] : memref<8x32x128xf32, #tpu.memory_space<vmem>> -> memref<1x32x128xf32, #tpu.memory_space<vmem>>
      %dma_wait3A_1838 = tpu.memref_squeeze %dma_wait3A_1837 : memref<1x32x128xf32, #tpu.memory_space<vmem>> -> memref<32x128xf32, #tpu.memory_space<vmem>>
      %dma_wait3A_1839 = arith.constant 0 : i32
      %dma_wait3A_1840 = arith.constant 0 : i32
      %dma_wait3A_1841 = tpu.memref_slice %arg5[%dma_wait3A_1839, %dma_wait3A_1840] : memref<32x1000000xf32, #tpu.memory_space<hbm>> -> memref<32x128xf32, #tpu.memory_space<hbm>>
      tpu.wait_dma2 semaphore(%arg17 : memref<!tpu.dma_semaphore, #tpu.memory_space<semaphore_mem>>) src(%dma_wait3A_1841 : memref<32x128xf32, #tpu.memory_space<hbm>>) dst(%dma_wait3A_1838 : memref<32x128xf32, #tpu.memory_space<vmem>>)
      %dma_wait3A_1842 = arith.constant 4 : i32
      %dma_wait3A_1843 = arith.constant 0 : i32
      %dma_wait3A_1844 = arith.constant 0 : i32
      %dma_wait3A_1845 = tpu.memref_slice %arg12[%dma_wait3A_1842, %dma_wait3A_1843, %dma_wait3A_1844] : memref<8x32x128xf32, #tpu.memory_space<vmem>> -> memref<1x32x128xf32, #tpu.memory_space<vmem>>
      %dma_wait3A_1846 = tpu.memref_squeeze %dma_wait3A_1845 : memref<1x32x128xf32, #tpu.memory_space<vmem>> -> memref<32x128xf32, #tpu.memory_space<vmem>>
      %dma_wait3A_1847 = arith.constant 0 : i32
      %dma_wait3A_1848 = arith.constant 0 : i32
      %dma_wait3A_1849 = tpu.memref_slice %arg5[%dma_wait3A_1847, %dma_wait3A_1848] : memref<32x1000000xf32, #tpu.memory_space<hbm>> -> memref<32x128xf32, #tpu.memory_space<hbm>>
      %dma_wait3A_1850 = arith.constant 0 : i32
      %dma_wait3A_1851 = arith.constant 0 : i32
      %dma_wait3A_1852 = tpu.memref_slice %arg12[%dma_wait3A_1842, %dma_wait3A_1850, %dma_wait3A_1851] : memref<8x32x128xf32, #tpu.memory_space<vmem>> -> memref<1x32x128xf32, #tpu.memory_space<vmem>>
      %dma_wait3A_1853 = tpu.memref_squeeze %dma_wait3A_1852 : memref<1x32x128xf32, #tpu.memory_space<vmem>> -> memref<32x128xf32, #tpu.memory_space<vmem>>
      %dma_wait3A_1854 = arith.constant 0 : i32
      %dma_wait3A_1855 = arith.constant 0 : i32
      %dma_wait3A_1856 = tpu.memref_slice %arg5[%dma_wait3A_1854, %dma_wait3A_1855] : memref<32x1000000xf32, #tpu.memory_space<hbm>> -> memref<32x128xf32, #tpu.memory_space<hbm>>
      tpu.wait_dma2 semaphore(%arg17 : memref<!tpu.dma_semaphore, #tpu.memory_space<semaphore_mem>>) src(%dma_wait3A_1856 : memref<32x128xf32, #tpu.memory_space<hbm>>) dst(%dma_wait3A_1853 : memref<32x128xf32, #tpu.memory_space<vmem>>)
      %dma_wait3A_1857 = arith.constant 4 : i32
      %dma_wait3A_1858 = arith.constant 0 : i32
      %dma_wait3A_1859 = arith.constant 0 : i32
      %dma_wait3A_1860 = tpu.memref_slice %arg13[%dma_wait3A_1857, %dma_wait3A_1858, %dma_wait3A_1859] : memref<8x32x128xf32, #tpu.memory_space<vmem>> -> memref<1x32x128xf32, #tpu.memory_space<vmem>>
      %dma_wait3A_1861 = tpu.memref_squeeze %dma_wait3A_1860 : memref<1x32x128xf32, #tpu.memory_space<vmem>> -> memref<32x128xf32, #tpu.memory_space<vmem>>
      %dma_wait3A_1862 = arith.constant 0 : i32
      %dma_wait3A_1863 = arith.constant 0 : i32
      %dma_wait3A_1864 = tpu.memref_slice %arg5[%dma_wait3A_1862, %dma_wait3A_1863] : memref<32x1000000xf32, #tpu.memory_space<hbm>> -> memref<32x128xf32, #tpu.memory_space<hbm>>
      %dma_wait3A_1865 = arith.constant 0 : i32
      %dma_wait3A_1866 = arith.constant 0 : i32
      %dma_wait3A_1867 = tpu.memref_slice %arg13[%dma_wait3A_1857, %dma_wait3A_1865, %dma_wait3A_1866] : memref<8x32x128xf32, #tpu.memory_space<vmem>> -> memref<1x32x128xf32, #tpu.memory_space<vmem>>
      %dma_wait3A_1868 = tpu.memref_squeeze %dma_wait3A_1867 : memref<1x32x128xf32, #tpu.memory_space<vmem>> -> memref<32x128xf32, #tpu.memory_space<vmem>>
      %dma_wait3A_1869 = arith.constant 0 : i32
      %dma_wait3A_1870 = arith.constant 0 : i32
      %dma_wait3A_1871 = tpu.memref_slice %arg5[%dma_wait3A_1869, %dma_wait3A_1870] : memref<32x1000000xf32, #tpu.memory_space<hbm>> -> memref<32x128xf32, #tpu.memory_space<hbm>>
      tpu.wait_dma2 semaphore(%arg17 : memref<!tpu.dma_semaphore, #tpu.memory_space<semaphore_mem>>) src(%dma_wait3A_1871 : memref<32x128xf32, #tpu.memory_space<hbm>>) dst(%dma_wait3A_1868 : memref<32x128xf32, #tpu.memory_space<vmem>>)
      %dma_wait3A_1872 = arith.constant 4 : i32
      %dma_wait3A_1873 = arith.constant 0 : i32
      %dma_wait3A_1874 = arith.constant 0 : i32
      %dma_wait3A_1875 = tpu.memref_slice %arg14[%dma_wait3A_1872, %dma_wait3A_1873, %dma_wait3A_1874] : memref<8x32x128xf32, #tpu.memory_space<vmem>> -> memref<1x32x128xf32, #tpu.memory_space<vmem>>
      %dma_wait3A_1876 = tpu.memref_squeeze %dma_wait3A_1875 : memref<1x32x128xf32, #tpu.memory_space<vmem>> -> memref<32x128xf32, #tpu.memory_space<vmem>>
      %dma_wait3A_1877 = arith.constant 0 : i32
      %dma_wait3A_1878 = arith.constant 0 : i32
      %dma_wait3A_1879 = tpu.memref_slice %arg5[%dma_wait3A_1877, %dma_wait3A_1878] : memref<32x1000000xf32, #tpu.memory_space<hbm>> -> memref<32x128xf32, #tpu.memory_space<hbm>>
      %dma_wait3A_1880 = arith.constant 0 : i32
      %dma_wait3A_1881 = arith.constant 0 : i32
      %dma_wait3A_1882 = tpu.memref_slice %arg14[%dma_wait3A_1872, %dma_wait3A_1880, %dma_wait3A_1881] : memref<8x32x128xf32, #tpu.memory_space<vmem>> -> memref<1x32x128xf32, #tpu.memory_space<vmem>>
      %dma_wait3A_1883 = tpu.memref_squeeze %dma_wait3A_1882 : memref<1x32x128xf32, #tpu.memory_space<vmem>> -> memref<32x128xf32, #tpu.memory_space<vmem>>
      %dma_wait3A_1884 = arith.constant 0 : i32
      %dma_wait3A_1885 = arith.constant 0 : i32
      %dma_wait3A_1886 = tpu.memref_slice %arg5[%dma_wait3A_1884, %dma_wait3A_1885] : memref<32x1000000xf32, #tpu.memory_space<hbm>> -> memref<32x128xf32, #tpu.memory_space<hbm>>
      tpu.wait_dma2 semaphore(%arg17 : memref<!tpu.dma_semaphore, #tpu.memory_space<semaphore_mem>>) src(%dma_wait3A_1886 : memref<32x128xf32, #tpu.memory_space<hbm>>) dst(%dma_wait3A_1883 : memref<32x128xf32, #tpu.memory_space<vmem>>)
      %dma_wait3A_1887 = arith.constant 5 : i32
      %dma_wait3A_1888 = arith.constant 0 : i32
      %dma_wait3A_1889 = arith.constant 0 : i32
      %dma_wait3A_1890 = tpu.memref_slice %arg12[%dma_wait3A_1887, %dma_wait3A_1888, %dma_wait3A_1889] : memref<8x32x128xf32, #tpu.memory_space<vmem>> -> memref<1x32x128xf32, #tpu.memory_space<vmem>>
      %dma_wait3A_1891 = tpu.memref_squeeze %dma_wait3A_1890 : memref<1x32x128xf32, #tpu.memory_space<vmem>> -> memref<32x128xf32, #tpu.memory_space<vmem>>
      %dma_wait3A_1892 = arith.constant 0 : i32
      %dma_wait3A_1893 = arith.constant 0 : i32
      %dma_wait3A_1894 = tpu.memref_slice %arg5[%dma_wait3A_1892, %dma_wait3A_1893] : memref<32x1000000xf32, #tpu.memory_space<hbm>> -> memref<32x128xf32, #tpu.memory_space<hbm>>
      %dma_wait3A_1895 = arith.constant 0 : i32
      %dma_wait3A_1896 = arith.constant 0 : i32
      %dma_wait3A_1897 = tpu.memref_slice %arg12[%dma_wait3A_1887, %dma_wait3A_1895, %dma_wait3A_1896] : memref<8x32x128xf32, #tpu.memory_space<vmem>> -> memref<1x32x128xf32, #tpu.memory_space<vmem>>
      %dma_wait3A_1898 = tpu.memref_squeeze %dma_wait3A_1897 : memref<1x32x128xf32, #tpu.memory_space<vmem>> -> memref<32x128xf32, #tpu.memory_space<vmem>>
      %dma_wait3A_1899 = arith.constant 0 : i32
      %dma_wait3A_1900 = arith.constant 0 : i32
      %dma_wait3A_1901 = tpu.memref_slice %arg5[%dma_wait3A_1899, %dma_wait3A_1900] : memref<32x1000000xf32, #tpu.memory_space<hbm>> -> memref<32x128xf32, #tpu.memory_space<hbm>>
      tpu.wait_dma2 semaphore(%arg17 : memref<!tpu.dma_semaphore, #tpu.memory_space<semaphore_mem>>) src(%dma_wait3A_1901 : memref<32x128xf32, #tpu.memory_space<hbm>>) dst(%dma_wait3A_1898 : memref<32x128xf32, #tpu.memory_space<vmem>>)
      %dma_wait3A_1902 = arith.constant 5 : i32
      %dma_wait3A_1903 = arith.constant 0 : i32
      %dma_wait3A_1904 = arith.constant 0 : i32
      %dma_wait3A_1905 = tpu.memref_slice %arg13[%dma_wait3A_1902, %dma_wait3A_1903, %dma_wait3A_1904] : memref<8x32x128xf32, #tpu.memory_space<vmem>> -> memref<1x32x128xf32, #tpu.memory_space<vmem>>
      %dma_wait3A_1906 = tpu.memref_squeeze %dma_wait3A_1905 : memref<1x32x128xf32, #tpu.memory_space<vmem>> -> memref<32x128xf32, #tpu.memory_space<vmem>>
      %dma_wait3A_1907 = arith.constant 0 : i32
      %dma_wait3A_1908 = arith.constant 0 : i32
      %dma_wait3A_1909 = tpu.memref_slice %arg5[%dma_wait3A_1907, %dma_wait3A_1908] : memref<32x1000000xf32, #tpu.memory_space<hbm>> -> memref<32x128xf32, #tpu.memory_space<hbm>>
      %dma_wait3A_1910 = arith.constant 0 : i32
      %dma_wait3A_1911 = arith.constant 0 : i32
      %dma_wait3A_1912 = tpu.memref_slice %arg13[%dma_wait3A_1902, %dma_wait3A_1910, %dma_wait3A_1911] : memref<8x32x128xf32, #tpu.memory_space<vmem>> -> memref<1x32x128xf32, #tpu.memory_space<vmem>>
      %dma_wait3A_1913 = tpu.memref_squeeze %dma_wait3A_1912 : memref<1x32x128xf32, #tpu.memory_space<vmem>> -> memref<32x128xf32, #tpu.memory_space<vmem>>
      %dma_wait3A_1914 = arith.constant 0 : i32
      %dma_wait3A_1915 = arith.constant 0 : i32
      %dma_wait3A_1916 = tpu.memref_slice %arg5[%dma_wait3A_1914, %dma_wait3A_1915] : memref<32x1000000xf32, #tpu.memory_space<hbm>> -> memref<32x128xf32, #tpu.memory_space<hbm>>
      tpu.wait_dma2 semaphore(%arg17 : memref<!tpu.dma_semaphore, #tpu.memory_space<semaphore_mem>>) src(%dma_wait3A_1916 : memref<32x128xf32, #tpu.memory_space<hbm>>) dst(%dma_wait3A_1913 : memref<32x128xf32, #tpu.memory_space<vmem>>)
      %dma_wait3A_1917 = arith.constant 5 : i32
      %dma_wait3A_1918 = arith.constant 0 : i32
      %dma_wait3A_1919 = arith.constant 0 : i32
      %dma_wait3A_1920 = tpu.memref_slice %arg14[%dma_wait3A_1917, %dma_wait3A_1918, %dma_wait3A_1919] : memref<8x32x128xf32, #tpu.memory_space<vmem>> -> memref<1x32x128xf32, #tpu.memory_space<vmem>>
      %dma_wait3A_1921 = tpu.memref_squeeze %dma_wait3A_1920 : memref<1x32x128xf32, #tpu.memory_space<vmem>> -> memref<32x128xf32, #tpu.memory_space<vmem>>
      %dma_wait3A_1922 = arith.constant 0 : i32
      %dma_wait3A_1923 = arith.constant 0 : i32
      %dma_wait3A_1924 = tpu.memref_slice %arg5[%dma_wait3A_1922, %dma_wait3A_1923] : memref<32x1000000xf32, #tpu.memory_space<hbm>> -> memref<32x128xf32, #tpu.memory_space<hbm>>
      %dma_wait3A_1925 = arith.constant 0 : i32
      %dma_wait3A_1926 = arith.constant 0 : i32
      %dma_wait3A_1927 = tpu.memref_slice %arg14[%dma_wait3A_1917, %dma_wait3A_1925, %dma_wait3A_1926] : memref<8x32x128xf32, #tpu.memory_space<vmem>> -> memref<1x32x128xf32, #tpu.memory_space<vmem>>
      %dma_wait3A_1928 = tpu.memref_squeeze %dma_wait3A_1927 : memref<1x32x128xf32, #tpu.memory_space<vmem>> -> memref<32x128xf32, #tpu.memory_space<vmem>>
      %dma_wait3A_1929 = arith.constant 0 : i32
      %dma_wait3A_1930 = arith.constant 0 : i32
      %dma_wait3A_1931 = tpu.memref_slice %arg5[%dma_wait3A_1929, %dma_wait3A_1930] : memref<32x1000000xf32, #tpu.memory_space<hbm>> -> memref<32x128xf32, #tpu.memory_space<hbm>>
      tpu.wait_dma2 semaphore(%arg17 : memref<!tpu.dma_semaphore, #tpu.memory_space<semaphore_mem>>) src(%dma_wait3A_1931 : memref<32x128xf32, #tpu.memory_space<hbm>>) dst(%dma_wait3A_1928 : memref<32x128xf32, #tpu.memory_space<vmem>>)
      %dma_wait3A_1932 = arith.constant 6 : i32
      %dma_wait3A_1933 = arith.constant 0 : i32
      %dma_wait3A_1934 = arith.constant 0 : i32
      %dma_wait3A_1935 = tpu.memref_slice %arg12[%dma_wait3A_1932, %dma_wait3A_1933, %dma_wait3A_1934] : memref<8x32x128xf32, #tpu.memory_space<vmem>> -> memref<1x32x128xf32, #tpu.memory_space<vmem>>
      %dma_wait3A_1936 = tpu.memref_squeeze %dma_wait3A_1935 : memref<1x32x128xf32, #tpu.memory_space<vmem>> -> memref<32x128xf32, #tpu.memory_space<vmem>>
      %dma_wait3A_1937 = arith.constant 0 : i32
      %dma_wait3A_1938 = arith.constant 0 : i32
      %dma_wait3A_1939 = tpu.memref_slice %arg5[%dma_wait3A_1937, %dma_wait3A_1938] : memref<32x1000000xf32, #tpu.memory_space<hbm>> -> memref<32x128xf32, #tpu.memory_space<hbm>>
      %dma_wait3A_1940 = arith.constant 0 : i32
      %dma_wait3A_1941 = arith.constant 0 : i32
      %dma_wait3A_1942 = tpu.memref_slice %arg12[%dma_wait3A_1932, %dma_wait3A_1940, %dma_wait3A_1941] : memref<8x32x128xf32, #tpu.memory_space<vmem>> -> memref<1x32x128xf32, #tpu.memory_space<vmem>>
      %dma_wait3A_1943 = tpu.memref_squeeze %dma_wait3A_1942 : memref<1x32x128xf32, #tpu.memory_space<vmem>> -> memref<32x128xf32, #tpu.memory_space<vmem>>
      %dma_wait3A_1944 = arith.constant 0 : i32
      %dma_wait3A_1945 = arith.constant 0 : i32
      %dma_wait3A_1946 = tpu.memref_slice %arg5[%dma_wait3A_1944, %dma_wait3A_1945] : memref<32x1000000xf32, #tpu.memory_space<hbm>> -> memref<32x128xf32, #tpu.memory_space<hbm>>
      tpu.wait_dma2 semaphore(%arg17 : memref<!tpu.dma_semaphore, #tpu.memory_space<semaphore_mem>>) src(%dma_wait3A_1946 : memref<32x128xf32, #tpu.memory_space<hbm>>) dst(%dma_wait3A_1943 : memref<32x128xf32, #tpu.memory_space<vmem>>)
      %dma_wait3A_1947 = arith.constant 6 : i32
      %dma_wait3A_1948 = arith.constant 0 : i32
      %dma_wait3A_1949 = arith.constant 0 : i32
      %dma_wait3A_1950 = tpu.memref_slice %arg13[%dma_wait3A_1947, %dma_wait3A_1948, %dma_wait3A_1949] : memref<8x32x128xf32, #tpu.memory_space<vmem>> -> memref<1x32x128xf32, #tpu.memory_space<vmem>>
      %dma_wait3A_1951 = tpu.memref_squeeze %dma_wait3A_1950 : memref<1x32x128xf32, #tpu.memory_space<vmem>> -> memref<32x128xf32, #tpu.memory_space<vmem>>
      %dma_wait3A_1952 = arith.constant 0 : i32
      %dma_wait3A_1953 = arith.constant 0 : i32
      %dma_wait3A_1954 = tpu.memref_slice %arg5[%dma_wait3A_1952, %dma_wait3A_1953] : memref<32x1000000xf32, #tpu.memory_space<hbm>> -> memref<32x128xf32, #tpu.memory_space<hbm>>
      %dma_wait3A_1955 = arith.constant 0 : i32
      %dma_wait3A_1956 = arith.constant 0 : i32
      %dma_wait3A_1957 = tpu.memref_slice %arg13[%dma_wait3A_1947, %dma_wait3A_1955, %dma_wait3A_1956] : memref<8x32x128xf32, #tpu.memory_space<vmem>> -> memref<1x32x128xf32, #tpu.memory_space<vmem>>
      %dma_wait3A_1958 = tpu.memref_squeeze %dma_wait3A_1957 : memref<1x32x128xf32, #tpu.memory_space<vmem>> -> memref<32x128xf32, #tpu.memory_space<vmem>>
      %dma_wait3A_1959 = arith.constant 0 : i32
      %dma_wait3A_1960 = arith.constant 0 : i32
      %dma_wait3A_1961 = tpu.memref_slice %arg5[%dma_wait3A_1959, %dma_wait3A_1960] : memref<32x1000000xf32, #tpu.memory_space<hbm>> -> memref<32x128xf32, #tpu.memory_space<hbm>>
      tpu.wait_dma2 semaphore(%arg17 : memref<!tpu.dma_semaphore, #tpu.memory_space<semaphore_mem>>) src(%dma_wait3A_1961 : memref<32x128xf32, #tpu.memory_space<hbm>>) dst(%dma_wait3A_1958 : memref<32x128xf32, #tpu.memory_space<vmem>>)
      %dma_wait3A_1962 = arith.constant 6 : i32
      %dma_wait3A_1963 = arith.constant 0 : i32
      %dma_wait3A_1964 = arith.constant 0 : i32
      %dma_wait3A_1965 = tpu.memref_slice %arg14[%dma_wait3A_1962, %dma_wait3A_1963, %dma_wait3A_1964] : memref<8x32x128xf32, #tpu.memory_space<vmem>> -> memref<1x32x128xf32, #tpu.memory_space<vmem>>
      %dma_wait3A_1966 = tpu.memref_squeeze %dma_wait3A_1965 : memref<1x32x128xf32, #tpu.memory_space<vmem>> -> memref<32x128xf32, #tpu.memory_space<vmem>>
      %dma_wait3A_1967 = arith.constant 0 : i32
      %dma_wait3A_1968 = arith.constant 0 : i32
      %dma_wait3A_1969 = tpu.memref_slice %arg5[%dma_wait3A_1967, %dma_wait3A_1968] : memref<32x1000000xf32, #tpu.memory_space<hbm>> -> memref<32x128xf32, #tpu.memory_space<hbm>>
      %dma_wait3A_1970 = arith.constant 0 : i32
      %dma_wait3A_1971 = arith.constant 0 : i32
      %dma_wait3A_1972 = tpu.memref_slice %arg14[%dma_wait3A_1962, %dma_wait3A_1970, %dma_wait3A_1971] : memref<8x32x128xf32, #tpu.memory_space<vmem>> -> memref<1x32x128xf32, #tpu.memory_space<vmem>>
      %dma_wait3A_1973 = tpu.memref_squeeze %dma_wait3A_1972 : memref<1x32x128xf32, #tpu.memory_space<vmem>> -> memref<32x128xf32, #tpu.memory_space<vmem>>
      %dma_wait3A_1974 = arith.constant 0 : i32
      %dma_wait3A_1975 = arith.constant 0 : i32
      %dma_wait3A_1976 = tpu.memref_slice %arg5[%dma_wait3A_1974, %dma_wait3A_1975] : memref<32x1000000xf32, #tpu.memory_space<hbm>> -> memref<32x128xf32, #tpu.memory_space<hbm>>
      tpu.wait_dma2 semaphore(%arg17 : memref<!tpu.dma_semaphore, #tpu.memory_space<semaphore_mem>>) src(%dma_wait3A_1976 : memref<32x128xf32, #tpu.memory_space<hbm>>) dst(%dma_wait3A_1973 : memref<32x128xf32, #tpu.memory_space<vmem>>)
      %dma_wait3A_1977 = arith.constant 7 : i32
      %dma_wait3A_1978 = arith.constant 0 : i32
      %dma_wait3A_1979 = arith.constant 0 : i32
      %dma_wait3A_1980 = tpu.memref_slice %arg12[%dma_wait3A_1977, %dma_wait3A_1978, %dma_wait3A_1979] : memref<8x32x128xf32, #tpu.memory_space<vmem>> -> memref<1x32x128xf32, #tpu.memory_space<vmem>>
      %dma_wait3A_1981 = tpu.memref_squeeze %dma_wait3A_1980 : memref<1x32x128xf32, #tpu.memory_space<vmem>> -> memref<32x128xf32, #tpu.memory_space<vmem>>
      %dma_wait3A_1982 = arith.constant 0 : i32
      %dma_wait3A_1983 = arith.constant 0 : i32
      %dma_wait3A_1984 = tpu.memref_slice %arg5[%dma_wait3A_1982, %dma_wait3A_1983] : memref<32x1000000xf32, #tpu.memory_space<hbm>> -> memref<32x128xf32, #tpu.memory_space<hbm>>
      %dma_wait3A_1985 = arith.constant 0 : i32
      %dma_wait3A_1986 = arith.constant 0 : i32
      %dma_wait3A_1987 = tpu.memref_slice %arg12[%dma_wait3A_1977, %dma_wait3A_1985, %dma_wait3A_1986] : memref<8x32x128xf32, #tpu.memory_space<vmem>> -> memref<1x32x128xf32, #tpu.memory_space<vmem>>
      %dma_wait3A_1988 = tpu.memref_squeeze %dma_wait3A_1987 : memref<1x32x128xf32, #tpu.memory_space<vmem>> -> memref<32x128xf32, #tpu.memory_space<vmem>>
      %dma_wait3A_1989 = arith.constant 0 : i32
      %dma_wait3A_1990 = arith.constant 0 : i32
      %dma_wait3A_1991 = tpu.memref_slice %arg5[%dma_wait3A_1989, %dma_wait3A_1990] : memref<32x1000000xf32, #tpu.memory_space<hbm>> -> memref<32x128xf32, #tpu.memory_space<hbm>>
      tpu.wait_dma2 semaphore(%arg17 : memref<!tpu.dma_semaphore, #tpu.memory_space<semaphore_mem>>) src(%dma_wait3A_1991 : memref<32x128xf32, #tpu.memory_space<hbm>>) dst(%dma_wait3A_1988 : memref<32x128xf32, #tpu.memory_space<vmem>>)
      %dma_wait3A_1992 = arith.constant 7 : i32
      %dma_wait3A_1993 = arith.constant 0 : i32
      %dma_wait3A_1994 = arith.constant 0 : i32
      %dma_wait3A_1995 = tpu.memref_slice %arg13[%dma_wait3A_1992, %dma_wait3A_1993, %dma_wait3A_1994] : memref<8x32x128xf32, #tpu.memory_space<vmem>> -> memref<1x32x128xf32, #tpu.memory_space<vmem>>
      %dma_wait3A_1996 = tpu.memref_squeeze %dma_wait3A_1995 : memref<1x32x128xf32, #tpu.memory_space<vmem>> -> memref<32x128xf32, #tpu.memory_space<vmem>>
      %dma_wait3A_1997 = arith.constant 0 : i32
      %dma_wait3A_1998 = arith.constant 0 : i32
      %dma_wait3A_1999 = tpu.memref_slice %arg5[%dma_wait3A_1997, %dma_wait3A_1998] : memref<32x1000000xf32, #tpu.memory_space<hbm>> -> memref<32x128xf32, #tpu.memory_space<hbm>>
      %dma_wait3A_2000 = arith.constant 0 : i32
      %dma_wait3A_2001 = arith.constant 0 : i32
      %dma_wait3A_2002 = tpu.memref_slice %arg13[%dma_wait3A_1992, %dma_wait3A_2000, %dma_wait3A_2001] : memref<8x32x128xf32, #tpu.memory_space<vmem>> -> memref<1x32x128xf32, #tpu.memory_space<vmem>>
      %dma_wait3A_2003 = tpu.memref_squeeze %dma_wait3A_2002 : memref<1x32x128xf32, #tpu.memory_space<vmem>> -> memref<32x128xf32, #tpu.memory_space<vmem>>
      %dma_wait3A_2004 = arith.constant 0 : i32
      %dma_wait3A_2005 = arith.constant 0 : i32
      %dma_wait3A_2006 = tpu.memref_slice %arg5[%dma_wait3A_2004, %dma_wait3A_2005] : memref<32x1000000xf32, #tpu.memory_space<hbm>> -> memref<32x128xf32, #tpu.memory_space<hbm>>
      tpu.wait_dma2 semaphore(%arg17 : memref<!tpu.dma_semaphore, #tpu.memory_space<semaphore_mem>>) src(%dma_wait3A_2006 : memref<32x128xf32, #tpu.memory_space<hbm>>) dst(%dma_wait3A_2003 : memref<32x128xf32, #tpu.memory_space<vmem>>)
      %dma_wait3A_2007 = arith.constant 7 : i32
      %dma_wait3A_2008 = arith.constant 0 : i32
      %dma_wait3A_2009 = arith.constant 0 : i32
      %dma_wait3A_2010 = tpu.memref_slice %arg14[%dma_wait3A_2007, %dma_wait3A_2008, %dma_wait3A_2009] : memref<8x32x128xf32, #tpu.memory_space<vmem>> -> memref<1x32x128xf32, #tpu.memory_space<vmem>>
      %dma_wait3A_2011 = tpu.memref_squeeze %dma_wait3A_2010 : memref<1x32x128xf32, #tpu.memory_space<vmem>> -> memref<32x128xf32, #tpu.memory_space<vmem>>
      %dma_wait3A_2012 = arith.constant 0 : i32
      %dma_wait3A_2013 = arith.constant 0 : i32
      %dma_wait3A_2014 = tpu.memref_slice %arg5[%dma_wait3A_2012, %dma_wait3A_2013] : memref<32x1000000xf32, #tpu.memory_space<hbm>> -> memref<32x128xf32, #tpu.memory_space<hbm>>
      %dma_wait3A_2015 = arith.constant 0 : i32
      %dma_wait3A_2016 = arith.constant 0 : i32
      %dma_wait3A_2017 = tpu.memref_slice %arg14[%dma_wait3A_2007, %dma_wait3A_2015, %dma_wait3A_2016] : memref<8x32x128xf32, #tpu.memory_space<vmem>> -> memref<1x32x128xf32, #tpu.memory_space<vmem>>
      %dma_wait3A_2018 = tpu.memref_squeeze %dma_wait3A_2017 : memref<1x32x128xf32, #tpu.memory_space<vmem>> -> memref<32x128xf32, #tpu.memory_space<vmem>>
      %dma_wait3A_2019 = arith.constant 0 : i32
      %dma_wait3A_2020 = arith.constant 0 : i32
      %dma_wait3A_2021 = tpu.memref_slice %arg5[%dma_wait3A_2019, %dma_wait3A_2020] : memref<32x1000000xf32, #tpu.memory_space<hbm>> -> memref<32x128xf32, #tpu.memory_space<hbm>>
      tpu.wait_dma2 semaphore(%arg17 : memref<!tpu.dma_semaphore, #tpu.memory_space<semaphore_mem>>) src(%dma_wait3A_2021 : memref<32x128xf32, #tpu.memory_space<hbm>>) dst(%dma_wait3A_2018 : memref<32x128xf32, #tpu.memory_space<vmem>>)
      %add3A_2022 = arith.constant 8 : i32
      %add3A_2023 = vector.broadcast %add3A_2022 : i32 to vector<16xi32>
      %add3A_2024 = arith.addi %add3A_2023, %and3A_4 : vector<16xi32>
      %lt3A_2025 = arith.constant 0 : i32
      %lt3A_2026 = vector.broadcast %lt3A_2025 : i32 to vector<16xi32>
      %lt3A_2027 = arith.cmpi slt, %add3A_2024, %lt3A_2026 : vector<16xi32>
      %add3A_2028 = arith.constant 16 : i32
      %add3A_2029 = vector.broadcast %add3A_2028 : i32 to vector<16xi32>
      %add3A_2030 = arith.addi %add3A_2024, %add3A_2029 : vector<16xi32>
      %select_n3A_2031 = arith.select %lt3A_2027, %add3A_2030, %add3A_2024 : vector<16xi1>, vector<16xi32>
      %broadcast_in_dim3A_2032 = vector.shape_cast %select_n3A_2031 : vector<16xi32> to vector<16x1xi32>
      %gather3A_2033 = vector.shape_cast %broadcast_in_dim3A_2032 : vector<16x1xi32> to vector<16xi32>
      %gather3A_2034 = tpu.dynamic_gather %and3A_20[%gather3A_2033] in [0] : vector<16xi32>, vector<16xi32> -> vector<16xi32>
      %lt3A_2035 = arith.constant 0 : i32
      %lt3A_2036 = vector.broadcast %lt3A_2035 : i32 to vector<16xi32>
      %lt3A_2037 = arith.cmpi slt, %add3A_2024, %lt3A_2036 : vector<16xi32>
      %add3A_2038 = arith.constant 16 : i32
      %add3A_2039 = vector.broadcast %add3A_2038 : i32 to vector<16xi32>
      %add3A_2040 = arith.addi %add3A_2024, %add3A_2039 : vector<16xi32>
      %select_n3A_2041 = arith.select %lt3A_2037, %add3A_2040, %add3A_2024 : vector<16xi1>, vector<16xi32>
      %broadcast_in_dim3A_2042 = vector.shape_cast %select_n3A_2041 : vector<16xi32> to vector<16x1xi32>
      %gather3A_2043 = vector.shape_cast %broadcast_in_dim3A_2042 : vector<16x1xi32> to vector<16xi32>
      %gather3A_2044 = tpu.dynamic_gather %and3A_23[%gather3A_2043] in [0] : vector<16xi32>, vector<16xi32> -> vector<16xi32>
      %lt3A_2045 = arith.constant 0 : i32
      %lt3A_2046 = vector.broadcast %lt3A_2045 : i32 to vector<16xi32>
      %lt3A_2047 = arith.cmpi slt, %add3A_2024, %lt3A_2046 : vector<16xi32>
      %add3A_2048 = arith.constant 16 : i32
      %add3A_2049 = vector.broadcast %add3A_2048 : i32 to vector<16xi32>
      %add3A_2050 = arith.addi %add3A_2024, %add3A_2049 : vector<16xi32>
      %select_n3A_2051 = arith.select %lt3A_2047, %add3A_2050, %add3A_2024 : vector<16xi1>, vector<16xi32>
      %broadcast_in_dim3A_2052 = vector.shape_cast %select_n3A_2051 : vector<16xi32> to vector<16x1xi32>
      %gather3A_2053 = vector.shape_cast %broadcast_in_dim3A_2052 : vector<16x1xi32> to vector<16xi32>
      %gather3A_2054 = tpu.dynamic_gather %and3A_26[%gather3A_2053] in [0] : vector<16xi32>, vector<16xi32> -> vector<16xi32>
      %broadcast_in_dim3A_2055 = arith.constant 0.000000e+00 : f32
      %broadcast_in_dim3A_2056 = vector.broadcast %broadcast_in_dim3A_2055 : f32 to vector<16xf32>
      %broadcast_in_dim3A_2057 = arith.constant 0.000000e+00 : f32
      %broadcast_in_dim3A_2058 = vector.broadcast %broadcast_in_dim3A_2057 : f32 to vector<16xf32>
      %broadcast_in_dim3A_2059 = arith.constant 0 : i32
      %broadcast_in_dim3A_2060 = vector.broadcast %broadcast_in_dim3A_2059 : i32 to vector<16xi32>
      %gather3A_2061 = tpu.vector_load_idx %arg12[%and3A_4, %broadcast_in_dim3A_2060, %gather3A_2034] : memref<8x32x128xf32, #tpu.memory_space<vmem>>[vector<16xi32>, vector<16xi32>, vector<16xi32>], vector<16xf32>,
      %gather3A_2062 = tpu.vector_load_idx %arg13[%and3A_4, %broadcast_in_dim3A_2060, %gather3A_2044] : memref<8x32x128xf32, #tpu.memory_space<vmem>>[vector<16xi32>, vector<16xi32>, vector<16xi32>], vector<16xf32>,
      %gather3A_2063 = tpu.vector_load_idx %arg14[%and3A_4, %broadcast_in_dim3A_2060, %gather3A_2054] : memref<8x32x128xf32, #tpu.memory_space<vmem>>[vector<16xi32>, vector<16xi32>, vector<16xi32>], vector<16xf32>,
      %mul3A_2064 = arith.mulf %gather3A_2061, %gather3A_2062 : vector<16xf32>
      %add3A_2065 = arith.addf %broadcast_in_dim3A_2056, %mul3A_2064 : vector<16xf32>
      %mul3A_2066 = arith.mulf %gather3A_2061, %gather3A_2063 : vector<16xf32>
      %add3A_2067 = arith.addf %broadcast_in_dim3A_2058, %mul3A_2066 : vector<16xf32>
      %broadcast_in_dim3A_2068 = arith.constant 1 : i32
      %broadcast_in_dim3A_2069 = vector.broadcast %broadcast_in_dim3A_2068 : i32 to vector<16xi32>
      %gather3A_2070 = tpu.vector_load_idx %arg12[%and3A_4, %broadcast_in_dim3A_2069, %gather3A_2034] : memref<8x32x128xf32, #tpu.memory_space<vmem>>[vector<16xi32>, vector<16xi32>, vector<16xi32>], vector<16xf32>,
      %gather3A_2071 = tpu.vector_load_idx %arg13[%and3A_4, %broadcast_in_dim3A_2069, %gather3A_2044] : memref<8x32x128xf32, #tpu.memory_space<vmem>>[vector<16xi32>, vector<16xi32>, vector<16xi32>], vector<16xf32>,
      %gather3A_2072 = tpu.vector_load_idx %arg14[%and3A_4, %broadcast_in_dim3A_2069, %gather3A_2054] : memref<8x32x128xf32, #tpu.memory_space<vmem>>[vector<16xi32>, vector<16xi32>, vector<16xi32>], vector<16xf32>,
      %mul3A_2073 = arith.mulf %gather3A_2070, %gather3A_2071 : vector<16xf32>
      %add3A_2074 = arith.addf %add3A_2065, %mul3A_2073 : vector<16xf32>
      %mul3A_2075 = arith.mulf %gather3A_2070, %gather3A_2072 : vector<16xf32>
      %add3A_2076 = arith.addf %add3A_2067, %mul3A_2075 : vector<16xf32>
      %broadcast_in_dim3A_2077 = arith.constant 2 : i32
      %broadcast_in_dim3A_2078 = vector.broadcast %broadcast_in_dim3A_2077 : i32 to vector<16xi32>
      %gather3A_2079 = tpu.vector_load_idx %arg12[%and3A_4, %broadcast_in_dim3A_2078, %gather3A_2034] : memref<8x32x128xf32, #tpu.memory_space<vmem>>[vector<16xi32>, vector<16xi32>, vector<16xi32>], vector<16xf32>,
      %gather3A_2080 = tpu.vector_load_idx %arg13[%and3A_4, %broadcast_in_dim3A_2078, %gather3A_2044] : memref<8x32x128xf32, #tpu.memory_space<vmem>>[vector<16xi32>, vector<16xi32>, vector<16xi32>], vector<16xf32>,
      %gather3A_2081 = tpu.vector_load_idx %arg14[%and3A_4, %broadcast_in_dim3A_2078, %gather3A_2054] : memref<8x32x128xf32, #tpu.memory_space<vmem>>[vector<16xi32>, vector<16xi32>, vector<16xi32>], vector<16xf32>,
      %mul3A_2082 = arith.mulf %gather3A_2079, %gather3A_2080 : vector<16xf32>
      %add3A_2083 = arith.addf %add3A_2074, %mul3A_2082 : vector<16xf32>
      %mul3A_2084 = arith.mulf %gather3A_2079, %gather3A_2081 : vector<16xf32>
      %add3A_2085 = arith.addf %add3A_2076, %mul3A_2084 : vector<16xf32>
      %broadcast_in_dim3A_2086 = arith.constant 3 : i32
      %broadcast_in_dim3A_2087 = vector.broadcast %broadcast_in_dim3A_2086 : i32 to vector<16xi32>
      %gather3A_2088 = tpu.vector_load_idx %arg12[%and3A_4, %broadcast_in_dim3A_2087, %gather3A_2034] : memref<8x32x128xf32, #tpu.memory_space<vmem>>[vector<16xi32>, vector<16xi32>, vector<16xi32>], vector<16xf32>,
      %gather3A_2089 = tpu.vector_load_idx %arg13[%and3A_4, %broadcast_in_dim3A_2087, %gather3A_2044] : memref<8x32x128xf32, #tpu.memory_space<vmem>>[vector<16xi32>, vector<16xi32>, vector<16xi32>], vector<16xf32>,
      %gather3A_2090 = tpu.vector_load_idx %arg14[%and3A_4, %broadcast_in_dim3A_2087, %gather3A_2054] : memref<8x32x128xf32, #tpu.memory_space<vmem>>[vector<16xi32>, vector<16xi32>, vector<16xi32>], vector<16xf32>,
      %mul3A_2091 = arith.mulf %gather3A_2088, %gather3A_2089 : vector<16xf32>
      %add3A_2092 = arith.addf %add3A_2083, %mul3A_2091 : vector<16xf32>
      %mul3A_2093 = arith.mulf %gather3A_2088, %gather3A_2090 : vector<16xf32>
      %add3A_2094 = arith.addf %add3A_2085, %mul3A_2093 : vector<16xf32>
      %broadcast_in_dim3A_2095 = arith.constant 4 : i32
      %broadcast_in_dim3A_2096 = vector.broadcast %broadcast_in_dim3A_2095 : i32 to vector<16xi32>
      %gather3A_2097 = tpu.vector_load_idx %arg12[%and3A_4, %broadcast_in_dim3A_2096, %gather3A_2034] : memref<8x32x128xf32, #tpu.memory_space<vmem>>[vector<16xi32>, vector<16xi32>, vector<16xi32>], vector<16xf32>,
      %gather3A_2098 = tpu.vector_load_idx %arg13[%and3A_4, %broadcast_in_dim3A_2096, %gather3A_2044] : memref<8x32x128xf32, #tpu.memory_space<vmem>>[vector<16xi32>, vector<16xi32>, vector<16xi32>], vector<16xf32>,
      %gather3A_2099 = tpu.vector_load_idx %arg14[%and3A_4, %broadcast_in_dim3A_2096, %gather3A_2054] : memref<8x32x128xf32, #tpu.memory_space<vmem>>[vector<16xi32>, vector<16xi32>, vector<16xi32>], vector<16xf32>,
      %mul3A_2100 = arith.mulf %gather3A_2097, %gather3A_2098 : vector<16xf32>
      %add3A_2101 = arith.addf %add3A_2092, %mul3A_2100 : vector<16xf32>
      %mul3A_2102 = arith.mulf %gather3A_2097, %gather3A_2099 : vector<16xf32>
      %add3A_2103 = arith.addf %add3A_2094, %mul3A_2102 : vector<16xf32>
      %broadcast_in_dim3A_2104 = arith.constant 5 : i32
      %broadcast_in_dim3A_2105 = vector.broadcast %broadcast_in_dim3A_2104 : i32 to vector<16xi32>
      %gather3A_2106 = tpu.vector_load_idx %arg12[%and3A_4, %broadcast_in_dim3A_2105, %gather3A_2034] : memref<8x32x128xf32, #tpu.memory_space<vmem>>[vector<16xi32>, vector<16xi32>, vector<16xi32>], vector<16xf32>,
      %gather3A_2107 = tpu.vector_load_idx %arg13[%and3A_4, %broadcast_in_dim3A_2105, %gather3A_2044] : memref<8x32x128xf32, #tpu.memory_space<vmem>>[vector<16xi32>, vector<16xi32>, vector<16xi32>], vector<16xf32>,
      %gather3A_2108 = tpu.vector_load_idx %arg14[%and3A_4, %broadcast_in_dim3A_2105, %gather3A_2054] : memref<8x32x128xf32, #tpu.memory_space<vmem>>[vector<16xi32>, vector<16xi32>, vector<16xi32>], vector<16xf32>,
      %mul3A_2109 = arith.mulf %gather3A_2106, %gather3A_2107 : vector<16xf32>
      %add3A_2110 = arith.addf %add3A_2101, %mul3A_2109 : vector<16xf32>
      %mul3A_2111 = arith.mulf %gather3A_2106, %gather3A_2108 : vector<16xf32>
      %add3A_2112 = arith.addf %add3A_2103, %mul3A_2111 : vector<16xf32>
      %broadcast_in_dim3A_2113 = arith.constant 6 : i32
      %broadcast_in_dim3A_2114 = vector.broadcast %broadcast_in_dim3A_2113 : i32 to vector<16xi32>
      %gather3A_2115 = tpu.vector_load_idx %arg12[%and3A_4, %broadcast_in_dim3A_2114, %gather3A_2034] : memref<8x32x128xf32, #tpu.memory_space<vmem>>[vector<16xi32>, vector<16xi32>, vector<16xi32>], vector<16xf32>,
      %gather3A_2116 = tpu.vector_load_idx %arg13[%and3A_4, %broadcast_in_dim3A_2114, %gather3A_2044] : memref<8x32x128xf32, #tpu.memory_space<vmem>>[vector<16xi32>, vector<16xi32>, vector<16xi32>], vector<16xf32>,
      %gather3A_2117 = tpu.vector_load_idx %arg14[%and3A_4, %broadcast_in_dim3A_2114, %gather3A_2054] : memref<8x32x128xf32, #tpu.memory_space<vmem>>[vector<16xi32>, vector<16xi32>, vector<16xi32>], vector<16xf32>,
      %mul3A_2118 = arith.mulf %gather3A_2115, %gather3A_2116 : vector<16xf32>
      %add3A_2119 = arith.addf %add3A_2110, %mul3A_2118 : vector<16xf32>
      %mul3A_2120 = arith.mulf %gather3A_2115, %gather3A_2117 : vector<16xf32>
      %add3A_2121 = arith.addf %add3A_2112, %mul3A_2120 : vector<16xf32>
      %broadcast_in_dim3A_2122 = arith.constant 7 : i32
      %broadcast_in_dim3A_2123 = vector.broadcast %broadcast_in_dim3A_2122 : i32 to vector<16xi32>
      %gather3A_2124 = tpu.vector_load_idx %arg12[%and3A_4, %broadcast_in_dim3A_2123, %gather3A_2034] : memref<8x32x128xf32, #tpu.memory_space<vmem>>[vector<16xi32>, vector<16xi32>, vector<16xi32>], vector<16xf32>,
      %gather3A_2125 = tpu.vector_load_idx %arg13[%and3A_4, %broadcast_in_dim3A_2123, %gather3A_2044] : memref<8x32x128xf32, #tpu.memory_space<vmem>>[vector<16xi32>, vector<16xi32>, vector<16xi32>], vector<16xf32>,
      %gather3A_2126 = tpu.vector_load_idx %arg14[%and3A_4, %broadcast_in_dim3A_2123, %gather3A_2054] : memref<8x32x128xf32, #tpu.memory_space<vmem>>[vector<16xi32>, vector<16xi32>, vector<16xi32>], vector<16xf32>,
      %mul3A_2127 = arith.mulf %gather3A_2124, %gather3A_2125 : vector<16xf32>
      %add3A_2128 = arith.addf %add3A_2119, %mul3A_2127 : vector<16xf32>
      %mul3A_2129 = arith.mulf %gather3A_2124, %gather3A_2126 : vector<16xf32>
      %add3A_2130 = arith.addf %add3A_2121, %mul3A_2129 : vector<16xf32>
      %broadcast_in_dim3A_2131 = arith.constant 8 : i32
      %broadcast_in_dim3A_2132 = vector.broadcast %broadcast_in_dim3A_2131 : i32 to vector<16xi32>
      %gather3A_2133 = tpu.vector_load_idx %arg12[%and3A_4, %broadcast_in_dim3A_2132, %gather3A_2034] : memref<8x32x128xf32, #tpu.memory_space<vmem>>[vector<16xi32>, vector<16xi32>, vector<16xi32>], vector<16xf32>,
      %gather3A_2134 = tpu.vector_load_idx %arg13[%and3A_4, %broadcast_in_dim3A_2132, %gather3A_2044] : memref<8x32x128xf32, #tpu.memory_space<vmem>>[vector<16xi32>, vector<16xi32>, vector<16xi32>], vector<16xf32>,
      %gather3A_2135 = tpu.vector_load_idx %arg14[%and3A_4, %broadcast_in_dim3A_2132, %gather3A_2054] : memref<8x32x128xf32, #tpu.memory_space<vmem>>[vector<16xi32>, vector<16xi32>, vector<16xi32>], vector<16xf32>,
      %mul3A_2136 = arith.mulf %gather3A_2133, %gather3A_2134 : vector<16xf32>
      %add3A_2137 = arith.addf %add3A_2128, %mul3A_2136 : vector<16xf32>
      %mul3A_2138 = arith.mulf %gather3A_2133, %gather3A_2135 : vector<16xf32>
      %add3A_2139 = arith.addf %add3A_2130, %mul3A_2138 : vector<16xf32>
      %broadcast_in_dim3A_2140 = arith.constant 9 : i32
      %broadcast_in_dim3A_2141 = vector.broadcast %broadcast_in_dim3A_2140 : i32 to vector<16xi32>
      %gather3A_2142 = tpu.vector_load_idx %arg12[%and3A_4, %broadcast_in_dim3A_2141, %gather3A_2034] : memref<8x32x128xf32, #tpu.memory_space<vmem>>[vector<16xi32>, vector<16xi32>, vector<16xi32>], vector<16xf32>,
      %gather3A_2143 = tpu.vector_load_idx %arg13[%and3A_4, %broadcast_in_dim3A_2141, %gather3A_2044] : memref<8x32x128xf32, #tpu.memory_space<vmem>>[vector<16xi32>, vector<16xi32>, vector<16xi32>], vector<16xf32>,
      %gather3A_2144 = tpu.vector_load_idx %arg14[%and3A_4, %broadcast_in_dim3A_2141, %gather3A_2054] : memref<8x32x128xf32, #tpu.memory_space<vmem>>[vector<16xi32>, vector<16xi32>, vector<16xi32>], vector<16xf32>,
      %mul3A_2145 = arith.mulf %gather3A_2142, %gather3A_2143 : vector<16xf32>
      %add3A_2146 = arith.addf %add3A_2137, %mul3A_2145 : vector<16xf32>
      %mul3A_2147 = arith.mulf %gather3A_2142, %gather3A_2144 : vector<16xf32>
      %add3A_2148 = arith.addf %add3A_2139, %mul3A_2147 : vector<16xf32>
      %broadcast_in_dim3A_2149 = arith.constant 10 : i32
      %broadcast_in_dim3A_2150 = vector.broadcast %broadcast_in_dim3A_2149 : i32 to vector<16xi32>
      %gather3A_2151 = tpu.vector_load_idx %arg12[%and3A_4, %broadcast_in_dim3A_2150, %gather3A_2034] : memref<8x32x128xf32, #tpu.memory_space<vmem>>[vector<16xi32>, vector<16xi32>, vector<16xi32>], vector<16xf32>,
      %gather3A_2152 = tpu.vector_load_idx %arg13[%and3A_4, %broadcast_in_dim3A_2150, %gather3A_2044] : memref<8x32x128xf32, #tpu.memory_space<vmem>>[vector<16xi32>, vector<16xi32>, vector<16xi32>], vector<16xf32>,
      %gather3A_2153 = tpu.vector_load_idx %arg14[%and3A_4, %broadcast_in_dim3A_2150, %gather3A_2054] : memref<8x32x128xf32, #tpu.memory_space<vmem>>[vector<16xi32>, vector<16xi32>, vector<16xi32>], vector<16xf32>,
      %mul3A_2154 = arith.mulf %gather3A_2151, %gather3A_2152 : vector<16xf32>
      %add3A_2155 = arith.addf %add3A_2146, %mul3A_2154 : vector<16xf32>
      %mul3A_2156 = arith.mulf %gather3A_2151, %gather3A_2153 : vector<16xf32>
      %add3A_2157 = arith.addf %add3A_2148, %mul3A_2156 : vector<16xf32>
      %broadcast_in_dim3A_2158 = arith.constant 11 : i32
      %broadcast_in_dim3A_2159 = vector.broadcast %broadcast_in_dim3A_2158 : i32 to vector<16xi32>
      %gather3A_2160 = tpu.vector_load_idx %arg12[%and3A_4, %broadcast_in_dim3A_2159, %gather3A_2034] : memref<8x32x128xf32, #tpu.memory_space<vmem>>[vector<16xi32>, vector<16xi32>, vector<16xi32>], vector<16xf32>,
      %gather3A_2161 = tpu.vector_load_idx %arg13[%and3A_4, %broadcast_in_dim3A_2159, %gather3A_2044] : memref<8x32x128xf32, #tpu.memory_space<vmem>>[vector<16xi32>, vector<16xi32>, vector<16xi32>], vector<16xf32>,
      %gather3A_2162 = tpu.vector_load_idx %arg14[%and3A_4, %broadcast_in_dim3A_2159, %gather3A_2054] : memref<8x32x128xf32, #tpu.memory_space<vmem>>[vector<16xi32>, vector<16xi32>, vector<16xi32>], vector<16xf32>,
      %mul3A_2163 = arith.mulf %gather3A_2160, %gather3A_2161 : vector<16xf32>
      %add3A_2164 = arith.addf %add3A_2155, %mul3A_2163 : vector<16xf32>
      %mul3A_2165 = arith.mulf %gather3A_2160, %gather3A_2162 : vector<16xf32>
      %add3A_2166 = arith.addf %add3A_2157, %mul3A_2165 : vector<16xf32>
      %broadcast_in_dim3A_2167 = arith.constant 12 : i32
      %broadcast_in_dim3A_2168 = vector.broadcast %broadcast_in_dim3A_2167 : i32 to vector<16xi32>
      %gather3A_2169 = tpu.vector_load_idx %arg12[%and3A_4, %broadcast_in_dim3A_2168, %gather3A_2034] : memref<8x32x128xf32, #tpu.memory_space<vmem>>[vector<16xi32>, vector<16xi32>, vector<16xi32>], vector<16xf32>,
      %gather3A_2170 = tpu.vector_load_idx %arg13[%and3A_4, %broadcast_in_dim3A_2168, %gather3A_2044] : memref<8x32x128xf32, #tpu.memory_space<vmem>>[vector<16xi32>, vector<16xi32>, vector<16xi32>], vector<16xf32>,
      %gather3A_2171 = tpu.vector_load_idx %arg14[%and3A_4, %broadcast_in_dim3A_2168, %gather3A_2054] : memref<8x32x128xf32, #tpu.memory_space<vmem>>[vector<16xi32>, vector<16xi32>, vector<16xi32>], vector<16xf32>,
      %mul3A_2172 = arith.mulf %gather3A_2169, %gather3A_2170 : vector<16xf32>
      %add3A_2173 = arith.addf %add3A_2164, %mul3A_2172 : vector<16xf32>
      %mul3A_2174 = arith.mulf %gather3A_2169, %gather3A_2171 : vector<16xf32>
      %add3A_2175 = arith.addf %add3A_2166, %mul3A_2174 : vector<16xf32>
      %broadcast_in_dim3A_2176 = arith.constant 13 : i32
      %broadcast_in_dim3A_2177 = vector.broadcast %broadcast_in_dim3A_2176 : i32 to vector<16xi32>
      %gather3A_2178 = tpu.vector_load_idx %arg12[%and3A_4, %broadcast_in_dim3A_2177, %gather3A_2034] : memref<8x32x128xf32, #tpu.memory_space<vmem>>[vector<16xi32>, vector<16xi32>, vector<16xi32>], vector<16xf32>,
      %gather3A_2179 = tpu.vector_load_idx %arg13[%and3A_4, %broadcast_in_dim3A_2177, %gather3A_2044] : memref<8x32x128xf32, #tpu.memory_space<vmem>>[vector<16xi32>, vector<16xi32>, vector<16xi32>], vector<16xf32>,
      %gather3A_2180 = tpu.vector_load_idx %arg14[%and3A_4, %broadcast_in_dim3A_2177, %gather3A_2054] : memref<8x32x128xf32, #tpu.memory_space<vmem>>[vector<16xi32>, vector<16xi32>, vector<16xi32>], vector<16xf32>,
      %mul3A_2181 = arith.mulf %gather3A_2178, %gather3A_2179 : vector<16xf32>
      %add3A_2182 = arith.addf %add3A_2173, %mul3A_2181 : vector<16xf32>
      %mul3A_2183 = arith.mulf %gather3A_2178, %gather3A_2180 : vector<16xf32>
      %add3A_2184 = arith.addf %add3A_2175, %mul3A_2183 : vector<16xf32>
      %broadcast_in_dim3A_2185 = arith.constant 14 : i32
      %broadcast_in_dim3A_2186 = vector.broadcast %broadcast_in_dim3A_2185 : i32 to vector<16xi32>
      %gather3A_2187 = tpu.vector_load_idx %arg12[%and3A_4, %broadcast_in_dim3A_2186, %gather3A_2034] : memref<8x32x128xf32, #tpu.memory_space<vmem>>[vector<16xi32>, vector<16xi32>, vector<16xi32>], vector<16xf32>,
      %gather3A_2188 = tpu.vector_load_idx %arg13[%and3A_4, %broadcast_in_dim3A_2186, %gather3A_2044] : memref<8x32x128xf32, #tpu.memory_space<vmem>>[vector<16xi32>, vector<16xi32>, vector<16xi32>], vector<16xf32>,
      %gather3A_2189 = tpu.vector_load_idx %arg14[%and3A_4, %broadcast_in_dim3A_2186, %gather3A_2054] : memref<8x32x128xf32, #tpu.memory_space<vmem>>[vector<16xi32>, vector<16xi32>, vector<16xi32>], vector<16xf32>,
      %mul3A_2190 = arith.mulf %gather3A_2187, %gather3A_2188 : vector<16xf32>
      %add3A_2191 = arith.addf %add3A_2182, %mul3A_2190 : vector<16xf32>
      %mul3A_2192 = arith.mulf %gather3A_2187, %gather3A_2189 : vector<16xf32>
      %add3A_2193 = arith.addf %add3A_2184, %mul3A_2192 : vector<16xf32>
      %broadcast_in_dim3A_2194 = arith.constant 15 : i32
      %broadcast_in_dim3A_2195 = vector.broadcast %broadcast_in_dim3A_2194 : i32 to vector<16xi32>
      %gather3A_2196 = tpu.vector_load_idx %arg12[%and3A_4, %broadcast_in_dim3A_2195, %gather3A_2034] : memref<8x32x128xf32, #tpu.memory_space<vmem>>[vector<16xi32>, vector<16xi32>, vector<16xi32>], vector<16xf32>,
      %gather3A_2197 = tpu.vector_load_idx %arg13[%and3A_4, %broadcast_in_dim3A_2195, %gather3A_2044] : memref<8x32x128xf32, #tpu.memory_space<vmem>>[vector<16xi32>, vector<16xi32>, vector<16xi32>], vector<16xf32>,
      %gather3A_2198 = tpu.vector_load_idx %arg14[%and3A_4, %broadcast_in_dim3A_2195, %gather3A_2054] : memref<8x32x128xf32, #tpu.memory_space<vmem>>[vector<16xi32>, vector<16xi32>, vector<16xi32>], vector<16xf32>,
      %mul3A_2199 = arith.mulf %gather3A_2196, %gather3A_2197 : vector<16xf32>
      %add3A_2200 = arith.addf %add3A_2191, %mul3A_2199 : vector<16xf32>
      %mul3A_2201 = arith.mulf %gather3A_2196, %gather3A_2198 : vector<16xf32>
      %add3A_2202 = arith.addf %add3A_2193, %mul3A_2201 : vector<16xf32>
      %broadcast_in_dim3A_2203 = arith.constant 16 : i32
      %broadcast_in_dim3A_2204 = vector.broadcast %broadcast_in_dim3A_2203 : i32 to vector<16xi32>
      %gather3A_2205 = tpu.vector_load_idx %arg12[%and3A_4, %broadcast_in_dim3A_2204, %gather3A_2034] : memref<8x32x128xf32, #tpu.memory_space<vmem>>[vector<16xi32>, vector<16xi32>, vector<16xi32>], vector<16xf32>,
      %gather3A_2206 = tpu.vector_load_idx %arg13[%and3A_4, %broadcast_in_dim3A_2204, %gather3A_2044] : memref<8x32x128xf32, #tpu.memory_space<vmem>>[vector<16xi32>, vector<16xi32>, vector<16xi32>], vector<16xf32>,
      %gather3A_2207 = tpu.vector_load_idx %arg14[%and3A_4, %broadcast_in_dim3A_2204, %gather3A_2054] : memref<8x32x128xf32, #tpu.memory_space<vmem>>[vector<16xi32>, vector<16xi32>, vector<16xi32>], vector<16xf32>,
      %mul3A_2208 = arith.mulf %gather3A_2205, %gather3A_2206 : vector<16xf32>
      %add3A_2209 = arith.addf %add3A_2200, %mul3A_2208 : vector<16xf32>
      %mul3A_2210 = arith.mulf %gather3A_2205, %gather3A_2207 : vector<16xf32>
      %add3A_2211 = arith.addf %add3A_2202, %mul3A_2210 : vector<16xf32>
      %broadcast_in_dim3A_2212 = arith.constant 17 : i32
      %broadcast_in_dim3A_2213 = vector.broadcast %broadcast_in_dim3A_2212 : i32 to vector<16xi32>
      %gather3A_2214 = tpu.vector_load_idx %arg12[%and3A_4, %broadcast_in_dim3A_2213, %gather3A_2034] : memref<8x32x128xf32, #tpu.memory_space<vmem>>[vector<16xi32>, vector<16xi32>, vector<16xi32>], vector<16xf32>,
      %gather3A_2215 = tpu.vector_load_idx %arg13[%and3A_4, %broadcast_in_dim3A_2213, %gather3A_2044] : memref<8x32x128xf32, #tpu.memory_space<vmem>>[vector<16xi32>, vector<16xi32>, vector<16xi32>], vector<16xf32>,
      %gather3A_2216 = tpu.vector_load_idx %arg14[%and3A_4, %broadcast_in_dim3A_2213, %gather3A_2054] : memref<8x32x128xf32, #tpu.memory_space<vmem>>[vector<16xi32>, vector<16xi32>, vector<16xi32>], vector<16xf32>,
      %mul3A_2217 = arith.mulf %gather3A_2214, %gather3A_2215 : vector<16xf32>
      %add3A_2218 = arith.addf %add3A_2209, %mul3A_2217 : vector<16xf32>
      %mul3A_2219 = arith.mulf %gather3A_2214, %gather3A_2216 : vector<16xf32>
      %add3A_2220 = arith.addf %add3A_2211, %mul3A_2219 : vector<16xf32>
      %broadcast_in_dim3A_2221 = arith.constant 18 : i32
      %broadcast_in_dim3A_2222 = vector.broadcast %broadcast_in_dim3A_2221 : i32 to vector<16xi32>
      %gather3A_2223 = tpu.vector_load_idx %arg12[%and3A_4, %broadcast_in_dim3A_2222, %gather3A_2034] : memref<8x32x128xf32, #tpu.memory_space<vmem>>[vector<16xi32>, vector<16xi32>, vector<16xi32>], vector<16xf32>,
      %gather3A_2224 = tpu.vector_load_idx %arg13[%and3A_4, %broadcast_in_dim3A_2222, %gather3A_2044] : memref<8x32x128xf32, #tpu.memory_space<vmem>>[vector<16xi32>, vector<16xi32>, vector<16xi32>], vector<16xf32>,
      %gather3A_2225 = tpu.vector_load_idx %arg14[%and3A_4, %broadcast_in_dim3A_2222, %gather3A_2054] : memref<8x32x128xf32, #tpu.memory_space<vmem>>[vector<16xi32>, vector<16xi32>, vector<16xi32>], vector<16xf32>,
      %mul3A_2226 = arith.mulf %gather3A_2223, %gather3A_2224 : vector<16xf32>
      %add3A_2227 = arith.addf %add3A_2218, %mul3A_2226 : vector<16xf32>
      %mul3A_2228 = arith.mulf %gather3A_2223, %gather3A_2225 : vector<16xf32>
      %add3A_2229 = arith.addf %add3A_2220, %mul3A_2228 : vector<16xf32>
      %broadcast_in_dim3A_2230 = arith.constant 19 : i32
      %broadcast_in_dim3A_2231 = vector.broadcast %broadcast_in_dim3A_2230 : i32 to vector<16xi32>
      %gather3A_2232 = tpu.vector_load_idx %arg12[%and3A_4, %broadcast_in_dim3A_2231, %gather3A_2034] : memref<8x32x128xf32, #tpu.memory_space<vmem>>[vector<16xi32>, vector<16xi32>, vector<16xi32>], vector<16xf32>,
      %gather3A_2233 = tpu.vector_load_idx %arg13[%and3A_4, %broadcast_in_dim3A_2231, %gather3A_2044] : memref<8x32x128xf32, #tpu.memory_space<vmem>>[vector<16xi32>, vector<16xi32>, vector<16xi32>], vector<16xf32>,
      %gather3A_2234 = tpu.vector_load_idx %arg14[%and3A_4, %broadcast_in_dim3A_2231, %gather3A_2054] : memref<8x32x128xf32, #tpu.memory_space<vmem>>[vector<16xi32>, vector<16xi32>, vector<16xi32>], vector<16xf32>,
      %mul3A_2235 = arith.mulf %gather3A_2232, %gather3A_2233 : vector<16xf32>
      %add3A_2236 = arith.addf %add3A_2227, %mul3A_2235 : vector<16xf32>
      %mul3A_2237 = arith.mulf %gather3A_2232, %gather3A_2234 : vector<16xf32>
      %add3A_2238 = arith.addf %add3A_2229, %mul3A_2237 : vector<16xf32>
      %broadcast_in_dim3A_2239 = arith.constant 20 : i32
      %broadcast_in_dim3A_2240 = vector.broadcast %broadcast_in_dim3A_2239 : i32 to vector<16xi32>
      %gather3A_2241 = tpu.vector_load_idx %arg12[%and3A_4, %broadcast_in_dim3A_2240, %gather3A_2034] : memref<8x32x128xf32, #tpu.memory_space<vmem>>[vector<16xi32>, vector<16xi32>, vector<16xi32>], vector<16xf32>,
      %gather3A_2242 = tpu.vector_load_idx %arg13[%and3A_4, %broadcast_in_dim3A_2240, %gather3A_2044] : memref<8x32x128xf32, #tpu.memory_space<vmem>>[vector<16xi32>, vector<16xi32>, vector<16xi32>], vector<16xf32>,
      %gather3A_2243 = tpu.vector_load_idx %arg14[%and3A_4, %broadcast_in_dim3A_2240, %gather3A_2054] : memref<8x32x128xf32, #tpu.memory_space<vmem>>[vector<16xi32>, vector<16xi32>, vector<16xi32>], vector<16xf32>,
      %mul3A_2244 = arith.mulf %gather3A_2241, %gather3A_2242 : vector<16xf32>
      %add3A_2245 = arith.addf %add3A_2236, %mul3A_2244 : vector<16xf32>
      %mul3A_2246 = arith.mulf %gather3A_2241, %gather3A_2243 : vector<16xf32>
      %add3A_2247 = arith.addf %add3A_2238, %mul3A_2246 : vector<16xf32>
      %broadcast_in_dim3A_2248 = arith.constant 21 : i32
      %broadcast_in_dim3A_2249 = vector.broadcast %broadcast_in_dim3A_2248 : i32 to vector<16xi32>
      %gather3A_2250 = tpu.vector_load_idx %arg12[%and3A_4, %broadcast_in_dim3A_2249, %gather3A_2034] : memref<8x32x128xf32, #tpu.memory_space<vmem>>[vector<16xi32>, vector<16xi32>, vector<16xi32>], vector<16xf32>,
      %gather3A_2251 = tpu.vector_load_idx %arg13[%and3A_4, %broadcast_in_dim3A_2249, %gather3A_2044] : memref<8x32x128xf32, #tpu.memory_space<vmem>>[vector<16xi32>, vector<16xi32>, vector<16xi32>], vector<16xf32>,
      %gather3A_2252 = tpu.vector_load_idx %arg14[%and3A_4, %broadcast_in_dim3A_2249, %gather3A_2054] : memref<8x32x128xf32, #tpu.memory_space<vmem>>[vector<16xi32>, vector<16xi32>, vector<16xi32>], vector<16xf32>,
      %mul3A_2253 = arith.mulf %gather3A_2250, %gather3A_2251 : vector<16xf32>
      %add3A_2254 = arith.addf %add3A_2245, %mul3A_2253 : vector<16xf32>
      %mul3A_2255 = arith.mulf %gather3A_2250, %gather3A_2252 : vector<16xf32>
      %add3A_2256 = arith.addf %add3A_2247, %mul3A_2255 : vector<16xf32>
      %broadcast_in_dim3A_2257 = arith.constant 22 : i32
      %broadcast_in_dim3A_2258 = vector.broadcast %broadcast_in_dim3A_2257 : i32 to vector<16xi32>
      %gather3A_2259 = tpu.vector_load_idx %arg12[%and3A_4, %broadcast_in_dim3A_2258, %gather3A_2034] : memref<8x32x128xf32, #tpu.memory_space<vmem>>[vector<16xi32>, vector<16xi32>, vector<16xi32>], vector<16xf32>,
      %gather3A_2260 = tpu.vector_load_idx %arg13[%and3A_4, %broadcast_in_dim3A_2258, %gather3A_2044] : memref<8x32x128xf32, #tpu.memory_space<vmem>>[vector<16xi32>, vector<16xi32>, vector<16xi32>], vector<16xf32>,
      %gather3A_2261 = tpu.vector_load_idx %arg14[%and3A_4, %broadcast_in_dim3A_2258, %gather3A_2054] : memref<8x32x128xf32, #tpu.memory_space<vmem>>[vector<16xi32>, vector<16xi32>, vector<16xi32>], vector<16xf32>,
      %mul3A_2262 = arith.mulf %gather3A_2259, %gather3A_2260 : vector<16xf32>
      %add3A_2263 = arith.addf %add3A_2254, %mul3A_2262 : vector<16xf32>
      %mul3A_2264 = arith.mulf %gather3A_2259, %gather3A_2261 : vector<16xf32>
      %add3A_2265 = arith.addf %add3A_2256, %mul3A_2264 : vector<16xf32>
      %broadcast_in_dim3A_2266 = arith.constant 23 : i32
      %broadcast_in_dim3A_2267 = vector.broadcast %broadcast_in_dim3A_2266 : i32 to vector<16xi32>
      %gather3A_2268 = tpu.vector_load_idx %arg12[%and3A_4, %broadcast_in_dim3A_2267, %gather3A_2034] : memref<8x32x128xf32, #tpu.memory_space<vmem>>[vector<16xi32>, vector<16xi32>, vector<16xi32>], vector<16xf32>,
      %gather3A_2269 = tpu.vector_load_idx %arg13[%and3A_4, %broadcast_in_dim3A_2267, %gather3A_2044] : memref<8x32x128xf32, #tpu.memory_space<vmem>>[vector<16xi32>, vector<16xi32>, vector<16xi32>], vector<16xf32>,
      %gather3A_2270 = tpu.vector_load_idx %arg14[%and3A_4, %broadcast_in_dim3A_2267, %gather3A_2054] : memref<8x32x128xf32, #tpu.memory_space<vmem>>[vector<16xi32>, vector<16xi32>, vector<16xi32>], vector<16xf32>,
      %mul3A_2271 = arith.mulf %gather3A_2268, %gather3A_2269 : vector<16xf32>
      %add3A_2272 = arith.addf %add3A_2263, %mul3A_2271 : vector<16xf32>
      %mul3A_2273 = arith.mulf %gather3A_2268, %gather3A_2270 : vector<16xf32>
      %add3A_2274 = arith.addf %add3A_2265, %mul3A_2273 : vector<16xf32>
      %broadcast_in_dim3A_2275 = arith.constant 24 : i32
      %broadcast_in_dim3A_2276 = vector.broadcast %broadcast_in_dim3A_2275 : i32 to vector<16xi32>
      %gather3A_2277 = tpu.vector_load_idx %arg12[%and3A_4, %broadcast_in_dim3A_2276, %gather3A_2034] : memref<8x32x128xf32, #tpu.memory_space<vmem>>[vector<16xi32>, vector<16xi32>, vector<16xi32>], vector<16xf32>,
      %gather3A_2278 = tpu.vector_load_idx %arg13[%and3A_4, %broadcast_in_dim3A_2276, %gather3A_2044] : memref<8x32x128xf32, #tpu.memory_space<vmem>>[vector<16xi32>, vector<16xi32>, vector<16xi32>], vector<16xf32>,
      %gather3A_2279 = tpu.vector_load_idx %arg14[%and3A_4, %broadcast_in_dim3A_2276, %gather3A_2054] : memref<8x32x128xf32, #tpu.memory_space<vmem>>[vector<16xi32>, vector<16xi32>, vector<16xi32>], vector<16xf32>,
      %mul3A_2280 = arith.mulf %gather3A_2277, %gather3A_2278 : vector<16xf32>
      %add3A_2281 = arith.addf %add3A_2272, %mul3A_2280 : vector<16xf32>
      %mul3A_2282 = arith.mulf %gather3A_2277, %gather3A_2279 : vector<16xf32>
      %add3A_2283 = arith.addf %add3A_2274, %mul3A_2282 : vector<16xf32>
      %broadcast_in_dim3A_2284 = arith.constant 25 : i32
      %broadcast_in_dim3A_2285 = vector.broadcast %broadcast_in_dim3A_2284 : i32 to vector<16xi32>
      %gather3A_2286 = tpu.vector_load_idx %arg12[%and3A_4, %broadcast_in_dim3A_2285, %gather3A_2034] : memref<8x32x128xf32, #tpu.memory_space<vmem>>[vector<16xi32>, vector<16xi32>, vector<16xi32>], vector<16xf32>,
      %gather3A_2287 = tpu.vector_load_idx %arg13[%and3A_4, %broadcast_in_dim3A_2285, %gather3A_2044] : memref<8x32x128xf32, #tpu.memory_space<vmem>>[vector<16xi32>, vector<16xi32>, vector<16xi32>], vector<16xf32>,
      %gather3A_2288 = tpu.vector_load_idx %arg14[%and3A_4, %broadcast_in_dim3A_2285, %gather3A_2054] : memref<8x32x128xf32, #tpu.memory_space<vmem>>[vector<16xi32>, vector<16xi32>, vector<16xi32>], vector<16xf32>,
      %mul3A_2289 = arith.mulf %gather3A_2286, %gather3A_2287 : vector<16xf32>
      %add3A_2290 = arith.addf %add3A_2281, %mul3A_2289 : vector<16xf32>
      %mul3A_2291 = arith.mulf %gather3A_2286, %gather3A_2288 : vector<16xf32>
      %add3A_2292 = arith.addf %add3A_2283, %mul3A_2291 : vector<16xf32>
      %broadcast_in_dim3A_2293 = arith.constant 26 : i32
      %broadcast_in_dim3A_2294 = vector.broadcast %broadcast_in_dim3A_2293 : i32 to vector<16xi32>
      %gather3A_2295 = tpu.vector_load_idx %arg12[%and3A_4, %broadcast_in_dim3A_2294, %gather3A_2034] : memref<8x32x128xf32, #tpu.memory_space<vmem>>[vector<16xi32>, vector<16xi32>, vector<16xi32>], vector<16xf32>,
      %gather3A_2296 = tpu.vector_load_idx %arg13[%and3A_4, %broadcast_in_dim3A_2294, %gather3A_2044] : memref<8x32x128xf32, #tpu.memory_space<vmem>>[vector<16xi32>, vector<16xi32>, vector<16xi32>], vector<16xf32>,
      %gather3A_2297 = tpu.vector_load_idx %arg14[%and3A_4, %broadcast_in_dim3A_2294, %gather3A_2054] : memref<8x32x128xf32, #tpu.memory_space<vmem>>[vector<16xi32>, vector<16xi32>, vector<16xi32>], vector<16xf32>,
      %mul3A_2298 = arith.mulf %gather3A_2295, %gather3A_2296 : vector<16xf32>
      %add3A_2299 = arith.addf %add3A_2290, %mul3A_2298 : vector<16xf32>
      %mul3A_2300 = arith.mulf %gather3A_2295, %gather3A_2297 : vector<16xf32>
      %add3A_2301 = arith.addf %add3A_2292, %mul3A_2300 : vector<16xf32>
      %broadcast_in_dim3A_2302 = arith.constant 27 : i32
      %broadcast_in_dim3A_2303 = vector.broadcast %broadcast_in_dim3A_2302 : i32 to vector<16xi32>
      %gather3A_2304 = tpu.vector_load_idx %arg12[%and3A_4, %broadcast_in_dim3A_2303, %gather3A_2034] : memref<8x32x128xf32, #tpu.memory_space<vmem>>[vector<16xi32>, vector<16xi32>, vector<16xi32>], vector<16xf32>,
      %gather3A_2305 = tpu.vector_load_idx %arg13[%and3A_4, %broadcast_in_dim3A_2303, %gather3A_2044] : memref<8x32x128xf32, #tpu.memory_space<vmem>>[vector<16xi32>, vector<16xi32>, vector<16xi32>], vector<16xf32>,
      %gather3A_2306 = tpu.vector_load_idx %arg14[%and3A_4, %broadcast_in_dim3A_2303, %gather3A_2054] : memref<8x32x128xf32, #tpu.memory_space<vmem>>[vector<16xi32>, vector<16xi32>, vector<16xi32>], vector<16xf32>,
      %mul3A_2307 = arith.mulf %gather3A_2304, %gather3A_2305 : vector<16xf32>
      %add3A_2308 = arith.addf %add3A_2299, %mul3A_2307 : vector<16xf32>
      %mul3A_2309 = arith.mulf %gather3A_2304, %gather3A_2306 : vector<16xf32>
      %add3A_2310 = arith.addf %add3A_2301, %mul3A_2309 : vector<16xf32>
      %broadcast_in_dim3A_2311 = arith.constant 28 : i32
      %broadcast_in_dim3A_2312 = vector.broadcast %broadcast_in_dim3A_2311 : i32 to vector<16xi32>
      %gather3A_2313 = tpu.vector_load_idx %arg12[%and3A_4, %broadcast_in_dim3A_2312, %gather3A_2034] : memref<8x32x128xf32, #tpu.memory_space<vmem>>[vector<16xi32>, vector<16xi32>, vector<16xi32>], vector<16xf32>,
      %gather3A_2314 = tpu.vector_load_idx %arg13[%and3A_4, %broadcast_in_dim3A_2312, %gather3A_2044] : memref<8x32x128xf32, #tpu.memory_space<vmem>>[vector<16xi32>, vector<16xi32>, vector<16xi32>], vector<16xf32>,
      %gather3A_2315 = tpu.vector_load_idx %arg14[%and3A_4, %broadcast_in_dim3A_2312, %gather3A_2054] : memref<8x32x128xf32, #tpu.memory_space<vmem>>[vector<16xi32>, vector<16xi32>, vector<16xi32>], vector<16xf32>,
      %mul3A_2316 = arith.mulf %gather3A_2313, %gather3A_2314 : vector<16xf32>
      %add3A_2317 = arith.addf %add3A_2308, %mul3A_2316 : vector<16xf32>
      %mul3A_2318 = arith.mulf %gather3A_2313, %gather3A_2315 : vector<16xf32>
      %add3A_2319 = arith.addf %add3A_2310, %mul3A_2318 : vector<16xf32>
      %broadcast_in_dim3A_2320 = arith.constant 29 : i32
      %broadcast_in_dim3A_2321 = vector.broadcast %broadcast_in_dim3A_2320 : i32 to vector<16xi32>
      %gather3A_2322 = tpu.vector_load_idx %arg12[%and3A_4, %broadcast_in_dim3A_2321, %gather3A_2034] : memref<8x32x128xf32, #tpu.memory_space<vmem>>[vector<16xi32>, vector<16xi32>, vector<16xi32>], vector<16xf32>,
      %gather3A_2323 = tpu.vector_load_idx %arg13[%and3A_4, %broadcast_in_dim3A_2321, %gather3A_2044] : memref<8x32x128xf32, #tpu.memory_space<vmem>>[vector<16xi32>, vector<16xi32>, vector<16xi32>], vector<16xf32>,
      %gather3A_2324 = tpu.vector_load_idx %arg14[%and3A_4, %broadcast_in_dim3A_2321, %gather3A_2054] : memref<8x32x128xf32, #tpu.memory_space<vmem>>[vector<16xi32>, vector<16xi32>, vector<16xi32>], vector<16xf32>,
      %mul3A_2325 = arith.mulf %gather3A_2322, %gather3A_2323 : vector<16xf32>
      %add3A_2326 = arith.addf %add3A_2317, %mul3A_2325 : vector<16xf32>
      %mul3A_2327 = arith.mulf %gather3A_2322, %gather3A_2324 : vector<16xf32>
      %add3A_2328 = arith.addf %add3A_2319, %mul3A_2327 : vector<16xf32>
      %broadcast_in_dim3A_2329 = arith.constant 30 : i32
      %broadcast_in_dim3A_2330 = vector.broadcast %broadcast_in_dim3A_2329 : i32 to vector<16xi32>
      %gather3A_2331 = tpu.vector_load_idx %arg12[%and3A_4, %broadcast_in_dim3A_2330, %gather3A_2034] : memref<8x32x128xf32, #tpu.memory_space<vmem>>[vector<16xi32>, vector<16xi32>, vector<16xi32>], vector<16xf32>,
      %gather3A_2332 = tpu.vector_load_idx %arg13[%and3A_4, %broadcast_in_dim3A_2330, %gather3A_2044] : memref<8x32x128xf32, #tpu.memory_space<vmem>>[vector<16xi32>, vector<16xi32>, vector<16xi32>], vector<16xf32>,
      %gather3A_2333 = tpu.vector_load_idx %arg14[%and3A_4, %broadcast_in_dim3A_2330, %gather3A_2054] : memref<8x32x128xf32, #tpu.memory_space<vmem>>[vector<16xi32>, vector<16xi32>, vector<16xi32>], vector<16xf32>,
      %mul3A_2334 = arith.mulf %gather3A_2331, %gather3A_2332 : vector<16xf32>
      %add3A_2335 = arith.addf %add3A_2326, %mul3A_2334 : vector<16xf32>
      %mul3A_2336 = arith.mulf %gather3A_2331, %gather3A_2333 : vector<16xf32>
      %add3A_2337 = arith.addf %add3A_2328, %mul3A_2336 : vector<16xf32>
      %broadcast_in_dim3A_2338 = arith.constant 31 : i32
      %broadcast_in_dim3A_2339 = vector.broadcast %broadcast_in_dim3A_2338 : i32 to vector<16xi32>
      %gather3A_2340 = tpu.vector_load_idx %arg12[%and3A_4, %broadcast_in_dim3A_2339, %gather3A_2034] : memref<8x32x128xf32, #tpu.memory_space<vmem>>[vector<16xi32>, vector<16xi32>, vector<16xi32>], vector<16xf32>,
      %gather3A_2341 = tpu.vector_load_idx %arg13[%and3A_4, %broadcast_in_dim3A_2339, %gather3A_2044] : memref<8x32x128xf32, #tpu.memory_space<vmem>>[vector<16xi32>, vector<16xi32>, vector<16xi32>], vector<16xf32>,
      %gather3A_2342 = tpu.vector_load_idx %arg14[%and3A_4, %broadcast_in_dim3A_2339, %gather3A_2054] : memref<8x32x128xf32, #tpu.memory_space<vmem>>[vector<16xi32>, vector<16xi32>, vector<16xi32>], vector<16xf32>,
      %mul3A_2343 = arith.mulf %gather3A_2340, %gather3A_2341 : vector<16xf32>
      %add3A_2344 = arith.addf %add3A_2335, %mul3A_2343 : vector<16xf32>
      %mul3A_2345 = arith.mulf %gather3A_2340, %gather3A_2342 : vector<16xf32>
      %add3A_2346 = arith.addf %add3A_2337, %mul3A_2345 : vector<16xf32>
      %lt3A_2347 = arith.constant 8 : i32
      %lt3A_2348 = vector.broadcast %lt3A_2347 : i32 to vector<16xi32>
      %lt3A_2349 = arith.cmpi slt, %iota3A, %lt3A_2348 : vector<16xi32>
      %select_n3A_2350 = arith.select %lt3A_2349, %add3A_1179, %add3A_2344 : vector<16xi1>, vector<16xf32>
      %swap3A = arith.index_cast %mul3A_12 : i32 to index
      %swap3A_2351 = tpu.vector_load %arg15[%swap3A] {strides = array<i32>} : memref<512xf32, #tpu.memory_space<vmem>>, vector<16xf32>,
      tpu.vector_store %arg15[%swap3A], %select_n3A_2350 {strides = array<i32>} : memref<512xf32, #tpu.memory_space<vmem>>, vector<16xf32>,
      %select_n3A_2352 = arith.select %lt3A_2349, %add3A_1181, %add3A_2346 : vector<16xi1>, vector<16xf32>
      %swap3A_2353 = arith.index_cast %mul3A_12 : i32 to index
      %swap3A_2354 = tpu.vector_load %arg16[%swap3A_2353] {strides = array<i32>} : memref<512xf32, #tpu.memory_space<vmem>>, vector<16xf32>,
      tpu.vector_store %arg16[%swap3A_2353], %select_n3A_2352 {strides = array<i32>} : memref<512xf32, #tpu.memory_space<vmem>>, vector<16xf32>,
    }
    %scan3A_9 = arith.constant 32 : i32
    "tpu.region"() ({
      %run_scoped3A = tpu.sem_alloc : memref<!tpu.dma_semaphore, #tpu.memory_space<semaphore_mem>>
      %dma_start3A = tpu.memref_slice %arg7[%mul3A_2] : memref<16384xf32, #tpu.memory_space<hbm>> -> memref<512xf32, #tpu.memory_space<hbm>>
      %dma_start3A_10 = tpu.memref_slice %arg7[%mul3A_2] : memref<16384xf32, #tpu.memory_space<hbm>> -> memref<512xf32, #tpu.memory_space<hbm>>
      tpu.enqueue_dma source(%arg15 : memref<512xf32, #tpu.memory_space<vmem>>) target(%dma_start3A_10 : memref<512xf32, #tpu.memory_space<hbm>>) target_semaphore(%run_scoped3A : memref<!tpu.dma_semaphore, #tpu.memory_space<semaphore_mem>>)
      %dma_wait3A = tpu.memref_slice %arg7[%mul3A_2] : memref<16384xf32, #tpu.memory_space<hbm>> -> memref<512xf32, #tpu.memory_space<hbm>>
      %dma_wait3A_11 = tpu.memref_slice %arg7[%mul3A_2] : memref<16384xf32, #tpu.memory_space<hbm>> -> memref<512xf32, #tpu.memory_space<hbm>>
      tpu.wait_dma2 semaphore(%run_scoped3A : memref<!tpu.dma_semaphore, #tpu.memory_space<semaphore_mem>>) src(%arg15 : memref<512xf32, #tpu.memory_space<vmem>>) dst(%dma_wait3A_11 : memref<512xf32, #tpu.memory_space<hbm>>)
      tpu.yield
    }) : () -> ()
    "tpu.region"() ({
      %run_scoped3A = tpu.sem_alloc : memref<!tpu.dma_semaphore, #tpu.memory_space<semaphore_mem>>
      %dma_start3A = tpu.memref_slice %arg8[%mul3A_2] : memref<16384xf32, #tpu.memory_space<hbm>> -> memref<512xf32, #tpu.memory_space<hbm>>
      %dma_start3A_10 = tpu.memref_slice %arg8[%mul3A_2] : memref<16384xf32, #tpu.memory_space<hbm>> -> memref<512xf32, #tpu.memory_space<hbm>>
      tpu.enqueue_dma source(%arg16 : memref<512xf32, #tpu.memory_space<vmem>>) target(%dma_start3A_10 : memref<512xf32, #tpu.memory_space<hbm>>) target_semaphore(%run_scoped3A : memref<!tpu.dma_semaphore, #tpu.memory_space<semaphore_mem>>)
      %dma_wait3A = tpu.memref_slice %arg8[%mul3A_2] : memref<16384xf32, #tpu.memory_space<hbm>> -> memref<512xf32, #tpu.memory_space<hbm>>
      %dma_wait3A_11 = tpu.memref_slice %arg8[%mul3A_2] : memref<16384xf32, #tpu.memory_space<hbm>> -> memref<512xf32, #tpu.memory_space<hbm>>
      tpu.wait_dma2 semaphore(%run_scoped3A : memref<!tpu.dma_semaphore, #tpu.memory_space<semaphore_mem>>) src(%arg16 : memref<512xf32, #tpu.memory_space<vmem>>) dst(%dma_wait3A_11 : memref<512xf32, #tpu.memory_space<hbm>>)
      tpu.yield
    }) : () -> ()
    return
  }
}

</mosaic_0001>

<sc_bundles>
// kernel: _bpr_call.3.cloned.1.call-start
scs
__scs_entry_jumppad:
0x0: {  	(pc) =	sbr.rel $0x88, $3  }
0x1: {  	(tag) =	ssettag $0x0;
	lr =	simm.s32 $0x1  }
0x2: {  	[smem:$0x3F9C] =	sst lr;
	_ =	strace $0xD0000000  }
0x3: {  	_ = 	snop  }
0x4: {  	_ = 	snop  }
0x5: {  	_ = 	snop  }
0x6: {  	_ = 	snop  }
0x7: {  	_ = 	snop  }
__scs_overlays_trampoline_lowered:
0x8: {  	[smem:$0x3FAB] =	sst s0  }
0x9: {  	[smem:$0x3FAC] =	sst s1  }
0xa: {  	[smem:$0x3FAD] =	sst s2  }
0xb: {  	[smem:$0x3FAE] =	sst s3  }
0xc: {  	[smem:$0x3FAF] =	sst s4  }
0xd: {  	[smem:$0x3FB0] =	sst s5  }
0xe: {  	[smem:$0x3FB1] =	sst s6  }
0xf: {  	[smem:$0x3FB2] =	sst s7  }
0x10: {  	[smem:$0x3FB3] =	sst s8  }
0x11: {  	[smem:$0x3FB4] =	sst s9;
	s0 =	simm.s32 @!p0 $0x0  }
0x12: {  	s1 =	sld [smem:$0x3F9A];
	s0 =	simm.s32 @p0 $0x1  }
0x13: {  	[smem:$0x3FB5] =	sst s0;
	s0 =	simm.s32 @!p1 $0x0  }
0x14: {  	s2 =	sld [smem:$0x3F99];
	s0 =	simm.s32 @p1 $0x1  }
0x15: {  	[smem:$0x3FB6] =	sst s0;
	s0 =	simm.s32 @!p2 $0x0  }
0x16: {  	s3 =	sld [smem:$0x3FDB];
	s0 =	simm.s32 @p2 $0x1  }
0x17: {  	s4 =	simm.s32 $0x1BF5;
	[smem:$0x3FB8] =	sst s0  }
0x18: {  	s0 =	sld [smem:$0x3F9B];
	_ =	swait.ge [sflag:s4], $0x0  }
0x19: {  	s7 =	sld [smem:$0x3F9C]  }
0x1a: {  	s8 =	sadd.s32 $0xFFFFE003, lr  }
0x1b: {  	s9 =	sadd.s32 $0xFFFFFEF7, lr;
	s5 =	simm.s32 $0xFFFFFFFF;
	p2 =	slt.u32 s8, $0xFFFFF086  }
0x1c: {  	p1 =	slt.u32 s9, $0xF7A;
	s5 =	simm.s32 @!p2 $0x0  }
0x1d: {  	s5 =	simm.s32 @p1 $0x1;
	p0 =	seq.s32 s7, s2  }
0x1e: {  	s7 =	smul.u32 @!p0 $0xF7A, s2;
	p2 =	seq.s32 @!p0 s5, $0x0  }
0x1f: {  	s9 =	smul.u32 $0xF7A, s1;
	s8 =	simm.s32 @!p0 $0x1BF5;
	p2 =	por !p2, p0  }
0x20: {  	[sflag:s8] =	ssyncset.s32 @!p0 $0xFFFFF086;
	s6 =	sadd.s32 @!p0 s3, s7;
	s7 =	simm.s32 @!p0 $0x108  }
0x21: {  	s3 =	sadd.s32 s3, s9;
	s6 =	sadd.s32 @!p0 $0x88, s6;
	s7 =	simm.s32 @p2 $0x1082  }
0x22: {  	[simem:s7], [sflag:s8] =	dma.local @!p0 [hbm:s6], $0xF7A  }
0x23: {  	s9 =	sor.u32 $0xD0000000, s2;
	s6 =	simm.s32 $0x108;
	_ =	swait.ge @!p0 [sflag:s8], $0x0  }
0x24: {  	s3 =	sadd.s32 $0x88, s3;
	s6 =	simm.s32 @!p1 $0x1082;
	[sflag:s4] =	ssyncset.s32 $0xFFFFF086  }
0x25: {  	[simem:s6], [sflag:s4] =	dma.local [hbm:s3], $0xF7A  }
0x26: {  	[smem:$0x3F9C] =	sst s1;
	(tag) =	ssettag s2;
	_ =	strace s9  }
0x27: {  	s1 =	sld [smem:$0x3FAC]  }
0x28: {  	s2 =	sld [smem:$0x3FAD]  }
0x29: {  	s4 =	sld [smem:$0x3FAF]  }
0x2a: {  	p0 =	seq.s32 s5, $0x0;
	s5 =	sld [smem:$0x3FB0]  }
0x2b: {  	s6 =	sld [smem:$0x3FB1]  }
0x2c: {  	s7 =	sld [smem:$0x3FB2]  }
0x2d: {  	s3 =	simm.s32 $0x108;
	s8 =	sld [smem:$0x3FB3]  }
0x2e: {  	s3 =	simm.s32 @!p0 $0x1082;
	s9 =	sld [smem:$0x3FB4]  }
0x2f: {  	lr =	sadd.s32 s0, s3;
	s0 =	sld [smem:$0x3FAB]  }
0x30: {  	s3 =	sld [smem:$0x3FAE]  }
0x31: {  	[smem:$0x3FB7] =	sst s10  }
0x32: {  	s10 =	sld [smem:$0x3FB5];
	_ =	sdelay $0x3  }
0x33: {  	p0 =	seq.s32 s10, $0x1;
	s10 =	sld [smem:$0x3FB7];
	_ =	sdelay $0x3  }
0x34: {  	[smem:$0x3FB7] =	sst s10  }
0x35: {  	s10 =	sld [smem:$0x3FB6];
	_ =	sdelay $0x3  }
0x36: {  	p1 =	seq.s32 s10, $0x1;
	s10 =	sld [smem:$0x3FB7];
	_ =	sdelay $0x3  }
0x37: {  	[smem:$0x3FB7] =	sst s10  }
0x38: {  	s10 =	sld [smem:$0x3FB8]  }
0x39: {  	_ = 	snop;
	(pc) =	sbr.ind lr, $3  }
0x3a: {  	_ = 	snop  }
0x3b: {  	_ = 	snop  }
0x3c: {  	p2 =	seq.s32 s10, $0x1;
	s10 =	sld [smem:$0x3FB7]  }
0x3d: {  	_ =	shalt  }
0x3e: {  	_ =	shalt  }
0x3f: {  	_ =	shalt  }
0x40: {  	_ =	shalt  }
0x41: {  	_ =	shalt  }
0x42: {  	_ =	shalt  }
0x43: {  	_ =	shalt  }
0x44: {  	_ =	shalt  }
0x45: {  	_ =	shalt  }
0x46: {  	_ =	shalt  }
0x47: {  	_ =	shalt  }
0x48: {  	_ =	shalt  }
0x49: {  	_ =	shalt  }
0x4a: {  	_ =	shalt  }
0x4b: {  	_ =	shalt  }
0x4c: {  	_ =	shalt  }
0x4d: {  	_ =	shalt  }
0x4e: {  	_ =	shalt  }
0x4f: {  	_ =	shalt  }
0x50: {  	_ =	shalt  }
0x51: {  	_ =	shalt  }
0x52: {  	_ =	shalt  }
0x53: {  	_ =	shalt  }
0x54: {  	_ =	shalt  }
0x55: {  	_ =	shalt  }
0x56: {  	_ =	shalt  }
0x57: {  	_ =	shalt  }
0x58: {  	_ =	shalt  }
0x59: {  	_ =	shalt  }
0x5a: {  	_ =	shalt  }
0x5b: {  	_ =	shalt  }
0x5c: {  	_ =	shalt  }
0x5d: {  	_ =	shalt  }
0x5e: {  	_ =	shalt  }
0x5f: {  	_ =	shalt  }
0x60: {  	_ =	shalt  }
0x61: {  	_ =	shalt  }
0x62: {  	_ =	shalt  }
0x63: {  	_ =	shalt  }
0x64: {  	_ =	shalt  }
0x65: {  	_ =	shalt  }
0x66: {  	_ =	shalt  }
0x67: {  	_ =	shalt  }
0x68: {  	_ =	shalt  }
0x69: {  	_ =	shalt  }
0x6a: {  	_ =	shalt  }
0x6b: {  	_ =	shalt  }
0x6c: {  	_ =	shalt  }
0x6d: {  	_ =	shalt  }
0x6e: {  	_ =	shalt  }
0x6f: {  	_ =	shalt  }
0x70: {  	_ =	shalt  }
0x71: {  	_ =	shalt  }
0x72: {  	_ =	shalt  }
0x73: {  	_ =	shalt  }
0x74: {  	_ =	shalt  }
0x75: {  	_ =	shalt  }
0x76: {  	_ =	shalt  }
0x77: {  	_ =	shalt  }
0x78: {  	_ =	shalt  }
0x79: {  	_ =	shalt  }
0x7a: {  	_ =	shalt  }
0x7b: {  	_ =	shalt  }
0x7c: {  	_ =	shalt  }
0x7d: {  	_ =	shalt  }
0x7e: {  	_ =	shalt  }
0x7f: {  	_ =	shalt  }
0x80: {  	_ =	shalt  }
0x81: {  	_ =	shalt  }
0x82: {  	_ =	shalt  }
0x83: {  	_ =	shalt  }
0x84: {  	_ =	shalt  }
0x85: {  	_ =	shalt  }
0x86: {  	_ =	shalt  }
0x87: {  	_ =	shalt  }
.Lfunc_end0:
.L_simem_size_0:
called_computation_lowered:
.L_overlay_start_0:
0x88: {  	s2 =	sld [smem:$0x3FD9]  }
0x89: {  	s3 =	sld [smem:$0x3FFE];
	_ =	sdelay $0x1  }
0x8a: {  	s1 =	srdreg.scid  }
0x8b: {  	s0 =	sand.u32 $0x1, s1  }
0x8c: {  	s15 =	sshll.u32 s0, $0xA;
	s2 =	sadd.s32 s3, s2  }
0x8d: {  	s2 =	sadd.s32 s2, s15  }
0x8e: {  	[smem:$0x3FC3] =	sst s2  }
0x8f: {  	_ = 	snop  }
0x90: {  	s2 =	sld [smem:$0x3FC9]  }
0x91: {  	s16 =	sld [smem:$0x3FC8]  }
0x92: {  	s4 =	sld [smem:$0x3FD0]  }
0x93: {  	s5 =	sld [smem:$0x3FC7]  }
0x94: {  	s6 =	sld [smem:$0x3FC6]  }
0x95: {  	s8 =	simm.s32 $0xA;
	s9 =	simm.s32 $0x10;
	s7 =	sld [smem:$0x3FC5]  }
0x96: {  	[smem:s9], [sflag:s8] =	dma.local [hbm:s4], $0x1  }
0x97: {  	_ =	swait.eq [sflag:s8], $0x1  }
0x98: {  	[sflag:s8] =	ssyncset.done $0x0  }
0x99: {  	s17 =	sld [smem:$0x10];
	[sflag:s8] =	ssyncadd.s32 $0xFFFFFFFF  }
0x9a: {  	s18 =	sld [smem:$0x11];
	(tm) =	ssettm $0x1  }
0x9b: {  	s19 =	sld [smem:$0x3FFB];
	_ =	sdelay $0x3  }
0x9c: {  	_ =	strace s19  }
0x9d: {  	s9 =	sld [smem:$0x3FFC];
	_ =	sdelay $0x3  }
0x9e: {  	_ =	strace s9  }
0x9f: {  	s9 =	sld [smem:$0x3FFD];
	_ =	sdelay $0x3  }
0xa0: {  	_ =	strace s9  }
0xa1: {  	_ =	strace $0x8FFFFFFF  }
0xa2: {  	s20 =	sld [smem:$0x3FDB];
	_ =	sdelay $0x1  }
0xa3: {  	s10 =	simm.s32 $_scs_section_size  }
0xa4: {  	s11 =	simm.s32 $_size__tile_overlayer_lowered;
	s12 =	simm.s32 $_tile_overlayer_lowered  }
0xa5: {  	s23 =	simm.s32 $0x1BFF;
	s22 =	sshll.u32 s12, $0x1;
	s9 =	sadd.s32 s10, s20  }
0xa6: {  	s13 =	simm.s32 $0x0;
	s21 =	sshll.u32 s11, $0x1;
	s11 =	sadd.s32 s22, s9  }
0xa7: {  	[timem:s13], [sflag:s23] =	dma.local [hbm:s11], s21  }
0xa8: {  	_ =	swait.ge [sflag:s23], s21  }
0xa9: {  	s10 =	ssub.s32 $0x0, s21;
	[sflag:s23] =	ssyncset.done $0x0  }
0xaa: {  	[sflag:s23] =	ssyncadd.s32 s10;
	_ =	sdelay $0x1  }
0xab: {  	s24 =	simm.s32 $0x1B8B  }
0xac: {  	_ =	swait.ge [sflag:s24], $0x1  }
0xad: {  	[sflag:s24] =	ssyncset.done $0x0  }
0xae: {  	s25 =	simm.s32 $0x1B8E;
	[sflag:s24] =	ssyncadd.s32 $0xFFFFFFFF  }
0xaf: {  	s26 =	simm.s32 $execute0_lowered;
	[smem:$0x3FD2] =	sst s25  }
0xb0: {  	s10 =	sshll.u32 s26, $0x1;
	_ =	strace $0x80000046;
	[dreg:$0x1] =	wrdreg $0xFFFFFFFF  }
0xb1: {  	s28 =	simm.s32 $_size_execute0_lowered;
	s9 =	sadd.s32 s9, s10;
	[dreg:$0x0] =	wrdreg $0x0  }
0xb2: {  	s10 =	sshll.u32 s28, $0x1;
	[dreg:$0x2] =	wrdreg s9  }
0xb3: {  	[dreg:$0x3] =	wrdreg s10  }
0xb4: {  	[dreg:$0x4] =	wrdreg $0xC0  }
0xb5: {  	_ =	task [dreg:s13], $0x5FFFF  }
0xb6: {  	[dreg:$0x1] =	wrdreg $0xFFFFFFFF  }
0xb7: {  	[dreg:$0x0] =	wrdreg $0x60  }
0xb8: {  	[dreg:$0x2] =	wrdreg s2  }
0xb9: {  	[dreg:$0x3] =	wrdreg s16  }
0xba: {  	[dreg:$0x4] =	wrdreg s5  }
0xbb: {  	[dreg:$0x5] =	wrdreg s6  }
0xbc: {  	[dreg:$0x6] =	wrdreg s7  }
0xbd: {  	[dreg:$0x7] =	wrdreg s17  }
0xbe: {  	[dreg:$0x8] =	wrdreg s18  }
0xbf: {  	[dreg:$0x9] =	wrdreg $0x9  }
0xc0: {  	_ =	task.clear_ibuf [dreg:s13], $0xAFFFF;
	_ =	strace $0x90000046  }
0xc1: {  	s29 =	simm.s32 $0x9;
	_ =	strace $0x80000048  }
0xc2: {  	_ =	swait.ge [sflag:s29], $0x1  }
0xc3: {  	[sflag:s29] =	ssyncadd.s32 $0xFFFFFFFF  }
0xc4: {  	_ =	strace $0x90000048  }
0xc5: {  	_ =	sfence  }
0xc6: {  	s30 =	sld [smem:$0x0];
	_ =	sdelay $0x2  }
0xc7: {  	s31 =	sshll.u32 s1, $0xD;
	s1 =	sshrl.u32 s1, $0x2  }
0xc8: {  	s3 =	sand.u32 $0x4000, s31;
	s1 =	sadd.s32 s1, s30  }
0xc9: {  	s0 =	sor.u32 s3, s0;
	s1 =	sshll.u32 s1, $0x11  }
0xca: {  	s0 =	sor.u32 s1, s0  }
0xcb: {  	s0 =	sadd.s32 $0x8F2B, s0  }
0xcc: {  	[sflag:s0] =	ssyncadd.remote.s32 $0x1  }
0xcd: {  	_ =	sfence.sel $0xFFFF  }
0xce: {  	[dreg:$0x0] =	wrdreg $0xFFFFFFFF;
	(pc) =	sbr.abs _section_cstart, $3  }
0xcf: {  	[dreg:$0x1] =	wrdreg $0xFFFFFFFF  }
0xd0: {  	_ =	task.clear_ibuf [dreg:s13], $0x2FFFF;
	_ =	strace $0x9FFFFFFF  }
0xd1: {  	(tm) =	ssettm $0x7FFFFFFF  }
tec
execute0_lowered:
.L_overlay_start_1:
0x0: {  	(tag) =	ssettag $0x1  }
0x1: {  	s0 =	rddreg [dreg:$0x0]  }
0x2: {  	s3 =	rddreg [dreg:$0x1]  }
0x3: {  	s4 =	rddreg [dreg:$0x2]  }
0x4: {  	s1 =	rddreg [dreg:$0x3]  }
0x5: {  	s2 =	rddreg [dreg:$0x4];
	v0 =	vlaneseq.u32  }
0x6: {  	s5 =	rddreg [dreg:$0x5];
	s11 =	simm.s32 $0x0;
	v1 =	vand.u32 $0x7, v0  }
0x7: {  	[smem:$0x7FF] =	sst s11;
	v0 =	vor.u32 $0x8, v0;
	v2 =	vmul.u32 $0x1000, v1  }
0x8: {  	s6 =	rddreg [dreg:$0x6];
	_ =	strace $0x80000047;
	[tilespmem:$0x1FEB0] =	vst v0  }
0x9: {  	[tilespmem:$0x1FEC0] =	vst v1;
	v6 =	vor.u32 $0x680, v2  }
0xa: {  	v63 =	vor.u32 $0x780, v2;
	[tilespmem:$0x1FED0] =	vst v6  }
0xb: {  	v60 =	vor.u32 $0x800, v2;
	[tilespmem:$0x1FEE0] =	vst v63  }
0xc: {  	v15 =	vor.u32 $0x700, v2;
	[tilespmem:$0x1FEF0] =	vst v60  }
0xd: {  	s7 =	srdreg.scid;
	v16 =	vor.u32 $0x900, v2;
	[tilespmem:$0x1FF00] =	vst v15  }
0xe: {  	s9 =	stileid.u32;
	s18 =	simm.s32 $0x2;
	s12 =	simm.s32 $0x400;
	v17 =	vor.u32 $0x880, v2;
	[tilespmem:$0x1FF10] =	vst v16  }
0xf: {  	s14 =	simm.s32 $0x7A1400;
	s15 =	simm.s32 $0x600;
	s16 =	simm.s32 $0x8600;
	v54 =	vor.u32 $0xA00, v2;
	[tilespmem:$0x1FF20] =	vst v17  }
0x10: {  	s17 =	simm.s32 $0x10600;
	s28 =	simm.s32 $0x12600;
	s29 =	simm.s32 $0x3600;
	v52 =	vor.u32 $0xA80, v2;
	[tilespmem:$0x1FF30] =	vst v54  }
0x11: {  	s30 =	simm.s32 $0xB600;
	s31 =	simm.s32 $0x13600;
	s7 =	sand.u32 $0x1, s7;
	v57 =	vor.u32 $0xB00, v2;
	[tilespmem:$0x1FF40] =	vst v52  }
0x12: {  	s9 =	sshll.u32 s9, $0x7;
	s8 =	ssub.s32 $0x2, s7;
	s7 =	sshll.u32 s7, $0x6;
	v61 =	vor.u32 $0xB80, v2;
	[tilespmem:$0x1FF50] =	vst v57  }
0x13: {  	s13 =	simm.s32 $0x14600;
	s21 =	simm.s32 $0x7600;
	s7 =	sor.u32 s7, s9;
	v19 =	vor.u32 $0x980, v2;
	[tilespmem:$0x1FF60] =	vst v61  }
0x14: {  	s20 =	simm.s32 $0x17600;
	s10 =	sshrl.u32 s8, $0x1;
	s0 =	sadd.s32 s0, s7;
	v30 =	vor.u32 $0x600, v2;
	[tilespmem:$0x1FF70] =	vst v19  }
0x15: {  	s9 =	simm.s32 $0xE600;
	s22 =	sadd.s32 s3, s7;
	v39 =	vor.u32 $0xC80, v2;
	[dreg:$0x8] =	wrdreg s0;
	[tilespmem:$0x1FF80] =	vst v30  }
0x16: {  	s8 =	ssub.s32 s8, s10;
	s23 =	sadd.s32 s4, s7;
	v46 =	vor.u32 $0xD00, v2;
	[dreg:$0x9] =	wrdreg s22;
	[tilespmem:$0x1FF90] =	vst v39  }
0x17: {  	s24 =	sadd.s32 s5, s7;
	s25 =	sadd.s32 s6, s7;
	v18 =	vor.u32 $0x80, v2;
	v32 =	vor.u32 $0x100, v2;
	v41 =	vor.u32 $0xD80, v2;
	[dreg:$0xa] =	wrdreg s23;
	[tilespmem:$0x1FFA0] =	vst v46  }
0x18: {  	v21 =	vor.u32 $0x180, v2;
	v22 =	vor.u32 $0x200, v2;
	v42 =	vor.u32 $0xE00, v2;
	s10 =	simm.s32 $0x1;
	s3 =	simm.s32 $0xC600;
	[dreg:$0xb] =	wrdreg s24;
	[tilespmem:$0x1FFB0] =	vst v41  }
0x19: {  	v23 =	vor.u32 $0x280, v2;
	v24 =	vor.u32 $0x300, v2;
	v37 =	vor.u32 $0xE80, v2;
	s5 =	simm.s32 $0x5600;
	s7 =	simm.s32 $0x15600;
	[dreg:$0xc] =	wrdreg s25;
	[tilespmem:$0x1FFC0] =	vst v42  }
0x1a: {  	v25 =	vor.u32 $0x380, v2;
	v26 =	vor.u32 $0x400, v2;
	v38 =	vor.u32 $0xF00, v2;
	s26 =	smax.u32 s8, $0x1;
	s0 =	simm.s32 $0x0;
	[tilespmem:$0x1FFD0] =	vst v37;
	s22 =	simm.s32 $0x1600  }
0x1b: {  	vm0 =	vmmov $0xff;
	v27 =	vor.u32 $0x480, v2;
	v35 =	vor.u32 $0xF80, v2;
	[tilespmem:$0x1FFE0] =	vst v38;
	s23 =	simm.s32 $0x9600;
	s24 =	simm.s32 $0x11600;
	s25 =	simm.s32 $0x2600  }
0x1c: {  	v28 =	vor.u32 $0x500, v2;
	v29 =	vor.u32 $0x580, v2;
	v31 =	vor.u32 $0xC00, v2;
	v20 =	vmovc v2;
	[tilespmem:$0x1FFF0] =	vst v35;
	s8 =	simm.s32 $0x6600;
	[dreg:$0xd] =	wrdreg s26;
	s26 =	simm.s32 $0xA600  }
.LBB2_1:
0x1d: {  	[dreg:$0xe] =	wrdreg s0  }
0x1e: {  	s4 =	rddreg [dreg:$0x8]  }
0x1f: {  	[tilespmem:s11], [sflag:$0x2] =	stream.linear.gather [hbm4b:s4+s11], $0x200, $0x38;
	[tilespmem:$0x18A00] =	vst v63  }
0x20: {  	_ =	swait.ge [sflag:s18], $0x200  }
0x21: {  	[sflag:s18] =	ssyncset.done $0x0  }
0x22: {  	s19 =	simm.s32 $0x200;
	s6 =	rddreg [dreg:$0x9];
	[sflag:s18] =	ssyncadd.s32 $0xFFFFFE00  }
0x23: {  	[tilespmem:s19], [sflag:$0x2] =	stream.linear.gather [hbm4b:s6+s11], $0x200, $0x38;
	[tilespmem:$0x18A00] =	vst v63  }
0x24: {  	_ =	swait.ge [sflag:s18], $0x200  }
0x25: {  	[sflag:s18] =	ssyncset.done $0x0  }
0x26: {  	s19 =	rddreg [dreg:$0xa];
	[sflag:s18] =	ssyncadd.s32 $0xFFFFFE00  }
0x27: {  	[tilespmem:s12], [sflag:$0x2] =	stream.linear.gather [hbm4b:s19+s11], $0x200, $0x38;
	[tilespmem:$0x18A00] =	vst v63  }
0x28: {  	_ =	swait.ge [sflag:s18], $0x200  }
0x29: {  	[sflag:s18] =	ssyncset.done $0x0  }
0x2a: {  	s4 =	simm.s32 $0x0;
	[sflag:s18] =	ssyncadd.s32 $0xFFFFFE00  }
.LBB2_2:
0x2b: {  	s11 =	sshra.s32 s4, $0x2  }
0x2c: {  	v45 =	vld [tilespmem:s11+$0x400]  }
0x2d: {  	v44 =	vld [tilespmem:s11+$0x0];
	_ =	sdelay $0x1  }
0x2e: {  	v43 =	vld [tilespmem:s11+$0x200];
	_ =	sdelay $0x1  }
0x2f: {  	(v2sf) =	vpush v45, $0x0  }
0x30: {  	(v2sf) =	vpush v44, $0x0;
	_ =	sdelay $0x1  }
0x31: {  	(v2sf) =	vpush v43, $0x0;
	_ =	sdelay $0x6  }
0x32: {  	(v2sf) =	vpush v45, $0x1;
	_ =	sdelay $0x1  }
0x33: {  	(v2sf) =	vpush v44, $0x1;
	_ =	sdelay $0x2  }
0x34: {  	s18 =	spop (v2sf)  }
0x35: {  	(v2sf) =	vpush v43, $0x1;
	s19 =	spop (v2sf)  }
0x36: {  	s19 =	sand.u32 $0xFFFFF80, s19  }
0x37: {  	s6 =	spop (v2sf);
	s19 =	sadd.s32 s1, s19  }
0x38: {  	[tilespmem:s15], [sflag:$0x1] =	stream.strided.gather [hbm4b:s19+s12], $0x1000, s14, s12, $0x38;
	[tilespmem:$0x18A00] =	vst v63  }
0x39: {  	s19 =	sand.u32 $0xFFFFF80, s6  }
0x3a: {  	s18 =	sand.u32 $0xFFFFF80, s18;
	s19 =	sadd.s32 s2, s19  }
0x3b: {  	(v2sf) =	vpush v45, $0x2;
	[tilespmem:s16], [sflag:$0x1] =	stream.strided.gather [hbm4b:s19+s12], $0x1000, s14, s12, $0x38;
	[tilespmem:$0x18A00] =	vst v63  }
0x3c: {  	s18 =	sadd.s32 s2, s18;
	(v2sf) =	vpush v44, $0x2  }
0x3d: {  	[tilespmem:s17], [sflag:$0x1] =	stream.strided.gather [hbm4b:s18+s12], $0x1000, s14, s12, $0x38;
	[tilespmem:$0x18A00] =	vst v63  }
0x3e: {  	s18 =	spop (v2sf);
	(v2sf) =	vpush v43, $0x2;
	_ =	sdelay $0x1  }
0x3f: {  	s0 =	spop (v2sf)  }
0x40: {  	s19 =	sand.u32 $0xFFFFF80, s0  }
0x41: {  	s19 =	sadd.s32 s1, s19  }
0x42: {  	[tilespmem:s22], [sflag:$0x1] =	stream.strided.gather [hbm4b:s19+s12], $0x1000, s14, s12, $0x38;
	[tilespmem:$0x18A00] =	vst v63  }
0x43: {  	s6 =	spop (v2sf)  }
0x44: {  	(v2sf) =	vpush v45, $0x3;
	s19 =	sand.u32 $0xFFFFF80, s6  }
0x45: {  	s18 =	sand.u32 $0xFFFFF80, s18;
	(v2sf) =	vpush v44, $0x3;
	s19 =	sadd.s32 s2, s19  }
0x46: {  	[tilespmem:s23], [sflag:$0x1] =	stream.strided.gather [hbm4b:s19+s12], $0x1000, s14, s12, $0x38;
	[tilespmem:$0x18A00] =	vst v63  }
0x47: {  	s18 =	sadd.s32 s2, s18  }
0x48: {  	[tilespmem:s24], [sflag:$0x1] =	stream.strided.gather [hbm4b:s18+s12], $0x1000, s14, s12, $0x38;
	[tilespmem:$0x18A00] =	vst v63  }
0x49: {  	s18 =	spop (v2sf);
	(v2sf) =	vpush v43, $0x3  }
0x4a: {  	s0 =	spop (v2sf)  }
0x4b: {  	s19 =	sand.u32 $0xFFFFF80, s0  }
0x4c: {  	s19 =	sadd.s32 s1, s19;
	s6 =	spop (v2sf)  }
0x4d: {  	[tilespmem:s25], [sflag:$0x1] =	stream.strided.gather [hbm4b:s19+s12], $0x1000, s14, s12, $0x38;
	[tilespmem:$0x18A00] =	vst v63  }
0x4e: {  	s19 =	sand.u32 $0xFFFFF80, s6  }
0x4f: {  	s18 =	sand.u32 $0xFFFFF80, s18;
	(v2sf) =	vpush v45, $0x4;
	s19 =	sadd.s32 s2, s19  }
0x50: {  	(v2sf) =	vpush v44, $0x4;
	[tilespmem:s26], [sflag:$0x1] =	stream.strided.gather [hbm4b:s19+s12], $0x1000, s14, s12, $0x38;
	[tilespmem:$0x18A00] =	vst v63  }
0x51: {  	s18 =	sadd.s32 s2, s18  }
0x52: {  	[tilespmem:s28], [sflag:$0x1] =	stream.strided.gather [hbm4b:s18+s12], $0x1000, s14, s12, $0x38;
	[tilespmem:$0x18A00] =	vst v63  }
0x53: {  	s18 =	spop (v2sf)  }
0x54: {  	(v2sf) =	vpush v43, $0x4;
	s0 =	spop (v2sf)  }
0x55: {  	s19 =	sand.u32 $0xFFFFF80, s0  }
0x56: {  	s19 =	sadd.s32 s1, s19  }
0x57: {  	[tilespmem:s29], [sflag:$0x1] =	stream.strided.gather [hbm4b:s19+s12], $0x1000, s14, s12, $0x38;
	[tilespmem:$0x18A00] =	vst v63  }
0x58: {  	s6 =	spop (v2sf)  }
0x59: {  	s19 =	sand.u32 $0xFFFFF80, s6  }
0x5a: {  	s18 =	sand.u32 $0xFFFFF80, s18;
	(v2sf) =	vpush v45, $0x5;
	s19 =	sadd.s32 s2, s19  }
0x5b: {  	(v2sf) =	vpush v44, $0x5;
	[tilespmem:s30], [sflag:$0x1] =	stream.strided.gather [hbm4b:s19+s12], $0x1000, s14, s12, $0x38;
	[tilespmem:$0x18A00] =	vst v63  }
0x5c: {  	s18 =	sadd.s32 s2, s18  }
0x5d: {  	[tilespmem:s31], [sflag:$0x1] =	stream.strided.gather [hbm4b:s18+s12], $0x1000, s14, s12, $0x38;
	[tilespmem:$0x18A00] =	vst v63  }
0x5e: {  	s18 =	spop (v2sf)  }
0x5f: {  	(v2sf) =	vpush v43, $0x5;
	s0 =	spop (v2sf)  }
0x60: {  	s19 =	sand.u32 $0xFFFFF80, s0  }
0x61: {  	s0 =	simm.s32 $0x4600;
	s19 =	sadd.s32 s1, s19  }
0x62: {  	[tilespmem:s0], [sflag:$0x1] =	stream.strided.gather [hbm4b:s19+s12], $0x1000, s14, s12, $0x38;
	[tilespmem:$0x18A00] =	vst v63  }
0x63: {  	s6 =	spop (v2sf)  }
0x64: {  	s19 =	sand.u32 $0xFFFFF80, s6  }
0x65: {  	s18 =	sand.u32 $0xFFFFF80, s18;
	(v2sf) =	vpush v45, $0x6;
	s19 =	sadd.s32 s2, s19  }
0x66: {  	(v2sf) =	vpush v44, $0x6;
	[tilespmem:s3], [sflag:$0x1] =	stream.strided.gather [hbm4b:s19+s12], $0x1000, s14, s12, $0x38;
	[tilespmem:$0x18A00] =	vst v63  }
0x67: {  	s18 =	sadd.s32 s2, s18  }
0x68: {  	[tilespmem:s13], [sflag:$0x1] =	stream.strided.gather [hbm4b:s18+s12], $0x1000, s14, s12, $0x38;
	[tilespmem:$0x18A00] =	vst v63  }
0x69: {  	s18 =	spop (v2sf)  }
0x6a: {  	(v2sf) =	vpush v43, $0x6;
	s6 =	spop (v2sf)  }
0x6b: {  	s19 =	sand.u32 $0xFFFFF80, s6  }
0x6c: {  	s19 =	sadd.s32 s1, s19  }
0x6d: {  	[tilespmem:s5], [sflag:$0x1] =	stream.strided.gather [hbm4b:s19+s12], $0x1000, s14, s12, $0x38;
	[tilespmem:$0x18A00] =	vst v63  }
0x6e: {  	s6 =	spop (v2sf)  }
0x6f: {  	s19 =	sand.u32 $0xFFFFF80, s6  }
0x70: {  	s18 =	sand.u32 $0xFFFFF80, s18;
	(v2sf) =	vpush v45, $0x7;
	s6 =	simm.s32 $0xD600;
	s19 =	sadd.s32 s2, s19  }
0x71: {  	(v2sf) =	vpush v44, $0x7;
	[tilespmem:s6], [sflag:$0x1] =	stream.strided.gather [hbm4b:s19+s12], $0x1000, s14, s12, $0x38;
	[tilespmem:$0x18A00] =	vst v63  }
0x72: {  	s18 =	sadd.s32 s2, s18  }
0x73: {  	[tilespmem:s7], [sflag:$0x1] =	stream.strided.gather [hbm4b:s18+s12], $0x1000, s14, s12, $0x38;
	[tilespmem:$0x18A00] =	vst v63  }
0x74: {  	s18 =	spop (v2sf)  }
0x75: {  	s6 =	spop (v2sf);
	(v2sf) =	vpush v43, $0x7  }
0x76: {  	s19 =	sand.u32 $0xFFFFF80, s6  }
0x77: {  	s19 =	sadd.s32 s1, s19  }
0x78: {  	[tilespmem:s8], [sflag:$0x1] =	stream.strided.gather [hbm4b:s19+s12], $0x1000, s14, s12, $0x38;
	[tilespmem:$0x18A00] =	vst v63  }
0x79: {  	s6 =	spop (v2sf)  }
0x7a: {  	s19 =	sand.u32 $0xFFFFF80, s6  }
0x7b: {  	s18 =	sand.u32 $0xFFFFF80, s18;
	s19 =	sadd.s32 s2, s19  }
0x7c: {  	[tilespmem:s9], [sflag:$0x1] =	stream.strided.gather [hbm4b:s19+s12], $0x1000, s14, s12, $0x38;
	[tilespmem:$0x18A00] =	vst v63  }
0x7d: {  	s18 =	sadd.s32 s2, s18;
	s19 =	simm.s32 $0x16600  }
0x7e: {  	[tilespmem:s19], [sflag:$0x1] =	stream.strided.gather [hbm4b:s18+s12], $0x1000, s14, s12, $0x38;
	[tilespmem:$0x18A00] =	vst v63  }
0x7f: {  	s18 =	spop (v2sf)  }
0x80: {  	s6 =	spop (v2sf)  }
0x81: {  	s19 =	sand.u32 $0xFFFFF80, s6  }
0x82: {  	s19 =	sadd.s32 s1, s19  }
0x83: {  	[tilespmem:s21], [sflag:$0x1] =	stream.strided.gather [hbm4b:s19+s12], $0x1000, s14, s12, $0x38;
	[tilespmem:$0x18A00] =	vst v63  }
0x84: {  	s6 =	spop (v2sf)  }
0x85: {  	s19 =	sand.u32 $0xFFFFF80, s6  }
0x86: {  	s18 =	sand.u32 $0xFFFFF80, s18;
	s6 =	simm.s32 $0xF600;
	s19 =	sadd.s32 s2, s19  }
0x87: {  	[tilespmem:s6], [sflag:$0x1] =	stream.strided.gather [hbm4b:s19+s12], $0x1000, s14, s12, $0x38;
	[tilespmem:$0x18A00] =	vst v63  }
0x88: {  	s18 =	sadd.s32 s2, s18  }
0x89: {  	[tilespmem:s20], [sflag:$0x1] =	stream.strided.gather [hbm4b:s18+s12], $0x1000, s14, s12, $0x38;
	[tilespmem:$0x18A00] =	vst v63  }
0x8a: {  	_ =	swait.ge [sflag:s10], $0x1000  }
0x8b: {  	[sflag:s10] =	ssyncset.done $0x0  }
0x8c: {  	[sflag:s10] =	ssyncadd.s32 $0xFFFFF000  }
0x8d: {  	_ =	swait.ge [sflag:s10], $0x1000  }
0x8e: {  	[sflag:s10] =	ssyncset.done $0x0  }
0x8f: {  	[sflag:s10] =	ssyncadd.s32 $0xFFFFF000  }
0x90: {  	_ =	swait.ge [sflag:s10], $0x1000  }
0x91: {  	[sflag:s10] =	ssyncset.done $0x0  }
0x92: {  	[sflag:s10] =	ssyncadd.s32 $0xFFFFF000  }
0x93: {  	_ =	swait.ge [sflag:s10], $0x1000  }
0x94: {  	[sflag:s10] =	ssyncset.done $0x0  }
0x95: {  	[sflag:s10] =	ssyncadd.s32 $0xFFFFF000  }
0x96: {  	_ =	swait.ge [sflag:s10], $0x1000  }
0x97: {  	[sflag:s10] =	ssyncset.done $0x0  }
0x98: {  	[sflag:s10] =	ssyncadd.s32 $0xFFFFF000  }
0x99: {  	_ =	swait.ge [sflag:s10], $0x1000  }
0x9a: {  	[sflag:s10] =	ssyncset.done $0x0  }
0x9b: {  	[sflag:s10] =	ssyncadd.s32 $0xFFFFF000  }
0x9c: {  	_ =	swait.ge [sflag:s10], $0x1000  }
0x9d: {  	[sflag:s10] =	ssyncset.done $0x0  }
0x9e: {  	[sflag:s10] =	ssyncadd.s32 $0xFFFFF000  }
0x9f: {  	_ =	swait.ge [sflag:s10], $0x1000  }
0xa0: {  	[sflag:s10] =	ssyncset.done $0x0  }
0xa1: {  	[sflag:s10] =	ssyncadd.s32 $0xFFFFF000  }
0xa2: {  	_ =	swait.ge [sflag:s10], $0x1000  }
0xa3: {  	[sflag:s10] =	ssyncset.done $0x0  }
0xa4: {  	[sflag:s10] =	ssyncadd.s32 $0xFFFFF000  }
0xa5: {  	_ =	swait.ge [sflag:s10], $0x1000  }
0xa6: {  	[sflag:s10] =	ssyncset.done $0x0  }
0xa7: {  	[sflag:s10] =	ssyncadd.s32 $0xFFFFF000  }
0xa8: {  	_ =	swait.ge [sflag:s10], $0x1000  }
0xa9: {  	[sflag:s10] =	ssyncset.done $0x0  }
0xaa: {  	[sflag:s10] =	ssyncadd.s32 $0xFFFFF000  }
0xab: {  	_ =	swait.ge [sflag:s10], $0x1000  }
0xac: {  	[sflag:s10] =	ssyncset.done $0x0  }
0xad: {  	[sflag:s10] =	ssyncadd.s32 $0xFFFFF000  }
0xae: {  	_ =	swait.ge [sflag:s10], $0x1000  }
0xaf: {  	[sflag:s10] =	ssyncset.done $0x0  }
0xb0: {  	[sflag:s10] =	ssyncadd.s32 $0xFFFFF000  }
0xb1: {  	_ =	swait.ge [sflag:s10], $0x1000  }
0xb2: {  	[sflag:s10] =	ssyncset.done $0x0  }
0xb3: {  	[sflag:s10] =	ssyncadd.s32 $0xFFFFF000  }
0xb4: {  	_ =	swait.ge [sflag:s10], $0x1000  }
0xb5: {  	[sflag:s10] =	ssyncset.done $0x0  }
0xb6: {  	[sflag:s10] =	ssyncadd.s32 $0xFFFFF000  }
0xb7: {  	_ =	swait.ge [sflag:s10], $0x1000  }
0xb8: {  	[sflag:s10] =	ssyncset.done $0x0  }
0xb9: {  	[sflag:s10] =	ssyncadd.s32 $0xFFFFF000  }
0xba: {  	_ =	swait.ge [sflag:s10], $0x1000  }
0xbb: {  	[sflag:s10] =	ssyncset.done $0x0  }
0xbc: {  	[sflag:s10] =	ssyncadd.s32 $0xFFFFF000  }
0xbd: {  	_ =	swait.ge [sflag:s10], $0x1000  }
0xbe: {  	[sflag:s10] =	ssyncset.done $0x0  }
0xbf: {  	[sflag:s10] =	ssyncadd.s32 $0xFFFFF000  }
0xc0: {  	_ =	swait.ge [sflag:s10], $0x1000  }
0xc1: {  	[sflag:s10] =	ssyncset.done $0x0  }
0xc2: {  	[sflag:s10] =	ssyncadd.s32 $0xFFFFF000  }
0xc3: {  	_ =	swait.ge [sflag:s10], $0x1000  }
0xc4: {  	[sflag:s10] =	ssyncset.done $0x0  }
0xc5: {  	[sflag:s10] =	ssyncadd.s32 $0xFFFFF000  }
0xc6: {  	_ =	swait.ge [sflag:s10], $0x1000  }
0xc7: {  	[sflag:s10] =	ssyncset.done $0x0  }
0xc8: {  	[sflag:s10] =	ssyncadd.s32 $0xFFFFF000  }
0xc9: {  	_ =	swait.ge [sflag:s10], $0x1000  }
0xca: {  	v48 =	vand.u32 $0x7F, v44;
	[sflag:s10] =	ssyncset.done $0x0  }
0xcb: {  	v46 =	vand.u32 $0x7F, v43;
	v14 =	vperm.xlane v48, v1;
	[sflag:s10] =	ssyncadd.s32 $0xFFFFF000  }
0xcc: {  	v47 =	vand.u32 $0x7F, v45;
	v36 =	vperm.xlane v46, v1;
	_ =	swait.ge [sflag:s10], $0x1000  }
0xcd: {  	v11 =	vperm.xlane v47, v1;
	v0 =	vadd.s32 v20, v14;
	[sflag:s10] =	ssyncset.done $0x0  }
0xce: {  	v1 =	vadd.s32 v20, v36;
	[sflag:s10] =	ssyncadd.s32 $0xFFFFF000  }
0xcf: {  	v2 =	vadd.s32 v20, v11;
	_ =	swait.ge [sflag:s10], $0x1000  }
0xd0: {  	v3 =	vadd.s32 v18, v14;
	[sflag:s10] =	ssyncset.done $0x0  }
0xd1: {  	[sflag:s10] =	ssyncadd.s32 $0xFFFFF000  }
0xd2: {  	v37 =	vld.idx.msk [tilespmem:v0+s15+$0x0], $0xffff  }
0xd3: {  	v1 =	vld.idx.msk [tilespmem:v1+s16+$0x0], $0xffff  }
0xd4: {  	v4 =	vadd.s32 v18, v36;
	v2 =	vld.idx.msk [tilespmem:v2+s17+$0x0], $0xffff  }
0xd5: {  	v5 =	vld.idx.msk [tilespmem:v3+s15+$0x0], $0xffff;
	v3 =	vadd.s32 v32, v11  }
0xd6: {  	v0 =	vadd.s32 v18, v11;
	_ =	sdelay $0x1  }
0xd7: {  	v7 =	vadd.s32 v32, v36;
	[tilespmem:$0x1FAE0] =	vst v1  }
0xd8: {  	v1 =	vadd.s32 v32, v14;
	[tilespmem:$0x1FAF0] =	vst v2;
	v2 =	vld.idx.msk [tilespmem:v4+s16+$0x0], $0xffff  }
0xd9: {  	v4 =	vadd.s32 v21, v14;
	v3 =	vld.idx.msk [tilespmem:v3+s17+$0x0], $0xffff  }
0xda: {  	v12 =	vld.idx.msk [tilespmem:v0+s17+$0x0], $0xffff;
	v0 =	vadd.s32 v21, v36;
	_ =	sdelay $0x1  }
0xdb: {  	v13 =	vld.idx.msk [tilespmem:v7+s16+$0x0], $0xffff;
	v7 =	vadd.s32 v22, v14  }
0xdc: {  	[tilespmem:$0x1FB00] =	vst v2;
	v2 =	vld.idx.msk [tilespmem:v1+s15+$0x0], $0xffff;
	v1 =	vadd.s32 v21, v11  }
0xdd: {  	[tilespmem:$0x1FB10] =	vst v3;
	v3 =	vadd.s32 v22, v36;
	v34 =	vld.idx.msk [tilespmem:v4+s15+$0x0], $0xffff  }
0xde: {  	v4 =	vadd.s32 v22, v11;
	v0 =	vld.idx.msk [tilespmem:v0+s16+$0x0], $0xffff;
	_ =	sdelay $0x1  }
0xdf: {  	v35 =	vld.idx.msk [tilespmem:v7+s15+$0x0], $0xffff  }
0xe0: {  	v1 =	vld.idx.msk [tilespmem:v1+s17+$0x0], $0xffff  }
0xe1: {  	v7 =	vld.idx.msk [tilespmem:v3+s16+$0x0], $0xffff  }
0xe2: {  	[tilespmem:$0x1FB20] =	vst v0;
	v0 =	vadd.s32 v23, v14;
	v3 =	vld.idx.msk [tilespmem:v4+s17+$0x0], $0xffff;
	_ =	sdelay $0x3  }
0xe3: {  	[tilespmem:$0x1FB30] =	vst v1;
	v1 =	vadd.s32 v23, v36  }
0xe4: {  	[tilespmem:$0x1FB40] =	vst v3;
	v3 =	vld.idx.msk [tilespmem:v0+s15+$0x0], $0xffff;
	v0 =	vadd.s32 v24, v11;
	_ =	sdelay $0x3  }
0xe5: {  	v8 =	vld.idx.msk [tilespmem:v1+s16+$0x0], $0xffff;
	v1 =	vadd.s32 v25, v14  }
0xe6: {  	v0 =	vld.idx.msk [tilespmem:v0+s17+$0x0], $0xffff;
	_ =	sdelay $0x3  }
0xe7: {  	v38 =	vld.idx.msk [tilespmem:v1+s15+$0x0], $0xffff;
	v1 =	vadd.s32 v26, v11  }
0xe8: {  	[tilespmem:$0x1FB60] =	vst v0;
	v0 =	vadd.s32 v26, v36;
	_ =	sdelay $0x3  }
0xe9: {  	v1 =	vld.idx.msk [tilespmem:v1+s17+$0x0], $0xffff  }
0xea: {  	v0 =	vld.idx.msk [tilespmem:v0+s16+$0x0], $0xffff  }
0xeb: {  	v41 =	vadd.s32 v25, v11  }
0xec: {  	v9 =	vadd.s32 v23, v11  }
0xed: {  	v58 =	vadd.s32 v26, v14  }
0xee: {  	[tilespmem:$0x1FB90] =	vst v1;
	v1 =	vadd.s32 v28, v36  }
0xef: {  	[tilespmem:$0x1FB80] =	vst v0;
	v0 =	vadd.s32 v28, v14  }
0xf0: {  	v50 =	vadd.s32 v29, v14;
	v41 =	vld.idx.msk [tilespmem:v41+s17+$0x0], $0xffff  }
0xf1: {  	v10 =	vadd.s32 v24, v14;
	v4 =	vld.idx.msk [tilespmem:v9+s17+$0x0], $0xffff  }
0xf2: {  	v40 =	vadd.s32 v25, v36;
	v53 =	vld.idx.msk [tilespmem:v58+s15+$0x0], $0xffff  }
0xf3: {  	v59 =	vadd.s32 v27, v14;
	v1 =	vld.idx.msk [tilespmem:v1+s16+$0x0], $0xffff  }
0xf4: {  	v58 =	vld.idx.msk [tilespmem:v0+s15+$0x0], $0xffff;
	v0 =	vadd.s32 v29, v11  }
0xf5: {  	v62 =	vadd.s32 v27, v36;
	v55 =	vld.idx.msk [tilespmem:v50+s15+$0x0], $0xffff  }
0xf6: {  	v33 =	vadd.s32 v24, v36;
	[tilespmem:$0x1FB50] =	vst v4;
	v4 =	vld.idx.msk [tilespmem:v10+s15+$0x0], $0xffff  }
0xf7: {  	v49 =	vadd.s32 v27, v11;
	v10 =	vld.idx.msk [tilespmem:v40+s16+$0x0], $0xffff  }
0xf8: {  	v40 =	vld.idx.msk [tilespmem:v59+s15+$0x0], $0xffff;
	[tilespmem:$0x1FBC0] =	vst v1;
	v1 =	vadd.s32 v30, v14  }
0xf9: {  	v59 =	vadd.s32 v30, v36;
	v0 =	vld.idx.msk [tilespmem:v0+s17+$0x0], $0xffff  }
0xfa: {  	[tilespmem:$0x1FB70] =	vst v41;
	v41 =	vld.idx.msk [tilespmem:v62+s16+$0x0], $0xffff  }
0xfb: {  	v9 =	vld.idx.msk [tilespmem:v33+s16+$0x0], $0xffff  }
0xfc: {  	v33 =	vld.idx.msk [tilespmem:v49+s17+$0x0], $0xffff  }
0xfd: {  	v50 =	vadd.s32 v6, v14;
	v49 =	vadd.s32 v30, v11;
	v62 =	vld.idx.msk [tilespmem:v1+s15+$0x0], $0xffff  }
0xfe: {  	[tilespmem:$0x1FBF0] =	vst v0;
	v0 =	vadd.s32 v6, v36;
	v1 =	vadd.s32 v6, v11;
	v6 =	vld.idx.msk [tilespmem:v59+s16+$0x0], $0xffff;
	_ =	sdelay $0x1  }
0xff: {  	v51 =	vadd.s32 v29, v36;
	_ =	sdelay $0x2  }
0x100: {  	[tilespmem:$0x1FC00] =	vst v6;
	v6 =	vld.idx.msk [tilespmem:v49+s17+$0x0], $0xffff;
	_ =	sdelay $0x1  }
0x101: {  	[tilespmem:$0x1FBB0] =	vst v33;
	v33 =	vld.idx.msk [tilespmem:v51+s16+$0x0], $0xffff  }
0x102: {  	v0 =	vld.idx.msk [tilespmem:v0+s16+$0x0], $0xffff  }
0x103: {  	v51 =	vadd.s32 v15, v14;
	v1 =	vld.idx.msk [tilespmem:v1+s17+$0x0], $0xffff  }
0x104: {  	v49 =	vadd.s32 v15, v36;
	[tilespmem:$0x1FC10] =	vst v6;
	v6 =	vld [tilespmem:$0x1FEE0];
	_ =	sdelay $0x2  }
0x105: {  	v59 =	vld.idx.msk [tilespmem:v50+s15+$0x0], $0xffff;
	[tilespmem:$0x1FC20] =	vst v0  }
0x106: {  	v0 =	vadd.s32 v63, v14;
	[tilespmem:$0x1FC30] =	vst v1;
	v1 =	vadd.s32 v63, v36;
	v63 =	vld.idx.msk [tilespmem:v51+s15+$0x0], $0xffff  }
0x107: {  	v50 =	vadd.s32 v15, v11;
	v51 =	vadd.s32 v6, v11;
	v6 =	vld.idx.msk [tilespmem:v49+s16+$0x0], $0xffff;
	_ =	sdelay $0x3  }
0x108: {  	v42 =	vadd.s32 v28, v11  }
0x109: {  	[tilespmem:$0x1FC40] =	vst v6;
	v6 =	vld.idx.msk [tilespmem:v50+s17+$0x0], $0xffff;
	_ =	sdelay $0x3  }
0x10a: {  	v42 =	vld.idx.msk [tilespmem:v42+s17+$0x0], $0xffff;
	[tilespmem:$0x1FBE0] =	vst v33  }
0x10b: {  	v33 =	vadd.s32 v60, v36;
	[tilespmem:$0x1FC50] =	vst v6;
	v6 =	vld.idx.msk [tilespmem:v51+s17+$0x0], $0xffff;
	_ =	sdelay $0x3  }
0x10c: {  	[tilespmem:$0x1FBD0] =	vst v42  }
0x10d: {  	v42 =	vadd.s32 v17, v36;
	[tilespmem:$0x1FC70] =	vst v6;
	v6 =	vld.idx.msk [tilespmem:v33+s16+$0x0], $0xffff;
	_ =	sdelay $0x4  }
0x10e: {  	v49 =	vadd.s32 v17, v11;
	[tilespmem:$0x1FC80] =	vst v6;
	v6 =	vld.idx.msk [tilespmem:v42+s16+$0x0], $0xffff;
	_ =	sdelay $0x2  }
0x10f: {  	v56 =	vadd.s32 v60, v14;
	v60 =	vld.idx.msk [tilespmem:v0+s15+$0x0], $0xffff  }
0x110: {  	v0 =	vld [tilespmem:$0x1FEF0];
	v33 =	vadd.s32 v16, v14  }
0x111: {  	[tilespmem:$0x1FCA0] =	vst v6;
	v6 =	vld.idx.msk [tilespmem:v49+s17+$0x0], $0xffff;
	v49 =	vadd.s32 v19, v36;
	_ =	sdelay $0x2  }
0x112: {  	v1 =	vld.idx.msk [tilespmem:v1+s16+$0x0], $0xffff  }
0x113: {  	v0 =	vadd.s32 v0, v11;
	v42 =	vld.idx.msk [tilespmem:v33+s15+$0x0], $0xffff  }
0x114: {  	v33 =	vadd.s32 v19, v11;
	[tilespmem:$0x1FCB0] =	vst v6;
	v6 =	vld.idx.msk [tilespmem:v49+s16+$0x0], $0xffff;
	_ =	sdelay $0x2  }
0x115: {  	[tilespmem:$0x1FC60] =	vst v1;
	v1 =	vadd.s32 v17, v14  }
0x116: {  	v0 =	vld.idx.msk [tilespmem:v0+s17+$0x0], $0xffff  }
0x117: {  	[tilespmem:$0x1FCE0] =	vst v6;
	v6 =	vld.idx.msk [tilespmem:v33+s17+$0x0], $0xffff;
	_ =	sdelay $0x2  }
0x118: {  	[tilespmem:$0x1FBA0] =	vst v41;
	v41 =	vld.idx.msk [tilespmem:v1+s15+$0x0], $0xffff;
	v1 =	vadd.s32 v16, v11  }
0x119: {  	[tilespmem:$0x1FC90] =	vst v0;
	v0 =	vadd.s32 v16, v36  }
0x11a: {  	[tilespmem:$0x1FCF0] =	vst v6;
	v6 =	vld [tilespmem:$0x1FF40];
	_ =	sdelay $0x2  }
0x11b: {  	v1 =	vld.idx.msk [tilespmem:v1+s17+$0x0], $0xffff  }
0x11c: {  	v50 =	vadd.s32 v19, v14;
	v0 =	vld.idx.msk [tilespmem:v0+s16+$0x0], $0xffff  }
0x11d: {  	v51 =	vadd.s32 v54, v36;
	v49 =	vadd.s32 v52, v14;
	v52 =	vadd.s32 v6, v36;
	v6 =	vld [tilespmem:$0x1FF40];
	_ =	sdelay $0x3  }
0x11e: {  	[tilespmem:$0x1FCD0] =	vst v1;
	v1 =	vld.idx.msk [tilespmem:v50+s15+$0x0], $0xffff;
	v50 =	vadd.s32 v54, v11  }
0x11f: {  	[tilespmem:$0x1FCC0] =	vst v0;
	v0 =	vadd.s32 v54, v14;
	v54 =	vadd.s32 v6, v11;
	v6 =	vld.idx.msk [tilespmem:v51+s16+$0x0], $0xffff;
	_ =	sdelay $0x4  }
0x120: {  	[tilespmem:$0x1FD00] =	vst v6;
	v6 =	vld.idx.msk [tilespmem:v50+s17+$0x0], $0xffff;
	_ =	sdelay $0x4  }
0x121: {  	[tilespmem:$0x1FD10] =	vst v6;
	v6 =	vld.idx.msk [tilespmem:v52+s16+$0x0], $0xffff;
	_ =	sdelay $0x4  }
0x122: {  	[tilespmem:$0x1FD20] =	vst v6;
	v6 =	vld.idx.msk [tilespmem:v54+s17+$0x0], $0xffff;
	_ =	sdelay $0x3  }
0x123: {  	v51 =	vadd.s32 v57, v14  }
0x124: {  	v50 =	vadd.s32 v57, v36;
	[tilespmem:$0x1FD30] =	vst v6;
	v6 =	vld [tilespmem:$0x1FF60];
	_ =	sdelay $0x2  }
0x125: {  	v33 =	vld.idx.msk [tilespmem:v49+s15+$0x0], $0xffff  }
0x126: {  	v49 =	vadd.s32 v57, v11;
	v57 =	vadd.s32 v61, v14;
	v54 =	vadd.s32 v61, v36;
	v61 =	vld.idx.msk [tilespmem:v51+s15+$0x0], $0xffff  }
0x127: {  	v51 =	vadd.s32 v6, v11;
	v6 =	vld.idx.msk [tilespmem:v50+s16+$0x0], $0xffff;
	_ =	sdelay $0x4  }
0x128: {  	[tilespmem:$0x1FD40] =	vst v6;
	v6 =	vld.idx.msk [tilespmem:v49+s17+$0x0], $0xffff  }
0x129: {  	v49 =	vadd.s32 v31, v36;
	v15 =	vld.idx.msk [tilespmem:v51+s17+$0x0], $0xffff;
	_ =	sdelay $0x4  }
0x12a: {  	[tilespmem:$0x1FD70] =	vst v15;
	v15 =	vld.idx.msk [tilespmem:v49+s16+$0x0], $0xffff;
	_ =	sdelay $0x4  }
0x12b: {  	v52 =	vadd.s32 v31, v11;
	[tilespmem:$0x1FD80] =	vst v15;
	v15 =	vld [tilespmem:$0x1FFA0];
	_ =	sdelay $0x2  }
0x12c: {  	[tilespmem:$0x1FD50] =	vst v6;
	v6 =	vld.idx.msk [tilespmem:v54+s16+$0x0], $0xffff;
	_ =	sdelay $0x1  }
0x12d: {  	v49 =	vadd.s32 v15, v14;
	v15 =	vld.idx.msk [tilespmem:v52+s17+$0x0], $0xffff;
	_ =	sdelay $0x2  }
0x12e: {  	[tilespmem:$0x1FD60] =	vst v6;
	v6 =	vadd.s32 v39, v14;
	_ =	sdelay $0x1  }
0x12f: {  	v50 =	vadd.s32 v31, v14;
	[tilespmem:$0x1FD90] =	vst v15;
	v15 =	vld [tilespmem:$0x1FFA0];
	_ =	sdelay $0x1  }
0x130: {  	v17 =	vld [tilespmem:$0x1FFB0]  }
0x131: {  	v51 =	vadd.s32 v39, v36;
	v52 =	vld.idx.msk [tilespmem:v6+s15+$0x0], $0xffff  }
0x132: {  	v6 =	vld [tilespmem:$0x1FFA0]  }
0x133: {  	v54 =	vld.idx.msk [tilespmem:v50+s15+$0x0], $0xffff;
	v50 =	vadd.s32 v39, v11;
	v39 =	vadd.s32 v15, v36;
	_ =	sdelay $0x2  }
0x134: {  	v15 =	vld.idx.msk [tilespmem:v51+s16+$0x0], $0xffff  }
0x135: {  	v6 =	vadd.s32 v6, v11;
	v51 =	vld.idx.msk [tilespmem:v49+s15+$0x0], $0xffff  }
0x136: {  	v49 =	vadd.s32 v17, v11;
	v17 =	vld.idx.msk [tilespmem:v39+s16+$0x0], $0xffff  }
0x137: {  	v16 =	vld.idx.msk [tilespmem:v50+s17+$0x0], $0xffff;
	_ =	sdelay $0x2  }
0x138: {  	v6 =	vld.idx.msk [tilespmem:v6+s17+$0x0], $0xffff  }
0x139: {  	[tilespmem:$0x1FDC0] =	vst v17;
	v17 =	vld [tilespmem:$0x1FFC0]  }
0x13a: {  	[tilespmem:$0x1FDB0] =	vst v16;
	v16 =	vld [tilespmem:$0x1FFB0]  }
0x13b: {  	[tilespmem:$0x1FDA0] =	vst v15;
	v15 =	vld [tilespmem:$0x1FFB0];
	_ =	sdelay $0x1  }
0x13c: {  	[tilespmem:$0x1FDD0] =	vst v6;
	v6 =	vld [tilespmem:$0x1FFC0]  }
0x13d: {  	v39 =	vadd.s32 v17, v14;
	v17 =	vld.idx.msk [tilespmem:v49+s17+$0x0], $0xffff  }
0x13e: {  	v16 =	vadd.s32 v16, v36  }
0x13f: {  	v15 =	vadd.s32 v15, v14;
	_ =	sdelay $0x1  }
0x140: {  	v6 =	vadd.s32 v6, v36  }
0x141: {  	[tilespmem:$0x1FDF0] =	vst v17;
	v17 =	vld [tilespmem:$0x1FFD0]  }
0x142: {  	v16 =	vld.idx.msk [tilespmem:v16+s16+$0x0], $0xffff  }
0x143: {  	v50 =	vld.idx.msk [tilespmem:v15+s15+$0x0], $0xffff  }
0x144: {  	v15 =	vld [tilespmem:$0x1FFC0]  }
0x145: {  	v6 =	vld.idx.msk [tilespmem:v6+s16+$0x0], $0xffff  }
0x146: {  	v17 =	vadd.s32 v17, v36  }
0x147: {  	[tilespmem:$0x1FDE0] =	vst v16;
	v16 =	vld [tilespmem:$0x1FFD0];
	_ =	sdelay $0x1  }
0x148: {  	v19 =	vld [tilespmem:$0x1FFD0];
	v15 =	vadd.s32 v15, v11  }
0x149: {  	[tilespmem:$0x1FE00] =	vst v6;
	v6 =	vld [tilespmem:$0x1FFE0]  }
0x14a: {  	v17 =	vld.idx.msk [tilespmem:v17+s16+$0x0], $0xffff  }
0x14b: {  	v16 =	vadd.s32 v16, v14;
	_ =	sdelay $0x1  }
0x14c: {  	v15 =	vld.idx.msk [tilespmem:v15+s17+$0x0], $0xffff  }
0x14d: {  	v49 =	vld.idx.msk [tilespmem:v39+s15+$0x0], $0xffff;
	v6 =	vadd.s32 v6, v14  }
0x14e: {  	v39 =	vadd.s32 v19, v11;
	[tilespmem:$0x1FE30] =	vst v17;
	v17 =	vld [tilespmem:$0x1FFF0]  }
0x14f: {  	v16 =	vld.idx.msk [tilespmem:v16+s15+$0x0], $0xffff  }
0x150: {  	(v2sf) =	vpush v45, $0x8  }
0x151: {  	(v2sf) =	vpush v44, $0x8;
	[tilespmem:$0x1FE10] =	vst v15;
	v15 =	vld [tilespmem:$0x1FFE0]  }
0x152: {  	v6 =	vld.idx.msk [tilespmem:v6+s15+$0x0], $0xffff  }
0x153: {  	v14 =	vadd.s32 v17, v14;
	v17 =	vld.idx.msk [tilespmem:v39+s17+$0x0], $0xffff  }
0x154: {  	[tilespmem:$0x1FE20] =	vst v16;
	v16 =	vld [tilespmem:$0x1FFE0]  }
0x155: {  	(v2sf) =	vpush v43, $0x8;
	_ =	sdelay $0x1  }
0x156: {  	[tilespmem:$0x1FE50] =	vst v6;
	v6 =	vld [tilespmem:$0x1FFF0]  }
0x157: {  	v15 =	vadd.s32 v15, v36;
	[tilespmem:$0x1FE40] =	vst v17;
	v17 =	vld [tilespmem:$0x1FFF0]  }
0x158: {  	v16 =	vadd.s32 v16, v11;
	_ =	sdelay $0x1  }
0x159: {  	(v2sf) =	vpush v45, $0x9  }
0x15a: {  	v56 =	vld.idx.msk [tilespmem:v56+s15+$0x0], $0xffff;
	(v2sf) =	vpush v44, $0x9;
	v6 =	vadd.s32 v6, v11  }
0x15b: {  	v17 =	vadd.s32 v17, v36;
	v36 =	vld.idx.msk [tilespmem:v15+s16+$0x0], $0xffff  }
0x15c: {  	v39 =	vld.idx.msk [tilespmem:v16+s17+$0x0], $0xffff  }
0x15d: {  	s18 =	spop (v2sf);
	v0 =	vld.idx.msk [tilespmem:v0+s15+$0x0], $0xffff  }
0x15e: {  	(v2sf) =	vpush v43, $0x9;
	s19 =	spop (v2sf);
	v57 =	vld.idx.msk [tilespmem:v57+s15+$0x0], $0xffff  }
0x15f: {  	s19 =	sand.u32 $0xFFFFF80, s19;
	v6 =	vld.idx.msk [tilespmem:v6+s17+$0x0], $0xffff  }
0x160: {  	s19 =	sadd.s32 s1, s19;
	[tilespmem:$0x1FE60] =	vst v36;
	v36 =	vld.idx.msk [tilespmem:v14+s15+$0x0], $0xffff  }
0x161: {  	[tilespmem:$0x1FE70] =	vst v39;
	v39 =	vld.idx.msk [tilespmem:v17+s16+$0x0], $0xffff;
	[tilespmem:s15], [sflag:$0x1] =	stream.strided.gather [hbm4b:s19+s12], $0x1000, s14, s12, $0x38  }
0x162: {  	s19 =	spop (v2sf)  }
0x163: {  	s19 =	sand.u32 $0xFFFFF80, s19  }
0x164: {  	s18 =	sand.u32 $0xFFFFF80, s18;
	(v2sf) =	vpush v45, $0xA;
	s19 =	sadd.s32 s2, s19  }
0x165: {  	(v2sf) =	vpush v44, $0xA;
	[tilespmem:s16], [sflag:$0x1] =	stream.strided.gather [hbm4b:s19+s12], $0x1000, s14, s12, $0x38;
	[tilespmem:$0x18A00] =	vst v63  }
0x166: {  	s18 =	sadd.s32 s2, s18  }
0x167: {  	[tilespmem:s17], [sflag:$0x1] =	stream.strided.gather [hbm4b:s18+s12], $0x1000, s14, s12, $0x38;
	[tilespmem:$0x18A00] =	vst v63  }
0x168: {  	s18 =	spop (v2sf)  }
0x169: {  	(v2sf) =	vpush v43, $0xA;
	s19 =	spop (v2sf)  }
0x16a: {  	s19 =	sand.u32 $0xFFFFF80, s19  }
0x16b: {  	s19 =	sadd.s32 s1, s19  }
0x16c: {  	[tilespmem:s22], [sflag:$0x1] =	stream.strided.gather [hbm4b:s19+s12], $0x1000, s14, s12, $0x38;
	[tilespmem:$0x18A00] =	vst v63  }
0x16d: {  	s19 =	spop (v2sf)  }
0x16e: {  	s19 =	sand.u32 $0xFFFFF80, s19  }
0x16f: {  	s18 =	sand.u32 $0xFFFFF80, s18;
	(v2sf) =	vpush v45, $0xB;
	s19 =	sadd.s32 s2, s19  }
0x170: {  	(v2sf) =	vpush v44, $0xB;
	[tilespmem:s23], [sflag:$0x1] =	stream.strided.gather [hbm4b:s19+s12], $0x1000, s14, s12, $0x38;
	[tilespmem:$0x18A00] =	vst v63  }
0x171: {  	s18 =	sadd.s32 s2, s18  }
0x172: {  	[tilespmem:s24], [sflag:$0x1] =	stream.strided.gather [hbm4b:s18+s12], $0x1000, s14, s12, $0x38;
	[tilespmem:$0x18A00] =	vst v63  }
0x173: {  	s18 =	spop (v2sf)  }
0x174: {  	(v2sf) =	vpush v43, $0xB;
	s19 =	spop (v2sf)  }
0x175: {  	s19 =	sand.u32 $0xFFFFF80, s19  }
0x176: {  	s19 =	sadd.s32 s1, s19  }
0x177: {  	[tilespmem:s25], [sflag:$0x1] =	stream.strided.gather [hbm4b:s19+s12], $0x1000, s14, s12, $0x38;
	[tilespmem:$0x18A00] =	vst v63  }
0x178: {  	s19 =	spop (v2sf)  }
0x179: {  	s19 =	sand.u32 $0xFFFFF80, s19  }
0x17a: {  	s18 =	sand.u32 $0xFFFFF80, s18;
	(v2sf) =	vpush v45, $0xC;
	s19 =	sadd.s32 s2, s19  }
0x17b: {  	(v2sf) =	vpush v44, $0xC;
	[tilespmem:s26], [sflag:$0x1] =	stream.strided.gather [hbm4b:s19+s12], $0x1000, s14, s12, $0x38;
	[tilespmem:$0x18A00] =	vst v63  }
0x17c: {  	s18 =	sadd.s32 s2, s18  }
0x17d: {  	[tilespmem:s28], [sflag:$0x1] =	stream.strided.gather [hbm4b:s18+s12], $0x1000, s14, s12, $0x38;
	[tilespmem:$0x18A00] =	vst v63  }
0x17e: {  	s18 =	spop (v2sf)  }
0x17f: {  	(v2sf) =	vpush v43, $0xC;
	s19 =	spop (v2sf)  }
0x180: {  	s19 =	sand.u32 $0xFFFFF80, s19  }
0x181: {  	s19 =	sadd.s32 s1, s19  }
0x182: {  	[tilespmem:s29], [sflag:$0x1] =	stream.strided.gather [hbm4b:s19+s12], $0x1000, s14, s12, $0x38;
	[tilespmem:$0x18A00] =	vst v63  }
0x183: {  	s19 =	spop (v2sf)  }
0x184: {  	s19 =	sand.u32 $0xFFFFF80, s19  }
0x185: {  	s18 =	sand.u32 $0xFFFFF80, s18;
	(v2sf) =	vpush v45, $0xD;
	s19 =	sadd.s32 s2, s19  }
0x186: {  	(v2sf) =	vpush v44, $0xD;
	[tilespmem:s30], [sflag:$0x1] =	stream.strided.gather [hbm4b:s19+s12], $0x1000, s14, s12, $0x38;
	[tilespmem:$0x18A00] =	vst v63  }
0x187: {  	s18 =	sadd.s32 s2, s18  }
0x188: {  	[tilespmem:s31], [sflag:$0x1] =	stream.strided.gather [hbm4b:s18+s12], $0x1000, s14, s12, $0x38;
	[tilespmem:$0x18A00] =	vst v63  }
0x189: {  	s18 =	spop (v2sf)  }
0x18a: {  	(v2sf) =	vpush v43, $0xD;
	s19 =	spop (v2sf)  }
0x18b: {  	s19 =	sand.u32 $0xFFFFF80, s19  }
0x18c: {  	s19 =	sadd.s32 s1, s19  }
0x18d: {  	[tilespmem:s0], [sflag:$0x1] =	stream.strided.gather [hbm4b:s19+s12], $0x1000, s14, s12, $0x38;
	[tilespmem:$0x18A00] =	vst v63  }
0x18e: {  	s0 =	spop (v2sf)  }
0x18f: {  	s19 =	sand.u32 $0xFFFFF80, s0  }
0x190: {  	s18 =	sand.u32 $0xFFFFF80, s18;
	(v2sf) =	vpush v45, $0xE;
	s19 =	sadd.s32 s2, s19  }
0x191: {  	(v2sf) =	vpush v44, $0xE;
	[tilespmem:s3], [sflag:$0x1] =	stream.strided.gather [hbm4b:s19+s12], $0x1000, s14, s12, $0x38;
	[tilespmem:$0x18A00] =	vst v63  }
0x192: {  	s18 =	sadd.s32 s2, s18  }
0x193: {  	[tilespmem:s13], [sflag:$0x1] =	stream.strided.gather [hbm4b:s18+s12], $0x1000, s14, s12, $0x38;
	[tilespmem:$0x18A00] =	vst v63  }
0x194: {  	s18 =	spop (v2sf)  }
0x195: {  	(v2sf) =	vpush v43, $0xE;
	s0 =	spop (v2sf)  }
0x196: {  	s19 =	sand.u32 $0xFFFFF80, s0  }
0x197: {  	s19 =	sadd.s32 s1, s19  }
0x198: {  	[tilespmem:s5], [sflag:$0x1] =	stream.strided.gather [hbm4b:s19+s12], $0x1000, s14, s12, $0x38;
	[tilespmem:$0x18A00] =	vst v63  }
0x199: {  	s0 =	spop (v2sf);
	(v2sf) =	vpush v45, $0xF  }
0x19a: {  	s19 =	sand.u32 $0xFFFFF80, s0  }
0x19b: {  	s18 =	sand.u32 $0xFFFFF80, s18;
	s0 =	simm.s32 $0xD600;
	(v2sf) =	vpush v44, $0xF;
	s19 =	sadd.s32 s2, s19  }
0x19c: {  	[tilespmem:s0], [sflag:$0x1] =	stream.strided.gather [hbm4b:s19+s12], $0x1000, s14, s12, $0x38;
	[tilespmem:$0x18A00] =	vst v63  }
0x19d: {  	s18 =	sadd.s32 s2, s18  }
0x19e: {  	[tilespmem:s7], [sflag:$0x1] =	stream.strided.gather [hbm4b:s18+s12], $0x1000, s14, s12, $0x38;
	[tilespmem:$0x18A00] =	vst v63  }
0x19f: {  	s18 =	spop (v2sf);
	(v2sf) =	vpush v43, $0xF  }
0x1a0: {  	s0 =	spop (v2sf)  }
0x1a1: {  	s19 =	sand.u32 $0xFFFFF80, s0  }
0x1a2: {  	s19 =	sadd.s32 s1, s19  }
0x1a3: {  	[tilespmem:s8], [sflag:$0x1] =	stream.strided.gather [hbm4b:s19+s12], $0x1000, s14, s12, $0x38;
	[tilespmem:$0x18A00] =	vst v63  }
0x1a4: {  	s0 =	spop (v2sf)  }
0x1a5: {  	s19 =	sand.u32 $0xFFFFF80, s0  }
0x1a6: {  	s18 =	sand.u32 $0xFFFFF80, s18;
	s19 =	sadd.s32 s2, s19  }
0x1a7: {  	[tilespmem:s9], [sflag:$0x1] =	stream.strided.gather [hbm4b:s19+s12], $0x1000, s14, s12, $0x38;
	[tilespmem:$0x18A00] =	vst v63  }
0x1a8: {  	s18 =	sadd.s32 s2, s18;
	s0 =	simm.s32 $0x16600;
	s19 =	spop (v2sf)  }
0x1a9: {  	[tilespmem:s0], [sflag:$0x1] =	stream.strided.gather [hbm4b:s18+s12], $0x1000, s14, s12, $0x38;
	[tilespmem:$0x18A00] =	vst v63  }
0x1aa: {  	s0 =	spop (v2sf)  }
0x1ab: {  	s18 =	sand.u32 $0xFFFFF80, s0  }
0x1ac: {  	s18 =	sadd.s32 s1, s18  }
0x1ad: {  	[tilespmem:s21], [sflag:$0x1] =	stream.strided.gather [hbm4b:s18+s12], $0x1000, s14, s12, $0x38;
	[tilespmem:$0x18A00] =	vst v63  }
0x1ae: {  	s0 =	spop (v2sf)  }
0x1af: {  	[tilespmem:$0x1FEA0] =	vst v6;
	s18 =	sand.u32 $0xFFFFF80, s0  }
0x1b0: {  	[tilespmem:$0x1FE80] =	vst v36;
	s19 =	sand.u32 $0xFFFFF80, s19;
	s18 =	sadd.s32 s2, s18  }
0x1b1: {  	[tilespmem:s6], [sflag:$0x1] =	stream.strided.gather [hbm4b:s18+s12], $0x1000, s14, s12, $0x38;
	[tilespmem:$0x18A00] =	vst v63  }
0x1b2: {  	[tilespmem:$0x1FE90] =	vst v39;
	s18 =	sadd.s32 s2, s19  }
0x1b3: {  	[tilespmem:s20], [sflag:$0x1] =	stream.strided.gather [hbm4b:s18+s12], $0x1000, s14, s12, $0x38;
	[tilespmem:$0x18A00] =	vst v63  }
0x1b4: {  	_ =	swait.ge [sflag:s10], $0x1000  }
0x1b5: {  	[sflag:s10] =	ssyncset.done $0x0  }
0x1b6: {  	[sflag:s10] =	ssyncadd.s32 $0xFFFFF000  }
0x1b7: {  	_ =	swait.ge [sflag:s10], $0x1000  }
0x1b8: {  	[sflag:s10] =	ssyncset.done $0x0  }
0x1b9: {  	[sflag:s10] =	ssyncadd.s32 $0xFFFFF000  }
0x1ba: {  	_ =	swait.ge [sflag:s10], $0x1000  }
0x1bb: {  	[sflag:s10] =	ssyncset.done $0x0  }
0x1bc: {  	[sflag:s10] =	ssyncadd.s32 $0xFFFFF000  }
0x1bd: {  	_ =	swait.ge [sflag:s10], $0x1000  }
0x1be: {  	[sflag:s10] =	ssyncset.done $0x0  }
0x1bf: {  	[sflag:s10] =	ssyncadd.s32 $0xFFFFF000  }
0x1c0: {  	_ =	swait.ge [sflag:s10], $0x1000  }
0x1c1: {  	[sflag:s10] =	ssyncset.done $0x0  }
0x1c2: {  	[sflag:s10] =	ssyncadd.s32 $0xFFFFF000  }
0x1c3: {  	_ =	swait.ge [sflag:s10], $0x1000  }
0x1c4: {  	[sflag:s10] =	ssyncset.done $0x0  }
0x1c5: {  	[sflag:s10] =	ssyncadd.s32 $0xFFFFF000  }
0x1c6: {  	_ =	swait.ge [sflag:s10], $0x1000  }
0x1c7: {  	[sflag:s10] =	ssyncset.done $0x0  }
0x1c8: {  	[sflag:s10] =	ssyncadd.s32 $0xFFFFF000  }
0x1c9: {  	_ =	swait.ge [sflag:s10], $0x1000  }
0x1ca: {  	[sflag:s10] =	ssyncset.done $0x0  }
0x1cb: {  	[sflag:s10] =	ssyncadd.s32 $0xFFFFF000  }
0x1cc: {  	_ =	swait.ge [sflag:s10], $0x1000  }
0x1cd: {  	[sflag:s10] =	ssyncset.done $0x0  }
0x1ce: {  	[sflag:s10] =	ssyncadd.s32 $0xFFFFF000  }
0x1cf: {  	_ =	swait.ge [sflag:s10], $0x1000  }
0x1d0: {  	[sflag:s10] =	ssyncset.done $0x0  }
0x1d1: {  	[sflag:s10] =	ssyncadd.s32 $0xFFFFF000  }
0x1d2: {  	_ =	swait.ge [sflag:s10], $0x1000  }
0x1d3: {  	[sflag:s10] =	ssyncset.done $0x0  }
0x1d4: {  	[sflag:s10] =	ssyncadd.s32 $0xFFFFF000  }
0x1d5: {  	_ =	swait.ge [sflag:s10], $0x1000  }
0x1d6: {  	[sflag:s10] =	ssyncset.done $0x0  }
0x1d7: {  	[sflag:s10] =	ssyncadd.s32 $0xFFFFF000  }
0x1d8: {  	_ =	swait.ge [sflag:s10], $0x1000  }
0x1d9: {  	[sflag:s10] =	ssyncset.done $0x0  }
0x1da: {  	[sflag:s10] =	ssyncadd.s32 $0xFFFFF000  }
0x1db: {  	_ =	swait.ge [sflag:s10], $0x1000  }
0x1dc: {  	[sflag:s10] =	ssyncset.done $0x0  }
0x1dd: {  	[sflag:s10] =	ssyncadd.s32 $0xFFFFF000  }
0x1de: {  	_ =	swait.ge [sflag:s10], $0x1000  }
0x1df: {  	[sflag:s10] =	ssyncset.done $0x0  }
0x1e0: {  	[sflag:s10] =	ssyncadd.s32 $0xFFFFF000  }
0x1e1: {  	_ =	swait.ge [sflag:s10], $0x1000  }
0x1e2: {  	[sflag:s10] =	ssyncset.done $0x0  }
0x1e3: {  	[sflag:s10] =	ssyncadd.s32 $0xFFFFF000  }
0x1e4: {  	_ =	swait.ge [sflag:s10], $0x1000  }
0x1e5: {  	[sflag:s10] =	ssyncset.done $0x0  }
0x1e6: {  	v6 =	vld [tilespmem:$0x1FAE0];
	[sflag:s10] =	ssyncadd.s32 $0xFFFFF000  }
0x1e7: {  	v43 =	vld [tilespmem:$0x1FAF0];
	_ =	swait.ge [sflag:s10], $0x1000  }
0x1e8: {  	[sflag:s10] =	ssyncset.done $0x0  }
0x1e9: {  	v14 =	vld [tilespmem:$0x1FB00];
	[sflag:s10] =	ssyncadd.s32 $0xFFFFF000  }
0x1ea: {  	_ =	swait.ge [sflag:s10], $0x1000  }
0x1eb: {  	v44 =	vld [tilespmem:$0x1FB10]  }
0x1ec: {  	v11 =	vmul.f32 v43, v37;
	_ =	sdelay $0x1  }
0x1ed: {  	v11 =	vadd.f32 $0.0e+00, v11;
	v14 =	vmul.f32 v14, v5;
	v5 =	vmul.f32 v12, v5;
	_ =	sdelay $0x1  }
0x1ee: {  	v12 =	vmul.f32 v13, v2;
	v5 =	vadd.f32 v5, v11;
	v2 =	vmul.f32 v44, v2;
	_ =	sdelay $0x1  }
0x1ef: {  	v2 =	vadd.f32 v2, v5;
	v5 =	vld [tilespmem:$0x1FB30];
	_ =	sdelay $0x3  }
0x1f0: {  	[sflag:s10] =	ssyncset.done $0x0  }
0x1f1: {  	[sflag:s10] =	ssyncadd.s32 $0xFFFFF000;
	v5 =	vmul.f32 v5, v34  }
0x1f2: {  	v45 =	vld [tilespmem:$0x1FB20];
	_ =	swait.ge [sflag:s10], $0x1000  }
0x1f3: {  	v2 =	vadd.f32 v5, v2;
	v5 =	vld [tilespmem:$0x1FB40];
	_ =	sdelay $0x1  }
0x1f4: {  	v6 =	vmul.f32 v6, v37;
	_ =	sdelay $0x1  }
0x1f5: {  	v6 =	vadd.f32 $0.0e+00, v6;
	[sflag:s10] =	ssyncset.done $0x0  }
0x1f6: {  	[sflag:s10] =	ssyncadd.s32 $0xFFFFF000;
	v5 =	vmul.f32 v5, v35  }
0x1f7: {  	v6 =	vadd.f32 v14, v6;
	_ =	swait.ge [sflag:s10], $0x1000  }
0x1f8: {  	v2 =	vadd.f32 v5, v2;
	v5 =	vld [tilespmem:$0x1FB50]  }
0x1f9: {  	v11 =	vmul.f32 v45, v34;
	v6 =	vadd.f32 v12, v6;
	_ =	sdelay $0x1  }
0x1fa: {  	v7 =	vmul.f32 v7, v35;
	v6 =	vadd.f32 v11, v6;
	_ =	sdelay $0x1  }
0x1fb: {  	v6 =	vadd.f32 v7, v6;
	v7 =	vmul.f32 v8, v3;
	v3 =	vmul.f32 v5, v3;
	_ =	sdelay $0x1  }
0x1fc: {  	v2 =	vadd.f32 v3, v2;
	v3 =	vld [tilespmem:$0x1FB60];
	_ =	sdelay $0x2  }
0x1fd: {  	[sflag:s10] =	ssyncset.done $0x0;
	v5 =	vadd.f32 v7, v6;
	v6 =	vmul.f32 v9, v4  }
0x1fe: {  	[sflag:s10] =	ssyncadd.s32 $0xFFFFF000  }
0x1ff: {  	_ =	swait.ge [sflag:s10], $0x1000;
	v3 =	vmul.f32 v3, v4;
	v4 =	vadd.f32 v6, v5;
	v5 =	vmul.f32 v10, v38  }
0x200: {  	[sflag:s10] =	ssyncset.done $0x0  }
0x201: {  	[sflag:s10] =	ssyncadd.s32 $0xFFFFF000;
	v2 =	vadd.f32 v3, v2;
	v3 =	vadd.f32 v5, v4;
	v4 =	vld [tilespmem:$0x1FB70]  }
0x202: {  	v6 =	vld [tilespmem:$0x1FEB0];
	_ =	swait.ge [sflag:s10], $0x1000  }
0x203: {  	v5 =	vld [tilespmem:$0x1FB80];
	_ =	sdelay $0x2  }
0x204: {  	v4 =	vmul.f32 v4, v38;
	_ =	sdelay $0x1  }
0x205: {  	v5 =	vmul.f32 v5, v53;
	v2 =	vadd.f32 v4, v2;
	v4 =	vld [tilespmem:$0x1FB90];
	_ =	sdelay $0x1  }
0x206: {  	v3 =	vadd.f32 v5, v3;
	v5 =	vld [tilespmem:$0x1FBA0];
	_ =	sdelay $0x1  }
0x207: {  	[sflag:s10] =	ssyncset.done $0x0  }
0x208: {  	[sflag:s10] =	ssyncadd.s32 $0xFFFFF000;
	v4 =	vmul.f32 v4, v53  }
0x209: {  	_ =	swait.ge [sflag:s10], $0x1000  }
0x20a: {  	v5 =	vmul.f32 v5, v40;
	v2 =	vadd.f32 v4, v2;
	v4 =	vld [tilespmem:$0x1FBB0];
	_ =	sdelay $0x1  }
0x20b: {  	v3 =	vadd.f32 v5, v3;
	v5 =	vld [tilespmem:$0x1FBC0];
	_ =	sdelay $0x2  }
0x20c: {  	v4 =	vmul.f32 v4, v40  }
0x20d: {  	v44 =	vperm.xlane v48, v6  }
0x20e: {  	v43 =	vperm.xlane v47, v6;
	v5 =	vmul.f32 v5, v58;
	v48 =	vadd.f32 v4, v2;
	v2 =	vld [tilespmem:$0x1FBD0];
	_ =	sdelay $0x1  }
0x20f: {  	v8 =	vadd.s32 v20, v43;
	v3 =	vadd.f32 v5, v3;
	v5 =	vld [tilespmem:$0x1FBF0];
	_ =	sdelay $0x1  }
0x210: {  	v4 =	vld [tilespmem:$0x1FBE0]  }
0x211: {  	[sflag:s10] =	ssyncset.done $0x0;
	v12 =	vmul.f32 v2, v58  }
0x212: {  	[sflag:s10] =	ssyncadd.s32 $0xFFFFF000  }
0x213: {  	v11 =	vadd.f32 v12, v48;
	v12 =	vmul.f32 v5, v55;
	v5 =	vld.idx.msk [tilespmem:v8+s17+$0x0], $0xffff  }
0x214: {  	v8 =	vld [tilespmem:$0x1FC10]  }
0x215: {  	v45 =	vperm.xlane v46, v6;
	v13 =	vmul.f32 v4, v55  }
0x216: {  	v58 =	vld [tilespmem:$0x1FC30]  }
0x217: {  	v14 =	vadd.s32 v32, v45;
	v13 =	vadd.f32 v13, v3;
	v3 =	vld [tilespmem:$0x1FC00];
	_ =	sdelay $0x1  }
0x218: {  	v55 =	vld [tilespmem:$0x1FC20];
	v11 =	vadd.f32 v12, v11;
	v12 =	vmul.f32 v8, v62  }
0x219: {  	v19 =	vld [tilespmem:$0x1FCA0]  }
0x21a: {  	v40 =	vld [tilespmem:$0x1FC40];
	v17 =	vmul.f32 v58, v59;
	v12 =	vadd.f32 v12, v11  }
0x21b: {  	v15 =	vmul.f32 v3, v62;
	v11 =	vld.idx.msk [tilespmem:v14+s16+$0x0], $0xffff  }
0x21c: {  	v14 =	vadd.f32 v17, v12;
	v12 =	vld [tilespmem:$0x1FC50]  }
0x21d: {  	v13 =	vadd.f32 v15, v13;
	v15 =	vmul.f32 v55, v59;
	_ =	sdelay $0x1  }
0x21e: {  	v62 =	vadd.s32 v21, v43;
	v13 =	vadd.f32 v15, v13;
	v15 =	vmul.f32 v40, v63  }
0x21f: {  	v59 =	vmul.f32 v19, v41;
	v19 =	vld [tilespmem:$0x1FCB0]  }
0x220: {  	v13 =	vadd.f32 v15, v13;
	v15 =	vld [tilespmem:$0x1FC60];
	v17 =	vmul.f32 v12, v63;
	_ =	sdelay $0x1  }
0x221: {  	v17 =	vadd.f32 v17, v14;
	v14 =	vld [tilespmem:$0x1FC70]  }
0x222: {  	v34 =	vld.idx.msk [tilespmem:v62+s17+$0x0], $0xffff  }
0x223: {  	v62 =	vmul.f32 v19, v41;
	v19 =	vld [tilespmem:$0x1FCC0]  }
0x224: {  	v15 =	vmul.f32 v15, v60  }
0x225: {  	v53 =	vadd.s32 v21, v44  }
0x226: {  	v15 =	vadd.f32 v15, v13;
	v13 =	vld [tilespmem:$0x1FC80];
	v48 =	vmul.f32 v14, v60;
	_ =	sdelay $0x1  }
0x227: {  	v17 =	vadd.f32 v48, v17;
	v48 =	vmul.f32 v19, v42;
	v19 =	vld [tilespmem:$0x1FCD0];
	_ =	sdelay $0x1  }
0x228: {  	v10 =	vld.idx.msk [tilespmem:v53+s15+$0x0], $0xffff  }
0x229: {  	v53 =	vmul.f32 v13, v56;
	v13 =	vld [tilespmem:$0x1FC90];
	_ =	sdelay $0x1  }
0x22a: {  	v15 =	vadd.f32 v53, v15;
	v53 =	vmul.f32 v19, v42;
	v19 =	vld [tilespmem:$0x1FCE0];
	_ =	sdelay $0x2  }
0x22b: {  	v6 =	vadd.s32 v20, v44;
	v56 =	vmul.f32 v13, v56  }
0x22c: {  	v7 =	vadd.s32 v20, v45  }
0x22d: {  	v17 =	vadd.f32 v56, v17;
	v56 =	vmul.f32 v19, v1;
	v19 =	vld [tilespmem:$0x1FCF0];
	_ =	sdelay $0x2  }
0x22e: {  	v2 =	vld.idx.msk [tilespmem:v6+s15+$0x0], $0xffff;
	v6 =	vadd.s32 v18, v43;
	v17 =	vadd.f32 v62, v17  }
0x22f: {  	v4 =	vld.idx.msk [tilespmem:v7+s16+$0x0], $0xffff;
	v7 =	vadd.s32 v32, v44  }
0x230: {  	v46 =	vadd.s32 v18, v44;
	v17 =	vadd.f32 v53, v17;
	v1 =	vmul.f32 v19, v1  }
0x231: {  	v47 =	vadd.s32 v18, v45;
	v19 =	vld [tilespmem:$0x1FD00]  }
0x232: {  	v60 =	vadd.s32 v24, v44;
	v1 =	vadd.f32 v1, v17;
	v17 =	vld [tilespmem:$0x1FD10]  }
0x233: {  	v9 =	vld.idx.msk [tilespmem:v6+s17+$0x0], $0xffff;
	v58 =	vadd.s32 v23, v43  }
0x234: {  	v7 =	vld.idx.msk [tilespmem:v7+s15+$0x0], $0xffff  }
0x235: {  	v16 =	vadd.s32 v32, v43;
	v3 =	vld.idx.msk [tilespmem:v46+s15+$0x0], $0xffff  }
0x236: {  	v8 =	vld.idx.msk [tilespmem:v47+s16+$0x0], $0xffff;
	v47 =	vadd.s32 v22, v43  }
0x237: {  	v6 =	vadd.s32 v21, v45;
	v37 =	vld.idx.msk [tilespmem:v60+s15+$0x0], $0xffff;
	v60 =	vmul.f32 v19, v0;
	v0 =	vmul.f32 v17, v0  }
0x238: {  	v55 =	vadd.s32 v23, v45;
	v40 =	vld.idx.msk [tilespmem:v58+s17+$0x0], $0xffff  }
0x239: {  	v0 =	vadd.f32 v0, v1;
	v1 =	vld [tilespmem:$0x1FD30]  }
0x23a: {  	v12 =	vld.idx.msk [tilespmem:v16+s17+$0x0], $0xffff;
	v16 =	vadd.s32 v22, v45  }
0x23b: {  	v36 =	vld.idx.msk [tilespmem:v47+s17+$0x0], $0xffff  }
0x23c: {  	v4 =	vmul.f32 v4, v2;
	v14 =	vld.idx.msk [tilespmem:v6+s16+$0x0], $0xffff;
	v6 =	vadd.s32 v23, v44  }
0x23d: {  	v46 =	vadd.s32 v22, v44;
	v2 =	vmul.f32 v5, v2;
	v39 =	vld.idx.msk [tilespmem:v55+s16+$0x0], $0xffff  }
0x23e: {  	v4 =	vadd.f32 $0.0e+00, v4;
	v19 =	vld [tilespmem:$0x1FD20];
	v1 =	vmul.f32 v1, v33  }
0x23f: {  	v2 =	vadd.f32 $0.0e+00, v2;
	v8 =	vmul.f32 v8, v3;
	v63 =	vadd.s32 v24, v45;
	v16 =	vld.idx.msk [tilespmem:v16+s16+$0x0], $0xffff  }
0x240: {  	v3 =	vmul.f32 v9, v3;
	v55 =	vadd.s32 v25, v44;
	v0 =	vadd.f32 v1, v0;
	v1 =	vld [tilespmem:$0x1FD50]  }
0x241: {  	v4 =	vadd.f32 v8, v4;
	v8 =	vmul.f32 v11, v7;
	v35 =	vld.idx.msk [tilespmem:v6+s15+$0x0], $0xffff;
	v6 =	vadd.s32 v24, v43  }
0x242: {  	v2 =	vadd.f32 v3, v2;
	v13 =	vld.idx.msk [tilespmem:v46+s15+$0x0], $0xffff  }
0x243: {  	v4 =	vadd.f32 v8, v4;
	v15 =	vadd.f32 v59, v15;
	v62 =	vmul.f32 v19, v33;
	v19 =	vld [tilespmem:$0x1FD40]  }
0x244: {  	v41 =	vld.idx.msk [tilespmem:v63+s16+$0x0], $0xffff;
	v3 =	vmul.f32 v12, v7;
	v8 =	vmul.f32 v14, v10;
	v59 =	vadd.s32 v25, v43  }
0x245: {  	v42 =	vld.idx.msk [tilespmem:v55+s15+$0x0], $0xffff;
	v15 =	vadd.f32 v48, v15;
	v48 =	vadd.s32 v26, v44;
	v1 =	vmul.f32 v1, v61  }
0x246: {  	v2 =	vadd.f32 v3, v2;
	v3 =	vmul.f32 v34, v10;
	v6 =	vld.idx.msk [tilespmem:v6+s17+$0x0], $0xffff;
	v53 =	vadd.s32 v26, v43  }
0x247: {  	v4 =	vadd.f32 v8, v4;
	v8 =	vmul.f32 v16, v13;
	v0 =	vadd.f32 v1, v0;
	v1 =	vld [tilespmem:$0x1FD70]  }
0x248: {  	v2 =	vadd.f32 v3, v2;
	v3 =	vmul.f32 v36, v13;
	v63 =	vmul.f32 v19, v61;
	v19 =	vld [tilespmem:$0x1FD60]  }
0x249: {  	v38 =	vld.idx.msk [tilespmem:v59+s17+$0x0], $0xffff;
	v15 =	vadd.f32 v56, v15;
	v4 =	vadd.f32 v8, v4;
	v8 =	vmul.f32 v39, v35  }
0x24a: {  	v58 =	vadd.s32 v25, v45;
	v48 =	vld.idx.msk [tilespmem:v48+s15+$0x0], $0xffff;
	v2 =	vadd.f32 v3, v2;
	v3 =	vmul.f32 v40, v35  }
0x24b: {  	v4 =	vadd.f32 v8, v4;
	v8 =	vmul.f32 v41, v37;
	v53 =	vld.idx.msk [tilespmem:v53+s17+$0x0], $0xffff;
	v15 =	vadd.f32 v60, v15  }
0x24c: {  	v2 =	vadd.f32 v3, v2;
	v3 =	vmul.f32 v6, v37;
	v41 =	vld [tilespmem:$0x1FF10];
	v1 =	vmul.f32 v1, v57  }
0x24d: {  	v47 =	vadd.s32 v27, v44;
	v15 =	vadd.f32 v62, v15;
	v62 =	vmul.f32 v19, v57;
	v19 =	vld [tilespmem:$0x1FD80]  }
0x24e: {  	v2 =	vadd.f32 v3, v2;
	v3 =	vmul.f32 v38, v42;
	v0 =	vadd.f32 v1, v0;
	v1 =	vld [tilespmem:$0x1FD90]  }
0x24f: {  	v55 =	vadd.s32 v29, v44;
	v33 =	vld.idx.msk [tilespmem:v58+s16+$0x0], $0xffff  }
0x250: {  	v2 =	vadd.f32 v3, v2;
	v3 =	vmul.f32 v53, v48;
	v53 =	vld [tilespmem:$0x1FF70]  }
0x251: {  	v17 =	vadd.s32 v26, v45  }
0x252: {  	v47 =	vld.idx.msk [tilespmem:v47+s15+$0x0], $0xffff  }
0x253: {  	v15 =	vadd.f32 v63, v15;
	v63 =	vmul.f32 v19, v54;
	v19 =	vld [tilespmem:$0x1FDA0];
	v1 =	vmul.f32 v1, v54  }
0x254: {  	v55 =	vld.idx.msk [tilespmem:v55+s15+$0x0], $0xffff;
	v4 =	vadd.f32 v8, v4;
	v8 =	vmul.f32 v33, v42;
	v33 =	vadd.s32 v41, v43  }
0x255: {  	v41 =	vadd.s32 v53, v43;
	v0 =	vadd.f32 v1, v0;
	v1 =	vld [tilespmem:$0x1FDB0]  }
0x256: {  	v17 =	vld.idx.msk [tilespmem:v17+s16+$0x0], $0xffff;
	v61 =	vadd.s32 v27, v43  }
0x257: {  	v42 =	vld [tilespmem:$0x1FF70]  }
0x258: {  	v46 =	vmul.f32 v19, v52;
	v19 =	vld [tilespmem:$0x1FDC0]  }
0x259: {  	v15 =	vadd.f32 v62, v15;
	v62 =	vadd.s32 v30, v43;
	v33 =	vld.idx.msk [tilespmem:v33+s17+$0x0], $0xffff  }
0x25a: {  	v60 =	vadd.s32 v27, v45;
	v41 =	vld.idx.msk [tilespmem:v41+s17+$0x0], $0xffff;
	v1 =	vmul.f32 v1, v52  }
0x25b: {  	v56 =	vld.idx.msk [tilespmem:v61+s17+$0x0], $0xffff;
	v15 =	vadd.f32 v63, v15  }
0x25c: {  	v57 =	vadd.s32 v28, v45;
	v0 =	vadd.f32 v1, v0;
	v1 =	vld [tilespmem:$0x1FDD0]  }
0x25d: {  	v15 =	vadd.f32 v46, v15;
	v46 =	vmul.f32 v19, v51;
	v19 =	vld [tilespmem:$0x1FDE0]  }
0x25e: {  	v5 =	vld.idx.msk [tilespmem:v62+s17+$0x0], $0xffff  }
0x25f: {  	v54 =	vld.idx.msk [tilespmem:v60+s16+$0x0], $0xffff  }
0x260: {  	v58 =	vadd.s32 v28, v44;
	v62 =	vld [tilespmem:$0x1FF00]  }
0x261: {  	v59 =	vadd.s32 v28, v43;
	v4 =	vadd.f32 v8, v4;
	v57 =	vld.idx.msk [tilespmem:v57+s16+$0x0], $0xffff;
	v1 =	vmul.f32 v1, v51  }
0x262: {  	v8 =	vmul.f32 v17, v48;
	v15 =	vadd.f32 v46, v15;
	v46 =	vmul.f32 v19, v50;
	v19 =	vmovc v31;
	v31 =	vld [tilespmem:$0x1FED0]  }
0x263: {  	v60 =	vadd.s32 v29, v45;
	v0 =	vadd.f32 v1, v0;
	v1 =	vld [tilespmem:$0x1FDF0]  }
0x264: {  	v4 =	vadd.f32 v8, v4;
	v8 =	vmul.f32 v54, v47;
	v54 =	vld [tilespmem:$0x1FF30]  }
0x265: {  	v52 =	vld.idx.msk [tilespmem:v58+s15+$0x0], $0xffff;
	v58 =	vadd.s32 v29, v43  }
0x266: {  	v51 =	vld.idx.msk [tilespmem:v59+s17+$0x0], $0xffff  }
0x267: {  	v38 =	vadd.s32 v42, v44;
	v61 =	vadd.s32 v30, v44;
	v59 =	vadd.s32 v30, v45;
	v30 =	vld [tilespmem:$0x1FE00]  }
0x268: {  	v1 =	vmul.f32 v1, v50;
	v50 =	vld.idx.msk [tilespmem:v60+s16+$0x0], $0xffff  }
0x269: {  	v60 =	vadd.s32 v31, v44;
	v31 =	vld [tilespmem:$0x1FED0]  }
0x26a: {  	v2 =	vadd.f32 v3, v2;
	v3 =	vmul.f32 v56, v47;
	v58 =	vld.idx.msk [tilespmem:v58+s17+$0x0], $0xffff  }
0x26b: {  	v1 =	vadd.f32 v1, v0;
	v0 =	vld [tilespmem:$0x1FE10]  }
0x26c: {  	v38 =	vld.idx.msk [tilespmem:v38+s15+$0x0], $0xffff;
	v2 =	vadd.f32 v3, v2;
	v15 =	vadd.f32 v46, v15  }
0x26d: {  	v61 =	vld.idx.msk [tilespmem:v61+s15+$0x0], $0xffff;
	v4 =	vadd.f32 v8, v4;
	v47 =	vadd.s32 v54, v43;
	v8 =	vmul.f32 v57, v52  }
0x26e: {  	v57 =	vld [tilespmem:$0x1FF50];
	v46 =	vmul.f32 v30, v49;
	v3 =	vmul.f32 v51, v52;
	v63 =	vadd.s32 v31, v45  }
0x26f: {  	v30 =	vmovc v28;
	v28 =	vmovc v26;
	v26 =	vmov v24;
	v24 =	vmov v22;
	v22 =	vmov v32;
	v32 =	vld [tilespmem:$0x1FF00]  }
0x270: {  	v2 =	vadd.f32 v3, v2;
	v3 =	vmul.f32 v58, v55;
	v49 =	vmul.f32 v0, v49;
	v0 =	vld [tilespmem:$0x1FED0]  }
0x271: {  	v52 =	vld [tilespmem:$0x1FF40]  }
0x272: {  	v51 =	vadd.s32 v19, v43;
	v2 =	vadd.f32 v3, v2;
	v3 =	vmul.f32 v5, v61;
	v5 =	vld.idx.msk [tilespmem:v47+s17+$0x0], $0xffff  }
0x273: {  	v31 =	vmov v29;
	v9 =	vld.idx.msk [tilespmem:v63+s16+$0x0], $0xffff  }
0x274: {  	v29 =	vmovc v27;
	v27 =	vmovc v25;
	v25 =	vmov v23;
	v1 =	vadd.f32 v49, v1;
	v49 =	vadd.s32 v62, v45;
	v63 =	vld [tilespmem:$0x1FEE0]  }
0x275: {  	v23 =	vmovc v21;
	v21 =	vmov v18;
	v18 =	vadd.s32 v0, v43;
	v0 =	vadd.f32 v46, v15;
	v15 =	vld.idx.msk [tilespmem:v59+s16+$0x0], $0xffff  }
0x276: {  	v59 =	vld [tilespmem:$0x1FF00]  }
0x277: {  	v47 =	vld.idx.msk [tilespmem:v51+s17+$0x0], $0xffff  }
0x278: {  	v4 =	vadd.f32 v8, v4;
	v8 =	vmul.f32 v50, v55;
	v50 =	vld [tilespmem:$0x1FFB0]  }
0x279: {  	v14 =	vld.idx.msk [tilespmem:v49+s16+$0x0], $0xffff  }
0x27a: {  	v49 =	vld [tilespmem:$0x1FEF0];
	v62 =	vadd.s32 v63, v44  }
0x27b: {  	v12 =	vadd.s32 v63, v43;
	v46 =	vadd.s32 v59, v44;
	v59 =	vld.idx.msk [tilespmem:v60+s15+$0x0], $0xffff  }
0x27c: {  	v11 =	vld.idx.msk [tilespmem:v18+s17+$0x0], $0xffff  }
0x27d: {  	v60 =	vadd.s32 v32, v43;
	v32 =	vld [tilespmem:$0x1FF20]  }
0x27e: {  	v4 =	vadd.f32 v8, v4;
	v8 =	vmul.f32 v15, v61;
	v61 =	vld [tilespmem:$0x1FF60]  }
0x27f: {  	v16 =	vld.idx.msk [tilespmem:v62+s15+$0x0], $0xffff  }
0x280: {  	v18 =	vadd.s32 v63, v45;
	v12 =	vld.idx.msk [tilespmem:v12+s17+$0x0], $0xffff  }
0x281: {  	v62 =	vld [tilespmem:$0x1FF10]  }
0x282: {  	v7 =	vld.idx.msk [tilespmem:v46+s15+$0x0], $0xffff  }
0x283: {  	v48 =	vadd.s32 v52, v44;
	v10 =	vld.idx.msk [tilespmem:v60+s17+$0x0], $0xffff  }
0x284: {  	v56 =	vadd.s32 v52, v45;
	v60 =	vld [tilespmem:$0x1FEF0]  }
0x285: {  	v46 =	vadd.s32 v49, v44;
	v13 =	vld.idx.msk [tilespmem:v18+s16+$0x0], $0xffff  }
0x286: {  	v18 =	vld [tilespmem:$0x1FF20]  }
0x287: {  	v36 =	vadd.s32 v32, v45;
	v32 =	vld [tilespmem:$0x1FF10]  }
0x288: {  	v58 =	vadd.s32 v52, v43;
	v4 =	vadd.f32 v8, v4;
	v8 =	vmul.f32 v9, v59;
	v9 =	vld.idx.msk [tilespmem:v48+s15+$0x0], $0xffff  }
0x289: {  	v2 =	vadd.f32 v3, v2;
	v3 =	vmul.f32 v11, v59;
	v11 =	vld.idx.msk [tilespmem:v56+s16+$0x0], $0xffff;
	v59 =	vadd.s32 v61, v43  }
0x28a: {  	v35 =	vld.idx.msk [tilespmem:v46+s15+$0x0], $0xffff  }
0x28b: {  	v53 =	vadd.s32 v57, v45;
	v46 =	vld [tilespmem:$0x1FF20]  }
0x28c: {  	v55 =	vadd.s32 v57, v43;
	v36 =	vld.idx.msk [tilespmem:v36+s16+$0x0], $0xffff  }
0x28d: {  	v4 =	vadd.f32 v8, v4;
	v8 =	vmul.f32 v14, v7;
	v14 =	vld.idx.msk [tilespmem:v58+s17+$0x0], $0xffff  }
0x28e: {  	v2 =	vadd.f32 v3, v2;
	v40 =	vadd.s32 v62, v44;
	v3 =	vmul.f32 v10, v7;
	v10 =	vld.idx.msk [tilespmem:v59+s17+$0x0], $0xffff  }
0x28f: {  	v62 =	vadd.s32 v54, v44;
	v59 =	vld [tilespmem:$0x1FFA0]  }
0x290: {  	v34 =	vadd.s32 v60, v45;
	v4 =	vadd.f32 v8, v4;
	v8 =	vmul.f32 v13, v16;
	v13 =	vld.idx.msk [tilespmem:v53+s16+$0x0], $0xffff  }
0x291: {  	v2 =	vadd.f32 v3, v2;
	v3 =	vmul.f32 v12, v16;
	v12 =	vld.idx.msk [tilespmem:v55+s17+$0x0], $0xffff  }
0x292: {  	v49 =	vadd.s32 v60, v43;
	v53 =	vld [tilespmem:$0x1FF90]  }
0x293: {  	v18 =	vadd.s32 v18, v44;
	v40 =	vld.idx.msk [tilespmem:v40+s15+$0x0], $0xffff  }
0x294: {  	v37 =	vadd.s32 v32, v45;
	v42 =	vld.idx.msk [tilespmem:v62+s15+$0x0], $0xffff  }
0x295: {  	v32 =	vadd.s32 v54, v45;
	v34 =	vld.idx.msk [tilespmem:v34+s16+$0x0], $0xffff  }
0x296: {  	v16 =	vadd.s32 v19, v45;
	v39 =	vadd.s32 v46, v43;
	v46 =	vld [tilespmem:$0x1FF70]  }
0x297: {  	v6 =	vld.idx.msk [tilespmem:v49+s17+$0x0], $0xffff  }
0x298: {  	v56 =	vadd.s32 v61, v44;
	v18 =	vld.idx.msk [tilespmem:v18+s15+$0x0], $0xffff  }
0x299: {  	v37 =	vld.idx.msk [tilespmem:v37+s16+$0x0], $0xffff  }
0x29a: {  	v15 =	vld.idx.msk [tilespmem:v32+s16+$0x0], $0xffff  }
0x29b: {  	v16 =	vld.idx.msk [tilespmem:v16+s16+$0x0], $0xffff;
	v49 =	vadd.s32 v46, v45  }
0x29c: {  	v17 =	vld.idx.msk [tilespmem:v39+s17+$0x0], $0xffff  }
0x29d: {  	v4 =	vadd.f32 v8, v4;
	v32 =	vadd.s32 v57, v44;
	v8 =	vmul.f32 v34, v35;
	v34 =	vld.idx.msk [tilespmem:v56+s15+$0x0], $0xffff  }
0x29e: {  	v58 =	vadd.s32 v61, v45;
	v56 =	vld [tilespmem:$0x1FF90]  }
0x29f: {  	v2 =	vadd.f32 v3, v2;
	v55 =	vadd.s32 v53, v44;
	v53 =	vld [tilespmem:$0x1FFC0];
	v3 =	vmul.f32 v6, v35  }
0x2a0: {  	v62 =	vadd.s32 v19, v44;
	v48 =	vadd.s32 v59, v45;
	v4 =	vadd.f32 v8, v4;
	v39 =	vld.idx.msk [tilespmem:v49+s16+$0x0], $0xffff  }
0x2a1: {  	v8 =	vmul.f32 v36, v18;
	v2 =	vadd.f32 v3, v2;
	v3 =	vmul.f32 v17, v18;
	v18 =	vld [tilespmem:$0x1FF90]  }
0x2a2: {  	v7 =	vld.idx.msk [tilespmem:v32+s15+$0x0], $0xffff  }
0x2a3: {  	v6 =	vld.idx.msk [tilespmem:v58+s16+$0x0], $0xffff;
	v58 =	vadd.s32 v56, v45;
	v2 =	vadd.f32 v3, v2;
	v3 =	vmul.f32 v33, v40  }
0x2a4: {  	v35 =	vld.idx.msk [tilespmem:v55+s15+$0x0], $0xffff;
	v4 =	vadd.f32 v8, v4;
	v8 =	vmul.f32 v37, v40;
	v49 =	vadd.s32 v59, v43  }
0x2a5: {  	v17 =	vld.idx.msk [tilespmem:v62+s15+$0x0], $0xffff;
	v62 =	vadd.s32 v59, v44;
	v2 =	vadd.f32 v3, v2;
	v3 =	vmul.f32 v41, v38  }
0x2a6: {  	v56 =	vld.idx.msk [tilespmem:v48+s16+$0x0], $0xffff;
	v4 =	vadd.f32 v8, v4;
	v18 =	vadd.s32 v18, v43;
	v8 =	vmul.f32 v39, v38  }
0x2a7: {  	v41 =	vld [tilespmem:$0x1FFD0];
	v2 =	vadd.f32 v3, v2;
	v3 =	vmul.f32 v5, v42  }
0x2a8: {  	v36 =	vld.idx.msk [tilespmem:v58+s16+$0x0], $0xffff;
	v58 =	vadd.s32 v53, v44;
	v4 =	vadd.f32 v8, v4;
	v8 =	vmul.f32 v15, v42  }
0x2a9: {  	v59 =	vld.idx.msk [tilespmem:v49+s17+$0x0], $0xffff;
	v2 =	vadd.f32 v3, v2;
	v3 =	vmul.f32 v14, v9  }
0x2aa: {  	v5 =	vld.idx.msk [tilespmem:v62+s15+$0x0], $0xffff;
	v4 =	vadd.f32 v8, v4;
	v8 =	vmul.f32 v11, v9  }
0x2ab: {  	v51 =	vadd.s32 v50, v44;
	v55 =	vadd.s32 v50, v43;
	v15 =	vld.idx.msk [tilespmem:v18+s17+$0x0], $0xffff;
	v2 =	vadd.f32 v3, v2  }
0x2ac: {  	v3 =	vmul.f32 v12, v7;
	v12 =	vld [tilespmem:$0x1FFD0];
	v4 =	vadd.f32 v8, v4;
	v8 =	vmul.f32 v13, v7  }
0x2ad: {  	v42 =	vld.idx.msk [tilespmem:v58+s15+$0x0], $0xffff  }
0x2ae: {  	v6 =	vmul.f32 v6, v34;
	v18 =	vadd.s32 v50, v45;
	v50 =	vld [tilespmem:$0x1FFF0];
	v4 =	vadd.f32 v8, v4  }
0x2af: {  	v58 =	vld [tilespmem:$0x1FE40];
	v2 =	vadd.f32 v3, v2;
	v3 =	vmul.f32 v10, v34  }
0x2b0: {  	v13 =	vld.idx.msk [tilespmem:v51+s15+$0x0], $0xffff;
	v4 =	vadd.f32 v6, v4;
	v6 =	vmul.f32 v16, v17  }
0x2b1: {  	v14 =	vadd.s32 v53, v45;
	v8 =	vld.idx.msk [tilespmem:v55+s17+$0x0], $0xffff;
	v2 =	vadd.f32 v3, v2  }
0x2b2: {  	v3 =	vmul.f32 v47, v17;
	v47 =	vld [tilespmem:$0x1FFE0];
	v4 =	vadd.f32 v6, v4;
	v6 =	vmul.f32 v36, v35  }
0x2b3: {  	v46 =	vadd.s32 v41, v43;
	v7 =	vld.idx.msk [tilespmem:v18+s16+$0x0], $0xffff  }
0x2b4: {  	v62 =	vadd.s32 v53, v43;
	v16 =	vld [tilespmem:$0x1FFE0];
	v4 =	vadd.f32 v6, v4;
	v6 =	vmul.f32 v56, v5  }
0x2b5: {  	v56 =	vld [tilespmem:$0x1FE20]  }
0x2b6: {  	v12 =	vadd.s32 v12, v44;
	v4 =	vadd.f32 v6, v4;
	v6 =	vld [tilespmem:$0x1FE30]  }
0x2b7: {  	v14 =	vld.idx.msk [tilespmem:v14+s16+$0x0], $0xffff;
	v18 =	vadd.s32 v41, v45  }
0x2b8: {  	v51 =	vld.idx.msk [tilespmem:v46+s17+$0x0], $0xffff;
	v2 =	vadd.f32 v3, v2;
	v3 =	vmul.f32 v15, v35;
	v49 =	vadd.s32 v47, v43  }
0x2b9: {  	v17 =	vld.idx.msk [tilespmem:v62+s17+$0x0], $0xffff  }
0x2ba: {  	v53 =	vadd.s32 v50, v45;
	v62 =	vld [tilespmem:$0x1FEA0];
	v2 =	vadd.f32 v3, v2;
	v3 =	vmul.f32 v59, v5  }
0x2bb: {  	v16 =	vadd.s32 v16, v44;
	v12 =	vld.idx.msk [tilespmem:v12+s15+$0x0], $0xffff;
	v7 =	vmul.f32 v7, v13;
	v6 =	vmul.f32 v6, v56  }
0x2bc: {  	v48 =	vadd.s32 v47, v45;
	v15 =	vld.idx.msk [tilespmem:v18+s16+$0x0], $0xffff;
	v2 =	vadd.f32 v3, v2;
	v3 =	vmul.f32 v8, v13  }
0x2bd: {  	v4 =	vadd.f32 v7, v4;
	v8 =	vld.idx.msk [tilespmem:v49+s17+$0x0], $0xffff;
	v0 =	vadd.f32 v6, v0;
	v6 =	vmul.f32 v14, v42  }
0x2be: {  	v18 =	vadd.s32 v50, v44;
	v14 =	vld [tilespmem:$0x1FE50]  }
0x2bf: {  	v4 =	vadd.f32 v6, v4;
	v6 =	vld [tilespmem:$0x1FE60]  }
0x2c0: {  	v5 =	vld.idx.msk [tilespmem:v16+s15+$0x0], $0xffff  }
0x2c1: {  	v2 =	vadd.f32 v3, v2;
	v3 =	vmul.f32 v17, v42;
	v16 =	vld.idx.msk [tilespmem:v48+s16+$0x0], $0xffff  }
0x2c2: {  	v55 =	vadd.s32 v50, v43;
	v59 =	vld.idx.msk [tilespmem:v53+s16+$0x0], $0xffff  }
0x2c3: {  	v2 =	vadd.f32 v3, v2;
	v7 =	vld.idx.msk [tilespmem:v18+s15+$0x0], $0xffff;
	v3 =	vmul.f32 v51, v12  }
0x2c4: {  	v13 =	vmul.f32 v15, v12;
	v15 =	vld [tilespmem:$0x1FE70];
	v6 =	vmul.f32 v6, v14  }
0x2c5: {  	v2 =	vadd.f32 v3, v2;
	v3 =	vmul.f32 v8, v5;
	v8 =	vld [tilespmem:$0x1FE80]  }
0x2c6: {  	v0 =	vadd.f32 v6, v0;
	v6 =	vmul.f32 v16, v5;
	v5 =	vld [tilespmem:$0x1FE90]  }
0x2c7: {  	v9 =	vld.idx.msk [tilespmem:v55+s17+$0x0], $0xffff  }
0x2c8: {  	v32 =	vmov v22;
	v22 =	vmov v24;
	v33 =	vmul.f32 v58, v56  }
0x2c9: {  	v24 =	vmovc v26;
	v26 =	vmovc v28;
	v28 =	vmov v30;
	v18 =	vmov v21;
	v4 =	vadd.f32 v13, v4  }
0x2ca: {  	v30 =	vld [tilespmem:$0x1FF80];
	v21 =	vmovc v23;
	v1 =	vadd.f32 v33, v1;
	v2 =	vadd.f32 v3, v2;
	v14 =	vmul.f32 v15, v14  }
0x2cb: {  	v39 =	vld [tilespmem:$0x1FF90];
	v23 =	vmovc v25;
	v4 =	vadd.f32 v6, v4;
	v6 =	vmul.f32 v59, v7;
	v5 =	vmul.f32 v5, v8  }
0x2cc: {  	p0 =	sne.s32 s4, $0x7C0;
	v17 =	vld [tilespmem:$0x1FF20];
	v25 =	vmovc v27;
	v3 =	vmul.f32 v9, v7;
	v1 =	vadd.f32 v14, v1;
	v8 =	vmul.f32 v62, v8  }
.Ltmp0:
0x2cd: {  	v27 =	vmovc v29;
	v29 =	vmovc v31;
	v31 =	vmov v19;
	v19 =	vld [tilespmem:$0x1FF70];
	v4 =	vadd.f32 v6, v4;
	v0 =	vadd.f32 v5, v0;
	(pc) =	sbr.rel @p0 .LBB2_2-.Ltmp0, $4  }
0x2ce: {  	v2 =	vadd.f32 v3, v2;
	v15 =	vld [tilespmem:$0x1FF00];
	v1 =	vadd.f32 v8, v1  }
0x2cf: {  	v16 =	vld [tilespmem:$0x1FF10];
	v0 =	vsel vm0, v0, v4  }
0x2d0: {  	v6 =	vld [tilespmem:$0x1FED0];
	[tilespmem:s11+$0x18600] =	vst v0;
	v0 =	vsel vm0, v1, v2  }
0x2d1: {  	s4 =	sadd.s32 $0x40, s4;
	v1 =	vld [tilespmem:$0x1FEC0];
	[tilespmem:s11+$0x18800] =	vst v0  }
0x2d2: {  	s11 =	simm.s32 $0x0  }
0x2d3: {  	s4 =	rddreg [dreg:$0xb];
	s0 =	simm.s32 $0x18600;
	s18 =	simm.s32 $0x2  }
0x2d4: {  	[hbm4b:s4+s11] =	stream.linear.scatter [tilespmem:s0], [sflag:$0x2], $0x200, $0x38;
	[tilespmem:$0x18A00] =	vst v63  }
0x2d5: {  	_ =	swait.ge [sflag:s18], $0x200  }
0x2d6: {  	[sflag:s18] =	ssyncset.done $0x0  }
0x2d7: {  	s19 =	simm.s32 $0x18800;
	s6 =	rddreg [dreg:$0xc];
	[sflag:s18] =	ssyncadd.s32 $0xFFFFFE00  }
0x2d8: {  	[hbm4b:s6+s11] =	stream.linear.scatter [tilespmem:s19], [sflag:$0x2], $0x200, $0x38;
	[tilespmem:$0x18A00] =	vst v63  }
0x2d9: {  	_ =	swait.ge [sflag:s18], $0x200  }
0x2da: {  	s6 =	rddreg [dreg:$0xe]  }
0x2db: {  	s19 =	rddreg [dreg:$0xd];
	s0 =	sadd.s32 $0x1, s6  }
0x2dc: {  	p0 =	sne.s32 s0, s19  }
.Ltmp1:
0x2dd: {  	_ = 	snop;
	(pc) =	sbr.rel @p0 .LBB2_1-.Ltmp1, $3  }
0x2de: {  	_ =	sdelay $0x1  }
0x2df: {  	[sflag:s18] =	ssyncset.done $0x0  }
0x2e0: {  	[sflag:s18] =	ssyncadd.s32 $0xFFFFFE00  }
0x2e1: {  	_ =	sfence.sel $0x180000  }
0x2e2: {  	[bflag:$0x0] =	sbarrier.arrive $0xFFFF  }
0x2e3: {  	_ =	strace $0x90000047  }
0x2e4: {  	s0 =	stileid.u32;
	[bflag:$0x2] =	sbarrier.arrive $0xFFFF  }
0x2e5: {  	p0 =	sne.s32 s0, $0x0;
	s0 =	rddreg [dreg:$0x7]  }
0x2e6: {  	s0 =	sadd.s32 @!p0 $0x100000, s0  }
0x2e7: {  	[sflag:s0] =	ssyncadd.tile.s32 @!p0 $0x1;
	_ =	shalt  }
.Lfunc_end2:
_tile_overlayer_lowered:
.L_overlay_start_2:
0x2e8: {  	(tag) =	ssettag $0x2  }
0x2e9: {  	s0 =	rddreg [dreg:$0x0];
	s2 =	stileid.u32  }
0x2ea: {  	s1 =	rddreg [dreg:$0x1];
	p0 =	sne.s32 s2, $0x0  }
0x2eb: {  	s3 =	rddreg [dreg:$0x2];
	[bflag:$0x3] =	sbarrier.arrive $0xFFFF;
	s2 =	simm.s32 @!p0 $0x1C02  }
0x2ec: {  	[timem:s3], [sflag:s2] =	dma.local @!p0 [hbm:s0], s1  }
0x2ed: {  	s0 =	simm.s32 @!p0 $0x2  }
0x2ee: {  	_ =	swait.ge @!p0 [sflag:s0], s1  }
0x2ef: {  	s1 =	ssub.s32 @!p0 $0x0, s1;
	[sflag:s0] =	ssyncset.done @!p0 $0x0  }
0x2f0: {  	[sflag:s0] =	ssyncadd.s32 @!p0 s1  }
0x2f1: {  	[bflag:$0x3] =	sbarrier.arrive $0xFFFF  }
0x2f2: {  	_ =	shalt  }

</sc_bundles>
